<compile_context>
chip_gen: v7x
topology: tpu7x:2x2x1
jax: 0.10.2.dev20260603
libtpu: 0.0.44.dev20260713+nightly
codegen_flags: <defaults>
</compile_context>

<pallas_src>
import functools

import jax
import jax.numpy as jnp
from jax import lax
from jax.experimental import pallas as pl
from jax.experimental.pallas import tpu as pltpu
from jax.experimental.pallas import tpu_sc as plsc

N_STEPS = 6

NC = 2
NS = 16
CHUNK = 120



def _hall_block(h_bf, wmsg_ref, bmsg_ref, hall_ref):
    K = wmsg_ref.shape[0]
    for k in range(K):
        hall_ref[k] = lax.dot_general(
            h_bf, wmsg_ref[k], (((1,), (1,)), ((), ())),
            preferred_element_type=jnp.float32) + bmsg_ref[k]


def _hall_body(h_ref, wmsg_ref, bmsg_ref, hall_ref):
    _hall_block(h_ref[...].astype(jnp.bfloat16), wmsg_ref, bmsg_ref,
                hall_ref)


def _hall_call(h, wmsg_bf, b_msg, *, n_blk):
    N, D = h.shape
    K = wmsg_bf.shape[0]
    nb = N // n_blk
    return pl.pallas_call(
        _hall_body,
        grid=(nb,),
        in_specs=[
            pl.BlockSpec((n_blk, D), lambda i: (i, 0)),
            pl.BlockSpec((K, D, D), lambda i: (0, 0, 0)),
            pl.BlockSpec((K, 1, D), lambda i: (0, 0, 0)),
        ],
        out_specs=pl.BlockSpec((K, n_blk, D), lambda i: (0, i, 0)),
        out_shape=jax.ShapeDtypeStruct((K, N, D), jnp.float32),
    )(h, wmsg_bf, b_msg[:, None, :])



RING = 3


def _sc_body(n_pad, gpt, hall_ref, gidx_ref, dst_ref, zeros_ref,
             out_ref, idx_v, dst_v, buf_v,
             gsem0, gsem1, gsem2, ssem0, ssem1, ssem2, isem, acc_sh):
    gsems = (gsem0, gsem1, gsem2)
    ssems = (ssem0, ssem1, ssem2)
    c = lax.axis_index("c")
    s = lax.axis_index("s")
    wid = s * NC + c

    rows_per_tile = n_pad // NS
    pltpu.sync_copy(zeros_ref.at[pl.ds(s * rows_per_tile, rows_per_tile)],
                    acc_sh.at[pl.ds(s * rows_per_tile, rows_per_tile)])

    g0 = wid * gpt
    pltpu.async_copy(gidx_ref.at[g0], idx_v.at[0], isem)
    pltpu.async_copy(dst_ref.at[g0], dst_v.at[0], isem)
    plsc.subcore_barrier()

    def body(p, carry):
        pr2 = lax.rem(p, 2)
        pr3 = lax.rem(p, 3)
        pltpu.make_async_copy(gidx_ref.at[g0], idx_v.at[pr2], isem).wait()
        pltpu.make_async_copy(gidx_ref.at[g0], idx_v.at[pr2], isem).wait()
        @pl.when(p + 1 < gpt)
        def _():
            gg1 = wid * gpt + p + 1
            pltpu.async_copy(gidx_ref.at[gg1], idx_v.at[1 - pr2], isem)
            pltpu.async_copy(dst_ref.at[gg1],
                             dst_v.at[lax.rem(p + 1, 3)], isem)
        gathers = []
        for b in range(RING):
            @pl.when(p > 0)
            def _(b=b):
                pltpu.make_async_copy(zeros_ref.at[pl.ds(0, CHUNK)],
                                      buf_v.at[b], ssems[b]).wait()
            gathers.append(
                pltpu.async_copy(hall_ref.at[idx_v.at[pr2, b]], buf_v.at[b],
                                 gsems[b]))
        for b in range(RING):
            gathers[b].wait()
            pltpu.async_copy(buf_v.at[b], acc_sh.at[dst_v.at[pr3, b]],
                             ssems[b], add=True)
        return carry

    lax.fori_loop(0, gpt, body, 0)
    for b in range(RING):
        pltpu.make_async_copy(zeros_ref.at[pl.ds(0, CHUNK)],
                              buf_v.at[b], ssems[b]).wait()
    plsc.subcore_barrier()

    pltpu.sync_copy(acc_sh.at[pl.ds(s * rows_per_tile, rows_per_tile)],
                    out_ref.at[c, pl.ds(s * rows_per_tile, rows_per_tile)])


def _sc_call(hall_flat, gidx3, dst3, zeros_np, *, n, d, n_pad, gpt):
    mesh = plsc.VectorSubcoreMesh(core_axis_name="c", subcore_axis_name="s")
    body = functools.partial(_sc_body, n_pad, gpt)
    return pl.kernel(
        body,
        out_type=jax.ShapeDtypeStruct((NC, n_pad, d), jnp.float32),
        mesh=mesh,
        scratch_types=[
            pltpu.VMEM((2, RING, CHUNK), jnp.int32),
            pltpu.VMEM((3, RING, CHUNK), jnp.int32),
            pltpu.VMEM((RING, CHUNK, d), jnp.float32),
            pltpu.SemaphoreType.DMA,
            pltpu.SemaphoreType.DMA,
            pltpu.SemaphoreType.DMA,
            pltpu.SemaphoreType.DMA,
            pltpu.SemaphoreType.DMA,
            pltpu.SemaphoreType.DMA,
            pltpu.SemaphoreType.DMA,
            pltpu.VMEM_SHARED((n_pad, d), jnp.float32),
        ],
    )(hall_flat, gidx3, dst3, zeros_np)



def _gru_math(a01_ref, h_ref, wih_ref, whh_ref, bih_ref, bhh_ref):
    a = a01_ref[0] + a01_ref[1]
    h = h_ref[...]
    gi = lax.dot_general(a, wih_ref[...], (((1,), (1,)), ((), ())),
                         preferred_element_type=jnp.float32) + bih_ref[...]
    gh = lax.dot_general(h, whh_ref[...], (((1,), (1,)), ((), ())),
                         preferred_element_type=jnp.float32) + bhh_ref[...]
    D = h.shape[1]
    r = jax.nn.sigmoid(gi[:, :D] + gh[:, :D])
    z = jax.nn.sigmoid(gi[:, D:2 * D] + gh[:, D:2 * D])
    n = jnp.tanh(gi[:, 2 * D:] + r * gh[:, 2 * D:])
    return (1.0 - z) * n + z * h


def _gru_hall_body(a01_ref, h_ref, wih_ref, whh_ref, bih_ref, bhh_ref,
                   wmsg_ref, bmsg_ref, hnew_ref, hall_ref):
    hn = _gru_math(a01_ref, h_ref, wih_ref, whh_ref, bih_ref, bhh_ref)
    hnew_ref[...] = hn
    _hall_block(hn.astype(jnp.bfloat16), wmsg_ref, bmsg_ref, hall_ref)


def _gru_hall_call(a01, h, W_ih, W_hh, b_ih, b_hh, wmsg_bf, b_msg, *, n_blk):
    N, D = h.shape
    K = wmsg_bf.shape[0]
    nb = N // n_blk
    return pl.pallas_call(
        _gru_hall_body,
        grid=(nb,),
        in_specs=[
            pl.BlockSpec((2, n_blk, D), lambda i: (0, i, 0)),
            pl.BlockSpec((n_blk, D), lambda i: (i, 0)),
            pl.BlockSpec((3 * D, D), lambda i: (0, 0)),
            pl.BlockSpec((3 * D, D), lambda i: (0, 0)),
            pl.BlockSpec((1, 3 * D), lambda i: (0, 0)),
            pl.BlockSpec((1, 3 * D), lambda i: (0, 0)),
            pl.BlockSpec((K, D, D), lambda i: (0, 0, 0)),
            pl.BlockSpec((K, 1, D), lambda i: (0, 0, 0)),
        ],
        out_specs=[
            pl.BlockSpec((n_blk, D), lambda i: (i, 0)),
            pl.BlockSpec((K, n_blk, D), lambda i: (0, i, 0)),
        ],
        out_shape=[
            jax.ShapeDtypeStruct((N, D), jnp.float32),
            jax.ShapeDtypeStruct((K, N, D), jnp.float32),
        ],
    )(a01, h, W_ih, W_hh, b_ih, b_hh, wmsg_bf, b_msg[:, None, :])


def _gru_final_body(a01_ref, h_ref, wih_ref, whh_ref, bih_ref, bhh_ref,
                    wcls_ref, bcls_ref, logit_ref):
    i = pl.program_id(0)
    nb = pl.num_programs(0)
    hn = _gru_math(a01_ref, h_ref, wih_ref, whh_ref, bih_ref, bhh_ref)

    @pl.when(i == 0)
    def _():
        logit_ref[...] = jnp.zeros_like(logit_ref)

    logit_ref[...] += jnp.sum(hn, axis=0, keepdims=True)

    @pl.when(i == nb - 1)
    def _():
        hg = logit_ref[...]
        logit_ref[...] = lax.dot_general(
            hg, wcls_ref[...], (((1,), (1,)), ((), ())),
            preferred_element_type=jnp.float32) + bcls_ref[...]


def _gru_final_call(a01, h, W_ih, W_hh, b_ih, b_hh, wcls_pad, bcls_pad, *,
                    n_blk):
    N, D = h.shape
    nb = N // n_blk
    return pl.pallas_call(
        _gru_final_body,
        grid=(nb,),
        in_specs=[
            pl.BlockSpec((2, n_blk, D), lambda i: (0, i, 0)),
            pl.BlockSpec((n_blk, D), lambda i: (i, 0)),
            pl.BlockSpec((3 * D, D), lambda i: (0, 0)),
            pl.BlockSpec((3 * D, D), lambda i: (0, 0)),
            pl.BlockSpec((1, 3 * D), lambda i: (0, 0)),
            pl.BlockSpec((1, 3 * D), lambda i: (0, 0)),
            pl.BlockSpec((D, D), lambda i: (0, 0)),
            pl.BlockSpec((1, D), lambda i: (0, 0)),
        ],
        out_specs=pl.BlockSpec((1, D), lambda i: (0, 0)),
        out_shape=jax.ShapeDtypeStruct((1, D), jnp.float32),
    )(a01, h, W_ih, W_hh, b_ih, b_hh, wcls_pad, bcls_pad)



def kernel(x, edge_index, edge_type, W_msg, b_msg, W_ih, W_hh, b_ih, b_hh,
           W_cls, b_cls):
    N, D = x.shape
    K = W_msg.shape[0]
    E = edge_index.shape[1]
    n_cls = W_cls.shape[0]

    src = edge_index[0]
    dst = edge_index[1]
    gidx = edge_type * N + src
    order = jnp.argsort(gidx)
    gidx = gidx[order]
    dst = dst[order]

    n_workers = NC * NS
    grp = n_workers * RING * CHUNK
    e_pad = ((E + grp - 1) // grp) * grp
    gpt = e_pad // grp
    gidx = jnp.concatenate([gidx, jnp.zeros((e_pad - E,), jnp.int32)])
    dst = jnp.concatenate([dst, jnp.full((e_pad - E,), N, jnp.int32)])
    gidx3 = gidx.reshape(e_pad // (RING * CHUNK), RING, CHUNK)
    dst3 = dst.reshape(e_pad // (RING * CHUNK), RING, CHUNK)

    n_pad = ((N + 1 + NS * 8 - 1) // (NS * 8)) * (NS * 8)
    zeros_np = jnp.zeros((n_pad, D), jnp.float32)

    bih2 = b_ih.reshape(1, 3 * D)
    bhh2 = b_hh.reshape(1, 3 * D)
    wcls_pad = jnp.zeros((D, D), jnp.float32).at[:n_cls].set(W_cls)
    bcls_pad = jnp.zeros((1, D), jnp.float32).at[0, :n_cls].set(b_cls)

    n_blk = 1000
    wmsg_bf = W_msg.astype(jnp.bfloat16)
    h = x
    hall = _hall_call(h, wmsg_bf, b_msg, n_blk=n_blk)
    for _ in range(N_STEPS - 1):
        a01 = _sc_call(hall.reshape(K * N, D), gidx3, dst3, zeros_np,
                       n=N, d=D, n_pad=n_pad, gpt=gpt)
        h, hall = _gru_hall_call(a01, h, W_ih, W_hh, bih2, bhh2,
                                 wmsg_bf, b_msg, n_blk=n_blk)
    a01 = _sc_call(hall.reshape(K * N, D), gidx3, dst3, zeros_np,
                   n=N, d=D, n_pad=n_pad, gpt=gpt)
    logits = _gru_final_call(a01, h, W_ih, W_hh, bih2, bhh2,
                             wcls_pad, bcls_pad, n_blk=n_blk)
    return logits[:, :n_cls]

# --- scband reference (transcript-rebuilt; emitter-appended) ---
"""Pipeline reference for scband-basic-ggnn-3736621548149 (READ-ONLY COPY).

The authoritative reference and input builder live on the scoring server;
editing this copy changes nothing except your own understanding.
"""

import jax, jax.numpy as jnp
import numpy as np

N = 10000
E = 320000
D_IN = 128
D_H = 128
K = 13
N_STEPS = 6
N_CLASSES = 2


def setup_inputs(seed: int = 0) -> dict:
    key = jax.random.key(seed)
    ks = jax.random.split(key, 12)
    x = jax.random.normal(ks[0], (N, D_IN), dtype=jnp.float32)
    edge_index = jax.random.randint(ks[1], (2, E), 0, N, dtype=jnp.int32)
    edge_type = jax.random.randint(ks[2], (E,), 0, K, dtype=jnp.int32)
    s = 0.05
    W_msg = jax.random.normal(ks[3], (K, D_H, D_H), dtype=jnp.float32) * s
    b_msg = jnp.zeros((K, D_H), dtype=jnp.float32)
    W_ih = jax.random.normal(ks[4], (3 * D_H, D_H), dtype=jnp.float32) * s
    W_hh = jax.random.normal(ks[5], (3 * D_H, D_H), dtype=jnp.float32) * s
    b_ih = jnp.zeros((3 * D_H,), dtype=jnp.float32)
    b_hh = jnp.zeros((3 * D_H,), dtype=jnp.float32)
    W_cls = jax.random.normal(ks[6], (N_CLASSES, D_H), dtype=jnp.float32) * s
    b_cls = jnp.zeros((N_CLASSES,), dtype=jnp.float32)
    return {"x": x, "edge_index": edge_index, "edge_type": edge_type,
            "W_msg": W_msg, "b_msg": b_msg, "W_ih": W_ih, "W_hh": W_hh,
            "b_ih": b_ih, "b_hh": b_hh, "W_cls": W_cls, "b_cls": b_cls}


def _gru_cell(a, h, W_ih, W_hh, b_ih, b_hh):
    # torch.nn.GRUCell math; gate order r, z, n
    gi = a @ W_ih.T + b_ih
    gh = h @ W_hh.T + b_hh
    i_r, i_z, i_n = jnp.split(gi, 3, axis=-1)
    h_r, h_z, h_n = jnp.split(gh, 3, axis=-1)
    r = jax.nn.sigmoid(i_r + h_r)
    z = jax.nn.sigmoid(i_z + h_z)
    n = jnp.tanh(i_n + r * h_n)
    return (1.0 - z) * n + z * h


def reference(x, edge_index, edge_type, W_msg, b_msg, W_ih, W_hh, b_ih, b_hh, W_cls, b_cls):
    src = edge_index[0]
    dst = edge_index[1]
    # DGL GatedGraphConv pads input features up to out_feats (no-op here since D_IN == D_H)
    h = jnp.pad(x, ((0, 0), (0, D_H - D_IN)))
    for _ in range(N_STEPS):
        # per-edge-type linear transforms computed on nodes: [N, K, D_H]
        h_all = jnp.einsum('nd,kod->nko', h, W_msg) + b_msg[None, :, :]
        # gather message for each edge by (source node, edge type): [E, D_H]
        msg = h_all[src, edge_type]
        # scatter-add messages into destination nodes
        a = jax.ops.segment_sum(msg, dst, num_segments=N)
        h = _gru_cell(a, h, W_ih, W_hh, b_ih, b_hh)
    # dgl.sum_nodes over a single graph -> [1, D_H]
    hg = jnp.sum(h, axis=0, keepdims=True)
    return hg @ W_cls.T + b_cls

if __name__ == "__main__":
    import jax
    _d = setup_inputs()
    print(jax.jit(kernel)(*tuple(_d.values())))

</pallas_src>

<mosaic_0001>
#map = affine_map<(d0, d1) -> (0, 0)>
#map1 = affine_map<(d0, d1) -> (0, 0, 0)>
module attributes {stable_mosaic.version = 14 : i64} {
  func.func @_sc_body(%arg0: i32, %arg1: i32, %arg2: memref<130000x128xf32, #tpu.memory_space<hbm>>, %arg3: memref<896x3x120xi32, #tpu.memory_space<hbm>>, %arg4: memref<896x3x120xi32, #tpu.memory_space<hbm>>, %arg5: memref<10112x128xf32, #tpu.memory_space<hbm>>, %arg6: memref<2x10112x128xf32, #tpu.memory_space<hbm>>, %arg7: memref<2x3x120xi32, #tpu.memory_space<vmem>>, %arg8: memref<3x3x120xi32, #tpu.memory_space<vmem>>, %arg9: memref<3x120x128xf32, #tpu.memory_space<vmem>>, %arg10: memref<!tpu.dma_semaphore, #tpu.memory_space<semaphore_mem>>, %arg11: memref<!tpu.dma_semaphore, #tpu.memory_space<semaphore_mem>>, %arg12: memref<!tpu.dma_semaphore, #tpu.memory_space<semaphore_mem>>, %arg13: memref<!tpu.dma_semaphore, #tpu.memory_space<semaphore_mem>>, %arg14: memref<!tpu.dma_semaphore, #tpu.memory_space<semaphore_mem>>, %arg15: memref<!tpu.dma_semaphore, #tpu.memory_space<semaphore_mem>>, %arg16: memref<!tpu.dma_semaphore, #tpu.memory_space<semaphore_mem>>, %arg17: memref<10112x128xf32, #tpu.memory_space<vmem_shared>>) attributes {dimension_semantics = [#tpu.dimension_semantics<core_parallel>, #tpu.dimension_semantics<subcore_parallel>], iteration_bounds = array<i64: 2, 16>, scalar_prefetch = 0 : i64, scratch_operands = 11 : i64, tpu.core_type = #tpu.core_type<sc_vector_subcore>, window_params = [{transform_indices = #map}, {transform_indices = #map1}, {transform_indices = #map1}, {transform_indices = #map}, {transform_indices = #map1}]} {
    %mul3A = arith.constant 2 : i32
    %mul3A_0 = arith.muli %arg1, %mul3A : i32
    %add3A = arith.addi %mul3A_0, %arg0 : i32
    %mul3A_1 = arith.constant 632 : i32
    %mul3A_2 = arith.muli %arg1, %mul3A_1 : i32
    %mul3A_3 = arith.constant 632 : i32
    %mul3A_4 = arith.muli %arg1, %mul3A_3 : i32
    "tpu.region"() ({
      %run_scoped3A = tpu.sem_alloc : memref<!tpu.dma_semaphore, #tpu.memory_space<semaphore_mem>>
      %dma_start3A_94 = arith.constant 0 : i32
      %dma_start3A_95 = tpu.memref_slice %arg17[%mul3A_4, %dma_start3A_94] : memref<10112x128xf32, #tpu.memory_space<vmem_shared>> -> memref<632x128xf32, #tpu.memory_space<vmem_shared>>
      %dma_start3A_96 = arith.constant 0 : i32
      %dma_start3A_97 = tpu.memref_slice %arg5[%mul3A_2, %dma_start3A_96] : memref<10112x128xf32, #tpu.memory_space<hbm>> -> memref<632x128xf32, #tpu.memory_space<hbm>>
      tpu.enqueue_dma source(%dma_start3A_97 : memref<632x128xf32, #tpu.memory_space<hbm>>) target(%dma_start3A_95 : memref<632x128xf32, #tpu.memory_space<vmem_shared>>) target_semaphore(%run_scoped3A : memref<!tpu.dma_semaphore, #tpu.memory_space<semaphore_mem>>)
      %dma_wait3A_98 = arith.constant 0 : i32
      %dma_wait3A_99 = tpu.memref_slice %arg17[%mul3A_4, %dma_wait3A_98] : memref<10112x128xf32, #tpu.memory_space<vmem_shared>> -> memref<632x128xf32, #tpu.memory_space<vmem_shared>>
      %dma_wait3A_100 = arith.constant 0 : i32
      %dma_wait3A_101 = tpu.memref_slice %arg5[%mul3A_2, %dma_wait3A_100] : memref<10112x128xf32, #tpu.memory_space<hbm>> -> memref<632x128xf32, #tpu.memory_space<hbm>>
      tpu.wait_dma2 semaphore(%run_scoped3A : memref<!tpu.dma_semaphore, #tpu.memory_space<semaphore_mem>>) src(%dma_wait3A_101 : memref<632x128xf32, #tpu.memory_space<hbm>>) dst(%dma_wait3A_99 : memref<632x128xf32, #tpu.memory_space<vmem_shared>>)
      tpu.yield
    }) : () -> ()
    %mul3A_5 = arith.constant 28 : i32
    %mul3A_6 = arith.muli %add3A, %mul3A_5 : i32
    %dma_start3A = arith.constant 0 : i32
    %dma_start3A_7 = arith.constant 0 : i32
    %dma_start3A_8 = arith.constant 0 : i32
    %dma_start3A_9 = tpu.memref_slice %arg7[%dma_start3A, %dma_start3A_7, %dma_start3A_8] : memref<2x3x120xi32, #tpu.memory_space<vmem>> -> memref<1x3x120xi32, #tpu.memory_space<vmem>>
    %dma_start3A_10 = tpu.memref_squeeze %dma_start3A_9 : memref<1x3x120xi32, #tpu.memory_space<vmem>> -> memref<3x120xi32, #tpu.memory_space<vmem>>
    %dma_start3A_11 = arith.constant 0 : i32
    %dma_start3A_12 = arith.constant 0 : i32
    %dma_start3A_13 = tpu.memref_slice %arg3[%mul3A_6, %dma_start3A_11, %dma_start3A_12] : memref<896x3x120xi32, #tpu.memory_space<hbm>> -> memref<1x3x120xi32, #tpu.memory_space<hbm>>
    %dma_start3A_14 = tpu.memref_squeeze %dma_start3A_13 : memref<1x3x120xi32, #tpu.memory_space<hbm>> -> memref<3x120xi32, #tpu.memory_space<hbm>>
    %dma_start3A_15 = arith.constant 0 : i32
    %dma_start3A_16 = arith.constant 0 : i32
    %dma_start3A_17 = tpu.memref_slice %arg7[%dma_start3A, %dma_start3A_15, %dma_start3A_16] : memref<2x3x120xi32, #tpu.memory_space<vmem>> -> memref<1x3x120xi32, #tpu.memory_space<vmem>>
    %dma_start3A_18 = tpu.memref_squeeze %dma_start3A_17 : memref<1x3x120xi32, #tpu.memory_space<vmem>> -> memref<3x120xi32, #tpu.memory_space<vmem>>
    %dma_start3A_19 = arith.constant 0 : i32
    %dma_start3A_20 = arith.constant 0 : i32
    %dma_start3A_21 = tpu.memref_slice %arg3[%mul3A_6, %dma_start3A_19, %dma_start3A_20] : memref<896x3x120xi32, #tpu.memory_space<hbm>> -> memref<1x3x120xi32, #tpu.memory_space<hbm>>
    %dma_start3A_22 = tpu.memref_squeeze %dma_start3A_21 : memref<1x3x120xi32, #tpu.memory_space<hbm>> -> memref<3x120xi32, #tpu.memory_space<hbm>>
    tpu.enqueue_dma source(%dma_start3A_22 : memref<3x120xi32, #tpu.memory_space<hbm>>) target(%dma_start3A_18 : memref<3x120xi32, #tpu.memory_space<vmem>>) target_semaphore(%arg16 : memref<!tpu.dma_semaphore, #tpu.memory_space<semaphore_mem>>)
    %dma_start3A_23 = arith.constant 0 : i32
    %dma_start3A_24 = arith.constant 0 : i32
    %dma_start3A_25 = arith.constant 0 : i32
    %dma_start3A_26 = tpu.memref_slice %arg8[%dma_start3A_23, %dma_start3A_24, %dma_start3A_25] : memref<3x3x120xi32, #tpu.memory_space<vmem>> -> memref<1x3x120xi32, #tpu.memory_space<vmem>>
    %dma_start3A_27 = tpu.memref_squeeze %dma_start3A_26 : memref<1x3x120xi32, #tpu.memory_space<vmem>> -> memref<3x120xi32, #tpu.memory_space<vmem>>
    %dma_start3A_28 = arith.constant 0 : i32
    %dma_start3A_29 = arith.constant 0 : i32
    %dma_start3A_30 = tpu.memref_slice %arg4[%mul3A_6, %dma_start3A_28, %dma_start3A_29] : memref<896x3x120xi32, #tpu.memory_space<hbm>> -> memref<1x3x120xi32, #tpu.memory_space<hbm>>
    %dma_start3A_31 = tpu.memref_squeeze %dma_start3A_30 : memref<1x3x120xi32, #tpu.memory_space<hbm>> -> memref<3x120xi32, #tpu.memory_space<hbm>>
    %dma_start3A_32 = arith.constant 0 : i32
    %dma_start3A_33 = arith.constant 0 : i32
    %dma_start3A_34 = tpu.memref_slice %arg8[%dma_start3A_23, %dma_start3A_32, %dma_start3A_33] : memref<3x3x120xi32, #tpu.memory_space<vmem>> -> memref<1x3x120xi32, #tpu.memory_space<vmem>>
    %dma_start3A_35 = tpu.memref_squeeze %dma_start3A_34 : memref<1x3x120xi32, #tpu.memory_space<vmem>> -> memref<3x120xi32, #tpu.memory_space<vmem>>
    %dma_start3A_36 = arith.constant 0 : i32
    %dma_start3A_37 = arith.constant 0 : i32
    %dma_start3A_38 = tpu.memref_slice %arg4[%mul3A_6, %dma_start3A_36, %dma_start3A_37] : memref<896x3x120xi32, #tpu.memory_space<hbm>> -> memref<1x3x120xi32, #tpu.memory_space<hbm>>
    %dma_start3A_39 = tpu.memref_squeeze %dma_start3A_38 : memref<1x3x120xi32, #tpu.memory_space<hbm>> -> memref<3x120xi32, #tpu.memory_space<hbm>>
    tpu.enqueue_dma source(%dma_start3A_39 : memref<3x120xi32, #tpu.memory_space<hbm>>) target(%dma_start3A_35 : memref<3x120xi32, #tpu.memory_space<vmem>>) target_semaphore(%arg16 : memref<!tpu.dma_semaphore, #tpu.memory_space<semaphore_mem>>)
    %barrier3A = arith.constant 0 : index
    tpu.barrier barrier_id(%barrier3A)
    %scan3A = arith.constant 0 : i32
    %scan3A_40 = arith.constant 0 : i32
    %scan3A_41 = arith.constant 28 : i32
    %scan3A_42 = arith.addi %scan3A_40, %scan3A_41 : i32
    %scan3A_43 = arith.constant 1 : i32
    scf.for %scan3A_94 = %scan3A_40 to %scan3A_42 step %scan3A_43  : i32 {
      %rem3A = arith.constant 2 : i32
      %rem3A_95 = arith.remsi %scan3A_94, %rem3A : i32
      %rem3A_96 = arith.constant 3 : i32
      %rem3A_97 = arith.remsi %scan3A_94, %rem3A_96 : i32
      %dma_wait3A_98 = arith.constant 0 : i32
      %dma_wait3A_99 = arith.constant 0 : i32
      %dma_wait3A_100 = tpu.memref_slice %arg7[%rem3A_95, %dma_wait3A_98, %dma_wait3A_99] : memref<2x3x120xi32, #tpu.memory_space<vmem>> -> memref<1x3x120xi32, #tpu.memory_space<vmem>>
      %dma_wait3A_101 = tpu.memref_squeeze %dma_wait3A_100 : memref<1x3x120xi32, #tpu.memory_space<vmem>> -> memref<3x120xi32, #tpu.memory_space<vmem>>
      %dma_wait3A_102 = arith.constant 0 : i32
      %dma_wait3A_103 = arith.constant 0 : i32
      %dma_wait3A_104 = tpu.memref_slice %arg3[%mul3A_6, %dma_wait3A_102, %dma_wait3A_103] : memref<896x3x120xi32, #tpu.memory_space<hbm>> -> memref<1x3x120xi32, #tpu.memory_space<hbm>>
      %dma_wait3A_105 = tpu.memref_squeeze %dma_wait3A_104 : memref<1x3x120xi32, #tpu.memory_space<hbm>> -> memref<3x120xi32, #tpu.memory_space<hbm>>
      %dma_wait3A_106 = arith.constant 0 : i32
      %dma_wait3A_107 = arith.constant 0 : i32
      %dma_wait3A_108 = tpu.memref_slice %arg7[%rem3A_95, %dma_wait3A_106, %dma_wait3A_107] : memref<2x3x120xi32, #tpu.memory_space<vmem>> -> memref<1x3x120xi32, #tpu.memory_space<vmem>>
      %dma_wait3A_109 = tpu.memref_squeeze %dma_wait3A_108 : memref<1x3x120xi32, #tpu.memory_space<vmem>> -> memref<3x120xi32, #tpu.memory_space<vmem>>
      %dma_wait3A_110 = arith.constant 0 : i32
      %dma_wait3A_111 = arith.constant 0 : i32
      %dma_wait3A_112 = tpu.memref_slice %arg3[%mul3A_6, %dma_wait3A_110, %dma_wait3A_111] : memref<896x3x120xi32, #tpu.memory_space<hbm>> -> memref<1x3x120xi32, #tpu.memory_space<hbm>>
      %dma_wait3A_113 = tpu.memref_squeeze %dma_wait3A_112 : memref<1x3x120xi32, #tpu.memory_space<hbm>> -> memref<3x120xi32, #tpu.memory_space<hbm>>
      tpu.wait_dma2 semaphore(%arg16 : memref<!tpu.dma_semaphore, #tpu.memory_space<semaphore_mem>>) src(%dma_wait3A_113 : memref<3x120xi32, #tpu.memory_space<hbm>>) dst(%dma_wait3A_109 : memref<3x120xi32, #tpu.memory_space<vmem>>)
      %dma_wait3A_114 = arith.constant 0 : i32
      %dma_wait3A_115 = arith.constant 0 : i32
      %dma_wait3A_116 = tpu.memref_slice %arg7[%rem3A_95, %dma_wait3A_114, %dma_wait3A_115] : memref<2x3x120xi32, #tpu.memory_space<vmem>> -> memref<1x3x120xi32, #tpu.memory_space<vmem>>
      %dma_wait3A_117 = tpu.memref_squeeze %dma_wait3A_116 : memref<1x3x120xi32, #tpu.memory_space<vmem>> -> memref<3x120xi32, #tpu.memory_space<vmem>>
      %dma_wait3A_118 = arith.constant 0 : i32
      %dma_wait3A_119 = arith.constant 0 : i32
      %dma_wait3A_120 = tpu.memref_slice %arg3[%mul3A_6, %dma_wait3A_118, %dma_wait3A_119] : memref<896x3x120xi32, #tpu.memory_space<hbm>> -> memref<1x3x120xi32, #tpu.memory_space<hbm>>
      %dma_wait3A_121 = tpu.memref_squeeze %dma_wait3A_120 : memref<1x3x120xi32, #tpu.memory_space<hbm>> -> memref<3x120xi32, #tpu.memory_space<hbm>>
      %dma_wait3A_122 = arith.constant 0 : i32
      %dma_wait3A_123 = arith.constant 0 : i32
      %dma_wait3A_124 = tpu.memref_slice %arg7[%rem3A_95, %dma_wait3A_122, %dma_wait3A_123] : memref<2x3x120xi32, #tpu.memory_space<vmem>> -> memref<1x3x120xi32, #tpu.memory_space<vmem>>
      %dma_wait3A_125 = tpu.memref_squeeze %dma_wait3A_124 : memref<1x3x120xi32, #tpu.memory_space<vmem>> -> memref<3x120xi32, #tpu.memory_space<vmem>>
      %dma_wait3A_126 = arith.constant 0 : i32
      %dma_wait3A_127 = arith.constant 0 : i32
      %dma_wait3A_128 = tpu.memref_slice %arg3[%mul3A_6, %dma_wait3A_126, %dma_wait3A_127] : memref<896x3x120xi32, #tpu.memory_space<hbm>> -> memref<1x3x120xi32, #tpu.memory_space<hbm>>
      %dma_wait3A_129 = tpu.memref_squeeze %dma_wait3A_128 : memref<1x3x120xi32, #tpu.memory_space<hbm>> -> memref<3x120xi32, #tpu.memory_space<hbm>>
      tpu.wait_dma2 semaphore(%arg16 : memref<!tpu.dma_semaphore, #tpu.memory_space<semaphore_mem>>) src(%dma_wait3A_129 : memref<3x120xi32, #tpu.memory_space<hbm>>) dst(%dma_wait3A_125 : memref<3x120xi32, #tpu.memory_space<vmem>>)
      %add3A_130 = arith.constant 1 : i32
      %add3A_131 = arith.addi %scan3A_94, %add3A_130 : i32
      %lt3A = arith.constant 28 : i32
      %lt3A_132 = arith.cmpi slt, %add3A_131, %lt3A : i32
      %convert_element_type3A = arith.extui %lt3A_132 : i1 to i32
      %cond3A = arith.constant 0 : i32
      %cond3A_133 = arith.cmpi ne, %convert_element_type3A, %cond3A : i32
      scf.if %cond3A_133 {
        %mul3A_256 = arith.constant 28 : i32
        %mul3A_257 = arith.muli %add3A, %mul3A_256 : i32
        %add3A_258 = arith.addi %mul3A_257, %scan3A_94 : i32
        %add3A_259 = arith.constant 1 : i32
        %add3A_260 = arith.addi %add3A_258, %add3A_259 : i32
        %sub3A = arith.constant 1 : i32
        %sub3A_261 = arith.subi %sub3A, %rem3A_95 : i32
        %dma_start3A_262 = arith.constant 0 : i32
        %dma_start3A_263 = arith.constant 0 : i32
        %dma_start3A_264 = tpu.memref_slice %arg7[%sub3A_261, %dma_start3A_262, %dma_start3A_263] : memref<2x3x120xi32, #tpu.memory_space<vmem>> -> memref<1x3x120xi32, #tpu.memory_space<vmem>>
        %dma_start3A_265 = tpu.memref_squeeze %dma_start3A_264 : memref<1x3x120xi32, #tpu.memory_space<vmem>> -> memref<3x120xi32, #tpu.memory_space<vmem>>
        %dma_start3A_266 = arith.constant 0 : i32
        %dma_start3A_267 = arith.constant 0 : i32
        %dma_start3A_268 = tpu.memref_slice %arg3[%add3A_260, %dma_start3A_266, %dma_start3A_267] : memref<896x3x120xi32, #tpu.memory_space<hbm>> -> memref<1x3x120xi32, #tpu.memory_space<hbm>>
        %dma_start3A_269 = tpu.memref_squeeze %dma_start3A_268 : memref<1x3x120xi32, #tpu.memory_space<hbm>> -> memref<3x120xi32, #tpu.memory_space<hbm>>
        %dma_start3A_270 = arith.constant 0 : i32
        %dma_start3A_271 = arith.constant 0 : i32
        %dma_start3A_272 = tpu.memref_slice %arg7[%sub3A_261, %dma_start3A_270, %dma_start3A_271] : memref<2x3x120xi32, #tpu.memory_space<vmem>> -> memref<1x3x120xi32, #tpu.memory_space<vmem>>
        %dma_start3A_273 = tpu.memref_squeeze %dma_start3A_272 : memref<1x3x120xi32, #tpu.memory_space<vmem>> -> memref<3x120xi32, #tpu.memory_space<vmem>>
        %dma_start3A_274 = arith.constant 0 : i32
        %dma_start3A_275 = arith.constant 0 : i32
        %dma_start3A_276 = tpu.memref_slice %arg3[%add3A_260, %dma_start3A_274, %dma_start3A_275] : memref<896x3x120xi32, #tpu.memory_space<hbm>> -> memref<1x3x120xi32, #tpu.memory_space<hbm>>
        %dma_start3A_277 = tpu.memref_squeeze %dma_start3A_276 : memref<1x3x120xi32, #tpu.memory_space<hbm>> -> memref<3x120xi32, #tpu.memory_space<hbm>>
        tpu.enqueue_dma source(%dma_start3A_277 : memref<3x120xi32, #tpu.memory_space<hbm>>) target(%dma_start3A_273 : memref<3x120xi32, #tpu.memory_space<vmem>>) target_semaphore(%arg16 : memref<!tpu.dma_semaphore, #tpu.memory_space<semaphore_mem>>)
        %add3A_278 = arith.constant 1 : i32
        %add3A_279 = arith.addi %scan3A_94, %add3A_278 : i32
        %rem3A_280 = arith.constant 3 : i32
        %rem3A_281 = arith.remsi %add3A_279, %rem3A_280 : i32
        %dma_start3A_282 = arith.constant 0 : i32
        %dma_start3A_283 = arith.constant 0 : i32
        %dma_start3A_284 = tpu.memref_slice %arg8[%rem3A_281, %dma_start3A_282, %dma_start3A_283] : memref<3x3x120xi32, #tpu.memory_space<vmem>> -> memref<1x3x120xi32, #tpu.memory_space<vmem>>
        %dma_start3A_285 = tpu.memref_squeeze %dma_start3A_284 : memref<1x3x120xi32, #tpu.memory_space<vmem>> -> memref<3x120xi32, #tpu.memory_space<vmem>>
        %dma_start3A_286 = arith.constant 0 : i32
        %dma_start3A_287 = arith.constant 0 : i32
        %dma_start3A_288 = tpu.memref_slice %arg4[%add3A_260, %dma_start3A_286, %dma_start3A_287] : memref<896x3x120xi32, #tpu.memory_space<hbm>> -> memref<1x3x120xi32, #tpu.memory_space<hbm>>
        %dma_start3A_289 = tpu.memref_squeeze %dma_start3A_288 : memref<1x3x120xi32, #tpu.memory_space<hbm>> -> memref<3x120xi32, #tpu.memory_space<hbm>>
        %dma_start3A_290 = arith.constant 0 : i32
        %dma_start3A_291 = arith.constant 0 : i32
        %dma_start3A_292 = tpu.memref_slice %arg8[%rem3A_281, %dma_start3A_290, %dma_start3A_291] : memref<3x3x120xi32, #tpu.memory_space<vmem>> -> memref<1x3x120xi32, #tpu.memory_space<vmem>>
        %dma_start3A_293 = tpu.memref_squeeze %dma_start3A_292 : memref<1x3x120xi32, #tpu.memory_space<vmem>> -> memref<3x120xi32, #tpu.memory_space<vmem>>
        %dma_start3A_294 = arith.constant 0 : i32
        %dma_start3A_295 = arith.constant 0 : i32
        %dma_start3A_296 = tpu.memref_slice %arg4[%add3A_260, %dma_start3A_294, %dma_start3A_295] : memref<896x3x120xi32, #tpu.memory_space<hbm>> -> memref<1x3x120xi32, #tpu.memory_space<hbm>>
        %dma_start3A_297 = tpu.memref_squeeze %dma_start3A_296 : memref<1x3x120xi32, #tpu.memory_space<hbm>> -> memref<3x120xi32, #tpu.memory_space<hbm>>
        tpu.enqueue_dma source(%dma_start3A_297 : memref<3x120xi32, #tpu.memory_space<hbm>>) target(%dma_start3A_293 : memref<3x120xi32, #tpu.memory_space<vmem>>) target_semaphore(%arg16 : memref<!tpu.dma_semaphore, #tpu.memory_space<semaphore_mem>>)
      } else {
      }
      %gt3A = arith.constant 0 : i32
      %gt3A_134 = arith.cmpi sgt, %scan3A_94, %gt3A : i32
      %convert_element_type3A_135 = arith.extui %gt3A_134 : i1 to i32
      %cond3A_136 = arith.constant 0 : i32
      %cond3A_137 = arith.cmpi ne, %convert_element_type3A_135, %cond3A_136 : i32
      scf.if %cond3A_137 {
        %dma_wait3A_256 = arith.constant 0 : i32
        %dma_wait3A_257 = arith.constant 0 : i32
        %dma_wait3A_258 = arith.constant 0 : i32
        %dma_wait3A_259 = tpu.memref_slice %arg9[%dma_wait3A_256, %dma_wait3A_257, %dma_wait3A_258] : memref<3x120x128xf32, #tpu.memory_space<vmem>> -> memref<1x120x128xf32, #tpu.memory_space<vmem>>
        %dma_wait3A_260 = tpu.memref_squeeze %dma_wait3A_259 : memref<1x120x128xf32, #tpu.memory_space<vmem>> -> memref<120x128xf32, #tpu.memory_space<vmem>>
        %dma_wait3A_261 = arith.constant 0 : i32
        %dma_wait3A_262 = arith.constant 0 : i32
        %dma_wait3A_263 = tpu.memref_slice %arg5[%dma_wait3A_261, %dma_wait3A_262] : memref<10112x128xf32, #tpu.memory_space<hbm>> -> memref<120x128xf32, #tpu.memory_space<hbm>>
        %dma_wait3A_264 = arith.constant 0 : i32
        %dma_wait3A_265 = arith.constant 0 : i32
        %dma_wait3A_266 = tpu.memref_slice %arg9[%dma_wait3A_256, %dma_wait3A_264, %dma_wait3A_265] : memref<3x120x128xf32, #tpu.memory_space<vmem>> -> memref<1x120x128xf32, #tpu.memory_space<vmem>>
        %dma_wait3A_267 = tpu.memref_squeeze %dma_wait3A_266 : memref<1x120x128xf32, #tpu.memory_space<vmem>> -> memref<120x128xf32, #tpu.memory_space<vmem>>
        %dma_wait3A_268 = arith.constant 0 : i32
        %dma_wait3A_269 = arith.constant 0 : i32
        %dma_wait3A_270 = tpu.memref_slice %arg5[%dma_wait3A_268, %dma_wait3A_269] : memref<10112x128xf32, #tpu.memory_space<hbm>> -> memref<120x128xf32, #tpu.memory_space<hbm>>
        tpu.wait_dma2 semaphore(%arg13 : memref<!tpu.dma_semaphore, #tpu.memory_space<semaphore_mem>>) src(%dma_wait3A_270 : memref<120x128xf32, #tpu.memory_space<hbm>>) dst(%dma_wait3A_267 : memref<120x128xf32, #tpu.memory_space<vmem>>)
      } else {
      }
      %dma_start3A_138 = arith.constant 0 : i32
      %dma_start3A_139 = arith.constant 0 : i32
      %dma_start3A_140 = arith.constant 0 : i32
      %dma_start3A_141 = arith.constant 0 : i32
      %dma_start3A_142 = tpu.memref_slice %arg9[%dma_start3A_139, %dma_start3A_140, %dma_start3A_141] : memref<3x120x128xf32, #tpu.memory_space<vmem>> -> memref<1x120x128xf32, #tpu.memory_space<vmem>>
      %dma_start3A_143 = tpu.memref_squeeze %dma_start3A_142 : memref<1x120x128xf32, #tpu.memory_space<vmem>> -> memref<120x128xf32, #tpu.memory_space<vmem>>
      %dma_start3A_144 = arith.constant 0 : i32
      %dma_start3A_145 = tpu.memref_slice %arg7[%rem3A_95, %dma_start3A_138, %dma_start3A_144] : memref<2x3x120xi32, #tpu.memory_space<vmem>> -> memref<1x1x120xi32, #tpu.memory_space<vmem>>
      %dma_start3A_146 = tpu.memref_squeeze %dma_start3A_145 : memref<1x1x120xi32, #tpu.memory_space<vmem>> -> memref<120xi32, #tpu.memory_space<vmem>>
      %dma_start3A_147 = arith.constant 0 : i32
      %dma_start3A_148 = arith.constant 0 : i32
      %dma_start3A_149 = tpu.memref_slice %arg2[%dma_start3A_147, %dma_start3A_148] : memref<130000x128xf32, #tpu.memory_space<hbm>> -> memref<130000x128xf32, #tpu.memory_space<hbm>>
      tpu.enqueue_indirect_dma source(%dma_start3A_149 : memref<130000x128xf32, #tpu.memory_space<hbm>>) target(%dma_start3A_143 : memref<120x128xf32, #tpu.memory_space<vmem>>) offsets(%dma_start3A_146 : memref<120xi32, #tpu.memory_space<vmem>>) semaphore(%arg10 : memref<!tpu.dma_semaphore, #tpu.memory_space<semaphore_mem>>)
      %gt3A_150 = arith.constant 0 : i32
      %gt3A_151 = arith.cmpi sgt, %scan3A_94, %gt3A_150 : i32
      %convert_element_type3A_152 = arith.extui %gt3A_151 : i1 to i32
      %cond3A_153 = arith.constant 0 : i32
      %cond3A_154 = arith.cmpi ne, %convert_element_type3A_152, %cond3A_153 : i32
      scf.if %cond3A_154 {
        %dma_wait3A_256 = arith.constant 1 : i32
        %dma_wait3A_257 = arith.constant 0 : i32
        %dma_wait3A_258 = arith.constant 0 : i32
        %dma_wait3A_259 = tpu.memref_slice %arg9[%dma_wait3A_256, %dma_wait3A_257, %dma_wait3A_258] : memref<3x120x128xf32, #tpu.memory_space<vmem>> -> memref<1x120x128xf32, #tpu.memory_space<vmem>>
        %dma_wait3A_260 = tpu.memref_squeeze %dma_wait3A_259 : memref<1x120x128xf32, #tpu.memory_space<vmem>> -> memref<120x128xf32, #tpu.memory_space<vmem>>
        %dma_wait3A_261 = arith.constant 0 : i32
        %dma_wait3A_262 = arith.constant 0 : i32
        %dma_wait3A_263 = tpu.memref_slice %arg5[%dma_wait3A_261, %dma_wait3A_262] : memref<10112x128xf32, #tpu.memory_space<hbm>> -> memref<120x128xf32, #tpu.memory_space<hbm>>
        %dma_wait3A_264 = arith.constant 0 : i32
        %dma_wait3A_265 = arith.constant 0 : i32
        %dma_wait3A_266 = tpu.memref_slice %arg9[%dma_wait3A_256, %dma_wait3A_264, %dma_wait3A_265] : memref<3x120x128xf32, #tpu.memory_space<vmem>> -> memref<1x120x128xf32, #tpu.memory_space<vmem>>
        %dma_wait3A_267 = tpu.memref_squeeze %dma_wait3A_266 : memref<1x120x128xf32, #tpu.memory_space<vmem>> -> memref<120x128xf32, #tpu.memory_space<vmem>>
        %dma_wait3A_268 = arith.constant 0 : i32
        %dma_wait3A_269 = arith.constant 0 : i32
        %dma_wait3A_270 = tpu.memref_slice %arg5[%dma_wait3A_268, %dma_wait3A_269] : memref<10112x128xf32, #tpu.memory_space<hbm>> -> memref<120x128xf32, #tpu.memory_space<hbm>>
        tpu.wait_dma2 semaphore(%arg14 : memref<!tpu.dma_semaphore, #tpu.memory_space<semaphore_mem>>) src(%dma_wait3A_270 : memref<120x128xf32, #tpu.memory_space<hbm>>) dst(%dma_wait3A_267 : memref<120x128xf32, #tpu.memory_space<vmem>>)
      } else {
      }
      %dma_start3A_155 = arith.constant 1 : i32
      %dma_start3A_156 = arith.constant 1 : i32
      %dma_start3A_157 = arith.constant 0 : i32
      %dma_start3A_158 = arith.constant 0 : i32
      %dma_start3A_159 = tpu.memref_slice %arg9[%dma_start3A_156, %dma_start3A_157, %dma_start3A_158] : memref<3x120x128xf32, #tpu.memory_space<vmem>> -> memref<1x120x128xf32, #tpu.memory_space<vmem>>
      %dma_start3A_160 = tpu.memref_squeeze %dma_start3A_159 : memref<1x120x128xf32, #tpu.memory_space<vmem>> -> memref<120x128xf32, #tpu.memory_space<vmem>>
      %dma_start3A_161 = arith.constant 0 : i32
      %dma_start3A_162 = tpu.memref_slice %arg7[%rem3A_95, %dma_start3A_155, %dma_start3A_161] : memref<2x3x120xi32, #tpu.memory_space<vmem>> -> memref<1x1x120xi32, #tpu.memory_space<vmem>>
      %dma_start3A_163 = tpu.memref_squeeze %dma_start3A_162 : memref<1x1x120xi32, #tpu.memory_space<vmem>> -> memref<120xi32, #tpu.memory_space<vmem>>
      %dma_start3A_164 = arith.constant 0 : i32
      %dma_start3A_165 = arith.constant 0 : i32
      %dma_start3A_166 = tpu.memref_slice %arg2[%dma_start3A_164, %dma_start3A_165] : memref<130000x128xf32, #tpu.memory_space<hbm>> -> memref<130000x128xf32, #tpu.memory_space<hbm>>
      tpu.enqueue_indirect_dma source(%dma_start3A_166 : memref<130000x128xf32, #tpu.memory_space<hbm>>) target(%dma_start3A_160 : memref<120x128xf32, #tpu.memory_space<vmem>>) offsets(%dma_start3A_163 : memref<120xi32, #tpu.memory_space<vmem>>) semaphore(%arg11 : memref<!tpu.dma_semaphore, #tpu.memory_space<semaphore_mem>>)
      %gt3A_167 = arith.constant 0 : i32
      %gt3A_168 = arith.cmpi sgt, %scan3A_94, %gt3A_167 : i32
      %convert_element_type3A_169 = arith.extui %gt3A_168 : i1 to i32
      %cond3A_170 = arith.constant 0 : i32
      %cond3A_171 = arith.cmpi ne, %convert_element_type3A_169, %cond3A_170 : i32
      scf.if %cond3A_171 {
        %dma_wait3A_256 = arith.constant 2 : i32
        %dma_wait3A_257 = arith.constant 0 : i32
        %dma_wait3A_258 = arith.constant 0 : i32
        %dma_wait3A_259 = tpu.memref_slice %arg9[%dma_wait3A_256, %dma_wait3A_257, %dma_wait3A_258] : memref<3x120x128xf32, #tpu.memory_space<vmem>> -> memref<1x120x128xf32, #tpu.memory_space<vmem>>
        %dma_wait3A_260 = tpu.memref_squeeze %dma_wait3A_259 : memref<1x120x128xf32, #tpu.memory_space<vmem>> -> memref<120x128xf32, #tpu.memory_space<vmem>>
        %dma_wait3A_261 = arith.constant 0 : i32
        %dma_wait3A_262 = arith.constant 0 : i32
        %dma_wait3A_263 = tpu.memref_slice %arg5[%dma_wait3A_261, %dma_wait3A_262] : memref<10112x128xf32, #tpu.memory_space<hbm>> -> memref<120x128xf32, #tpu.memory_space<hbm>>
        %dma_wait3A_264 = arith.constant 0 : i32
        %dma_wait3A_265 = arith.constant 0 : i32
        %dma_wait3A_266 = tpu.memref_slice %arg9[%dma_wait3A_256, %dma_wait3A_264, %dma_wait3A_265] : memref<3x120x128xf32, #tpu.memory_space<vmem>> -> memref<1x120x128xf32, #tpu.memory_space<vmem>>
        %dma_wait3A_267 = tpu.memref_squeeze %dma_wait3A_266 : memref<1x120x128xf32, #tpu.memory_space<vmem>> -> memref<120x128xf32, #tpu.memory_space<vmem>>
        %dma_wait3A_268 = arith.constant 0 : i32
        %dma_wait3A_269 = arith.constant 0 : i32
        %dma_wait3A_270 = tpu.memref_slice %arg5[%dma_wait3A_268, %dma_wait3A_269] : memref<10112x128xf32, #tpu.memory_space<hbm>> -> memref<120x128xf32, #tpu.memory_space<hbm>>
        tpu.wait_dma2 semaphore(%arg15 : memref<!tpu.dma_semaphore, #tpu.memory_space<semaphore_mem>>) src(%dma_wait3A_270 : memref<120x128xf32, #tpu.memory_space<hbm>>) dst(%dma_wait3A_267 : memref<120x128xf32, #tpu.memory_space<vmem>>)
      } else {
      }
      %dma_start3A_172 = arith.constant 2 : i32
      %dma_start3A_173 = arith.constant 2 : i32
      %dma_start3A_174 = arith.constant 0 : i32
      %dma_start3A_175 = arith.constant 0 : i32
      %dma_start3A_176 = tpu.memref_slice %arg9[%dma_start3A_173, %dma_start3A_174, %dma_start3A_175] : memref<3x120x128xf32, #tpu.memory_space<vmem>> -> memref<1x120x128xf32, #tpu.memory_space<vmem>>
      %dma_start3A_177 = tpu.memref_squeeze %dma_start3A_176 : memref<1x120x128xf32, #tpu.memory_space<vmem>> -> memref<120x128xf32, #tpu.memory_space<vmem>>
      %dma_start3A_178 = arith.constant 0 : i32
      %dma_start3A_179 = tpu.memref_slice %arg7[%rem3A_95, %dma_start3A_172, %dma_start3A_178] : memref<2x3x120xi32, #tpu.memory_space<vmem>> -> memref<1x1x120xi32, #tpu.memory_space<vmem>>
      %dma_start3A_180 = tpu.memref_squeeze %dma_start3A_179 : memref<1x1x120xi32, #tpu.memory_space<vmem>> -> memref<120xi32, #tpu.memory_space<vmem>>
      %dma_start3A_181 = arith.constant 0 : i32
      %dma_start3A_182 = arith.constant 0 : i32
      %dma_start3A_183 = tpu.memref_slice %arg2[%dma_start3A_181, %dma_start3A_182] : memref<130000x128xf32, #tpu.memory_space<hbm>> -> memref<130000x128xf32, #tpu.memory_space<hbm>>
      tpu.enqueue_indirect_dma source(%dma_start3A_183 : memref<130000x128xf32, #tpu.memory_space<hbm>>) target(%dma_start3A_177 : memref<120x128xf32, #tpu.memory_space<vmem>>) offsets(%dma_start3A_180 : memref<120xi32, #tpu.memory_space<vmem>>) semaphore(%arg12 : memref<!tpu.dma_semaphore, #tpu.memory_space<semaphore_mem>>)
      %dma_wait3A_184 = arith.constant 0 : i32
      %dma_wait3A_185 = arith.constant 0 : i32
      %dma_wait3A_186 = arith.constant 0 : i32
      %dma_wait3A_187 = arith.constant 0 : i32
      %dma_wait3A_188 = tpu.memref_slice %arg9[%dma_wait3A_185, %dma_wait3A_186, %dma_wait3A_187] : memref<3x120x128xf32, #tpu.memory_space<vmem>> -> memref<1x120x128xf32, #tpu.memory_space<vmem>>
      %dma_wait3A_189 = tpu.memref_squeeze %dma_wait3A_188 : memref<1x120x128xf32, #tpu.memory_space<vmem>> -> memref<120x128xf32, #tpu.memory_space<vmem>>
      %dma_wait3A_190 = arith.constant 0 : i32
      %dma_wait3A_191 = tpu.memref_slice %arg7[%rem3A_95, %dma_wait3A_184, %dma_wait3A_190] : memref<2x3x120xi32, #tpu.memory_space<vmem>> -> memref<1x1x120xi32, #tpu.memory_space<vmem>>
      %dma_wait3A_192 = tpu.memref_squeeze %dma_wait3A_191 : memref<1x1x120xi32, #tpu.memory_space<vmem>> -> memref<120xi32, #tpu.memory_space<vmem>>
      %dma_wait3A_193 = arith.constant 0 : i32
      %dma_wait3A_194 = arith.constant 0 : i32
      %dma_wait3A_195 = tpu.memref_slice %arg2[%dma_wait3A_193, %dma_wait3A_194] : memref<130000x128xf32, #tpu.memory_space<hbm>> -> memref<130000x128xf32, #tpu.memory_space<hbm>>
      tpu.wait_indirect_dma semaphore(%arg10 : memref<!tpu.dma_semaphore, #tpu.memory_space<semaphore_mem>>) src(%dma_wait3A_195 : memref<130000x128xf32, #tpu.memory_space<hbm>>) dst(%dma_wait3A_189 : memref<120x128xf32, #tpu.memory_space<vmem>>)
      %dma_start3A_196 = arith.constant 0 : i32
      %dma_start3A_197 = arith.constant 0 : i32
      %dma_start3A_198 = arith.constant 0 : i32
      %dma_start3A_199 = arith.constant 0 : i32
      %dma_start3A_200 = tpu.memref_slice %arg9[%dma_start3A_196, %dma_start3A_198, %dma_start3A_199] : memref<3x120x128xf32, #tpu.memory_space<vmem>> -> memref<1x120x128xf32, #tpu.memory_space<vmem>>
      %dma_start3A_201 = tpu.memref_squeeze %dma_start3A_200 : memref<1x120x128xf32, #tpu.memory_space<vmem>> -> memref<120x128xf32, #tpu.memory_space<vmem>>
      %dma_start3A_202 = arith.constant 0 : i32
      %dma_start3A_203 = tpu.memref_slice %arg8[%rem3A_97, %dma_start3A_197, %dma_start3A_202] : memref<3x3x120xi32, #tpu.memory_space<vmem>> -> memref<1x1x120xi32, #tpu.memory_space<vmem>>
      %dma_start3A_204 = tpu.memref_squeeze %dma_start3A_203 : memref<1x1x120xi32, #tpu.memory_space<vmem>> -> memref<120xi32, #tpu.memory_space<vmem>>
      %dma_start3A_205 = arith.constant 0 : i32
      %dma_start3A_206 = arith.constant 0 : i32
      %dma_start3A_207 = tpu.memref_slice %arg17[%dma_start3A_205, %dma_start3A_206] : memref<10112x128xf32, #tpu.memory_space<vmem_shared>> -> memref<10112x128xf32, #tpu.memory_space<vmem_shared>>
      tpu.enqueue_indirect_dma source(%dma_start3A_201 : memref<120x128xf32, #tpu.memory_space<vmem>>) target(%dma_start3A_207 : memref<10112x128xf32, #tpu.memory_space<vmem_shared>>) offsets(%dma_start3A_204 : memref<120xi32, #tpu.memory_space<vmem>>) semaphore(%arg13 : memref<!tpu.dma_semaphore, #tpu.memory_space<semaphore_mem>>) {add = true}
      %dma_wait3A_208 = arith.constant 1 : i32
      %dma_wait3A_209 = arith.constant 1 : i32
      %dma_wait3A_210 = arith.constant 0 : i32
      %dma_wait3A_211 = arith.constant 0 : i32
      %dma_wait3A_212 = tpu.memref_slice %arg9[%dma_wait3A_209, %dma_wait3A_210, %dma_wait3A_211] : memref<3x120x128xf32, #tpu.memory_space<vmem>> -> memref<1x120x128xf32, #tpu.memory_space<vmem>>
      %dma_wait3A_213 = tpu.memref_squeeze %dma_wait3A_212 : memref<1x120x128xf32, #tpu.memory_space<vmem>> -> memref<120x128xf32, #tpu.memory_space<vmem>>
      %dma_wait3A_214 = arith.constant 0 : i32
      %dma_wait3A_215 = tpu.memref_slice %arg7[%rem3A_95, %dma_wait3A_208, %dma_wait3A_214] : memref<2x3x120xi32, #tpu.memory_space<vmem>> -> memref<1x1x120xi32, #tpu.memory_space<vmem>>
      %dma_wait3A_216 = tpu.memref_squeeze %dma_wait3A_215 : memref<1x1x120xi32, #tpu.memory_space<vmem>> -> memref<120xi32, #tpu.memory_space<vmem>>
      %dma_wait3A_217 = arith.constant 0 : i32
      %dma_wait3A_218 = arith.constant 0 : i32
      %dma_wait3A_219 = tpu.memref_slice %arg2[%dma_wait3A_217, %dma_wait3A_218] : memref<130000x128xf32, #tpu.memory_space<hbm>> -> memref<130000x128xf32, #tpu.memory_space<hbm>>
      tpu.wait_indirect_dma semaphore(%arg11 : memref<!tpu.dma_semaphore, #tpu.memory_space<semaphore_mem>>) src(%dma_wait3A_219 : memref<130000x128xf32, #tpu.memory_space<hbm>>) dst(%dma_wait3A_213 : memref<120x128xf32, #tpu.memory_space<vmem>>)
      %dma_start3A_220 = arith.constant 1 : i32
      %dma_start3A_221 = arith.constant 1 : i32
      %dma_start3A_222 = arith.constant 0 : i32
      %dma_start3A_223 = arith.constant 0 : i32
      %dma_start3A_224 = tpu.memref_slice %arg9[%dma_start3A_220, %dma_start3A_222, %dma_start3A_223] : memref<3x120x128xf32, #tpu.memory_space<vmem>> -> memref<1x120x128xf32, #tpu.memory_space<vmem>>
      %dma_start3A_225 = tpu.memref_squeeze %dma_start3A_224 : memref<1x120x128xf32, #tpu.memory_space<vmem>> -> memref<120x128xf32, #tpu.memory_space<vmem>>
      %dma_start3A_226 = arith.constant 0 : i32
      %dma_start3A_227 = tpu.memref_slice %arg8[%rem3A_97, %dma_start3A_221, %dma_start3A_226] : memref<3x3x120xi32, #tpu.memory_space<vmem>> -> memref<1x1x120xi32, #tpu.memory_space<vmem>>
      %dma_start3A_228 = tpu.memref_squeeze %dma_start3A_227 : memref<1x1x120xi32, #tpu.memory_space<vmem>> -> memref<120xi32, #tpu.memory_space<vmem>>
      %dma_start3A_229 = arith.constant 0 : i32
      %dma_start3A_230 = arith.constant 0 : i32
      %dma_start3A_231 = tpu.memref_slice %arg17[%dma_start3A_229, %dma_start3A_230] : memref<10112x128xf32, #tpu.memory_space<vmem_shared>> -> memref<10112x128xf32, #tpu.memory_space<vmem_shared>>
      tpu.enqueue_indirect_dma source(%dma_start3A_225 : memref<120x128xf32, #tpu.memory_space<vmem>>) target(%dma_start3A_231 : memref<10112x128xf32, #tpu.memory_space<vmem_shared>>) offsets(%dma_start3A_228 : memref<120xi32, #tpu.memory_space<vmem>>) semaphore(%arg14 : memref<!tpu.dma_semaphore, #tpu.memory_space<semaphore_mem>>) {add = true}
      %dma_wait3A_232 = arith.constant 2 : i32
      %dma_wait3A_233 = arith.constant 2 : i32
      %dma_wait3A_234 = arith.constant 0 : i32
      %dma_wait3A_235 = arith.constant 0 : i32
      %dma_wait3A_236 = tpu.memref_slice %arg9[%dma_wait3A_233, %dma_wait3A_234, %dma_wait3A_235] : memref<3x120x128xf32, #tpu.memory_space<vmem>> -> memref<1x120x128xf32, #tpu.memory_space<vmem>>
      %dma_wait3A_237 = tpu.memref_squeeze %dma_wait3A_236 : memref<1x120x128xf32, #tpu.memory_space<vmem>> -> memref<120x128xf32, #tpu.memory_space<vmem>>
      %dma_wait3A_238 = arith.constant 0 : i32
      %dma_wait3A_239 = tpu.memref_slice %arg7[%rem3A_95, %dma_wait3A_232, %dma_wait3A_238] : memref<2x3x120xi32, #tpu.memory_space<vmem>> -> memref<1x1x120xi32, #tpu.memory_space<vmem>>
      %dma_wait3A_240 = tpu.memref_squeeze %dma_wait3A_239 : memref<1x1x120xi32, #tpu.memory_space<vmem>> -> memref<120xi32, #tpu.memory_space<vmem>>
      %dma_wait3A_241 = arith.constant 0 : i32
      %dma_wait3A_242 = arith.constant 0 : i32
      %dma_wait3A_243 = tpu.memref_slice %arg2[%dma_wait3A_241, %dma_wait3A_242] : memref<130000x128xf32, #tpu.memory_space<hbm>> -> memref<130000x128xf32, #tpu.memory_space<hbm>>
      tpu.wait_indirect_dma semaphore(%arg12 : memref<!tpu.dma_semaphore, #tpu.memory_space<semaphore_mem>>) src(%dma_wait3A_243 : memref<130000x128xf32, #tpu.memory_space<hbm>>) dst(%dma_wait3A_237 : memref<120x128xf32, #tpu.memory_space<vmem>>)
      %dma_start3A_244 = arith.constant 2 : i32
      %dma_start3A_245 = arith.constant 2 : i32
      %dma_start3A_246 = arith.constant 0 : i32
      %dma_start3A_247 = arith.constant 0 : i32
      %dma_start3A_248 = tpu.memref_slice %arg9[%dma_start3A_244, %dma_start3A_246, %dma_start3A_247] : memref<3x120x128xf32, #tpu.memory_space<vmem>> -> memref<1x120x128xf32, #tpu.memory_space<vmem>>
      %dma_start3A_249 = tpu.memref_squeeze %dma_start3A_248 : memref<1x120x128xf32, #tpu.memory_space<vmem>> -> memref<120x128xf32, #tpu.memory_space<vmem>>
      %dma_start3A_250 = arith.constant 0 : i32
      %dma_start3A_251 = tpu.memref_slice %arg8[%rem3A_97, %dma_start3A_245, %dma_start3A_250] : memref<3x3x120xi32, #tpu.memory_space<vmem>> -> memref<1x1x120xi32, #tpu.memory_space<vmem>>
      %dma_start3A_252 = tpu.memref_squeeze %dma_start3A_251 : memref<1x1x120xi32, #tpu.memory_space<vmem>> -> memref<120xi32, #tpu.memory_space<vmem>>
      %dma_start3A_253 = arith.constant 0 : i32
      %dma_start3A_254 = arith.constant 0 : i32
      %dma_start3A_255 = tpu.memref_slice %arg17[%dma_start3A_253, %dma_start3A_254] : memref<10112x128xf32, #tpu.memory_space<vmem_shared>> -> memref<10112x128xf32, #tpu.memory_space<vmem_shared>>
      tpu.enqueue_indirect_dma source(%dma_start3A_249 : memref<120x128xf32, #tpu.memory_space<vmem>>) target(%dma_start3A_255 : memref<10112x128xf32, #tpu.memory_space<vmem_shared>>) offsets(%dma_start3A_252 : memref<120xi32, #tpu.memory_space<vmem>>) semaphore(%arg15 : memref<!tpu.dma_semaphore, #tpu.memory_space<semaphore_mem>>) {add = true}
    }
    %scan3A_44 = arith.constant 28 : i32
    %dma_wait3A = arith.constant 0 : i32
    %dma_wait3A_45 = arith.constant 0 : i32
    %dma_wait3A_46 = arith.constant 0 : i32
    %dma_wait3A_47 = tpu.memref_slice %arg9[%dma_wait3A, %dma_wait3A_45, %dma_wait3A_46] : memref<3x120x128xf32, #tpu.memory_space<vmem>> -> memref<1x120x128xf32, #tpu.memory_space<vmem>>
    %dma_wait3A_48 = tpu.memref_squeeze %dma_wait3A_47 : memref<1x120x128xf32, #tpu.memory_space<vmem>> -> memref<120x128xf32, #tpu.memory_space<vmem>>
    %dma_wait3A_49 = arith.constant 0 : i32
    %dma_wait3A_50 = arith.constant 0 : i32
    %dma_wait3A_51 = tpu.memref_slice %arg5[%dma_wait3A_49, %dma_wait3A_50] : memref<10112x128xf32, #tpu.memory_space<hbm>> -> memref<120x128xf32, #tpu.memory_space<hbm>>
    %dma_wait3A_52 = arith.constant 0 : i32
    %dma_wait3A_53 = arith.constant 0 : i32
    %dma_wait3A_54 = tpu.memref_slice %arg9[%dma_wait3A, %dma_wait3A_52, %dma_wait3A_53] : memref<3x120x128xf32, #tpu.memory_space<vmem>> -> memref<1x120x128xf32, #tpu.memory_space<vmem>>
    %dma_wait3A_55 = tpu.memref_squeeze %dma_wait3A_54 : memref<1x120x128xf32, #tpu.memory_space<vmem>> -> memref<120x128xf32, #tpu.memory_space<vmem>>
    %dma_wait3A_56 = arith.constant 0 : i32
    %dma_wait3A_57 = arith.constant 0 : i32
    %dma_wait3A_58 = tpu.memref_slice %arg5[%dma_wait3A_56, %dma_wait3A_57] : memref<10112x128xf32, #tpu.memory_space<hbm>> -> memref<120x128xf32, #tpu.memory_space<hbm>>
    tpu.wait_dma2 semaphore(%arg13 : memref<!tpu.dma_semaphore, #tpu.memory_space<semaphore_mem>>) src(%dma_wait3A_58 : memref<120x128xf32, #tpu.memory_space<hbm>>) dst(%dma_wait3A_55 : memref<120x128xf32, #tpu.memory_space<vmem>>)
    %dma_wait3A_59 = arith.constant 1 : i32
    %dma_wait3A_60 = arith.constant 0 : i32
    %dma_wait3A_61 = arith.constant 0 : i32
    %dma_wait3A_62 = tpu.memref_slice %arg9[%dma_wait3A_59, %dma_wait3A_60, %dma_wait3A_61] : memref<3x120x128xf32, #tpu.memory_space<vmem>> -> memref<1x120x128xf32, #tpu.memory_space<vmem>>
    %dma_wait3A_63 = tpu.memref_squeeze %dma_wait3A_62 : memref<1x120x128xf32, #tpu.memory_space<vmem>> -> memref<120x128xf32, #tpu.memory_space<vmem>>
    %dma_wait3A_64 = arith.constant 0 : i32
    %dma_wait3A_65 = arith.constant 0 : i32
    %dma_wait3A_66 = tpu.memref_slice %arg5[%dma_wait3A_64, %dma_wait3A_65] : memref<10112x128xf32, #tpu.memory_space<hbm>> -> memref<120x128xf32, #tpu.memory_space<hbm>>
    %dma_wait3A_67 = arith.constant 0 : i32
    %dma_wait3A_68 = arith.constant 0 : i32
    %dma_wait3A_69 = tpu.memref_slice %arg9[%dma_wait3A_59, %dma_wait3A_67, %dma_wait3A_68] : memref<3x120x128xf32, #tpu.memory_space<vmem>> -> memref<1x120x128xf32, #tpu.memory_space<vmem>>
    %dma_wait3A_70 = tpu.memref_squeeze %dma_wait3A_69 : memref<1x120x128xf32, #tpu.memory_space<vmem>> -> memref<120x128xf32, #tpu.memory_space<vmem>>
    %dma_wait3A_71 = arith.constant 0 : i32
    %dma_wait3A_72 = arith.constant 0 : i32
    %dma_wait3A_73 = tpu.memref_slice %arg5[%dma_wait3A_71, %dma_wait3A_72] : memref<10112x128xf32, #tpu.memory_space<hbm>> -> memref<120x128xf32, #tpu.memory_space<hbm>>
    tpu.wait_dma2 semaphore(%arg14 : memref<!tpu.dma_semaphore, #tpu.memory_space<semaphore_mem>>) src(%dma_wait3A_73 : memref<120x128xf32, #tpu.memory_space<hbm>>) dst(%dma_wait3A_70 : memref<120x128xf32, #tpu.memory_space<vmem>>)
    %dma_wait3A_74 = arith.constant 2 : i32
    %dma_wait3A_75 = arith.constant 0 : i32
    %dma_wait3A_76 = arith.constant 0 : i32
    %dma_wait3A_77 = tpu.memref_slice %arg9[%dma_wait3A_74, %dma_wait3A_75, %dma_wait3A_76] : memref<3x120x128xf32, #tpu.memory_space<vmem>> -> memref<1x120x128xf32, #tpu.memory_space<vmem>>
    %dma_wait3A_78 = tpu.memref_squeeze %dma_wait3A_77 : memref<1x120x128xf32, #tpu.memory_space<vmem>> -> memref<120x128xf32, #tpu.memory_space<vmem>>
    %dma_wait3A_79 = arith.constant 0 : i32
    %dma_wait3A_80 = arith.constant 0 : i32
    %dma_wait3A_81 = tpu.memref_slice %arg5[%dma_wait3A_79, %dma_wait3A_80] : memref<10112x128xf32, #tpu.memory_space<hbm>> -> memref<120x128xf32, #tpu.memory_space<hbm>>
    %dma_wait3A_82 = arith.constant 0 : i32
    %dma_wait3A_83 = arith.constant 0 : i32
    %dma_wait3A_84 = tpu.memref_slice %arg9[%dma_wait3A_74, %dma_wait3A_82, %dma_wait3A_83] : memref<3x120x128xf32, #tpu.memory_space<vmem>> -> memref<1x120x128xf32, #tpu.memory_space<vmem>>
    %dma_wait3A_85 = tpu.memref_squeeze %dma_wait3A_84 : memref<1x120x128xf32, #tpu.memory_space<vmem>> -> memref<120x128xf32, #tpu.memory_space<vmem>>
    %dma_wait3A_86 = arith.constant 0 : i32
    %dma_wait3A_87 = arith.constant 0 : i32
    %dma_wait3A_88 = tpu.memref_slice %arg5[%dma_wait3A_86, %dma_wait3A_87] : memref<10112x128xf32, #tpu.memory_space<hbm>> -> memref<120x128xf32, #tpu.memory_space<hbm>>
    tpu.wait_dma2 semaphore(%arg15 : memref<!tpu.dma_semaphore, #tpu.memory_space<semaphore_mem>>) src(%dma_wait3A_88 : memref<120x128xf32, #tpu.memory_space<hbm>>) dst(%dma_wait3A_85 : memref<120x128xf32, #tpu.memory_space<vmem>>)
    %barrier3A_89 = arith.constant 0 : index
    tpu.barrier barrier_id(%barrier3A_89)
    %mul3A_90 = arith.constant 632 : i32
    %mul3A_91 = arith.muli %arg1, %mul3A_90 : i32
    %mul3A_92 = arith.constant 632 : i32
    %mul3A_93 = arith.muli %arg1, %mul3A_92 : i32
    "tpu.region"() ({
      %run_scoped3A = tpu.sem_alloc : memref<!tpu.dma_semaphore, #tpu.memory_space<semaphore_mem>>
      %dma_start3A_94 = arith.constant 0 : i32
      %dma_start3A_95 = tpu.memref_slice %arg6[%arg0, %mul3A_93, %dma_start3A_94] : memref<2x10112x128xf32, #tpu.memory_space<hbm>> -> memref<1x632x128xf32, #tpu.memory_space<hbm>>
      %dma_start3A_96 = tpu.memref_squeeze %dma_start3A_95 : memref<1x632x128xf32, #tpu.memory_space<hbm>> -> memref<632x128xf32, #tpu.memory_space<hbm>>
      %dma_start3A_97 = arith.constant 0 : i32
      %dma_start3A_98 = tpu.memref_slice %arg17[%mul3A_91, %dma_start3A_97] : memref<10112x128xf32, #tpu.memory_space<vmem_shared>> -> memref<632x128xf32, #tpu.memory_space<vmem_shared>>
      tpu.enqueue_dma source(%dma_start3A_98 : memref<632x128xf32, #tpu.memory_space<vmem_shared>>) target(%dma_start3A_96 : memref<632x128xf32, #tpu.memory_space<hbm>>) target_semaphore(%run_scoped3A : memref<!tpu.dma_semaphore, #tpu.memory_space<semaphore_mem>>)
      %dma_wait3A_99 = arith.constant 0 : i32
      %dma_wait3A_100 = tpu.memref_slice %arg6[%arg0, %mul3A_93, %dma_wait3A_99] : memref<2x10112x128xf32, #tpu.memory_space<hbm>> -> memref<1x632x128xf32, #tpu.memory_space<hbm>>
      %dma_wait3A_101 = tpu.memref_squeeze %dma_wait3A_100 : memref<1x632x128xf32, #tpu.memory_space<hbm>> -> memref<632x128xf32, #tpu.memory_space<hbm>>
      %dma_wait3A_102 = arith.constant 0 : i32
      %dma_wait3A_103 = tpu.memref_slice %arg17[%mul3A_91, %dma_wait3A_102] : memref<10112x128xf32, #tpu.memory_space<vmem_shared>> -> memref<632x128xf32, #tpu.memory_space<vmem_shared>>
      tpu.wait_dma2 semaphore(%run_scoped3A : memref<!tpu.dma_semaphore, #tpu.memory_space<semaphore_mem>>) src(%dma_wait3A_103 : memref<632x128xf32, #tpu.memory_space<vmem_shared>>) dst(%dma_wait3A_101 : memref<632x128xf32, #tpu.memory_space<hbm>>)
      tpu.yield
    }) : () -> ()
    return
  }
}

#map = affine_map<(d0, d1) -> (0, 0)>
#map1 = affine_map<(d0, d1) -> (0, 0, 0)>
module attributes {stable_mosaic.version = 14 : i64} {
  func.func @_sc_body(%arg0: i32, %arg1: i32, %arg2: memref<130000x128xf32, #tpu.memory_space<hbm>>, %arg3: memref<896x3x120xi32, #tpu.memory_space<hbm>>, %arg4: memref<896x3x120xi32, #tpu.memory_space<hbm>>, %arg5: memref<10112x128xf32, #tpu.memory_space<hbm>>, %arg6: memref<2x10112x128xf32, #tpu.memory_space<hbm>>, %arg7: memref<2x3x120xi32, #tpu.memory_space<vmem>>, %arg8: memref<3x3x120xi32, #tpu.memory_space<vmem>>, %arg9: memref<3x120x128xf32, #tpu.memory_space<vmem>>, %arg10: memref<!tpu.dma_semaphore, #tpu.memory_space<semaphore_mem>>, %arg11: memref<!tpu.dma_semaphore, #tpu.memory_space<semaphore_mem>>, %arg12: memref<!tpu.dma_semaphore, #tpu.memory_space<semaphore_mem>>, %arg13: memref<!tpu.dma_semaphore, #tpu.memory_space<semaphore_mem>>, %arg14: memref<!tpu.dma_semaphore, #tpu.memory_space<semaphore_mem>>, %arg15: memref<!tpu.dma_semaphore, #tpu.memory_space<semaphore_mem>>, %arg16: memref<!tpu.dma_semaphore, #tpu.memory_space<semaphore_mem>>, %arg17: memref<10112x128xf32, #tpu.memory_space<vmem_shared>>) attributes {dimension_semantics = [#tpu.dimension_semantics<core_parallel>, #tpu.dimension_semantics<subcore_parallel>], iteration_bounds = array<i64: 2, 16>, scalar_prefetch = 0 : i64, scratch_operands = 11 : i64, tpu.core_type = #tpu.core_type<sc_vector_subcore>, window_params = [{transform_indices = #map}, {transform_indices = #map1}, {transform_indices = #map1}, {transform_indices = #map}, {transform_indices = #map1}]} {
    %mul3A = arith.constant 2 : i32
    %mul3A_0 = arith.muli %arg1, %mul3A : i32
    %add3A = arith.addi %mul3A_0, %arg0 : i32
    %mul3A_1 = arith.constant 632 : i32
    %mul3A_2 = arith.muli %arg1, %mul3A_1 : i32
    %mul3A_3 = arith.constant 632 : i32
    %mul3A_4 = arith.muli %arg1, %mul3A_3 : i32
    "tpu.region"() ({
      %run_scoped3A = tpu.sem_alloc : memref<!tpu.dma_semaphore, #tpu.memory_space<semaphore_mem>>
      %dma_start3A_94 = arith.constant 0 : i32
      %dma_start3A_95 = tpu.memref_slice %arg17[%mul3A_4, %dma_start3A_94] : memref<10112x128xf32, #tpu.memory_space<vmem_shared>> -> memref<632x128xf32, #tpu.memory_space<vmem_shared>>
      %dma_start3A_96 = arith.constant 0 : i32
      %dma_start3A_97 = tpu.memref_slice %arg5[%mul3A_2, %dma_start3A_96] : memref<10112x128xf32, #tpu.memory_space<hbm>> -> memref<632x128xf32, #tpu.memory_space<hbm>>
      tpu.enqueue_dma source(%dma_start3A_97 : memref<632x128xf32, #tpu.memory_space<hbm>>) target(%dma_start3A_95 : memref<632x128xf32, #tpu.memory_space<vmem_shared>>) target_semaphore(%run_scoped3A : memref<!tpu.dma_semaphore, #tpu.memory_space<semaphore_mem>>)
      %dma_wait3A_98 = arith.constant 0 : i32
      %dma_wait3A_99 = tpu.memref_slice %arg17[%mul3A_4, %dma_wait3A_98] : memref<10112x128xf32, #tpu.memory_space<vmem_shared>> -> memref<632x128xf32, #tpu.memory_space<vmem_shared>>
      %dma_wait3A_100 = arith.constant 0 : i32
      %dma_wait3A_101 = tpu.memref_slice %arg5[%mul3A_2, %dma_wait3A_100] : memref<10112x128xf32, #tpu.memory_space<hbm>> -> memref<632x128xf32, #tpu.memory_space<hbm>>
      tpu.wait_dma2 semaphore(%run_scoped3A : memref<!tpu.dma_semaphore, #tpu.memory_space<semaphore_mem>>) src(%dma_wait3A_101 : memref<632x128xf32, #tpu.memory_space<hbm>>) dst(%dma_wait3A_99 : memref<632x128xf32, #tpu.memory_space<vmem_shared>>)
      tpu.yield
    }) : () -> ()
    %mul3A_5 = arith.constant 28 : i32
    %mul3A_6 = arith.muli %add3A, %mul3A_5 : i32
    %dma_start3A = arith.constant 0 : i32
    %dma_start3A_7 = arith.constant 0 : i32
    %dma_start3A_8 = arith.constant 0 : i32
    %dma_start3A_9 = tpu.memref_slice %arg7[%dma_start3A, %dma_start3A_7, %dma_start3A_8] : memref<2x3x120xi32, #tpu.memory_space<vmem>> -> memref<1x3x120xi32, #tpu.memory_space<vmem>>
    %dma_start3A_10 = tpu.memref_squeeze %dma_start3A_9 : memref<1x3x120xi32, #tpu.memory_space<vmem>> -> memref<3x120xi32, #tpu.memory_space<vmem>>
    %dma_start3A_11 = arith.constant 0 : i32
    %dma_start3A_12 = arith.constant 0 : i32
    %dma_start3A_13 = tpu.memref_slice %arg3[%mul3A_6, %dma_start3A_11, %dma_start3A_12] : memref<896x3x120xi32, #tpu.memory_space<hbm>> -> memref<1x3x120xi32, #tpu.memory_space<hbm>>
    %dma_start3A_14 = tpu.memref_squeeze %dma_start3A_13 : memref<1x3x120xi32, #tpu.memory_space<hbm>> -> memref<3x120xi32, #tpu.memory_space<hbm>>
    %dma_start3A_15 = arith.constant 0 : i32
    %dma_start3A_16 = arith.constant 0 : i32
    %dma_start3A_17 = tpu.memref_slice %arg7[%dma_start3A, %dma_start3A_15, %dma_start3A_16] : memref<2x3x120xi32, #tpu.memory_space<vmem>> -> memref<1x3x120xi32, #tpu.memory_space<vmem>>
    %dma_start3A_18 = tpu.memref_squeeze %dma_start3A_17 : memref<1x3x120xi32, #tpu.memory_space<vmem>> -> memref<3x120xi32, #tpu.memory_space<vmem>>
    %dma_start3A_19 = arith.constant 0 : i32
    %dma_start3A_20 = arith.constant 0 : i32
    %dma_start3A_21 = tpu.memref_slice %arg3[%mul3A_6, %dma_start3A_19, %dma_start3A_20] : memref<896x3x120xi32, #tpu.memory_space<hbm>> -> memref<1x3x120xi32, #tpu.memory_space<hbm>>
    %dma_start3A_22 = tpu.memref_squeeze %dma_start3A_21 : memref<1x3x120xi32, #tpu.memory_space<hbm>> -> memref<3x120xi32, #tpu.memory_space<hbm>>
    tpu.enqueue_dma source(%dma_start3A_22 : memref<3x120xi32, #tpu.memory_space<hbm>>) target(%dma_start3A_18 : memref<3x120xi32, #tpu.memory_space<vmem>>) target_semaphore(%arg16 : memref<!tpu.dma_semaphore, #tpu.memory_space<semaphore_mem>>)
    %dma_start3A_23 = arith.constant 0 : i32
    %dma_start3A_24 = arith.constant 0 : i32
    %dma_start3A_25 = arith.constant 0 : i32
    %dma_start3A_26 = tpu.memref_slice %arg8[%dma_start3A_23, %dma_start3A_24, %dma_start3A_25] : memref<3x3x120xi32, #tpu.memory_space<vmem>> -> memref<1x3x120xi32, #tpu.memory_space<vmem>>
    %dma_start3A_27 = tpu.memref_squeeze %dma_start3A_26 : memref<1x3x120xi32, #tpu.memory_space<vmem>> -> memref<3x120xi32, #tpu.memory_space<vmem>>
    %dma_start3A_28 = arith.constant 0 : i32
    %dma_start3A_29 = arith.constant 0 : i32
    %dma_start3A_30 = tpu.memref_slice %arg4[%mul3A_6, %dma_start3A_28, %dma_start3A_29] : memref<896x3x120xi32, #tpu.memory_space<hbm>> -> memref<1x3x120xi32, #tpu.memory_space<hbm>>
    %dma_start3A_31 = tpu.memref_squeeze %dma_start3A_30 : memref<1x3x120xi32, #tpu.memory_space<hbm>> -> memref<3x120xi32, #tpu.memory_space<hbm>>
    %dma_start3A_32 = arith.constant 0 : i32
    %dma_start3A_33 = arith.constant 0 : i32
    %dma_start3A_34 = tpu.memref_slice %arg8[%dma_start3A_23, %dma_start3A_32, %dma_start3A_33] : memref<3x3x120xi32, #tpu.memory_space<vmem>> -> memref<1x3x120xi32, #tpu.memory_space<vmem>>
    %dma_start3A_35 = tpu.memref_squeeze %dma_start3A_34 : memref<1x3x120xi32, #tpu.memory_space<vmem>> -> memref<3x120xi32, #tpu.memory_space<vmem>>
    %dma_start3A_36 = arith.constant 0 : i32
    %dma_start3A_37 = arith.constant 0 : i32
    %dma_start3A_38 = tpu.memref_slice %arg4[%mul3A_6, %dma_start3A_36, %dma_start3A_37] : memref<896x3x120xi32, #tpu.memory_space<hbm>> -> memref<1x3x120xi32, #tpu.memory_space<hbm>>
    %dma_start3A_39 = tpu.memref_squeeze %dma_start3A_38 : memref<1x3x120xi32, #tpu.memory_space<hbm>> -> memref<3x120xi32, #tpu.memory_space<hbm>>
    tpu.enqueue_dma source(%dma_start3A_39 : memref<3x120xi32, #tpu.memory_space<hbm>>) target(%dma_start3A_35 : memref<3x120xi32, #tpu.memory_space<vmem>>) target_semaphore(%arg16 : memref<!tpu.dma_semaphore, #tpu.memory_space<semaphore_mem>>)
    %barrier3A = arith.constant 0 : index
    tpu.barrier barrier_id(%barrier3A)
    %scan3A = arith.constant 0 : i32
    %scan3A_40 = arith.constant 0 : i32
    %scan3A_41 = arith.constant 28 : i32
    %scan3A_42 = arith.addi %scan3A_40, %scan3A_41 : i32
    %scan3A_43 = arith.constant 1 : i32
    scf.for %scan3A_94 = %scan3A_40 to %scan3A_42 step %scan3A_43  : i32 {
      %rem3A = arith.constant 2 : i32
      %rem3A_95 = arith.remsi %scan3A_94, %rem3A : i32
      %rem3A_96 = arith.constant 3 : i32
      %rem3A_97 = arith.remsi %scan3A_94, %rem3A_96 : i32
      %dma_wait3A_98 = arith.constant 0 : i32
      %dma_wait3A_99 = arith.constant 0 : i32
      %dma_wait3A_100 = tpu.memref_slice %arg7[%rem3A_95, %dma_wait3A_98, %dma_wait3A_99] : memref<2x3x120xi32, #tpu.memory_space<vmem>> -> memref<1x3x120xi32, #tpu.memory_space<vmem>>
      %dma_wait3A_101 = tpu.memref_squeeze %dma_wait3A_100 : memref<1x3x120xi32, #tpu.memory_space<vmem>> -> memref<3x120xi32, #tpu.memory_space<vmem>>
      %dma_wait3A_102 = arith.constant 0 : i32
      %dma_wait3A_103 = arith.constant 0 : i32
      %dma_wait3A_104 = tpu.memref_slice %arg3[%mul3A_6, %dma_wait3A_102, %dma_wait3A_103] : memref<896x3x120xi32, #tpu.memory_space<hbm>> -> memref<1x3x120xi32, #tpu.memory_space<hbm>>
      %dma_wait3A_105 = tpu.memref_squeeze %dma_wait3A_104 : memref<1x3x120xi32, #tpu.memory_space<hbm>> -> memref<3x120xi32, #tpu.memory_space<hbm>>
      %dma_wait3A_106 = arith.constant 0 : i32
      %dma_wait3A_107 = arith.constant 0 : i32
      %dma_wait3A_108 = tpu.memref_slice %arg7[%rem3A_95, %dma_wait3A_106, %dma_wait3A_107] : memref<2x3x120xi32, #tpu.memory_space<vmem>> -> memref<1x3x120xi32, #tpu.memory_space<vmem>>
      %dma_wait3A_109 = tpu.memref_squeeze %dma_wait3A_108 : memref<1x3x120xi32, #tpu.memory_space<vmem>> -> memref<3x120xi32, #tpu.memory_space<vmem>>
      %dma_wait3A_110 = arith.constant 0 : i32
      %dma_wait3A_111 = arith.constant 0 : i32
      %dma_wait3A_112 = tpu.memref_slice %arg3[%mul3A_6, %dma_wait3A_110, %dma_wait3A_111] : memref<896x3x120xi32, #tpu.memory_space<hbm>> -> memref<1x3x120xi32, #tpu.memory_space<hbm>>
      %dma_wait3A_113 = tpu.memref_squeeze %dma_wait3A_112 : memref<1x3x120xi32, #tpu.memory_space<hbm>> -> memref<3x120xi32, #tpu.memory_space<hbm>>
      tpu.wait_dma2 semaphore(%arg16 : memref<!tpu.dma_semaphore, #tpu.memory_space<semaphore_mem>>) src(%dma_wait3A_113 : memref<3x120xi32, #tpu.memory_space<hbm>>) dst(%dma_wait3A_109 : memref<3x120xi32, #tpu.memory_space<vmem>>)
      %dma_wait3A_114 = arith.constant 0 : i32
      %dma_wait3A_115 = arith.constant 0 : i32
      %dma_wait3A_116 = tpu.memref_slice %arg7[%rem3A_95, %dma_wait3A_114, %dma_wait3A_115] : memref<2x3x120xi32, #tpu.memory_space<vmem>> -> memref<1x3x120xi32, #tpu.memory_space<vmem>>
      %dma_wait3A_117 = tpu.memref_squeeze %dma_wait3A_116 : memref<1x3x120xi32, #tpu.memory_space<vmem>> -> memref<3x120xi32, #tpu.memory_space<vmem>>
      %dma_wait3A_118 = arith.constant 0 : i32
      %dma_wait3A_119 = arith.constant 0 : i32
      %dma_wait3A_120 = tpu.memref_slice %arg3[%mul3A_6, %dma_wait3A_118, %dma_wait3A_119] : memref<896x3x120xi32, #tpu.memory_space<hbm>> -> memref<1x3x120xi32, #tpu.memory_space<hbm>>
      %dma_wait3A_121 = tpu.memref_squeeze %dma_wait3A_120 : memref<1x3x120xi32, #tpu.memory_space<hbm>> -> memref<3x120xi32, #tpu.memory_space<hbm>>
      %dma_wait3A_122 = arith.constant 0 : i32
      %dma_wait3A_123 = arith.constant 0 : i32
      %dma_wait3A_124 = tpu.memref_slice %arg7[%rem3A_95, %dma_wait3A_122, %dma_wait3A_123] : memref<2x3x120xi32, #tpu.memory_space<vmem>> -> memref<1x3x120xi32, #tpu.memory_space<vmem>>
      %dma_wait3A_125 = tpu.memref_squeeze %dma_wait3A_124 : memref<1x3x120xi32, #tpu.memory_space<vmem>> -> memref<3x120xi32, #tpu.memory_space<vmem>>
      %dma_wait3A_126 = arith.constant 0 : i32
      %dma_wait3A_127 = arith.constant 0 : i32
      %dma_wait3A_128 = tpu.memref_slice %arg3[%mul3A_6, %dma_wait3A_126, %dma_wait3A_127] : memref<896x3x120xi32, #tpu.memory_space<hbm>> -> memref<1x3x120xi32, #tpu.memory_space<hbm>>
      %dma_wait3A_129 = tpu.memref_squeeze %dma_wait3A_128 : memref<1x3x120xi32, #tpu.memory_space<hbm>> -> memref<3x120xi32, #tpu.memory_space<hbm>>
      tpu.wait_dma2 semaphore(%arg16 : memref<!tpu.dma_semaphore, #tpu.memory_space<semaphore_mem>>) src(%dma_wait3A_129 : memref<3x120xi32, #tpu.memory_space<hbm>>) dst(%dma_wait3A_125 : memref<3x120xi32, #tpu.memory_space<vmem>>)
      %add3A_130 = arith.constant 1 : i32
      %add3A_131 = arith.addi %scan3A_94, %add3A_130 : i32
      %lt3A = arith.constant 28 : i32
      %lt3A_132 = arith.cmpi slt, %add3A_131, %lt3A : i32
      %convert_element_type3A = arith.extui %lt3A_132 : i1 to i32
      %cond3A = arith.constant 0 : i32
      %cond3A_133 = arith.cmpi ne, %convert_element_type3A, %cond3A : i32
      scf.if %cond3A_133 {
        %mul3A_256 = arith.constant 28 : i32
        %mul3A_257 = arith.muli %add3A, %mul3A_256 : i32
        %add3A_258 = arith.addi %mul3A_257, %scan3A_94 : i32
        %add3A_259 = arith.constant 1 : i32
        %add3A_260 = arith.addi %add3A_258, %add3A_259 : i32
        %sub3A = arith.constant 1 : i32
        %sub3A_261 = arith.subi %sub3A, %rem3A_95 : i32
        %dma_start3A_262 = arith.constant 0 : i32
        %dma_start3A_263 = arith.constant 0 : i32
        %dma_start3A_264 = tpu.memref_slice %arg7[%sub3A_261, %dma_start3A_262, %dma_start3A_263] : memref<2x3x120xi32, #tpu.memory_space<vmem>> -> memref<1x3x120xi32, #tpu.memory_space<vmem>>
        %dma_start3A_265 = tpu.memref_squeeze %dma_start3A_264 : memref<1x3x120xi32, #tpu.memory_space<vmem>> -> memref<3x120xi32, #tpu.memory_space<vmem>>
        %dma_start3A_266 = arith.constant 0 : i32
        %dma_start3A_267 = arith.constant 0 : i32
        %dma_start3A_268 = tpu.memref_slice %arg3[%add3A_260, %dma_start3A_266, %dma_start3A_267] : memref<896x3x120xi32, #tpu.memory_space<hbm>> -> memref<1x3x120xi32, #tpu.memory_space<hbm>>
        %dma_start3A_269 = tpu.memref_squeeze %dma_start3A_268 : memref<1x3x120xi32, #tpu.memory_space<hbm>> -> memref<3x120xi32, #tpu.memory_space<hbm>>
        %dma_start3A_270 = arith.constant 0 : i32
        %dma_start3A_271 = arith.constant 0 : i32
        %dma_start3A_272 = tpu.memref_slice %arg7[%sub3A_261, %dma_start3A_270, %dma_start3A_271] : memref<2x3x120xi32, #tpu.memory_space<vmem>> -> memref<1x3x120xi32, #tpu.memory_space<vmem>>
        %dma_start3A_273 = tpu.memref_squeeze %dma_start3A_272 : memref<1x3x120xi32, #tpu.memory_space<vmem>> -> memref<3x120xi32, #tpu.memory_space<vmem>>
        %dma_start3A_274 = arith.constant 0 : i32
        %dma_start3A_275 = arith.constant 0 : i32
        %dma_start3A_276 = tpu.memref_slice %arg3[%add3A_260, %dma_start3A_274, %dma_start3A_275] : memref<896x3x120xi32, #tpu.memory_space<hbm>> -> memref<1x3x120xi32, #tpu.memory_space<hbm>>
        %dma_start3A_277 = tpu.memref_squeeze %dma_start3A_276 : memref<1x3x120xi32, #tpu.memory_space<hbm>> -> memref<3x120xi32, #tpu.memory_space<hbm>>
        tpu.enqueue_dma source(%dma_start3A_277 : memref<3x120xi32, #tpu.memory_space<hbm>>) target(%dma_start3A_273 : memref<3x120xi32, #tpu.memory_space<vmem>>) target_semaphore(%arg16 : memref<!tpu.dma_semaphore, #tpu.memory_space<semaphore_mem>>)
        %add3A_278 = arith.constant 1 : i32
        %add3A_279 = arith.addi %scan3A_94, %add3A_278 : i32
        %rem3A_280 = arith.constant 3 : i32
        %rem3A_281 = arith.remsi %add3A_279, %rem3A_280 : i32
        %dma_start3A_282 = arith.constant 0 : i32
        %dma_start3A_283 = arith.constant 0 : i32
        %dma_start3A_284 = tpu.memref_slice %arg8[%rem3A_281, %dma_start3A_282, %dma_start3A_283] : memref<3x3x120xi32, #tpu.memory_space<vmem>> -> memref<1x3x120xi32, #tpu.memory_space<vmem>>
        %dma_start3A_285 = tpu.memref_squeeze %dma_start3A_284 : memref<1x3x120xi32, #tpu.memory_space<vmem>> -> memref<3x120xi32, #tpu.memory_space<vmem>>
        %dma_start3A_286 = arith.constant 0 : i32
        %dma_start3A_287 = arith.constant 0 : i32
        %dma_start3A_288 = tpu.memref_slice %arg4[%add3A_260, %dma_start3A_286, %dma_start3A_287] : memref<896x3x120xi32, #tpu.memory_space<hbm>> -> memref<1x3x120xi32, #tpu.memory_space<hbm>>
        %dma_start3A_289 = tpu.memref_squeeze %dma_start3A_288 : memref<1x3x120xi32, #tpu.memory_space<hbm>> -> memref<3x120xi32, #tpu.memory_space<hbm>>
        %dma_start3A_290 = arith.constant 0 : i32
        %dma_start3A_291 = arith.constant 0 : i32
        %dma_start3A_292 = tpu.memref_slice %arg8[%rem3A_281, %dma_start3A_290, %dma_start3A_291] : memref<3x3x120xi32, #tpu.memory_space<vmem>> -> memref<1x3x120xi32, #tpu.memory_space<vmem>>
        %dma_start3A_293 = tpu.memref_squeeze %dma_start3A_292 : memref<1x3x120xi32, #tpu.memory_space<vmem>> -> memref<3x120xi32, #tpu.memory_space<vmem>>
        %dma_start3A_294 = arith.constant 0 : i32
        %dma_start3A_295 = arith.constant 0 : i32
        %dma_start3A_296 = tpu.memref_slice %arg4[%add3A_260, %dma_start3A_294, %dma_start3A_295] : memref<896x3x120xi32, #tpu.memory_space<hbm>> -> memref<1x3x120xi32, #tpu.memory_space<hbm>>
        %dma_start3A_297 = tpu.memref_squeeze %dma_start3A_296 : memref<1x3x120xi32, #tpu.memory_space<hbm>> -> memref<3x120xi32, #tpu.memory_space<hbm>>
        tpu.enqueue_dma source(%dma_start3A_297 : memref<3x120xi32, #tpu.memory_space<hbm>>) target(%dma_start3A_293 : memref<3x120xi32, #tpu.memory_space<vmem>>) target_semaphore(%arg16 : memref<!tpu.dma_semaphore, #tpu.memory_space<semaphore_mem>>)
      } else {
      }
      %gt3A = arith.constant 0 : i32
      %gt3A_134 = arith.cmpi sgt, %scan3A_94, %gt3A : i32
      %convert_element_type3A_135 = arith.extui %gt3A_134 : i1 to i32
      %cond3A_136 = arith.constant 0 : i32
      %cond3A_137 = arith.cmpi ne, %convert_element_type3A_135, %cond3A_136 : i32
      scf.if %cond3A_137 {
        %dma_wait3A_256 = arith.constant 0 : i32
        %dma_wait3A_257 = arith.constant 0 : i32
        %dma_wait3A_258 = arith.constant 0 : i32
        %dma_wait3A_259 = tpu.memref_slice %arg9[%dma_wait3A_256, %dma_wait3A_257, %dma_wait3A_258] : memref<3x120x128xf32, #tpu.memory_space<vmem>> -> memref<1x120x128xf32, #tpu.memory_space<vmem>>
        %dma_wait3A_260 = tpu.memref_squeeze %dma_wait3A_259 : memref<1x120x128xf32, #tpu.memory_space<vmem>> -> memref<120x128xf32, #tpu.memory_space<vmem>>
        %dma_wait3A_261 = arith.constant 0 : i32
        %dma_wait3A_262 = arith.constant 0 : i32
        %dma_wait3A_263 = tpu.memref_slice %arg5[%dma_wait3A_261, %dma_wait3A_262] : memref<10112x128xf32, #tpu.memory_space<hbm>> -> memref<120x128xf32, #tpu.memory_space<hbm>>
        %dma_wait3A_264 = arith.constant 0 : i32
        %dma_wait3A_265 = arith.constant 0 : i32
        %dma_wait3A_266 = tpu.memref_slice %arg9[%dma_wait3A_256, %dma_wait3A_264, %dma_wait3A_265] : memref<3x120x128xf32, #tpu.memory_space<vmem>> -> memref<1x120x128xf32, #tpu.memory_space<vmem>>
        %dma_wait3A_267 = tpu.memref_squeeze %dma_wait3A_266 : memref<1x120x128xf32, #tpu.memory_space<vmem>> -> memref<120x128xf32, #tpu.memory_space<vmem>>
        %dma_wait3A_268 = arith.constant 0 : i32
        %dma_wait3A_269 = arith.constant 0 : i32
        %dma_wait3A_270 = tpu.memref_slice %arg5[%dma_wait3A_268, %dma_wait3A_269] : memref<10112x128xf32, #tpu.memory_space<hbm>> -> memref<120x128xf32, #tpu.memory_space<hbm>>
        tpu.wait_dma2 semaphore(%arg13 : memref<!tpu.dma_semaphore, #tpu.memory_space<semaphore_mem>>) src(%dma_wait3A_270 : memref<120x128xf32, #tpu.memory_space<hbm>>) dst(%dma_wait3A_267 : memref<120x128xf32, #tpu.memory_space<vmem>>)
      } else {
      }
      %dma_start3A_138 = arith.constant 0 : i32
      %dma_start3A_139 = arith.constant 0 : i32
      %dma_start3A_140 = arith.constant 0 : i32
      %dma_start3A_141 = arith.constant 0 : i32
      %dma_start3A_142 = tpu.memref_slice %arg9[%dma_start3A_139, %dma_start3A_140, %dma_start3A_141] : memref<3x120x128xf32, #tpu.memory_space<vmem>> -> memref<1x120x128xf32, #tpu.memory_space<vmem>>
      %dma_start3A_143 = tpu.memref_squeeze %dma_start3A_142 : memref<1x120x128xf32, #tpu.memory_space<vmem>> -> memref<120x128xf32, #tpu.memory_space<vmem>>
      %dma_start3A_144 = arith.constant 0 : i32
      %dma_start3A_145 = tpu.memref_slice %arg7[%rem3A_95, %dma_start3A_138, %dma_start3A_144] : memref<2x3x120xi32, #tpu.memory_space<vmem>> -> memref<1x1x120xi32, #tpu.memory_space<vmem>>
      %dma_start3A_146 = tpu.memref_squeeze %dma_start3A_145 : memref<1x1x120xi32, #tpu.memory_space<vmem>> -> memref<120xi32, #tpu.memory_space<vmem>>
      %dma_start3A_147 = arith.constant 0 : i32
      %dma_start3A_148 = arith.constant 0 : i32
      %dma_start3A_149 = tpu.memref_slice %arg2[%dma_start3A_147, %dma_start3A_148] : memref<130000x128xf32, #tpu.memory_space<hbm>> -> memref<130000x128xf32, #tpu.memory_space<hbm>>
      tpu.enqueue_indirect_dma source(%dma_start3A_149 : memref<130000x128xf32, #tpu.memory_space<hbm>>) target(%dma_start3A_143 : memref<120x128xf32, #tpu.memory_space<vmem>>) offsets(%dma_start3A_146 : memref<120xi32, #tpu.memory_space<vmem>>) semaphore(%arg10 : memref<!tpu.dma_semaphore, #tpu.memory_space<semaphore_mem>>)
      %gt3A_150 = arith.constant 0 : i32
      %gt3A_151 = arith.cmpi sgt, %scan3A_94, %gt3A_150 : i32
      %convert_element_type3A_152 = arith.extui %gt3A_151 : i1 to i32
      %cond3A_153 = arith.constant 0 : i32
      %cond3A_154 = arith.cmpi ne, %convert_element_type3A_152, %cond3A_153 : i32
      scf.if %cond3A_154 {
        %dma_wait3A_256 = arith.constant 1 : i32
        %dma_wait3A_257 = arith.constant 0 : i32
        %dma_wait3A_258 = arith.constant 0 : i32
        %dma_wait3A_259 = tpu.memref_slice %arg9[%dma_wait3A_256, %dma_wait3A_257, %dma_wait3A_258] : memref<3x120x128xf32, #tpu.memory_space<vmem>> -> memref<1x120x128xf32, #tpu.memory_space<vmem>>
        %dma_wait3A_260 = tpu.memref_squeeze %dma_wait3A_259 : memref<1x120x128xf32, #tpu.memory_space<vmem>> -> memref<120x128xf32, #tpu.memory_space<vmem>>
        %dma_wait3A_261 = arith.constant 0 : i32
        %dma_wait3A_262 = arith.constant 0 : i32
        %dma_wait3A_263 = tpu.memref_slice %arg5[%dma_wait3A_261, %dma_wait3A_262] : memref<10112x128xf32, #tpu.memory_space<hbm>> -> memref<120x128xf32, #tpu.memory_space<hbm>>
        %dma_wait3A_264 = arith.constant 0 : i32
        %dma_wait3A_265 = arith.constant 0 : i32
        %dma_wait3A_266 = tpu.memref_slice %arg9[%dma_wait3A_256, %dma_wait3A_264, %dma_wait3A_265] : memref<3x120x128xf32, #tpu.memory_space<vmem>> -> memref<1x120x128xf32, #tpu.memory_space<vmem>>
        %dma_wait3A_267 = tpu.memref_squeeze %dma_wait3A_266 : memref<1x120x128xf32, #tpu.memory_space<vmem>> -> memref<120x128xf32, #tpu.memory_space<vmem>>
        %dma_wait3A_268 = arith.constant 0 : i32
        %dma_wait3A_269 = arith.constant 0 : i32
        %dma_wait3A_270 = tpu.memref_slice %arg5[%dma_wait3A_268, %dma_wait3A_269] : memref<10112x128xf32, #tpu.memory_space<hbm>> -> memref<120x128xf32, #tpu.memory_space<hbm>>
        tpu.wait_dma2 semaphore(%arg14 : memref<!tpu.dma_semaphore, #tpu.memory_space<semaphore_mem>>) src(%dma_wait3A_270 : memref<120x128xf32, #tpu.memory_space<hbm>>) dst(%dma_wait3A_267 : memref<120x128xf32, #tpu.memory_space<vmem>>)
      } else {
      }
      %dma_start3A_155 = arith.constant 1 : i32
      %dma_start3A_156 = arith.constant 1 : i32
      %dma_start3A_157 = arith.constant 0 : i32
      %dma_start3A_158 = arith.constant 0 : i32
      %dma_start3A_159 = tpu.memref_slice %arg9[%dma_start3A_156, %dma_start3A_157, %dma_start3A_158] : memref<3x120x128xf32, #tpu.memory_space<vmem>> -> memref<1x120x128xf32, #tpu.memory_space<vmem>>
      %dma_start3A_160 = tpu.memref_squeeze %dma_start3A_159 : memref<1x120x128xf32, #tpu.memory_space<vmem>> -> memref<120x128xf32, #tpu.memory_space<vmem>>
      %dma_start3A_161 = arith.constant 0 : i32
      %dma_start3A_162 = tpu.memref_slice %arg7[%rem3A_95, %dma_start3A_155, %dma_start3A_161] : memref<2x3x120xi32, #tpu.memory_space<vmem>> -> memref<1x1x120xi32, #tpu.memory_space<vmem>>
      %dma_start3A_163 = tpu.memref_squeeze %dma_start3A_162 : memref<1x1x120xi32, #tpu.memory_space<vmem>> -> memref<120xi32, #tpu.memory_space<vmem>>
      %dma_start3A_164 = arith.constant 0 : i32
      %dma_start3A_165 = arith.constant 0 : i32
      %dma_start3A_166 = tpu.memref_slice %arg2[%dma_start3A_164, %dma_start3A_165] : memref<130000x128xf32, #tpu.memory_space<hbm>> -> memref<130000x128xf32, #tpu.memory_space<hbm>>
      tpu.enqueue_indirect_dma source(%dma_start3A_166 : memref<130000x128xf32, #tpu.memory_space<hbm>>) target(%dma_start3A_160 : memref<120x128xf32, #tpu.memory_space<vmem>>) offsets(%dma_start3A_163 : memref<120xi32, #tpu.memory_space<vmem>>) semaphore(%arg11 : memref<!tpu.dma_semaphore, #tpu.memory_space<semaphore_mem>>)
      %gt3A_167 = arith.constant 0 : i32
      %gt3A_168 = arith.cmpi sgt, %scan3A_94, %gt3A_167 : i32
      %convert_element_type3A_169 = arith.extui %gt3A_168 : i1 to i32
      %cond3A_170 = arith.constant 0 : i32
      %cond3A_171 = arith.cmpi ne, %convert_element_type3A_169, %cond3A_170 : i32
      scf.if %cond3A_171 {
        %dma_wait3A_256 = arith.constant 2 : i32
        %dma_wait3A_257 = arith.constant 0 : i32
        %dma_wait3A_258 = arith.constant 0 : i32
        %dma_wait3A_259 = tpu.memref_slice %arg9[%dma_wait3A_256, %dma_wait3A_257, %dma_wait3A_258] : memref<3x120x128xf32, #tpu.memory_space<vmem>> -> memref<1x120x128xf32, #tpu.memory_space<vmem>>
        %dma_wait3A_260 = tpu.memref_squeeze %dma_wait3A_259 : memref<1x120x128xf32, #tpu.memory_space<vmem>> -> memref<120x128xf32, #tpu.memory_space<vmem>>
        %dma_wait3A_261 = arith.constant 0 : i32
        %dma_wait3A_262 = arith.constant 0 : i32
        %dma_wait3A_263 = tpu.memref_slice %arg5[%dma_wait3A_261, %dma_wait3A_262] : memref<10112x128xf32, #tpu.memory_space<hbm>> -> memref<120x128xf32, #tpu.memory_space<hbm>>
        %dma_wait3A_264 = arith.constant 0 : i32
        %dma_wait3A_265 = arith.constant 0 : i32
        %dma_wait3A_266 = tpu.memref_slice %arg9[%dma_wait3A_256, %dma_wait3A_264, %dma_wait3A_265] : memref<3x120x128xf32, #tpu.memory_space<vmem>> -> memref<1x120x128xf32, #tpu.memory_space<vmem>>
        %dma_wait3A_267 = tpu.memref_squeeze %dma_wait3A_266 : memref<1x120x128xf32, #tpu.memory_space<vmem>> -> memref<120x128xf32, #tpu.memory_space<vmem>>
        %dma_wait3A_268 = arith.constant 0 : i32
        %dma_wait3A_269 = arith.constant 0 : i32
        %dma_wait3A_270 = tpu.memref_slice %arg5[%dma_wait3A_268, %dma_wait3A_269] : memref<10112x128xf32, #tpu.memory_space<hbm>> -> memref<120x128xf32, #tpu.memory_space<hbm>>
        tpu.wait_dma2 semaphore(%arg15 : memref<!tpu.dma_semaphore, #tpu.memory_space<semaphore_mem>>) src(%dma_wait3A_270 : memref<120x128xf32, #tpu.memory_space<hbm>>) dst(%dma_wait3A_267 : memref<120x128xf32, #tpu.memory_space<vmem>>)
      } else {
      }
      %dma_start3A_172 = arith.constant 2 : i32
      %dma_start3A_173 = arith.constant 2 : i32
      %dma_start3A_174 = arith.constant 0 : i32
      %dma_start3A_175 = arith.constant 0 : i32
      %dma_start3A_176 = tpu.memref_slice %arg9[%dma_start3A_173, %dma_start3A_174, %dma_start3A_175] : memref<3x120x128xf32, #tpu.memory_space<vmem>> -> memref<1x120x128xf32, #tpu.memory_space<vmem>>
      %dma_start3A_177 = tpu.memref_squeeze %dma_start3A_176 : memref<1x120x128xf32, #tpu.memory_space<vmem>> -> memref<120x128xf32, #tpu.memory_space<vmem>>
      %dma_start3A_178 = arith.constant 0 : i32
      %dma_start3A_179 = tpu.memref_slice %arg7[%rem3A_95, %dma_start3A_172, %dma_start3A_178] : memref<2x3x120xi32, #tpu.memory_space<vmem>> -> memref<1x1x120xi32, #tpu.memory_space<vmem>>
      %dma_start3A_180 = tpu.memref_squeeze %dma_start3A_179 : memref<1x1x120xi32, #tpu.memory_space<vmem>> -> memref<120xi32, #tpu.memory_space<vmem>>
      %dma_start3A_181 = arith.constant 0 : i32
      %dma_start3A_182 = arith.constant 0 : i32
      %dma_start3A_183 = tpu.memref_slice %arg2[%dma_start3A_181, %dma_start3A_182] : memref<130000x128xf32, #tpu.memory_space<hbm>> -> memref<130000x128xf32, #tpu.memory_space<hbm>>
      tpu.enqueue_indirect_dma source(%dma_start3A_183 : memref<130000x128xf32, #tpu.memory_space<hbm>>) target(%dma_start3A_177 : memref<120x128xf32, #tpu.memory_space<vmem>>) offsets(%dma_start3A_180 : memref<120xi32, #tpu.memory_space<vmem>>) semaphore(%arg12 : memref<!tpu.dma_semaphore, #tpu.memory_space<semaphore_mem>>)
      %dma_wait3A_184 = arith.constant 0 : i32
      %dma_wait3A_185 = arith.constant 0 : i32
      %dma_wait3A_186 = arith.constant 0 : i32
      %dma_wait3A_187 = arith.constant 0 : i32
      %dma_wait3A_188 = tpu.memref_slice %arg9[%dma_wait3A_185, %dma_wait3A_186, %dma_wait3A_187] : memref<3x120x128xf32, #tpu.memory_space<vmem>> -> memref<1x120x128xf32, #tpu.memory_space<vmem>>
      %dma_wait3A_189 = tpu.memref_squeeze %dma_wait3A_188 : memref<1x120x128xf32, #tpu.memory_space<vmem>> -> memref<120x128xf32, #tpu.memory_space<vmem>>
      %dma_wait3A_190 = arith.constant 0 : i32
      %dma_wait3A_191 = tpu.memref_slice %arg7[%rem3A_95, %dma_wait3A_184, %dma_wait3A_190] : memref<2x3x120xi32, #tpu.memory_space<vmem>> -> memref<1x1x120xi32, #tpu.memory_space<vmem>>
      %dma_wait3A_192 = tpu.memref_squeeze %dma_wait3A_191 : memref<1x1x120xi32, #tpu.memory_space<vmem>> -> memref<120xi32, #tpu.memory_space<vmem>>
      %dma_wait3A_193 = arith.constant 0 : i32
      %dma_wait3A_194 = arith.constant 0 : i32
      %dma_wait3A_195 = tpu.memref_slice %arg2[%dma_wait3A_193, %dma_wait3A_194] : memref<130000x128xf32, #tpu.memory_space<hbm>> -> memref<130000x128xf32, #tpu.memory_space<hbm>>
      tpu.wait_indirect_dma semaphore(%arg10 : memref<!tpu.dma_semaphore, #tpu.memory_space<semaphore_mem>>) src(%dma_wait3A_195 : memref<130000x128xf32, #tpu.memory_space<hbm>>) dst(%dma_wait3A_189 : memref<120x128xf32, #tpu.memory_space<vmem>>)
      %dma_start3A_196 = arith.constant 0 : i32
      %dma_start3A_197 = arith.constant 0 : i32
      %dma_start3A_198 = arith.constant 0 : i32
      %dma_start3A_199 = arith.constant 0 : i32
      %dma_start3A_200 = tpu.memref_slice %arg9[%dma_start3A_196, %dma_start3A_198, %dma_start3A_199] : memref<3x120x128xf32, #tpu.memory_space<vmem>> -> memref<1x120x128xf32, #tpu.memory_space<vmem>>
      %dma_start3A_201 = tpu.memref_squeeze %dma_start3A_200 : memref<1x120x128xf32, #tpu.memory_space<vmem>> -> memref<120x128xf32, #tpu.memory_space<vmem>>
      %dma_start3A_202 = arith.constant 0 : i32
      %dma_start3A_203 = tpu.memref_slice %arg8[%rem3A_97, %dma_start3A_197, %dma_start3A_202] : memref<3x3x120xi32, #tpu.memory_space<vmem>> -> memref<1x1x120xi32, #tpu.memory_space<vmem>>
      %dma_start3A_204 = tpu.memref_squeeze %dma_start3A_203 : memref<1x1x120xi32, #tpu.memory_space<vmem>> -> memref<120xi32, #tpu.memory_space<vmem>>
      %dma_start3A_205 = arith.constant 0 : i32
      %dma_start3A_206 = arith.constant 0 : i32
      %dma_start3A_207 = tpu.memref_slice %arg17[%dma_start3A_205, %dma_start3A_206] : memref<10112x128xf32, #tpu.memory_space<vmem_shared>> -> memref<10112x128xf32, #tpu.memory_space<vmem_shared>>
      tpu.enqueue_indirect_dma source(%dma_start3A_201 : memref<120x128xf32, #tpu.memory_space<vmem>>) target(%dma_start3A_207 : memref<10112x128xf32, #tpu.memory_space<vmem_shared>>) offsets(%dma_start3A_204 : memref<120xi32, #tpu.memory_space<vmem>>) semaphore(%arg13 : memref<!tpu.dma_semaphore, #tpu.memory_space<semaphore_mem>>) {add = true}
      %dma_wait3A_208 = arith.constant 1 : i32
      %dma_wait3A_209 = arith.constant 1 : i32
      %dma_wait3A_210 = arith.constant 0 : i32
      %dma_wait3A_211 = arith.constant 0 : i32
      %dma_wait3A_212 = tpu.memref_slice %arg9[%dma_wait3A_209, %dma_wait3A_210, %dma_wait3A_211] : memref<3x120x128xf32, #tpu.memory_space<vmem>> -> memref<1x120x128xf32, #tpu.memory_space<vmem>>
      %dma_wait3A_213 = tpu.memref_squeeze %dma_wait3A_212 : memref<1x120x128xf32, #tpu.memory_space<vmem>> -> memref<120x128xf32, #tpu.memory_space<vmem>>
      %dma_wait3A_214 = arith.constant 0 : i32
      %dma_wait3A_215 = tpu.memref_slice %arg7[%rem3A_95, %dma_wait3A_208, %dma_wait3A_214] : memref<2x3x120xi32, #tpu.memory_space<vmem>> -> memref<1x1x120xi32, #tpu.memory_space<vmem>>
      %dma_wait3A_216 = tpu.memref_squeeze %dma_wait3A_215 : memref<1x1x120xi32, #tpu.memory_space<vmem>> -> memref<120xi32, #tpu.memory_space<vmem>>
      %dma_wait3A_217 = arith.constant 0 : i32
      %dma_wait3A_218 = arith.constant 0 : i32
      %dma_wait3A_219 = tpu.memref_slice %arg2[%dma_wait3A_217, %dma_wait3A_218] : memref<130000x128xf32, #tpu.memory_space<hbm>> -> memref<130000x128xf32, #tpu.memory_space<hbm>>
      tpu.wait_indirect_dma semaphore(%arg11 : memref<!tpu.dma_semaphore, #tpu.memory_space<semaphore_mem>>) src(%dma_wait3A_219 : memref<130000x128xf32, #tpu.memory_space<hbm>>) dst(%dma_wait3A_213 : memref<120x128xf32, #tpu.memory_space<vmem>>)
      %dma_start3A_220 = arith.constant 1 : i32
      %dma_start3A_221 = arith.constant 1 : i32
      %dma_start3A_222 = arith.constant 0 : i32
      %dma_start3A_223 = arith.constant 0 : i32
      %dma_start3A_224 = tpu.memref_slice %arg9[%dma_start3A_220, %dma_start3A_222, %dma_start3A_223] : memref<3x120x128xf32, #tpu.memory_space<vmem>> -> memref<1x120x128xf32, #tpu.memory_space<vmem>>
      %dma_start3A_225 = tpu.memref_squeeze %dma_start3A_224 : memref<1x120x128xf32, #tpu.memory_space<vmem>> -> memref<120x128xf32, #tpu.memory_space<vmem>>
      %dma_start3A_226 = arith.constant 0 : i32
      %dma_start3A_227 = tpu.memref_slice %arg8[%rem3A_97, %dma_start3A_221, %dma_start3A_226] : memref<3x3x120xi32, #tpu.memory_space<vmem>> -> memref<1x1x120xi32, #tpu.memory_space<vmem>>
      %dma_start3A_228 = tpu.memref_squeeze %dma_start3A_227 : memref<1x1x120xi32, #tpu.memory_space<vmem>> -> memref<120xi32, #tpu.memory_space<vmem>>
      %dma_start3A_229 = arith.constant 0 : i32
      %dma_start3A_230 = arith.constant 0 : i32
      %dma_start3A_231 = tpu.memref_slice %arg17[%dma_start3A_229, %dma_start3A_230] : memref<10112x128xf32, #tpu.memory_space<vmem_shared>> -> memref<10112x128xf32, #tpu.memory_space<vmem_shared>>
      tpu.enqueue_indirect_dma source(%dma_start3A_225 : memref<120x128xf32, #tpu.memory_space<vmem>>) target(%dma_start3A_231 : memref<10112x128xf32, #tpu.memory_space<vmem_shared>>) offsets(%dma_start3A_228 : memref<120xi32, #tpu.memory_space<vmem>>) semaphore(%arg14 : memref<!tpu.dma_semaphore, #tpu.memory_space<semaphore_mem>>) {add = true}
      %dma_wait3A_232 = arith.constant 2 : i32
      %dma_wait3A_233 = arith.constant 2 : i32
      %dma_wait3A_234 = arith.constant 0 : i32
      %dma_wait3A_235 = arith.constant 0 : i32
      %dma_wait3A_236 = tpu.memref_slice %arg9[%dma_wait3A_233, %dma_wait3A_234, %dma_wait3A_235] : memref<3x120x128xf32, #tpu.memory_space<vmem>> -> memref<1x120x128xf32, #tpu.memory_space<vmem>>
      %dma_wait3A_237 = tpu.memref_squeeze %dma_wait3A_236 : memref<1x120x128xf32, #tpu.memory_space<vmem>> -> memref<120x128xf32, #tpu.memory_space<vmem>>
      %dma_wait3A_238 = arith.constant 0 : i32
      %dma_wait3A_239 = tpu.memref_slice %arg7[%rem3A_95, %dma_wait3A_232, %dma_wait3A_238] : memref<2x3x120xi32, #tpu.memory_space<vmem>> -> memref<1x1x120xi32, #tpu.memory_space<vmem>>
      %dma_wait3A_240 = tpu.memref_squeeze %dma_wait3A_239 : memref<1x1x120xi32, #tpu.memory_space<vmem>> -> memref<120xi32, #tpu.memory_space<vmem>>
      %dma_wait3A_241 = arith.constant 0 : i32
      %dma_wait3A_242 = arith.constant 0 : i32
      %dma_wait3A_243 = tpu.memref_slice %arg2[%dma_wait3A_241, %dma_wait3A_242] : memref<130000x128xf32, #tpu.memory_space<hbm>> -> memref<130000x128xf32, #tpu.memory_space<hbm>>
      tpu.wait_indirect_dma semaphore(%arg12 : memref<!tpu.dma_semaphore, #tpu.memory_space<semaphore_mem>>) src(%dma_wait3A_243 : memref<130000x128xf32, #tpu.memory_space<hbm>>) dst(%dma_wait3A_237 : memref<120x128xf32, #tpu.memory_space<vmem>>)
      %dma_start3A_244 = arith.constant 2 : i32
      %dma_start3A_245 = arith.constant 2 : i32
      %dma_start3A_246 = arith.constant 0 : i32
      %dma_start3A_247 = arith.constant 0 : i32
      %dma_start3A_248 = tpu.memref_slice %arg9[%dma_start3A_244, %dma_start3A_246, %dma_start3A_247] : memref<3x120x128xf32, #tpu.memory_space<vmem>> -> memref<1x120x128xf32, #tpu.memory_space<vmem>>
      %dma_start3A_249 = tpu.memref_squeeze %dma_start3A_248 : memref<1x120x128xf32, #tpu.memory_space<vmem>> -> memref<120x128xf32, #tpu.memory_space<vmem>>
      %dma_start3A_250 = arith.constant 0 : i32
      %dma_start3A_251 = tpu.memref_slice %arg8[%rem3A_97, %dma_start3A_245, %dma_start3A_250] : memref<3x3x120xi32, #tpu.memory_space<vmem>> -> memref<1x1x120xi32, #tpu.memory_space<vmem>>
      %dma_start3A_252 = tpu.memref_squeeze %dma_start3A_251 : memref<1x1x120xi32, #tpu.memory_space<vmem>> -> memref<120xi32, #tpu.memory_space<vmem>>
      %dma_start3A_253 = arith.constant 0 : i32
      %dma_start3A_254 = arith.constant 0 : i32
      %dma_start3A_255 = tpu.memref_slice %arg17[%dma_start3A_253, %dma_start3A_254] : memref<10112x128xf32, #tpu.memory_space<vmem_shared>> -> memref<10112x128xf32, #tpu.memory_space<vmem_shared>>
      tpu.enqueue_indirect_dma source(%dma_start3A_249 : memref<120x128xf32, #tpu.memory_space<vmem>>) target(%dma_start3A_255 : memref<10112x128xf32, #tpu.memory_space<vmem_shared>>) offsets(%dma_start3A_252 : memref<120xi32, #tpu.memory_space<vmem>>) semaphore(%arg15 : memref<!tpu.dma_semaphore, #tpu.memory_space<semaphore_mem>>) {add = true}
    }
    %scan3A_44 = arith.constant 28 : i32
    %dma_wait3A = arith.constant 0 : i32
    %dma_wait3A_45 = arith.constant 0 : i32
    %dma_wait3A_46 = arith.constant 0 : i32
    %dma_wait3A_47 = tpu.memref_slice %arg9[%dma_wait3A, %dma_wait3A_45, %dma_wait3A_46] : memref<3x120x128xf32, #tpu.memory_space<vmem>> -> memref<1x120x128xf32, #tpu.memory_space<vmem>>
    %dma_wait3A_48 = tpu.memref_squeeze %dma_wait3A_47 : memref<1x120x128xf32, #tpu.memory_space<vmem>> -> memref<120x128xf32, #tpu.memory_space<vmem>>
    %dma_wait3A_49 = arith.constant 0 : i32
    %dma_wait3A_50 = arith.constant 0 : i32
    %dma_wait3A_51 = tpu.memref_slice %arg5[%dma_wait3A_49, %dma_wait3A_50] : memref<10112x128xf32, #tpu.memory_space<hbm>> -> memref<120x128xf32, #tpu.memory_space<hbm>>
    %dma_wait3A_52 = arith.constant 0 : i32
    %dma_wait3A_53 = arith.constant 0 : i32
    %dma_wait3A_54 = tpu.memref_slice %arg9[%dma_wait3A, %dma_wait3A_52, %dma_wait3A_53] : memref<3x120x128xf32, #tpu.memory_space<vmem>> -> memref<1x120x128xf32, #tpu.memory_space<vmem>>
    %dma_wait3A_55 = tpu.memref_squeeze %dma_wait3A_54 : memref<1x120x128xf32, #tpu.memory_space<vmem>> -> memref<120x128xf32, #tpu.memory_space<vmem>>
    %dma_wait3A_56 = arith.constant 0 : i32
    %dma_wait3A_57 = arith.constant 0 : i32
    %dma_wait3A_58 = tpu.memref_slice %arg5[%dma_wait3A_56, %dma_wait3A_57] : memref<10112x128xf32, #tpu.memory_space<hbm>> -> memref<120x128xf32, #tpu.memory_space<hbm>>
    tpu.wait_dma2 semaphore(%arg13 : memref<!tpu.dma_semaphore, #tpu.memory_space<semaphore_mem>>) src(%dma_wait3A_58 : memref<120x128xf32, #tpu.memory_space<hbm>>) dst(%dma_wait3A_55 : memref<120x128xf32, #tpu.memory_space<vmem>>)
    %dma_wait3A_59 = arith.constant 1 : i32
    %dma_wait3A_60 = arith.constant 0 : i32
    %dma_wait3A_61 = arith.constant 0 : i32
    %dma_wait3A_62 = tpu.memref_slice %arg9[%dma_wait3A_59, %dma_wait3A_60, %dma_wait3A_61] : memref<3x120x128xf32, #tpu.memory_space<vmem>> -> memref<1x120x128xf32, #tpu.memory_space<vmem>>
    %dma_wait3A_63 = tpu.memref_squeeze %dma_wait3A_62 : memref<1x120x128xf32, #tpu.memory_space<vmem>> -> memref<120x128xf32, #tpu.memory_space<vmem>>
    %dma_wait3A_64 = arith.constant 0 : i32
    %dma_wait3A_65 = arith.constant 0 : i32
    %dma_wait3A_66 = tpu.memref_slice %arg5[%dma_wait3A_64, %dma_wait3A_65] : memref<10112x128xf32, #tpu.memory_space<hbm>> -> memref<120x128xf32, #tpu.memory_space<hbm>>
    %dma_wait3A_67 = arith.constant 0 : i32
    %dma_wait3A_68 = arith.constant 0 : i32
    %dma_wait3A_69 = tpu.memref_slice %arg9[%dma_wait3A_59, %dma_wait3A_67, %dma_wait3A_68] : memref<3x120x128xf32, #tpu.memory_space<vmem>> -> memref<1x120x128xf32, #tpu.memory_space<vmem>>
    %dma_wait3A_70 = tpu.memref_squeeze %dma_wait3A_69 : memref<1x120x128xf32, #tpu.memory_space<vmem>> -> memref<120x128xf32, #tpu.memory_space<vmem>>
    %dma_wait3A_71 = arith.constant 0 : i32
    %dma_wait3A_72 = arith.constant 0 : i32
    %dma_wait3A_73 = tpu.memref_slice %arg5[%dma_wait3A_71, %dma_wait3A_72] : memref<10112x128xf32, #tpu.memory_space<hbm>> -> memref<120x128xf32, #tpu.memory_space<hbm>>
    tpu.wait_dma2 semaphore(%arg14 : memref<!tpu.dma_semaphore, #tpu.memory_space<semaphore_mem>>) src(%dma_wait3A_73 : memref<120x128xf32, #tpu.memory_space<hbm>>) dst(%dma_wait3A_70 : memref<120x128xf32, #tpu.memory_space<vmem>>)
    %dma_wait3A_74 = arith.constant 2 : i32
    %dma_wait3A_75 = arith.constant 0 : i32
    %dma_wait3A_76 = arith.constant 0 : i32
    %dma_wait3A_77 = tpu.memref_slice %arg9[%dma_wait3A_74, %dma_wait3A_75, %dma_wait3A_76] : memref<3x120x128xf32, #tpu.memory_space<vmem>> -> memref<1x120x128xf32, #tpu.memory_space<vmem>>
    %dma_wait3A_78 = tpu.memref_squeeze %dma_wait3A_77 : memref<1x120x128xf32, #tpu.memory_space<vmem>> -> memref<120x128xf32, #tpu.memory_space<vmem>>
    %dma_wait3A_79 = arith.constant 0 : i32
    %dma_wait3A_80 = arith.constant 0 : i32
    %dma_wait3A_81 = tpu.memref_slice %arg5[%dma_wait3A_79, %dma_wait3A_80] : memref<10112x128xf32, #tpu.memory_space<hbm>> -> memref<120x128xf32, #tpu.memory_space<hbm>>
    %dma_wait3A_82 = arith.constant 0 : i32
    %dma_wait3A_83 = arith.constant 0 : i32
    %dma_wait3A_84 = tpu.memref_slice %arg9[%dma_wait3A_74, %dma_wait3A_82, %dma_wait3A_83] : memref<3x120x128xf32, #tpu.memory_space<vmem>> -> memref<1x120x128xf32, #tpu.memory_space<vmem>>
    %dma_wait3A_85 = tpu.memref_squeeze %dma_wait3A_84 : memref<1x120x128xf32, #tpu.memory_space<vmem>> -> memref<120x128xf32, #tpu.memory_space<vmem>>
    %dma_wait3A_86 = arith.constant 0 : i32
    %dma_wait3A_87 = arith.constant 0 : i32
    %dma_wait3A_88 = tpu.memref_slice %arg5[%dma_wait3A_86, %dma_wait3A_87] : memref<10112x128xf32, #tpu.memory_space<hbm>> -> memref<120x128xf32, #tpu.memory_space<hbm>>
    tpu.wait_dma2 semaphore(%arg15 : memref<!tpu.dma_semaphore, #tpu.memory_space<semaphore_mem>>) src(%dma_wait3A_88 : memref<120x128xf32, #tpu.memory_space<hbm>>) dst(%dma_wait3A_85 : memref<120x128xf32, #tpu.memory_space<vmem>>)
    %barrier3A_89 = arith.constant 0 : index
    tpu.barrier barrier_id(%barrier3A_89)
    %mul3A_90 = arith.constant 632 : i32
    %mul3A_91 = arith.muli %arg1, %mul3A_90 : i32
    %mul3A_92 = arith.constant 632 : i32
    %mul3A_93 = arith.muli %arg1, %mul3A_92 : i32
    "tpu.region"() ({
      %run_scoped3A = tpu.sem_alloc : memref<!tpu.dma_semaphore, #tpu.memory_space<semaphore_mem>>
      %dma_start3A_94 = arith.constant 0 : i32
      %dma_start3A_95 = tpu.memref_slice %arg6[%arg0, %mul3A_93, %dma_start3A_94] : memref<2x10112x128xf32, #tpu.memory_space<hbm>> -> memref<1x632x128xf32, #tpu.memory_space<hbm>>
      %dma_start3A_96 = tpu.memref_squeeze %dma_start3A_95 : memref<1x632x128xf32, #tpu.memory_space<hbm>> -> memref<632x128xf32, #tpu.memory_space<hbm>>
      %dma_start3A_97 = arith.constant 0 : i32
      %dma_start3A_98 = tpu.memref_slice %arg17[%mul3A_91, %dma_start3A_97] : memref<10112x128xf32, #tpu.memory_space<vmem_shared>> -> memref<632x128xf32, #tpu.memory_space<vmem_shared>>
      tpu.enqueue_dma source(%dma_start3A_98 : memref<632x128xf32, #tpu.memory_space<vmem_shared>>) target(%dma_start3A_96 : memref<632x128xf32, #tpu.memory_space<hbm>>) target_semaphore(%run_scoped3A : memref<!tpu.dma_semaphore, #tpu.memory_space<semaphore_mem>>)
      %dma_wait3A_99 = arith.constant 0 : i32
      %dma_wait3A_100 = tpu.memref_slice %arg6[%arg0, %mul3A_93, %dma_wait3A_99] : memref<2x10112x128xf32, #tpu.memory_space<hbm>> -> memref<1x632x128xf32, #tpu.memory_space<hbm>>
      %dma_wait3A_101 = tpu.memref_squeeze %dma_wait3A_100 : memref<1x632x128xf32, #tpu.memory_space<hbm>> -> memref<632x128xf32, #tpu.memory_space<hbm>>
      %dma_wait3A_102 = arith.constant 0 : i32
      %dma_wait3A_103 = tpu.memref_slice %arg17[%mul3A_91, %dma_wait3A_102] : memref<10112x128xf32, #tpu.memory_space<vmem_shared>> -> memref<632x128xf32, #tpu.memory_space<vmem_shared>>
      tpu.wait_dma2 semaphore(%run_scoped3A : memref<!tpu.dma_semaphore, #tpu.memory_space<semaphore_mem>>) src(%dma_wait3A_103 : memref<632x128xf32, #tpu.memory_space<vmem_shared>>) dst(%dma_wait3A_101 : memref<632x128xf32, #tpu.memory_space<hbm>>)
      tpu.yield
    }) : () -> ()
    return
  }
}

#map = affine_map<(d0, d1) -> (0, 0)>
#map1 = affine_map<(d0, d1) -> (0, 0, 0)>
module attributes {stable_mosaic.version = 14 : i64} {
  func.func @_sc_body(%arg0: i32, %arg1: i32, %arg2: memref<130000x128xf32, #tpu.memory_space<hbm>>, %arg3: memref<896x3x120xi32, #tpu.memory_space<hbm>>, %arg4: memref<896x3x120xi32, #tpu.memory_space<hbm>>, %arg5: memref<10112x128xf32, #tpu.memory_space<hbm>>, %arg6: memref<2x10112x128xf32, #tpu.memory_space<hbm>>, %arg7: memref<2x3x120xi32, #tpu.memory_space<vmem>>, %arg8: memref<3x3x120xi32, #tpu.memory_space<vmem>>, %arg9: memref<3x120x128xf32, #tpu.memory_space<vmem>>, %arg10: memref<!tpu.dma_semaphore, #tpu.memory_space<semaphore_mem>>, %arg11: memref<!tpu.dma_semaphore, #tpu.memory_space<semaphore_mem>>, %arg12: memref<!tpu.dma_semaphore, #tpu.memory_space<semaphore_mem>>, %arg13: memref<!tpu.dma_semaphore, #tpu.memory_space<semaphore_mem>>, %arg14: memref<!tpu.dma_semaphore, #tpu.memory_space<semaphore_mem>>, %arg15: memref<!tpu.dma_semaphore, #tpu.memory_space<semaphore_mem>>, %arg16: memref<!tpu.dma_semaphore, #tpu.memory_space<semaphore_mem>>, %arg17: memref<10112x128xf32, #tpu.memory_space<vmem_shared>>) attributes {dimension_semantics = [#tpu.dimension_semantics<core_parallel>, #tpu.dimension_semantics<subcore_parallel>], iteration_bounds = array<i64: 2, 16>, scalar_prefetch = 0 : i64, scratch_operands = 11 : i64, tpu.core_type = #tpu.core_type<sc_vector_subcore>, window_params = [{transform_indices = #map}, {transform_indices = #map1}, {transform_indices = #map1}, {transform_indices = #map}, {transform_indices = #map1}]} {
    %mul3A = arith.constant 2 : i32
    %mul3A_0 = arith.muli %arg1, %mul3A : i32
    %add3A = arith.addi %mul3A_0, %arg0 : i32
    %mul3A_1 = arith.constant 632 : i32
    %mul3A_2 = arith.muli %arg1, %mul3A_1 : i32
    %mul3A_3 = arith.constant 632 : i32
    %mul3A_4 = arith.muli %arg1, %mul3A_3 : i32
    "tpu.region"() ({
      %run_scoped3A = tpu.sem_alloc : memref<!tpu.dma_semaphore, #tpu.memory_space<semaphore_mem>>
      %dma_start3A_94 = arith.constant 0 : i32
      %dma_start3A_95 = tpu.memref_slice %arg17[%mul3A_4, %dma_start3A_94] : memref<10112x128xf32, #tpu.memory_space<vmem_shared>> -> memref<632x128xf32, #tpu.memory_space<vmem_shared>>
      %dma_start3A_96 = arith.constant 0 : i32
      %dma_start3A_97 = tpu.memref_slice %arg5[%mul3A_2, %dma_start3A_96] : memref<10112x128xf32, #tpu.memory_space<hbm>> -> memref<632x128xf32, #tpu.memory_space<hbm>>
      tpu.enqueue_dma source(%dma_start3A_97 : memref<632x128xf32, #tpu.memory_space<hbm>>) target(%dma_start3A_95 : memref<632x128xf32, #tpu.memory_space<vmem_shared>>) target_semaphore(%run_scoped3A : memref<!tpu.dma_semaphore, #tpu.memory_space<semaphore_mem>>)
      %dma_wait3A_98 = arith.constant 0 : i32
      %dma_wait3A_99 = tpu.memref_slice %arg17[%mul3A_4, %dma_wait3A_98] : memref<10112x128xf32, #tpu.memory_space<vmem_shared>> -> memref<632x128xf32, #tpu.memory_space<vmem_shared>>
      %dma_wait3A_100 = arith.constant 0 : i32
      %dma_wait3A_101 = tpu.memref_slice %arg5[%mul3A_2, %dma_wait3A_100] : memref<10112x128xf32, #tpu.memory_space<hbm>> -> memref<632x128xf32, #tpu.memory_space<hbm>>
      tpu.wait_dma2 semaphore(%run_scoped3A : memref<!tpu.dma_semaphore, #tpu.memory_space<semaphore_mem>>) src(%dma_wait3A_101 : memref<632x128xf32, #tpu.memory_space<hbm>>) dst(%dma_wait3A_99 : memref<632x128xf32, #tpu.memory_space<vmem_shared>>)
      tpu.yield
    }) : () -> ()
    %mul3A_5 = arith.constant 28 : i32
    %mul3A_6 = arith.muli %add3A, %mul3A_5 : i32
    %dma_start3A = arith.constant 0 : i32
    %dma_start3A_7 = arith.constant 0 : i32
    %dma_start3A_8 = arith.constant 0 : i32
    %dma_start3A_9 = tpu.memref_slice %arg7[%dma_start3A, %dma_start3A_7, %dma_start3A_8] : memref<2x3x120xi32, #tpu.memory_space<vmem>> -> memref<1x3x120xi32, #tpu.memory_space<vmem>>
    %dma_start3A_10 = tpu.memref_squeeze %dma_start3A_9 : memref<1x3x120xi32, #tpu.memory_space<vmem>> -> memref<3x120xi32, #tpu.memory_space<vmem>>
    %dma_start3A_11 = arith.constant 0 : i32
    %dma_start3A_12 = arith.constant 0 : i32
    %dma_start3A_13 = tpu.memref_slice %arg3[%mul3A_6, %dma_start3A_11, %dma_start3A_12] : memref<896x3x120xi32, #tpu.memory_space<hbm>> -> memref<1x3x120xi32, #tpu.memory_space<hbm>>
    %dma_start3A_14 = tpu.memref_squeeze %dma_start3A_13 : memref<1x3x120xi32, #tpu.memory_space<hbm>> -> memref<3x120xi32, #tpu.memory_space<hbm>>
    %dma_start3A_15 = arith.constant 0 : i32
    %dma_start3A_16 = arith.constant 0 : i32
    %dma_start3A_17 = tpu.memref_slice %arg7[%dma_start3A, %dma_start3A_15, %dma_start3A_16] : memref<2x3x120xi32, #tpu.memory_space<vmem>> -> memref<1x3x120xi32, #tpu.memory_space<vmem>>
    %dma_start3A_18 = tpu.memref_squeeze %dma_start3A_17 : memref<1x3x120xi32, #tpu.memory_space<vmem>> -> memref<3x120xi32, #tpu.memory_space<vmem>>
    %dma_start3A_19 = arith.constant 0 : i32
    %dma_start3A_20 = arith.constant 0 : i32
    %dma_start3A_21 = tpu.memref_slice %arg3[%mul3A_6, %dma_start3A_19, %dma_start3A_20] : memref<896x3x120xi32, #tpu.memory_space<hbm>> -> memref<1x3x120xi32, #tpu.memory_space<hbm>>
    %dma_start3A_22 = tpu.memref_squeeze %dma_start3A_21 : memref<1x3x120xi32, #tpu.memory_space<hbm>> -> memref<3x120xi32, #tpu.memory_space<hbm>>
    tpu.enqueue_dma source(%dma_start3A_22 : memref<3x120xi32, #tpu.memory_space<hbm>>) target(%dma_start3A_18 : memref<3x120xi32, #tpu.memory_space<vmem>>) target_semaphore(%arg16 : memref<!tpu.dma_semaphore, #tpu.memory_space<semaphore_mem>>)
    %dma_start3A_23 = arith.constant 0 : i32
    %dma_start3A_24 = arith.constant 0 : i32
    %dma_start3A_25 = arith.constant 0 : i32
    %dma_start3A_26 = tpu.memref_slice %arg8[%dma_start3A_23, %dma_start3A_24, %dma_start3A_25] : memref<3x3x120xi32, #tpu.memory_space<vmem>> -> memref<1x3x120xi32, #tpu.memory_space<vmem>>
    %dma_start3A_27 = tpu.memref_squeeze %dma_start3A_26 : memref<1x3x120xi32, #tpu.memory_space<vmem>> -> memref<3x120xi32, #tpu.memory_space<vmem>>
    %dma_start3A_28 = arith.constant 0 : i32
    %dma_start3A_29 = arith.constant 0 : i32
    %dma_start3A_30 = tpu.memref_slice %arg4[%mul3A_6, %dma_start3A_28, %dma_start3A_29] : memref<896x3x120xi32, #tpu.memory_space<hbm>> -> memref<1x3x120xi32, #tpu.memory_space<hbm>>
    %dma_start3A_31 = tpu.memref_squeeze %dma_start3A_30 : memref<1x3x120xi32, #tpu.memory_space<hbm>> -> memref<3x120xi32, #tpu.memory_space<hbm>>
    %dma_start3A_32 = arith.constant 0 : i32
    %dma_start3A_33 = arith.constant 0 : i32
    %dma_start3A_34 = tpu.memref_slice %arg8[%dma_start3A_23, %dma_start3A_32, %dma_start3A_33] : memref<3x3x120xi32, #tpu.memory_space<vmem>> -> memref<1x3x120xi32, #tpu.memory_space<vmem>>
    %dma_start3A_35 = tpu.memref_squeeze %dma_start3A_34 : memref<1x3x120xi32, #tpu.memory_space<vmem>> -> memref<3x120xi32, #tpu.memory_space<vmem>>
    %dma_start3A_36 = arith.constant 0 : i32
    %dma_start3A_37 = arith.constant 0 : i32
    %dma_start3A_38 = tpu.memref_slice %arg4[%mul3A_6, %dma_start3A_36, %dma_start3A_37] : memref<896x3x120xi32, #tpu.memory_space<hbm>> -> memref<1x3x120xi32, #tpu.memory_space<hbm>>
    %dma_start3A_39 = tpu.memref_squeeze %dma_start3A_38 : memref<1x3x120xi32, #tpu.memory_space<hbm>> -> memref<3x120xi32, #tpu.memory_space<hbm>>
    tpu.enqueue_dma source(%dma_start3A_39 : memref<3x120xi32, #tpu.memory_space<hbm>>) target(%dma_start3A_35 : memref<3x120xi32, #tpu.memory_space<vmem>>) target_semaphore(%arg16 : memref<!tpu.dma_semaphore, #tpu.memory_space<semaphore_mem>>)
    %barrier3A = arith.constant 0 : index
    tpu.barrier barrier_id(%barrier3A)
    %scan3A = arith.constant 0 : i32
    %scan3A_40 = arith.constant 0 : i32
    %scan3A_41 = arith.constant 28 : i32
    %scan3A_42 = arith.addi %scan3A_40, %scan3A_41 : i32
    %scan3A_43 = arith.constant 1 : i32
    scf.for %scan3A_94 = %scan3A_40 to %scan3A_42 step %scan3A_43  : i32 {
      %rem3A = arith.constant 2 : i32
      %rem3A_95 = arith.remsi %scan3A_94, %rem3A : i32
      %rem3A_96 = arith.constant 3 : i32
      %rem3A_97 = arith.remsi %scan3A_94, %rem3A_96 : i32
      %dma_wait3A_98 = arith.constant 0 : i32
      %dma_wait3A_99 = arith.constant 0 : i32
      %dma_wait3A_100 = tpu.memref_slice %arg7[%rem3A_95, %dma_wait3A_98, %dma_wait3A_99] : memref<2x3x120xi32, #tpu.memory_space<vmem>> -> memref<1x3x120xi32, #tpu.memory_space<vmem>>
      %dma_wait3A_101 = tpu.memref_squeeze %dma_wait3A_100 : memref<1x3x120xi32, #tpu.memory_space<vmem>> -> memref<3x120xi32, #tpu.memory_space<vmem>>
      %dma_wait3A_102 = arith.constant 0 : i32
      %dma_wait3A_103 = arith.constant 0 : i32
      %dma_wait3A_104 = tpu.memref_slice %arg3[%mul3A_6, %dma_wait3A_102, %dma_wait3A_103] : memref<896x3x120xi32, #tpu.memory_space<hbm>> -> memref<1x3x120xi32, #tpu.memory_space<hbm>>
      %dma_wait3A_105 = tpu.memref_squeeze %dma_wait3A_104 : memref<1x3x120xi32, #tpu.memory_space<hbm>> -> memref<3x120xi32, #tpu.memory_space<hbm>>
      %dma_wait3A_106 = arith.constant 0 : i32
      %dma_wait3A_107 = arith.constant 0 : i32
      %dma_wait3A_108 = tpu.memref_slice %arg7[%rem3A_95, %dma_wait3A_106, %dma_wait3A_107] : memref<2x3x120xi32, #tpu.memory_space<vmem>> -> memref<1x3x120xi32, #tpu.memory_space<vmem>>
      %dma_wait3A_109 = tpu.memref_squeeze %dma_wait3A_108 : memref<1x3x120xi32, #tpu.memory_space<vmem>> -> memref<3x120xi32, #tpu.memory_space<vmem>>
      %dma_wait3A_110 = arith.constant 0 : i32
      %dma_wait3A_111 = arith.constant 0 : i32
      %dma_wait3A_112 = tpu.memref_slice %arg3[%mul3A_6, %dma_wait3A_110, %dma_wait3A_111] : memref<896x3x120xi32, #tpu.memory_space<hbm>> -> memref<1x3x120xi32, #tpu.memory_space<hbm>>
      %dma_wait3A_113 = tpu.memref_squeeze %dma_wait3A_112 : memref<1x3x120xi32, #tpu.memory_space<hbm>> -> memref<3x120xi32, #tpu.memory_space<hbm>>
      tpu.wait_dma2 semaphore(%arg16 : memref<!tpu.dma_semaphore, #tpu.memory_space<semaphore_mem>>) src(%dma_wait3A_113 : memref<3x120xi32, #tpu.memory_space<hbm>>) dst(%dma_wait3A_109 : memref<3x120xi32, #tpu.memory_space<vmem>>)
      %dma_wait3A_114 = arith.constant 0 : i32
      %dma_wait3A_115 = arith.constant 0 : i32
      %dma_wait3A_116 = tpu.memref_slice %arg7[%rem3A_95, %dma_wait3A_114, %dma_wait3A_115] : memref<2x3x120xi32, #tpu.memory_space<vmem>> -> memref<1x3x120xi32, #tpu.memory_space<vmem>>
      %dma_wait3A_117 = tpu.memref_squeeze %dma_wait3A_116 : memref<1x3x120xi32, #tpu.memory_space<vmem>> -> memref<3x120xi32, #tpu.memory_space<vmem>>
      %dma_wait3A_118 = arith.constant 0 : i32
      %dma_wait3A_119 = arith.constant 0 : i32
      %dma_wait3A_120 = tpu.memref_slice %arg3[%mul3A_6, %dma_wait3A_118, %dma_wait3A_119] : memref<896x3x120xi32, #tpu.memory_space<hbm>> -> memref<1x3x120xi32, #tpu.memory_space<hbm>>
      %dma_wait3A_121 = tpu.memref_squeeze %dma_wait3A_120 : memref<1x3x120xi32, #tpu.memory_space<hbm>> -> memref<3x120xi32, #tpu.memory_space<hbm>>
      %dma_wait3A_122 = arith.constant 0 : i32
      %dma_wait3A_123 = arith.constant 0 : i32
      %dma_wait3A_124 = tpu.memref_slice %arg7[%rem3A_95, %dma_wait3A_122, %dma_wait3A_123] : memref<2x3x120xi32, #tpu.memory_space<vmem>> -> memref<1x3x120xi32, #tpu.memory_space<vmem>>
      %dma_wait3A_125 = tpu.memref_squeeze %dma_wait3A_124 : memref<1x3x120xi32, #tpu.memory_space<vmem>> -> memref<3x120xi32, #tpu.memory_space<vmem>>
      %dma_wait3A_126 = arith.constant 0 : i32
      %dma_wait3A_127 = arith.constant 0 : i32
      %dma_wait3A_128 = tpu.memref_slice %arg3[%mul3A_6, %dma_wait3A_126, %dma_wait3A_127] : memref<896x3x120xi32, #tpu.memory_space<hbm>> -> memref<1x3x120xi32, #tpu.memory_space<hbm>>
      %dma_wait3A_129 = tpu.memref_squeeze %dma_wait3A_128 : memref<1x3x120xi32, #tpu.memory_space<hbm>> -> memref<3x120xi32, #tpu.memory_space<hbm>>
      tpu.wait_dma2 semaphore(%arg16 : memref<!tpu.dma_semaphore, #tpu.memory_space<semaphore_mem>>) src(%dma_wait3A_129 : memref<3x120xi32, #tpu.memory_space<hbm>>) dst(%dma_wait3A_125 : memref<3x120xi32, #tpu.memory_space<vmem>>)
      %add3A_130 = arith.constant 1 : i32
      %add3A_131 = arith.addi %scan3A_94, %add3A_130 : i32
      %lt3A = arith.constant 28 : i32
      %lt3A_132 = arith.cmpi slt, %add3A_131, %lt3A : i32
      %convert_element_type3A = arith.extui %lt3A_132 : i1 to i32
      %cond3A = arith.constant 0 : i32
      %cond3A_133 = arith.cmpi ne, %convert_element_type3A, %cond3A : i32
      scf.if %cond3A_133 {
        %mul3A_256 = arith.constant 28 : i32
        %mul3A_257 = arith.muli %add3A, %mul3A_256 : i32
        %add3A_258 = arith.addi %mul3A_257, %scan3A_94 : i32
        %add3A_259 = arith.constant 1 : i32
        %add3A_260 = arith.addi %add3A_258, %add3A_259 : i32
        %sub3A = arith.constant 1 : i32
        %sub3A_261 = arith.subi %sub3A, %rem3A_95 : i32
        %dma_start3A_262 = arith.constant 0 : i32
        %dma_start3A_263 = arith.constant 0 : i32
        %dma_start3A_264 = tpu.memref_slice %arg7[%sub3A_261, %dma_start3A_262, %dma_start3A_263] : memref<2x3x120xi32, #tpu.memory_space<vmem>> -> memref<1x3x120xi32, #tpu.memory_space<vmem>>
        %dma_start3A_265 = tpu.memref_squeeze %dma_start3A_264 : memref<1x3x120xi32, #tpu.memory_space<vmem>> -> memref<3x120xi32, #tpu.memory_space<vmem>>
        %dma_start3A_266 = arith.constant 0 : i32
        %dma_start3A_267 = arith.constant 0 : i32
        %dma_start3A_268 = tpu.memref_slice %arg3[%add3A_260, %dma_start3A_266, %dma_start3A_267] : memref<896x3x120xi32, #tpu.memory_space<hbm>> -> memref<1x3x120xi32, #tpu.memory_space<hbm>>
        %dma_start3A_269 = tpu.memref_squeeze %dma_start3A_268 : memref<1x3x120xi32, #tpu.memory_space<hbm>> -> memref<3x120xi32, #tpu.memory_space<hbm>>
        %dma_start3A_270 = arith.constant 0 : i32
        %dma_start3A_271 = arith.constant 0 : i32
        %dma_start3A_272 = tpu.memref_slice %arg7[%sub3A_261, %dma_start3A_270, %dma_start3A_271] : memref<2x3x120xi32, #tpu.memory_space<vmem>> -> memref<1x3x120xi32, #tpu.memory_space<vmem>>
        %dma_start3A_273 = tpu.memref_squeeze %dma_start3A_272 : memref<1x3x120xi32, #tpu.memory_space<vmem>> -> memref<3x120xi32, #tpu.memory_space<vmem>>
        %dma_start3A_274 = arith.constant 0 : i32
        %dma_start3A_275 = arith.constant 0 : i32
        %dma_start3A_276 = tpu.memref_slice %arg3[%add3A_260, %dma_start3A_274, %dma_start3A_275] : memref<896x3x120xi32, #tpu.memory_space<hbm>> -> memref<1x3x120xi32, #tpu.memory_space<hbm>>
        %dma_start3A_277 = tpu.memref_squeeze %dma_start3A_276 : memref<1x3x120xi32, #tpu.memory_space<hbm>> -> memref<3x120xi32, #tpu.memory_space<hbm>>
        tpu.enqueue_dma source(%dma_start3A_277 : memref<3x120xi32, #tpu.memory_space<hbm>>) target(%dma_start3A_273 : memref<3x120xi32, #tpu.memory_space<vmem>>) target_semaphore(%arg16 : memref<!tpu.dma_semaphore, #tpu.memory_space<semaphore_mem>>)
        %add3A_278 = arith.constant 1 : i32
        %add3A_279 = arith.addi %scan3A_94, %add3A_278 : i32
        %rem3A_280 = arith.constant 3 : i32
        %rem3A_281 = arith.remsi %add3A_279, %rem3A_280 : i32
        %dma_start3A_282 = arith.constant 0 : i32
        %dma_start3A_283 = arith.constant 0 : i32
        %dma_start3A_284 = tpu.memref_slice %arg8[%rem3A_281, %dma_start3A_282, %dma_start3A_283] : memref<3x3x120xi32, #tpu.memory_space<vmem>> -> memref<1x3x120xi32, #tpu.memory_space<vmem>>
        %dma_start3A_285 = tpu.memref_squeeze %dma_start3A_284 : memref<1x3x120xi32, #tpu.memory_space<vmem>> -> memref<3x120xi32, #tpu.memory_space<vmem>>
        %dma_start3A_286 = arith.constant 0 : i32
        %dma_start3A_287 = arith.constant 0 : i32
        %dma_start3A_288 = tpu.memref_slice %arg4[%add3A_260, %dma_start3A_286, %dma_start3A_287] : memref<896x3x120xi32, #tpu.memory_space<hbm>> -> memref<1x3x120xi32, #tpu.memory_space<hbm>>
        %dma_start3A_289 = tpu.memref_squeeze %dma_start3A_288 : memref<1x3x120xi32, #tpu.memory_space<hbm>> -> memref<3x120xi32, #tpu.memory_space<hbm>>
        %dma_start3A_290 = arith.constant 0 : i32
        %dma_start3A_291 = arith.constant 0 : i32
        %dma_start3A_292 = tpu.memref_slice %arg8[%rem3A_281, %dma_start3A_290, %dma_start3A_291] : memref<3x3x120xi32, #tpu.memory_space<vmem>> -> memref<1x3x120xi32, #tpu.memory_space<vmem>>
        %dma_start3A_293 = tpu.memref_squeeze %dma_start3A_292 : memref<1x3x120xi32, #tpu.memory_space<vmem>> -> memref<3x120xi32, #tpu.memory_space<vmem>>
        %dma_start3A_294 = arith.constant 0 : i32
        %dma_start3A_295 = arith.constant 0 : i32
        %dma_start3A_296 = tpu.memref_slice %arg4[%add3A_260, %dma_start3A_294, %dma_start3A_295] : memref<896x3x120xi32, #tpu.memory_space<hbm>> -> memref<1x3x120xi32, #tpu.memory_space<hbm>>
        %dma_start3A_297 = tpu.memref_squeeze %dma_start3A_296 : memref<1x3x120xi32, #tpu.memory_space<hbm>> -> memref<3x120xi32, #tpu.memory_space<hbm>>
        tpu.enqueue_dma source(%dma_start3A_297 : memref<3x120xi32, #tpu.memory_space<hbm>>) target(%dma_start3A_293 : memref<3x120xi32, #tpu.memory_space<vmem>>) target_semaphore(%arg16 : memref<!tpu.dma_semaphore, #tpu.memory_space<semaphore_mem>>)
      } else {
      }
      %gt3A = arith.constant 0 : i32
      %gt3A_134 = arith.cmpi sgt, %scan3A_94, %gt3A : i32
      %convert_element_type3A_135 = arith.extui %gt3A_134 : i1 to i32
      %cond3A_136 = arith.constant 0 : i32
      %cond3A_137 = arith.cmpi ne, %convert_element_type3A_135, %cond3A_136 : i32
      scf.if %cond3A_137 {
        %dma_wait3A_256 = arith.constant 0 : i32
        %dma_wait3A_257 = arith.constant 0 : i32
        %dma_wait3A_258 = arith.constant 0 : i32
        %dma_wait3A_259 = tpu.memref_slice %arg9[%dma_wait3A_256, %dma_wait3A_257, %dma_wait3A_258] : memref<3x120x128xf32, #tpu.memory_space<vmem>> -> memref<1x120x128xf32, #tpu.memory_space<vmem>>
        %dma_wait3A_260 = tpu.memref_squeeze %dma_wait3A_259 : memref<1x120x128xf32, #tpu.memory_space<vmem>> -> memref<120x128xf32, #tpu.memory_space<vmem>>
        %dma_wait3A_261 = arith.constant 0 : i32
        %dma_wait3A_262 = arith.constant 0 : i32
        %dma_wait3A_263 = tpu.memref_slice %arg5[%dma_wait3A_261, %dma_wait3A_262] : memref<10112x128xf32, #tpu.memory_space<hbm>> -> memref<120x128xf32, #tpu.memory_space<hbm>>
        %dma_wait3A_264 = arith.constant 0 : i32
        %dma_wait3A_265 = arith.constant 0 : i32
        %dma_wait3A_266 = tpu.memref_slice %arg9[%dma_wait3A_256, %dma_wait3A_264, %dma_wait3A_265] : memref<3x120x128xf32, #tpu.memory_space<vmem>> -> memref<1x120x128xf32, #tpu.memory_space<vmem>>
        %dma_wait3A_267 = tpu.memref_squeeze %dma_wait3A_266 : memref<1x120x128xf32, #tpu.memory_space<vmem>> -> memref<120x128xf32, #tpu.memory_space<vmem>>
        %dma_wait3A_268 = arith.constant 0 : i32
        %dma_wait3A_269 = arith.constant 0 : i32
        %dma_wait3A_270 = tpu.memref_slice %arg5[%dma_wait3A_268, %dma_wait3A_269] : memref<10112x128xf32, #tpu.memory_space<hbm>> -> memref<120x128xf32, #tpu.memory_space<hbm>>
        tpu.wait_dma2 semaphore(%arg13 : memref<!tpu.dma_semaphore, #tpu.memory_space<semaphore_mem>>) src(%dma_wait3A_270 : memref<120x128xf32, #tpu.memory_space<hbm>>) dst(%dma_wait3A_267 : memref<120x128xf32, #tpu.memory_space<vmem>>)
      } else {
      }
      %dma_start3A_138 = arith.constant 0 : i32
      %dma_start3A_139 = arith.constant 0 : i32
      %dma_start3A_140 = arith.constant 0 : i32
      %dma_start3A_141 = arith.constant 0 : i32
      %dma_start3A_142 = tpu.memref_slice %arg9[%dma_start3A_139, %dma_start3A_140, %dma_start3A_141] : memref<3x120x128xf32, #tpu.memory_space<vmem>> -> memref<1x120x128xf32, #tpu.memory_space<vmem>>
      %dma_start3A_143 = tpu.memref_squeeze %dma_start3A_142 : memref<1x120x128xf32, #tpu.memory_space<vmem>> -> memref<120x128xf32, #tpu.memory_space<vmem>>
      %dma_start3A_144 = arith.constant 0 : i32
      %dma_start3A_145 = tpu.memref_slice %arg7[%rem3A_95, %dma_start3A_138, %dma_start3A_144] : memref<2x3x120xi32, #tpu.memory_space<vmem>> -> memref<1x1x120xi32, #tpu.memory_space<vmem>>
      %dma_start3A_146 = tpu.memref_squeeze %dma_start3A_145 : memref<1x1x120xi32, #tpu.memory_space<vmem>> -> memref<120xi32, #tpu.memory_space<vmem>>
      %dma_start3A_147 = arith.constant 0 : i32
      %dma_start3A_148 = arith.constant 0 : i32
      %dma_start3A_149 = tpu.memref_slice %arg2[%dma_start3A_147, %dma_start3A_148] : memref<130000x128xf32, #tpu.memory_space<hbm>> -> memref<130000x128xf32, #tpu.memory_space<hbm>>
      tpu.enqueue_indirect_dma source(%dma_start3A_149 : memref<130000x128xf32, #tpu.memory_space<hbm>>) target(%dma_start3A_143 : memref<120x128xf32, #tpu.memory_space<vmem>>) offsets(%dma_start3A_146 : memref<120xi32, #tpu.memory_space<vmem>>) semaphore(%arg10 : memref<!tpu.dma_semaphore, #tpu.memory_space<semaphore_mem>>)
      %gt3A_150 = arith.constant 0 : i32
      %gt3A_151 = arith.cmpi sgt, %scan3A_94, %gt3A_150 : i32
      %convert_element_type3A_152 = arith.extui %gt3A_151 : i1 to i32
      %cond3A_153 = arith.constant 0 : i32
      %cond3A_154 = arith.cmpi ne, %convert_element_type3A_152, %cond3A_153 : i32
      scf.if %cond3A_154 {
        %dma_wait3A_256 = arith.constant 1 : i32
        %dma_wait3A_257 = arith.constant 0 : i32
        %dma_wait3A_258 = arith.constant 0 : i32
        %dma_wait3A_259 = tpu.memref_slice %arg9[%dma_wait3A_256, %dma_wait3A_257, %dma_wait3A_258] : memref<3x120x128xf32, #tpu.memory_space<vmem>> -> memref<1x120x128xf32, #tpu.memory_space<vmem>>
        %dma_wait3A_260 = tpu.memref_squeeze %dma_wait3A_259 : memref<1x120x128xf32, #tpu.memory_space<vmem>> -> memref<120x128xf32, #tpu.memory_space<vmem>>
        %dma_wait3A_261 = arith.constant 0 : i32
        %dma_wait3A_262 = arith.constant 0 : i32
        %dma_wait3A_263 = tpu.memref_slice %arg5[%dma_wait3A_261, %dma_wait3A_262] : memref<10112x128xf32, #tpu.memory_space<hbm>> -> memref<120x128xf32, #tpu.memory_space<hbm>>
        %dma_wait3A_264 = arith.constant 0 : i32
        %dma_wait3A_265 = arith.constant 0 : i32
        %dma_wait3A_266 = tpu.memref_slice %arg9[%dma_wait3A_256, %dma_wait3A_264, %dma_wait3A_265] : memref<3x120x128xf32, #tpu.memory_space<vmem>> -> memref<1x120x128xf32, #tpu.memory_space<vmem>>
        %dma_wait3A_267 = tpu.memref_squeeze %dma_wait3A_266 : memref<1x120x128xf32, #tpu.memory_space<vmem>> -> memref<120x128xf32, #tpu.memory_space<vmem>>
        %dma_wait3A_268 = arith.constant 0 : i32
        %dma_wait3A_269 = arith.constant 0 : i32
        %dma_wait3A_270 = tpu.memref_slice %arg5[%dma_wait3A_268, %dma_wait3A_269] : memref<10112x128xf32, #tpu.memory_space<hbm>> -> memref<120x128xf32, #tpu.memory_space<hbm>>
        tpu.wait_dma2 semaphore(%arg14 : memref<!tpu.dma_semaphore, #tpu.memory_space<semaphore_mem>>) src(%dma_wait3A_270 : memref<120x128xf32, #tpu.memory_space<hbm>>) dst(%dma_wait3A_267 : memref<120x128xf32, #tpu.memory_space<vmem>>)
      } else {
      }
      %dma_start3A_155 = arith.constant 1 : i32
      %dma_start3A_156 = arith.constant 1 : i32
      %dma_start3A_157 = arith.constant 0 : i32
      %dma_start3A_158 = arith.constant 0 : i32
      %dma_start3A_159 = tpu.memref_slice %arg9[%dma_start3A_156, %dma_start3A_157, %dma_start3A_158] : memref<3x120x128xf32, #tpu.memory_space<vmem>> -> memref<1x120x128xf32, #tpu.memory_space<vmem>>
      %dma_start3A_160 = tpu.memref_squeeze %dma_start3A_159 : memref<1x120x128xf32, #tpu.memory_space<vmem>> -> memref<120x128xf32, #tpu.memory_space<vmem>>
      %dma_start3A_161 = arith.constant 0 : i32
      %dma_start3A_162 = tpu.memref_slice %arg7[%rem3A_95, %dma_start3A_155, %dma_start3A_161] : memref<2x3x120xi32, #tpu.memory_space<vmem>> -> memref<1x1x120xi32, #tpu.memory_space<vmem>>
      %dma_start3A_163 = tpu.memref_squeeze %dma_start3A_162 : memref<1x1x120xi32, #tpu.memory_space<vmem>> -> memref<120xi32, #tpu.memory_space<vmem>>
      %dma_start3A_164 = arith.constant 0 : i32
      %dma_start3A_165 = arith.constant 0 : i32
      %dma_start3A_166 = tpu.memref_slice %arg2[%dma_start3A_164, %dma_start3A_165] : memref<130000x128xf32, #tpu.memory_space<hbm>> -> memref<130000x128xf32, #tpu.memory_space<hbm>>
      tpu.enqueue_indirect_dma source(%dma_start3A_166 : memref<130000x128xf32, #tpu.memory_space<hbm>>) target(%dma_start3A_160 : memref<120x128xf32, #tpu.memory_space<vmem>>) offsets(%dma_start3A_163 : memref<120xi32, #tpu.memory_space<vmem>>) semaphore(%arg11 : memref<!tpu.dma_semaphore, #tpu.memory_space<semaphore_mem>>)
      %gt3A_167 = arith.constant 0 : i32
      %gt3A_168 = arith.cmpi sgt, %scan3A_94, %gt3A_167 : i32
      %convert_element_type3A_169 = arith.extui %gt3A_168 : i1 to i32
      %cond3A_170 = arith.constant 0 : i32
      %cond3A_171 = arith.cmpi ne, %convert_element_type3A_169, %cond3A_170 : i32
      scf.if %cond3A_171 {
        %dma_wait3A_256 = arith.constant 2 : i32
        %dma_wait3A_257 = arith.constant 0 : i32
        %dma_wait3A_258 = arith.constant 0 : i32
        %dma_wait3A_259 = tpu.memref_slice %arg9[%dma_wait3A_256, %dma_wait3A_257, %dma_wait3A_258] : memref<3x120x128xf32, #tpu.memory_space<vmem>> -> memref<1x120x128xf32, #tpu.memory_space<vmem>>
        %dma_wait3A_260 = tpu.memref_squeeze %dma_wait3A_259 : memref<1x120x128xf32, #tpu.memory_space<vmem>> -> memref<120x128xf32, #tpu.memory_space<vmem>>
        %dma_wait3A_261 = arith.constant 0 : i32
        %dma_wait3A_262 = arith.constant 0 : i32
        %dma_wait3A_263 = tpu.memref_slice %arg5[%dma_wait3A_261, %dma_wait3A_262] : memref<10112x128xf32, #tpu.memory_space<hbm>> -> memref<120x128xf32, #tpu.memory_space<hbm>>
        %dma_wait3A_264 = arith.constant 0 : i32
        %dma_wait3A_265 = arith.constant 0 : i32
        %dma_wait3A_266 = tpu.memref_slice %arg9[%dma_wait3A_256, %dma_wait3A_264, %dma_wait3A_265] : memref<3x120x128xf32, #tpu.memory_space<vmem>> -> memref<1x120x128xf32, #tpu.memory_space<vmem>>
        %dma_wait3A_267 = tpu.memref_squeeze %dma_wait3A_266 : memref<1x120x128xf32, #tpu.memory_space<vmem>> -> memref<120x128xf32, #tpu.memory_space<vmem>>
        %dma_wait3A_268 = arith.constant 0 : i32
        %dma_wait3A_269 = arith.constant 0 : i32
        %dma_wait3A_270 = tpu.memref_slice %arg5[%dma_wait3A_268, %dma_wait3A_269] : memref<10112x128xf32, #tpu.memory_space<hbm>> -> memref<120x128xf32, #tpu.memory_space<hbm>>
        tpu.wait_dma2 semaphore(%arg15 : memref<!tpu.dma_semaphore, #tpu.memory_space<semaphore_mem>>) src(%dma_wait3A_270 : memref<120x128xf32, #tpu.memory_space<hbm>>) dst(%dma_wait3A_267 : memref<120x128xf32, #tpu.memory_space<vmem>>)
      } else {
      }
      %dma_start3A_172 = arith.constant 2 : i32
      %dma_start3A_173 = arith.constant 2 : i32
      %dma_start3A_174 = arith.constant 0 : i32
      %dma_start3A_175 = arith.constant 0 : i32
      %dma_start3A_176 = tpu.memref_slice %arg9[%dma_start3A_173, %dma_start3A_174, %dma_start3A_175] : memref<3x120x128xf32, #tpu.memory_space<vmem>> -> memref<1x120x128xf32, #tpu.memory_space<vmem>>
      %dma_start3A_177 = tpu.memref_squeeze %dma_start3A_176 : memref<1x120x128xf32, #tpu.memory_space<vmem>> -> memref<120x128xf32, #tpu.memory_space<vmem>>
      %dma_start3A_178 = arith.constant 0 : i32
      %dma_start3A_179 = tpu.memref_slice %arg7[%rem3A_95, %dma_start3A_172, %dma_start3A_178] : memref<2x3x120xi32, #tpu.memory_space<vmem>> -> memref<1x1x120xi32, #tpu.memory_space<vmem>>
      %dma_start3A_180 = tpu.memref_squeeze %dma_start3A_179 : memref<1x1x120xi32, #tpu.memory_space<vmem>> -> memref<120xi32, #tpu.memory_space<vmem>>
      %dma_start3A_181 = arith.constant 0 : i32
      %dma_start3A_182 = arith.constant 0 : i32
      %dma_start3A_183 = tpu.memref_slice %arg2[%dma_start3A_181, %dma_start3A_182] : memref<130000x128xf32, #tpu.memory_space<hbm>> -> memref<130000x128xf32, #tpu.memory_space<hbm>>
      tpu.enqueue_indirect_dma source(%dma_start3A_183 : memref<130000x128xf32, #tpu.memory_space<hbm>>) target(%dma_start3A_177 : memref<120x128xf32, #tpu.memory_space<vmem>>) offsets(%dma_start3A_180 : memref<120xi32, #tpu.memory_space<vmem>>) semaphore(%arg12 : memref<!tpu.dma_semaphore, #tpu.memory_space<semaphore_mem>>)
      %dma_wait3A_184 = arith.constant 0 : i32
      %dma_wait3A_185 = arith.constant 0 : i32
      %dma_wait3A_186 = arith.constant 0 : i32
      %dma_wait3A_187 = arith.constant 0 : i32
      %dma_wait3A_188 = tpu.memref_slice %arg9[%dma_wait3A_185, %dma_wait3A_186, %dma_wait3A_187] : memref<3x120x128xf32, #tpu.memory_space<vmem>> -> memref<1x120x128xf32, #tpu.memory_space<vmem>>
      %dma_wait3A_189 = tpu.memref_squeeze %dma_wait3A_188 : memref<1x120x128xf32, #tpu.memory_space<vmem>> -> memref<120x128xf32, #tpu.memory_space<vmem>>
      %dma_wait3A_190 = arith.constant 0 : i32
      %dma_wait3A_191 = tpu.memref_slice %arg7[%rem3A_95, %dma_wait3A_184, %dma_wait3A_190] : memref<2x3x120xi32, #tpu.memory_space<vmem>> -> memref<1x1x120xi32, #tpu.memory_space<vmem>>
      %dma_wait3A_192 = tpu.memref_squeeze %dma_wait3A_191 : memref<1x1x120xi32, #tpu.memory_space<vmem>> -> memref<120xi32, #tpu.memory_space<vmem>>
      %dma_wait3A_193 = arith.constant 0 : i32
      %dma_wait3A_194 = arith.constant 0 : i32
      %dma_wait3A_195 = tpu.memref_slice %arg2[%dma_wait3A_193, %dma_wait3A_194] : memref<130000x128xf32, #tpu.memory_space<hbm>> -> memref<130000x128xf32, #tpu.memory_space<hbm>>
      tpu.wait_indirect_dma semaphore(%arg10 : memref<!tpu.dma_semaphore, #tpu.memory_space<semaphore_mem>>) src(%dma_wait3A_195 : memref<130000x128xf32, #tpu.memory_space<hbm>>) dst(%dma_wait3A_189 : memref<120x128xf32, #tpu.memory_space<vmem>>)
      %dma_start3A_196 = arith.constant 0 : i32
      %dma_start3A_197 = arith.constant 0 : i32
      %dma_start3A_198 = arith.constant 0 : i32
      %dma_start3A_199 = arith.constant 0 : i32
      %dma_start3A_200 = tpu.memref_slice %arg9[%dma_start3A_196, %dma_start3A_198, %dma_start3A_199] : memref<3x120x128xf32, #tpu.memory_space<vmem>> -> memref<1x120x128xf32, #tpu.memory_space<vmem>>
      %dma_start3A_201 = tpu.memref_squeeze %dma_start3A_200 : memref<1x120x128xf32, #tpu.memory_space<vmem>> -> memref<120x128xf32, #tpu.memory_space<vmem>>
      %dma_start3A_202 = arith.constant 0 : i32
      %dma_start3A_203 = tpu.memref_slice %arg8[%rem3A_97, %dma_start3A_197, %dma_start3A_202] : memref<3x3x120xi32, #tpu.memory_space<vmem>> -> memref<1x1x120xi32, #tpu.memory_space<vmem>>
      %dma_start3A_204 = tpu.memref_squeeze %dma_start3A_203 : memref<1x1x120xi32, #tpu.memory_space<vmem>> -> memref<120xi32, #tpu.memory_space<vmem>>
      %dma_start3A_205 = arith.constant 0 : i32
      %dma_start3A_206 = arith.constant 0 : i32
      %dma_start3A_207 = tpu.memref_slice %arg17[%dma_start3A_205, %dma_start3A_206] : memref<10112x128xf32, #tpu.memory_space<vmem_shared>> -> memref<10112x128xf32, #tpu.memory_space<vmem_shared>>
      tpu.enqueue_indirect_dma source(%dma_start3A_201 : memref<120x128xf32, #tpu.memory_space<vmem>>) target(%dma_start3A_207 : memref<10112x128xf32, #tpu.memory_space<vmem_shared>>) offsets(%dma_start3A_204 : memref<120xi32, #tpu.memory_space<vmem>>) semaphore(%arg13 : memref<!tpu.dma_semaphore, #tpu.memory_space<semaphore_mem>>) {add = true}
      %dma_wait3A_208 = arith.constant 1 : i32
      %dma_wait3A_209 = arith.constant 1 : i32
      %dma_wait3A_210 = arith.constant 0 : i32
      %dma_wait3A_211 = arith.constant 0 : i32
      %dma_wait3A_212 = tpu.memref_slice %arg9[%dma_wait3A_209, %dma_wait3A_210, %dma_wait3A_211] : memref<3x120x128xf32, #tpu.memory_space<vmem>> -> memref<1x120x128xf32, #tpu.memory_space<vmem>>
      %dma_wait3A_213 = tpu.memref_squeeze %dma_wait3A_212 : memref<1x120x128xf32, #tpu.memory_space<vmem>> -> memref<120x128xf32, #tpu.memory_space<vmem>>
      %dma_wait3A_214 = arith.constant 0 : i32
      %dma_wait3A_215 = tpu.memref_slice %arg7[%rem3A_95, %dma_wait3A_208, %dma_wait3A_214] : memref<2x3x120xi32, #tpu.memory_space<vmem>> -> memref<1x1x120xi32, #tpu.memory_space<vmem>>
      %dma_wait3A_216 = tpu.memref_squeeze %dma_wait3A_215 : memref<1x1x120xi32, #tpu.memory_space<vmem>> -> memref<120xi32, #tpu.memory_space<vmem>>
      %dma_wait3A_217 = arith.constant 0 : i32
      %dma_wait3A_218 = arith.constant 0 : i32
      %dma_wait3A_219 = tpu.memref_slice %arg2[%dma_wait3A_217, %dma_wait3A_218] : memref<130000x128xf32, #tpu.memory_space<hbm>> -> memref<130000x128xf32, #tpu.memory_space<hbm>>
      tpu.wait_indirect_dma semaphore(%arg11 : memref<!tpu.dma_semaphore, #tpu.memory_space<semaphore_mem>>) src(%dma_wait3A_219 : memref<130000x128xf32, #tpu.memory_space<hbm>>) dst(%dma_wait3A_213 : memref<120x128xf32, #tpu.memory_space<vmem>>)
      %dma_start3A_220 = arith.constant 1 : i32
      %dma_start3A_221 = arith.constant 1 : i32
      %dma_start3A_222 = arith.constant 0 : i32
      %dma_start3A_223 = arith.constant 0 : i32
      %dma_start3A_224 = tpu.memref_slice %arg9[%dma_start3A_220, %dma_start3A_222, %dma_start3A_223] : memref<3x120x128xf32, #tpu.memory_space<vmem>> -> memref<1x120x128xf32, #tpu.memory_space<vmem>>
      %dma_start3A_225 = tpu.memref_squeeze %dma_start3A_224 : memref<1x120x128xf32, #tpu.memory_space<vmem>> -> memref<120x128xf32, #tpu.memory_space<vmem>>
      %dma_start3A_226 = arith.constant 0 : i32
      %dma_start3A_227 = tpu.memref_slice %arg8[%rem3A_97, %dma_start3A_221, %dma_start3A_226] : memref<3x3x120xi32, #tpu.memory_space<vmem>> -> memref<1x1x120xi32, #tpu.memory_space<vmem>>
      %dma_start3A_228 = tpu.memref_squeeze %dma_start3A_227 : memref<1x1x120xi32, #tpu.memory_space<vmem>> -> memref<120xi32, #tpu.memory_space<vmem>>
      %dma_start3A_229 = arith.constant 0 : i32
      %dma_start3A_230 = arith.constant 0 : i32
      %dma_start3A_231 = tpu.memref_slice %arg17[%dma_start3A_229, %dma_start3A_230] : memref<10112x128xf32, #tpu.memory_space<vmem_shared>> -> memref<10112x128xf32, #tpu.memory_space<vmem_shared>>
      tpu.enqueue_indirect_dma source(%dma_start3A_225 : memref<120x128xf32, #tpu.memory_space<vmem>>) target(%dma_start3A_231 : memref<10112x128xf32, #tpu.memory_space<vmem_shared>>) offsets(%dma_start3A_228 : memref<120xi32, #tpu.memory_space<vmem>>) semaphore(%arg14 : memref<!tpu.dma_semaphore, #tpu.memory_space<semaphore_mem>>) {add = true}
      %dma_wait3A_232 = arith.constant 2 : i32
      %dma_wait3A_233 = arith.constant 2 : i32
      %dma_wait3A_234 = arith.constant 0 : i32
      %dma_wait3A_235 = arith.constant 0 : i32
      %dma_wait3A_236 = tpu.memref_slice %arg9[%dma_wait3A_233, %dma_wait3A_234, %dma_wait3A_235] : memref<3x120x128xf32, #tpu.memory_space<vmem>> -> memref<1x120x128xf32, #tpu.memory_space<vmem>>
      %dma_wait3A_237 = tpu.memref_squeeze %dma_wait3A_236 : memref<1x120x128xf32, #tpu.memory_space<vmem>> -> memref<120x128xf32, #tpu.memory_space<vmem>>
      %dma_wait3A_238 = arith.constant 0 : i32
      %dma_wait3A_239 = tpu.memref_slice %arg7[%rem3A_95, %dma_wait3A_232, %dma_wait3A_238] : memref<2x3x120xi32, #tpu.memory_space<vmem>> -> memref<1x1x120xi32, #tpu.memory_space<vmem>>
      %dma_wait3A_240 = tpu.memref_squeeze %dma_wait3A_239 : memref<1x1x120xi32, #tpu.memory_space<vmem>> -> memref<120xi32, #tpu.memory_space<vmem>>
      %dma_wait3A_241 = arith.constant 0 : i32
      %dma_wait3A_242 = arith.constant 0 : i32
      %dma_wait3A_243 = tpu.memref_slice %arg2[%dma_wait3A_241, %dma_wait3A_242] : memref<130000x128xf32, #tpu.memory_space<hbm>> -> memref<130000x128xf32, #tpu.memory_space<hbm>>
      tpu.wait_indirect_dma semaphore(%arg12 : memref<!tpu.dma_semaphore, #tpu.memory_space<semaphore_mem>>) src(%dma_wait3A_243 : memref<130000x128xf32, #tpu.memory_space<hbm>>) dst(%dma_wait3A_237 : memref<120x128xf32, #tpu.memory_space<vmem>>)
      %dma_start3A_244 = arith.constant 2 : i32
      %dma_start3A_245 = arith.constant 2 : i32
      %dma_start3A_246 = arith.constant 0 : i32
      %dma_start3A_247 = arith.constant 0 : i32
      %dma_start3A_248 = tpu.memref_slice %arg9[%dma_start3A_244, %dma_start3A_246, %dma_start3A_247] : memref<3x120x128xf32, #tpu.memory_space<vmem>> -> memref<1x120x128xf32, #tpu.memory_space<vmem>>
      %dma_start3A_249 = tpu.memref_squeeze %dma_start3A_248 : memref<1x120x128xf32, #tpu.memory_space<vmem>> -> memref<120x128xf32, #tpu.memory_space<vmem>>
      %dma_start3A_250 = arith.constant 0 : i32
      %dma_start3A_251 = tpu.memref_slice %arg8[%rem3A_97, %dma_start3A_245, %dma_start3A_250] : memref<3x3x120xi32, #tpu.memory_space<vmem>> -> memref<1x1x120xi32, #tpu.memory_space<vmem>>
      %dma_start3A_252 = tpu.memref_squeeze %dma_start3A_251 : memref<1x1x120xi32, #tpu.memory_space<vmem>> -> memref<120xi32, #tpu.memory_space<vmem>>
      %dma_start3A_253 = arith.constant 0 : i32
      %dma_start3A_254 = arith.constant 0 : i32
      %dma_start3A_255 = tpu.memref_slice %arg17[%dma_start3A_253, %dma_start3A_254] : memref<10112x128xf32, #tpu.memory_space<vmem_shared>> -> memref<10112x128xf32, #tpu.memory_space<vmem_shared>>
      tpu.enqueue_indirect_dma source(%dma_start3A_249 : memref<120x128xf32, #tpu.memory_space<vmem>>) target(%dma_start3A_255 : memref<10112x128xf32, #tpu.memory_space<vmem_shared>>) offsets(%dma_start3A_252 : memref<120xi32, #tpu.memory_space<vmem>>) semaphore(%arg15 : memref<!tpu.dma_semaphore, #tpu.memory_space<semaphore_mem>>) {add = true}
    }
    %scan3A_44 = arith.constant 28 : i32
    %dma_wait3A = arith.constant 0 : i32
    %dma_wait3A_45 = arith.constant 0 : i32
    %dma_wait3A_46 = arith.constant 0 : i32
    %dma_wait3A_47 = tpu.memref_slice %arg9[%dma_wait3A, %dma_wait3A_45, %dma_wait3A_46] : memref<3x120x128xf32, #tpu.memory_space<vmem>> -> memref<1x120x128xf32, #tpu.memory_space<vmem>>
    %dma_wait3A_48 = tpu.memref_squeeze %dma_wait3A_47 : memref<1x120x128xf32, #tpu.memory_space<vmem>> -> memref<120x128xf32, #tpu.memory_space<vmem>>
    %dma_wait3A_49 = arith.constant 0 : i32
    %dma_wait3A_50 = arith.constant 0 : i32
    %dma_wait3A_51 = tpu.memref_slice %arg5[%dma_wait3A_49, %dma_wait3A_50] : memref<10112x128xf32, #tpu.memory_space<hbm>> -> memref<120x128xf32, #tpu.memory_space<hbm>>
    %dma_wait3A_52 = arith.constant 0 : i32
    %dma_wait3A_53 = arith.constant 0 : i32
    %dma_wait3A_54 = tpu.memref_slice %arg9[%dma_wait3A, %dma_wait3A_52, %dma_wait3A_53] : memref<3x120x128xf32, #tpu.memory_space<vmem>> -> memref<1x120x128xf32, #tpu.memory_space<vmem>>
    %dma_wait3A_55 = tpu.memref_squeeze %dma_wait3A_54 : memref<1x120x128xf32, #tpu.memory_space<vmem>> -> memref<120x128xf32, #tpu.memory_space<vmem>>
    %dma_wait3A_56 = arith.constant 0 : i32
    %dma_wait3A_57 = arith.constant 0 : i32
    %dma_wait3A_58 = tpu.memref_slice %arg5[%dma_wait3A_56, %dma_wait3A_57] : memref<10112x128xf32, #tpu.memory_space<hbm>> -> memref<120x128xf32, #tpu.memory_space<hbm>>
    tpu.wait_dma2 semaphore(%arg13 : memref<!tpu.dma_semaphore, #tpu.memory_space<semaphore_mem>>) src(%dma_wait3A_58 : memref<120x128xf32, #tpu.memory_space<hbm>>) dst(%dma_wait3A_55 : memref<120x128xf32, #tpu.memory_space<vmem>>)
    %dma_wait3A_59 = arith.constant 1 : i32
    %dma_wait3A_60 = arith.constant 0 : i32
    %dma_wait3A_61 = arith.constant 0 : i32
    %dma_wait3A_62 = tpu.memref_slice %arg9[%dma_wait3A_59, %dma_wait3A_60, %dma_wait3A_61] : memref<3x120x128xf32, #tpu.memory_space<vmem>> -> memref<1x120x128xf32, #tpu.memory_space<vmem>>
    %dma_wait3A_63 = tpu.memref_squeeze %dma_wait3A_62 : memref<1x120x128xf32, #tpu.memory_space<vmem>> -> memref<120x128xf32, #tpu.memory_space<vmem>>
    %dma_wait3A_64 = arith.constant 0 : i32
    %dma_wait3A_65 = arith.constant 0 : i32
    %dma_wait3A_66 = tpu.memref_slice %arg5[%dma_wait3A_64, %dma_wait3A_65] : memref<10112x128xf32, #tpu.memory_space<hbm>> -> memref<120x128xf32, #tpu.memory_space<hbm>>
    %dma_wait3A_67 = arith.constant 0 : i32
    %dma_wait3A_68 = arith.constant 0 : i32
    %dma_wait3A_69 = tpu.memref_slice %arg9[%dma_wait3A_59, %dma_wait3A_67, %dma_wait3A_68] : memref<3x120x128xf32, #tpu.memory_space<vmem>> -> memref<1x120x128xf32, #tpu.memory_space<vmem>>
    %dma_wait3A_70 = tpu.memref_squeeze %dma_wait3A_69 : memref<1x120x128xf32, #tpu.memory_space<vmem>> -> memref<120x128xf32, #tpu.memory_space<vmem>>
    %dma_wait3A_71 = arith.constant 0 : i32
    %dma_wait3A_72 = arith.constant 0 : i32
    %dma_wait3A_73 = tpu.memref_slice %arg5[%dma_wait3A_71, %dma_wait3A_72] : memref<10112x128xf32, #tpu.memory_space<hbm>> -> memref<120x128xf32, #tpu.memory_space<hbm>>
    tpu.wait_dma2 semaphore(%arg14 : memref<!tpu.dma_semaphore, #tpu.memory_space<semaphore_mem>>) src(%dma_wait3A_73 : memref<120x128xf32, #tpu.memory_space<hbm>>) dst(%dma_wait3A_70 : memref<120x128xf32, #tpu.memory_space<vmem>>)
    %dma_wait3A_74 = arith.constant 2 : i32
    %dma_wait3A_75 = arith.constant 0 : i32
    %dma_wait3A_76 = arith.constant 0 : i32
    %dma_wait3A_77 = tpu.memref_slice %arg9[%dma_wait3A_74, %dma_wait3A_75, %dma_wait3A_76] : memref<3x120x128xf32, #tpu.memory_space<vmem>> -> memref<1x120x128xf32, #tpu.memory_space<vmem>>
    %dma_wait3A_78 = tpu.memref_squeeze %dma_wait3A_77 : memref<1x120x128xf32, #tpu.memory_space<vmem>> -> memref<120x128xf32, #tpu.memory_space<vmem>>
    %dma_wait3A_79 = arith.constant 0 : i32
    %dma_wait3A_80 = arith.constant 0 : i32
    %dma_wait3A_81 = tpu.memref_slice %arg5[%dma_wait3A_79, %dma_wait3A_80] : memref<10112x128xf32, #tpu.memory_space<hbm>> -> memref<120x128xf32, #tpu.memory_space<hbm>>
    %dma_wait3A_82 = arith.constant 0 : i32
    %dma_wait3A_83 = arith.constant 0 : i32
    %dma_wait3A_84 = tpu.memref_slice %arg9[%dma_wait3A_74, %dma_wait3A_82, %dma_wait3A_83] : memref<3x120x128xf32, #tpu.memory_space<vmem>> -> memref<1x120x128xf32, #tpu.memory_space<vmem>>
    %dma_wait3A_85 = tpu.memref_squeeze %dma_wait3A_84 : memref<1x120x128xf32, #tpu.memory_space<vmem>> -> memref<120x128xf32, #tpu.memory_space<vmem>>
    %dma_wait3A_86 = arith.constant 0 : i32
    %dma_wait3A_87 = arith.constant 0 : i32
    %dma_wait3A_88 = tpu.memref_slice %arg5[%dma_wait3A_86, %dma_wait3A_87] : memref<10112x128xf32, #tpu.memory_space<hbm>> -> memref<120x128xf32, #tpu.memory_space<hbm>>
    tpu.wait_dma2 semaphore(%arg15 : memref<!tpu.dma_semaphore, #tpu.memory_space<semaphore_mem>>) src(%dma_wait3A_88 : memref<120x128xf32, #tpu.memory_space<hbm>>) dst(%dma_wait3A_85 : memref<120x128xf32, #tpu.memory_space<vmem>>)
    %barrier3A_89 = arith.constant 0 : index
    tpu.barrier barrier_id(%barrier3A_89)
    %mul3A_90 = arith.constant 632 : i32
    %mul3A_91 = arith.muli %arg1, %mul3A_90 : i32
    %mul3A_92 = arith.constant 632 : i32
    %mul3A_93 = arith.muli %arg1, %mul3A_92 : i32
    "tpu.region"() ({
      %run_scoped3A = tpu.sem_alloc : memref<!tpu.dma_semaphore, #tpu.memory_space<semaphore_mem>>
      %dma_start3A_94 = arith.constant 0 : i32
      %dma_start3A_95 = tpu.memref_slice %arg6[%arg0, %mul3A_93, %dma_start3A_94] : memref<2x10112x128xf32, #tpu.memory_space<hbm>> -> memref<1x632x128xf32, #tpu.memory_space<hbm>>
      %dma_start3A_96 = tpu.memref_squeeze %dma_start3A_95 : memref<1x632x128xf32, #tpu.memory_space<hbm>> -> memref<632x128xf32, #tpu.memory_space<hbm>>
      %dma_start3A_97 = arith.constant 0 : i32
      %dma_start3A_98 = tpu.memref_slice %arg17[%mul3A_91, %dma_start3A_97] : memref<10112x128xf32, #tpu.memory_space<vmem_shared>> -> memref<632x128xf32, #tpu.memory_space<vmem_shared>>
      tpu.enqueue_dma source(%dma_start3A_98 : memref<632x128xf32, #tpu.memory_space<vmem_shared>>) target(%dma_start3A_96 : memref<632x128xf32, #tpu.memory_space<hbm>>) target_semaphore(%run_scoped3A : memref<!tpu.dma_semaphore, #tpu.memory_space<semaphore_mem>>)
      %dma_wait3A_99 = arith.constant 0 : i32
      %dma_wait3A_100 = tpu.memref_slice %arg6[%arg0, %mul3A_93, %dma_wait3A_99] : memref<2x10112x128xf32, #tpu.memory_space<hbm>> -> memref<1x632x128xf32, #tpu.memory_space<hbm>>
      %dma_wait3A_101 = tpu.memref_squeeze %dma_wait3A_100 : memref<1x632x128xf32, #tpu.memory_space<hbm>> -> memref<632x128xf32, #tpu.memory_space<hbm>>
      %dma_wait3A_102 = arith.constant 0 : i32
      %dma_wait3A_103 = tpu.memref_slice %arg17[%mul3A_91, %dma_wait3A_102] : memref<10112x128xf32, #tpu.memory_space<vmem_shared>> -> memref<632x128xf32, #tpu.memory_space<vmem_shared>>
      tpu.wait_dma2 semaphore(%run_scoped3A : memref<!tpu.dma_semaphore, #tpu.memory_space<semaphore_mem>>) src(%dma_wait3A_103 : memref<632x128xf32, #tpu.memory_space<vmem_shared>>) dst(%dma_wait3A_101 : memref<632x128xf32, #tpu.memory_space<hbm>>)
      tpu.yield
    }) : () -> ()
    return
  }
}

#map = affine_map<(d0, d1) -> (0, 0)>
#map1 = affine_map<(d0, d1) -> (0, 0, 0)>
module attributes {stable_mosaic.version = 14 : i64} {
  func.func @_sc_body(%arg0: i32, %arg1: i32, %arg2: memref<130000x128xf32, #tpu.memory_space<hbm>>, %arg3: memref<896x3x120xi32, #tpu.memory_space<hbm>>, %arg4: memref<896x3x120xi32, #tpu.memory_space<hbm>>, %arg5: memref<10112x128xf32, #tpu.memory_space<hbm>>, %arg6: memref<2x10112x128xf32, #tpu.memory_space<hbm>>, %arg7: memref<2x3x120xi32, #tpu.memory_space<vmem>>, %arg8: memref<3x3x120xi32, #tpu.memory_space<vmem>>, %arg9: memref<3x120x128xf32, #tpu.memory_space<vmem>>, %arg10: memref<!tpu.dma_semaphore, #tpu.memory_space<semaphore_mem>>, %arg11: memref<!tpu.dma_semaphore, #tpu.memory_space<semaphore_mem>>, %arg12: memref<!tpu.dma_semaphore, #tpu.memory_space<semaphore_mem>>, %arg13: memref<!tpu.dma_semaphore, #tpu.memory_space<semaphore_mem>>, %arg14: memref<!tpu.dma_semaphore, #tpu.memory_space<semaphore_mem>>, %arg15: memref<!tpu.dma_semaphore, #tpu.memory_space<semaphore_mem>>, %arg16: memref<!tpu.dma_semaphore, #tpu.memory_space<semaphore_mem>>, %arg17: memref<10112x128xf32, #tpu.memory_space<vmem_shared>>) attributes {dimension_semantics = [#tpu.dimension_semantics<core_parallel>, #tpu.dimension_semantics<subcore_parallel>], iteration_bounds = array<i64: 2, 16>, scalar_prefetch = 0 : i64, scratch_operands = 11 : i64, tpu.core_type = #tpu.core_type<sc_vector_subcore>, window_params = [{transform_indices = #map}, {transform_indices = #map1}, {transform_indices = #map1}, {transform_indices = #map}, {transform_indices = #map1}]} {
    %mul3A = arith.constant 2 : i32
    %mul3A_0 = arith.muli %arg1, %mul3A : i32
    %add3A = arith.addi %mul3A_0, %arg0 : i32
    %mul3A_1 = arith.constant 632 : i32
    %mul3A_2 = arith.muli %arg1, %mul3A_1 : i32
    %mul3A_3 = arith.constant 632 : i32
    %mul3A_4 = arith.muli %arg1, %mul3A_3 : i32
    "tpu.region"() ({
      %run_scoped3A = tpu.sem_alloc : memref<!tpu.dma_semaphore, #tpu.memory_space<semaphore_mem>>
      %dma_start3A_94 = arith.constant 0 : i32
      %dma_start3A_95 = tpu.memref_slice %arg17[%mul3A_4, %dma_start3A_94] : memref<10112x128xf32, #tpu.memory_space<vmem_shared>> -> memref<632x128xf32, #tpu.memory_space<vmem_shared>>
      %dma_start3A_96 = arith.constant 0 : i32
      %dma_start3A_97 = tpu.memref_slice %arg5[%mul3A_2, %dma_start3A_96] : memref<10112x128xf32, #tpu.memory_space<hbm>> -> memref<632x128xf32, #tpu.memory_space<hbm>>
      tpu.enqueue_dma source(%dma_start3A_97 : memref<632x128xf32, #tpu.memory_space<hbm>>) target(%dma_start3A_95 : memref<632x128xf32, #tpu.memory_space<vmem_shared>>) target_semaphore(%run_scoped3A : memref<!tpu.dma_semaphore, #tpu.memory_space<semaphore_mem>>)
      %dma_wait3A_98 = arith.constant 0 : i32
      %dma_wait3A_99 = tpu.memref_slice %arg17[%mul3A_4, %dma_wait3A_98] : memref<10112x128xf32, #tpu.memory_space<vmem_shared>> -> memref<632x128xf32, #tpu.memory_space<vmem_shared>>
      %dma_wait3A_100 = arith.constant 0 : i32
      %dma_wait3A_101 = tpu.memref_slice %arg5[%mul3A_2, %dma_wait3A_100] : memref<10112x128xf32, #tpu.memory_space<hbm>> -> memref<632x128xf32, #tpu.memory_space<hbm>>
      tpu.wait_dma2 semaphore(%run_scoped3A : memref<!tpu.dma_semaphore, #tpu.memory_space<semaphore_mem>>) src(%dma_wait3A_101 : memref<632x128xf32, #tpu.memory_space<hbm>>) dst(%dma_wait3A_99 : memref<632x128xf32, #tpu.memory_space<vmem_shared>>)
      tpu.yield
    }) : () -> ()
    %mul3A_5 = arith.constant 28 : i32
    %mul3A_6 = arith.muli %add3A, %mul3A_5 : i32
    %dma_start3A = arith.constant 0 : i32
    %dma_start3A_7 = arith.constant 0 : i32
    %dma_start3A_8 = arith.constant 0 : i32
    %dma_start3A_9 = tpu.memref_slice %arg7[%dma_start3A, %dma_start3A_7, %dma_start3A_8] : memref<2x3x120xi32, #tpu.memory_space<vmem>> -> memref<1x3x120xi32, #tpu.memory_space<vmem>>
    %dma_start3A_10 = tpu.memref_squeeze %dma_start3A_9 : memref<1x3x120xi32, #tpu.memory_space<vmem>> -> memref<3x120xi32, #tpu.memory_space<vmem>>
    %dma_start3A_11 = arith.constant 0 : i32
    %dma_start3A_12 = arith.constant 0 : i32
    %dma_start3A_13 = tpu.memref_slice %arg3[%mul3A_6, %dma_start3A_11, %dma_start3A_12] : memref<896x3x120xi32, #tpu.memory_space<hbm>> -> memref<1x3x120xi32, #tpu.memory_space<hbm>>
    %dma_start3A_14 = tpu.memref_squeeze %dma_start3A_13 : memref<1x3x120xi32, #tpu.memory_space<hbm>> -> memref<3x120xi32, #tpu.memory_space<hbm>>
    %dma_start3A_15 = arith.constant 0 : i32
    %dma_start3A_16 = arith.constant 0 : i32
    %dma_start3A_17 = tpu.memref_slice %arg7[%dma_start3A, %dma_start3A_15, %dma_start3A_16] : memref<2x3x120xi32, #tpu.memory_space<vmem>> -> memref<1x3x120xi32, #tpu.memory_space<vmem>>
    %dma_start3A_18 = tpu.memref_squeeze %dma_start3A_17 : memref<1x3x120xi32, #tpu.memory_space<vmem>> -> memref<3x120xi32, #tpu.memory_space<vmem>>
    %dma_start3A_19 = arith.constant 0 : i32
    %dma_start3A_20 = arith.constant 0 : i32
    %dma_start3A_21 = tpu.memref_slice %arg3[%mul3A_6, %dma_start3A_19, %dma_start3A_20] : memref<896x3x120xi32, #tpu.memory_space<hbm>> -> memref<1x3x120xi32, #tpu.memory_space<hbm>>
    %dma_start3A_22 = tpu.memref_squeeze %dma_start3A_21 : memref<1x3x120xi32, #tpu.memory_space<hbm>> -> memref<3x120xi32, #tpu.memory_space<hbm>>
    tpu.enqueue_dma source(%dma_start3A_22 : memref<3x120xi32, #tpu.memory_space<hbm>>) target(%dma_start3A_18 : memref<3x120xi32, #tpu.memory_space<vmem>>) target_semaphore(%arg16 : memref<!tpu.dma_semaphore, #tpu.memory_space<semaphore_mem>>)
    %dma_start3A_23 = arith.constant 0 : i32
    %dma_start3A_24 = arith.constant 0 : i32
    %dma_start3A_25 = arith.constant 0 : i32
    %dma_start3A_26 = tpu.memref_slice %arg8[%dma_start3A_23, %dma_start3A_24, %dma_start3A_25] : memref<3x3x120xi32, #tpu.memory_space<vmem>> -> memref<1x3x120xi32, #tpu.memory_space<vmem>>
    %dma_start3A_27 = tpu.memref_squeeze %dma_start3A_26 : memref<1x3x120xi32, #tpu.memory_space<vmem>> -> memref<3x120xi32, #tpu.memory_space<vmem>>
    %dma_start3A_28 = arith.constant 0 : i32
    %dma_start3A_29 = arith.constant 0 : i32
    %dma_start3A_30 = tpu.memref_slice %arg4[%mul3A_6, %dma_start3A_28, %dma_start3A_29] : memref<896x3x120xi32, #tpu.memory_space<hbm>> -> memref<1x3x120xi32, #tpu.memory_space<hbm>>
    %dma_start3A_31 = tpu.memref_squeeze %dma_start3A_30 : memref<1x3x120xi32, #tpu.memory_space<hbm>> -> memref<3x120xi32, #tpu.memory_space<hbm>>
    %dma_start3A_32 = arith.constant 0 : i32
    %dma_start3A_33 = arith.constant 0 : i32
    %dma_start3A_34 = tpu.memref_slice %arg8[%dma_start3A_23, %dma_start3A_32, %dma_start3A_33] : memref<3x3x120xi32, #tpu.memory_space<vmem>> -> memref<1x3x120xi32, #tpu.memory_space<vmem>>
    %dma_start3A_35 = tpu.memref_squeeze %dma_start3A_34 : memref<1x3x120xi32, #tpu.memory_space<vmem>> -> memref<3x120xi32, #tpu.memory_space<vmem>>
    %dma_start3A_36 = arith.constant 0 : i32
    %dma_start3A_37 = arith.constant 0 : i32
    %dma_start3A_38 = tpu.memref_slice %arg4[%mul3A_6, %dma_start3A_36, %dma_start3A_37] : memref<896x3x120xi32, #tpu.memory_space<hbm>> -> memref<1x3x120xi32, #tpu.memory_space<hbm>>
    %dma_start3A_39 = tpu.memref_squeeze %dma_start3A_38 : memref<1x3x120xi32, #tpu.memory_space<hbm>> -> memref<3x120xi32, #tpu.memory_space<hbm>>
    tpu.enqueue_dma source(%dma_start3A_39 : memref<3x120xi32, #tpu.memory_space<hbm>>) target(%dma_start3A_35 : memref<3x120xi32, #tpu.memory_space<vmem>>) target_semaphore(%arg16 : memref<!tpu.dma_semaphore, #tpu.memory_space<semaphore_mem>>)
    %barrier3A = arith.constant 0 : index
    tpu.barrier barrier_id(%barrier3A)
    %scan3A = arith.constant 0 : i32
    %scan3A_40 = arith.constant 0 : i32
    %scan3A_41 = arith.constant 28 : i32
    %scan3A_42 = arith.addi %scan3A_40, %scan3A_41 : i32
    %scan3A_43 = arith.constant 1 : i32
    scf.for %scan3A_94 = %scan3A_40 to %scan3A_42 step %scan3A_43  : i32 {
      %rem3A = arith.constant 2 : i32
      %rem3A_95 = arith.remsi %scan3A_94, %rem3A : i32
      %rem3A_96 = arith.constant 3 : i32
      %rem3A_97 = arith.remsi %scan3A_94, %rem3A_96 : i32
      %dma_wait3A_98 = arith.constant 0 : i32
      %dma_wait3A_99 = arith.constant 0 : i32
      %dma_wait3A_100 = tpu.memref_slice %arg7[%rem3A_95, %dma_wait3A_98, %dma_wait3A_99] : memref<2x3x120xi32, #tpu.memory_space<vmem>> -> memref<1x3x120xi32, #tpu.memory_space<vmem>>
      %dma_wait3A_101 = tpu.memref_squeeze %dma_wait3A_100 : memref<1x3x120xi32, #tpu.memory_space<vmem>> -> memref<3x120xi32, #tpu.memory_space<vmem>>
      %dma_wait3A_102 = arith.constant 0 : i32
      %dma_wait3A_103 = arith.constant 0 : i32
      %dma_wait3A_104 = tpu.memref_slice %arg3[%mul3A_6, %dma_wait3A_102, %dma_wait3A_103] : memref<896x3x120xi32, #tpu.memory_space<hbm>> -> memref<1x3x120xi32, #tpu.memory_space<hbm>>
      %dma_wait3A_105 = tpu.memref_squeeze %dma_wait3A_104 : memref<1x3x120xi32, #tpu.memory_space<hbm>> -> memref<3x120xi32, #tpu.memory_space<hbm>>
      %dma_wait3A_106 = arith.constant 0 : i32
      %dma_wait3A_107 = arith.constant 0 : i32
      %dma_wait3A_108 = tpu.memref_slice %arg7[%rem3A_95, %dma_wait3A_106, %dma_wait3A_107] : memref<2x3x120xi32, #tpu.memory_space<vmem>> -> memref<1x3x120xi32, #tpu.memory_space<vmem>>
      %dma_wait3A_109 = tpu.memref_squeeze %dma_wait3A_108 : memref<1x3x120xi32, #tpu.memory_space<vmem>> -> memref<3x120xi32, #tpu.memory_space<vmem>>
      %dma_wait3A_110 = arith.constant 0 : i32
      %dma_wait3A_111 = arith.constant 0 : i32
      %dma_wait3A_112 = tpu.memref_slice %arg3[%mul3A_6, %dma_wait3A_110, %dma_wait3A_111] : memref<896x3x120xi32, #tpu.memory_space<hbm>> -> memref<1x3x120xi32, #tpu.memory_space<hbm>>
      %dma_wait3A_113 = tpu.memref_squeeze %dma_wait3A_112 : memref<1x3x120xi32, #tpu.memory_space<hbm>> -> memref<3x120xi32, #tpu.memory_space<hbm>>
      tpu.wait_dma2 semaphore(%arg16 : memref<!tpu.dma_semaphore, #tpu.memory_space<semaphore_mem>>) src(%dma_wait3A_113 : memref<3x120xi32, #tpu.memory_space<hbm>>) dst(%dma_wait3A_109 : memref<3x120xi32, #tpu.memory_space<vmem>>)
      %dma_wait3A_114 = arith.constant 0 : i32
      %dma_wait3A_115 = arith.constant 0 : i32
      %dma_wait3A_116 = tpu.memref_slice %arg7[%rem3A_95, %dma_wait3A_114, %dma_wait3A_115] : memref<2x3x120xi32, #tpu.memory_space<vmem>> -> memref<1x3x120xi32, #tpu.memory_space<vmem>>
      %dma_wait3A_117 = tpu.memref_squeeze %dma_wait3A_116 : memref<1x3x120xi32, #tpu.memory_space<vmem>> -> memref<3x120xi32, #tpu.memory_space<vmem>>
      %dma_wait3A_118 = arith.constant 0 : i32
      %dma_wait3A_119 = arith.constant 0 : i32
      %dma_wait3A_120 = tpu.memref_slice %arg3[%mul3A_6, %dma_wait3A_118, %dma_wait3A_119] : memref<896x3x120xi32, #tpu.memory_space<hbm>> -> memref<1x3x120xi32, #tpu.memory_space<hbm>>
      %dma_wait3A_121 = tpu.memref_squeeze %dma_wait3A_120 : memref<1x3x120xi32, #tpu.memory_space<hbm>> -> memref<3x120xi32, #tpu.memory_space<hbm>>
      %dma_wait3A_122 = arith.constant 0 : i32
      %dma_wait3A_123 = arith.constant 0 : i32
      %dma_wait3A_124 = tpu.memref_slice %arg7[%rem3A_95, %dma_wait3A_122, %dma_wait3A_123] : memref<2x3x120xi32, #tpu.memory_space<vmem>> -> memref<1x3x120xi32, #tpu.memory_space<vmem>>
      %dma_wait3A_125 = tpu.memref_squeeze %dma_wait3A_124 : memref<1x3x120xi32, #tpu.memory_space<vmem>> -> memref<3x120xi32, #tpu.memory_space<vmem>>
      %dma_wait3A_126 = arith.constant 0 : i32
      %dma_wait3A_127 = arith.constant 0 : i32
      %dma_wait3A_128 = tpu.memref_slice %arg3[%mul3A_6, %dma_wait3A_126, %dma_wait3A_127] : memref<896x3x120xi32, #tpu.memory_space<hbm>> -> memref<1x3x120xi32, #tpu.memory_space<hbm>>
      %dma_wait3A_129 = tpu.memref_squeeze %dma_wait3A_128 : memref<1x3x120xi32, #tpu.memory_space<hbm>> -> memref<3x120xi32, #tpu.memory_space<hbm>>
      tpu.wait_dma2 semaphore(%arg16 : memref<!tpu.dma_semaphore, #tpu.memory_space<semaphore_mem>>) src(%dma_wait3A_129 : memref<3x120xi32, #tpu.memory_space<hbm>>) dst(%dma_wait3A_125 : memref<3x120xi32, #tpu.memory_space<vmem>>)
      %add3A_130 = arith.constant 1 : i32
      %add3A_131 = arith.addi %scan3A_94, %add3A_130 : i32
      %lt3A = arith.constant 28 : i32
      %lt3A_132 = arith.cmpi slt, %add3A_131, %lt3A : i32
      %convert_element_type3A = arith.extui %lt3A_132 : i1 to i32
      %cond3A = arith.constant 0 : i32
      %cond3A_133 = arith.cmpi ne, %convert_element_type3A, %cond3A : i32
      scf.if %cond3A_133 {
        %mul3A_256 = arith.constant 28 : i32
        %mul3A_257 = arith.muli %add3A, %mul3A_256 : i32
        %add3A_258 = arith.addi %mul3A_257, %scan3A_94 : i32
        %add3A_259 = arith.constant 1 : i32
        %add3A_260 = arith.addi %add3A_258, %add3A_259 : i32
        %sub3A = arith.constant 1 : i32
        %sub3A_261 = arith.subi %sub3A, %rem3A_95 : i32
        %dma_start3A_262 = arith.constant 0 : i32
        %dma_start3A_263 = arith.constant 0 : i32
        %dma_start3A_264 = tpu.memref_slice %arg7[%sub3A_261, %dma_start3A_262, %dma_start3A_263] : memref<2x3x120xi32, #tpu.memory_space<vmem>> -> memref<1x3x120xi32, #tpu.memory_space<vmem>>
        %dma_start3A_265 = tpu.memref_squeeze %dma_start3A_264 : memref<1x3x120xi32, #tpu.memory_space<vmem>> -> memref<3x120xi32, #tpu.memory_space<vmem>>
        %dma_start3A_266 = arith.constant 0 : i32
        %dma_start3A_267 = arith.constant 0 : i32
        %dma_start3A_268 = tpu.memref_slice %arg3[%add3A_260, %dma_start3A_266, %dma_start3A_267] : memref<896x3x120xi32, #tpu.memory_space<hbm>> -> memref<1x3x120xi32, #tpu.memory_space<hbm>>
        %dma_start3A_269 = tpu.memref_squeeze %dma_start3A_268 : memref<1x3x120xi32, #tpu.memory_space<hbm>> -> memref<3x120xi32, #tpu.memory_space<hbm>>
        %dma_start3A_270 = arith.constant 0 : i32
        %dma_start3A_271 = arith.constant 0 : i32
        %dma_start3A_272 = tpu.memref_slice %arg7[%sub3A_261, %dma_start3A_270, %dma_start3A_271] : memref<2x3x120xi32, #tpu.memory_space<vmem>> -> memref<1x3x120xi32, #tpu.memory_space<vmem>>
        %dma_start3A_273 = tpu.memref_squeeze %dma_start3A_272 : memref<1x3x120xi32, #tpu.memory_space<vmem>> -> memref<3x120xi32, #tpu.memory_space<vmem>>
        %dma_start3A_274 = arith.constant 0 : i32
        %dma_start3A_275 = arith.constant 0 : i32
        %dma_start3A_276 = tpu.memref_slice %arg3[%add3A_260, %dma_start3A_274, %dma_start3A_275] : memref<896x3x120xi32, #tpu.memory_space<hbm>> -> memref<1x3x120xi32, #tpu.memory_space<hbm>>
        %dma_start3A_277 = tpu.memref_squeeze %dma_start3A_276 : memref<1x3x120xi32, #tpu.memory_space<hbm>> -> memref<3x120xi32, #tpu.memory_space<hbm>>
        tpu.enqueue_dma source(%dma_start3A_277 : memref<3x120xi32, #tpu.memory_space<hbm>>) target(%dma_start3A_273 : memref<3x120xi32, #tpu.memory_space<vmem>>) target_semaphore(%arg16 : memref<!tpu.dma_semaphore, #tpu.memory_space<semaphore_mem>>)
        %add3A_278 = arith.constant 1 : i32
        %add3A_279 = arith.addi %scan3A_94, %add3A_278 : i32
        %rem3A_280 = arith.constant 3 : i32
        %rem3A_281 = arith.remsi %add3A_279, %rem3A_280 : i32
        %dma_start3A_282 = arith.constant 0 : i32
        %dma_start3A_283 = arith.constant 0 : i32
        %dma_start3A_284 = tpu.memref_slice %arg8[%rem3A_281, %dma_start3A_282, %dma_start3A_283] : memref<3x3x120xi32, #tpu.memory_space<vmem>> -> memref<1x3x120xi32, #tpu.memory_space<vmem>>
        %dma_start3A_285 = tpu.memref_squeeze %dma_start3A_284 : memref<1x3x120xi32, #tpu.memory_space<vmem>> -> memref<3x120xi32, #tpu.memory_space<vmem>>
        %dma_start3A_286 = arith.constant 0 : i32
        %dma_start3A_287 = arith.constant 0 : i32
        %dma_start3A_288 = tpu.memref_slice %arg4[%add3A_260, %dma_start3A_286, %dma_start3A_287] : memref<896x3x120xi32, #tpu.memory_space<hbm>> -> memref<1x3x120xi32, #tpu.memory_space<hbm>>
        %dma_start3A_289 = tpu.memref_squeeze %dma_start3A_288 : memref<1x3x120xi32, #tpu.memory_space<hbm>> -> memref<3x120xi32, #tpu.memory_space<hbm>>
        %dma_start3A_290 = arith.constant 0 : i32
        %dma_start3A_291 = arith.constant 0 : i32
        %dma_start3A_292 = tpu.memref_slice %arg8[%rem3A_281, %dma_start3A_290, %dma_start3A_291] : memref<3x3x120xi32, #tpu.memory_space<vmem>> -> memref<1x3x120xi32, #tpu.memory_space<vmem>>
        %dma_start3A_293 = tpu.memref_squeeze %dma_start3A_292 : memref<1x3x120xi32, #tpu.memory_space<vmem>> -> memref<3x120xi32, #tpu.memory_space<vmem>>
        %dma_start3A_294 = arith.constant 0 : i32
        %dma_start3A_295 = arith.constant 0 : i32
        %dma_start3A_296 = tpu.memref_slice %arg4[%add3A_260, %dma_start3A_294, %dma_start3A_295] : memref<896x3x120xi32, #tpu.memory_space<hbm>> -> memref<1x3x120xi32, #tpu.memory_space<hbm>>
        %dma_start3A_297 = tpu.memref_squeeze %dma_start3A_296 : memref<1x3x120xi32, #tpu.memory_space<hbm>> -> memref<3x120xi32, #tpu.memory_space<hbm>>
        tpu.enqueue_dma source(%dma_start3A_297 : memref<3x120xi32, #tpu.memory_space<hbm>>) target(%dma_start3A_293 : memref<3x120xi32, #tpu.memory_space<vmem>>) target_semaphore(%arg16 : memref<!tpu.dma_semaphore, #tpu.memory_space<semaphore_mem>>)
      } else {
      }
      %gt3A = arith.constant 0 : i32
      %gt3A_134 = arith.cmpi sgt, %scan3A_94, %gt3A : i32
      %convert_element_type3A_135 = arith.extui %gt3A_134 : i1 to i32
      %cond3A_136 = arith.constant 0 : i32
      %cond3A_137 = arith.cmpi ne, %convert_element_type3A_135, %cond3A_136 : i32
      scf.if %cond3A_137 {
        %dma_wait3A_256 = arith.constant 0 : i32
        %dma_wait3A_257 = arith.constant 0 : i32
        %dma_wait3A_258 = arith.constant 0 : i32
        %dma_wait3A_259 = tpu.memref_slice %arg9[%dma_wait3A_256, %dma_wait3A_257, %dma_wait3A_258] : memref<3x120x128xf32, #tpu.memory_space<vmem>> -> memref<1x120x128xf32, #tpu.memory_space<vmem>>
        %dma_wait3A_260 = tpu.memref_squeeze %dma_wait3A_259 : memref<1x120x128xf32, #tpu.memory_space<vmem>> -> memref<120x128xf32, #tpu.memory_space<vmem>>
        %dma_wait3A_261 = arith.constant 0 : i32
        %dma_wait3A_262 = arith.constant 0 : i32
        %dma_wait3A_263 = tpu.memref_slice %arg5[%dma_wait3A_261, %dma_wait3A_262] : memref<10112x128xf32, #tpu.memory_space<hbm>> -> memref<120x128xf32, #tpu.memory_space<hbm>>
        %dma_wait3A_264 = arith.constant 0 : i32
        %dma_wait3A_265 = arith.constant 0 : i32
        %dma_wait3A_266 = tpu.memref_slice %arg9[%dma_wait3A_256, %dma_wait3A_264, %dma_wait3A_265] : memref<3x120x128xf32, #tpu.memory_space<vmem>> -> memref<1x120x128xf32, #tpu.memory_space<vmem>>
        %dma_wait3A_267 = tpu.memref_squeeze %dma_wait3A_266 : memref<1x120x128xf32, #tpu.memory_space<vmem>> -> memref<120x128xf32, #tpu.memory_space<vmem>>
        %dma_wait3A_268 = arith.constant 0 : i32
        %dma_wait3A_269 = arith.constant 0 : i32
        %dma_wait3A_270 = tpu.memref_slice %arg5[%dma_wait3A_268, %dma_wait3A_269] : memref<10112x128xf32, #tpu.memory_space<hbm>> -> memref<120x128xf32, #tpu.memory_space<hbm>>
        tpu.wait_dma2 semaphore(%arg13 : memref<!tpu.dma_semaphore, #tpu.memory_space<semaphore_mem>>) src(%dma_wait3A_270 : memref<120x128xf32, #tpu.memory_space<hbm>>) dst(%dma_wait3A_267 : memref<120x128xf32, #tpu.memory_space<vmem>>)
      } else {
      }
      %dma_start3A_138 = arith.constant 0 : i32
      %dma_start3A_139 = arith.constant 0 : i32
      %dma_start3A_140 = arith.constant 0 : i32
      %dma_start3A_141 = arith.constant 0 : i32
      %dma_start3A_142 = tpu.memref_slice %arg9[%dma_start3A_139, %dma_start3A_140, %dma_start3A_141] : memref<3x120x128xf32, #tpu.memory_space<vmem>> -> memref<1x120x128xf32, #tpu.memory_space<vmem>>
      %dma_start3A_143 = tpu.memref_squeeze %dma_start3A_142 : memref<1x120x128xf32, #tpu.memory_space<vmem>> -> memref<120x128xf32, #tpu.memory_space<vmem>>
      %dma_start3A_144 = arith.constant 0 : i32
      %dma_start3A_145 = tpu.memref_slice %arg7[%rem3A_95, %dma_start3A_138, %dma_start3A_144] : memref<2x3x120xi32, #tpu.memory_space<vmem>> -> memref<1x1x120xi32, #tpu.memory_space<vmem>>
      %dma_start3A_146 = tpu.memref_squeeze %dma_start3A_145 : memref<1x1x120xi32, #tpu.memory_space<vmem>> -> memref<120xi32, #tpu.memory_space<vmem>>
      %dma_start3A_147 = arith.constant 0 : i32
      %dma_start3A_148 = arith.constant 0 : i32
      %dma_start3A_149 = tpu.memref_slice %arg2[%dma_start3A_147, %dma_start3A_148] : memref<130000x128xf32, #tpu.memory_space<hbm>> -> memref<130000x128xf32, #tpu.memory_space<hbm>>
      tpu.enqueue_indirect_dma source(%dma_start3A_149 : memref<130000x128xf32, #tpu.memory_space<hbm>>) target(%dma_start3A_143 : memref<120x128xf32, #tpu.memory_space<vmem>>) offsets(%dma_start3A_146 : memref<120xi32, #tpu.memory_space<vmem>>) semaphore(%arg10 : memref<!tpu.dma_semaphore, #tpu.memory_space<semaphore_mem>>)
      %gt3A_150 = arith.constant 0 : i32
      %gt3A_151 = arith.cmpi sgt, %scan3A_94, %gt3A_150 : i32
      %convert_element_type3A_152 = arith.extui %gt3A_151 : i1 to i32
      %cond3A_153 = arith.constant 0 : i32
      %cond3A_154 = arith.cmpi ne, %convert_element_type3A_152, %cond3A_153 : i32
      scf.if %cond3A_154 {
        %dma_wait3A_256 = arith.constant 1 : i32
        %dma_wait3A_257 = arith.constant 0 : i32
        %dma_wait3A_258 = arith.constant 0 : i32
        %dma_wait3A_259 = tpu.memref_slice %arg9[%dma_wait3A_256, %dma_wait3A_257, %dma_wait3A_258] : memref<3x120x128xf32, #tpu.memory_space<vmem>> -> memref<1x120x128xf32, #tpu.memory_space<vmem>>
        %dma_wait3A_260 = tpu.memref_squeeze %dma_wait3A_259 : memref<1x120x128xf32, #tpu.memory_space<vmem>> -> memref<120x128xf32, #tpu.memory_space<vmem>>
        %dma_wait3A_261 = arith.constant 0 : i32
        %dma_wait3A_262 = arith.constant 0 : i32
        %dma_wait3A_263 = tpu.memref_slice %arg5[%dma_wait3A_261, %dma_wait3A_262] : memref<10112x128xf32, #tpu.memory_space<hbm>> -> memref<120x128xf32, #tpu.memory_space<hbm>>
        %dma_wait3A_264 = arith.constant 0 : i32
        %dma_wait3A_265 = arith.constant 0 : i32
        %dma_wait3A_266 = tpu.memref_slice %arg9[%dma_wait3A_256, %dma_wait3A_264, %dma_wait3A_265] : memref<3x120x128xf32, #tpu.memory_space<vmem>> -> memref<1x120x128xf32, #tpu.memory_space<vmem>>
        %dma_wait3A_267 = tpu.memref_squeeze %dma_wait3A_266 : memref<1x120x128xf32, #tpu.memory_space<vmem>> -> memref<120x128xf32, #tpu.memory_space<vmem>>
        %dma_wait3A_268 = arith.constant 0 : i32
        %dma_wait3A_269 = arith.constant 0 : i32
        %dma_wait3A_270 = tpu.memref_slice %arg5[%dma_wait3A_268, %dma_wait3A_269] : memref<10112x128xf32, #tpu.memory_space<hbm>> -> memref<120x128xf32, #tpu.memory_space<hbm>>
        tpu.wait_dma2 semaphore(%arg14 : memref<!tpu.dma_semaphore, #tpu.memory_space<semaphore_mem>>) src(%dma_wait3A_270 : memref<120x128xf32, #tpu.memory_space<hbm>>) dst(%dma_wait3A_267 : memref<120x128xf32, #tpu.memory_space<vmem>>)
      } else {
      }
      %dma_start3A_155 = arith.constant 1 : i32
      %dma_start3A_156 = arith.constant 1 : i32
      %dma_start3A_157 = arith.constant 0 : i32
      %dma_start3A_158 = arith.constant 0 : i32
      %dma_start3A_159 = tpu.memref_slice %arg9[%dma_start3A_156, %dma_start3A_157, %dma_start3A_158] : memref<3x120x128xf32, #tpu.memory_space<vmem>> -> memref<1x120x128xf32, #tpu.memory_space<vmem>>
      %dma_start3A_160 = tpu.memref_squeeze %dma_start3A_159 : memref<1x120x128xf32, #tpu.memory_space<vmem>> -> memref<120x128xf32, #tpu.memory_space<vmem>>
      %dma_start3A_161 = arith.constant 0 : i32
      %dma_start3A_162 = tpu.memref_slice %arg7[%rem3A_95, %dma_start3A_155, %dma_start3A_161] : memref<2x3x120xi32, #tpu.memory_space<vmem>> -> memref<1x1x120xi32, #tpu.memory_space<vmem>>
      %dma_start3A_163 = tpu.memref_squeeze %dma_start3A_162 : memref<1x1x120xi32, #tpu.memory_space<vmem>> -> memref<120xi32, #tpu.memory_space<vmem>>
      %dma_start3A_164 = arith.constant 0 : i32
      %dma_start3A_165 = arith.constant 0 : i32
      %dma_start3A_166 = tpu.memref_slice %arg2[%dma_start3A_164, %dma_start3A_165] : memref<130000x128xf32, #tpu.memory_space<hbm>> -> memref<130000x128xf32, #tpu.memory_space<hbm>>
      tpu.enqueue_indirect_dma source(%dma_start3A_166 : memref<130000x128xf32, #tpu.memory_space<hbm>>) target(%dma_start3A_160 : memref<120x128xf32, #tpu.memory_space<vmem>>) offsets(%dma_start3A_163 : memref<120xi32, #tpu.memory_space<vmem>>) semaphore(%arg11 : memref<!tpu.dma_semaphore, #tpu.memory_space<semaphore_mem>>)
      %gt3A_167 = arith.constant 0 : i32
      %gt3A_168 = arith.cmpi sgt, %scan3A_94, %gt3A_167 : i32
      %convert_element_type3A_169 = arith.extui %gt3A_168 : i1 to i32
      %cond3A_170 = arith.constant 0 : i32
      %cond3A_171 = arith.cmpi ne, %convert_element_type3A_169, %cond3A_170 : i32
      scf.if %cond3A_171 {
        %dma_wait3A_256 = arith.constant 2 : i32
        %dma_wait3A_257 = arith.constant 0 : i32
        %dma_wait3A_258 = arith.constant 0 : i32
        %dma_wait3A_259 = tpu.memref_slice %arg9[%dma_wait3A_256, %dma_wait3A_257, %dma_wait3A_258] : memref<3x120x128xf32, #tpu.memory_space<vmem>> -> memref<1x120x128xf32, #tpu.memory_space<vmem>>
        %dma_wait3A_260 = tpu.memref_squeeze %dma_wait3A_259 : memref<1x120x128xf32, #tpu.memory_space<vmem>> -> memref<120x128xf32, #tpu.memory_space<vmem>>
        %dma_wait3A_261 = arith.constant 0 : i32
        %dma_wait3A_262 = arith.constant 0 : i32
        %dma_wait3A_263 = tpu.memref_slice %arg5[%dma_wait3A_261, %dma_wait3A_262] : memref<10112x128xf32, #tpu.memory_space<hbm>> -> memref<120x128xf32, #tpu.memory_space<hbm>>
        %dma_wait3A_264 = arith.constant 0 : i32
        %dma_wait3A_265 = arith.constant 0 : i32
        %dma_wait3A_266 = tpu.memref_slice %arg9[%dma_wait3A_256, %dma_wait3A_264, %dma_wait3A_265] : memref<3x120x128xf32, #tpu.memory_space<vmem>> -> memref<1x120x128xf32, #tpu.memory_space<vmem>>
        %dma_wait3A_267 = tpu.memref_squeeze %dma_wait3A_266 : memref<1x120x128xf32, #tpu.memory_space<vmem>> -> memref<120x128xf32, #tpu.memory_space<vmem>>
        %dma_wait3A_268 = arith.constant 0 : i32
        %dma_wait3A_269 = arith.constant 0 : i32
        %dma_wait3A_270 = tpu.memref_slice %arg5[%dma_wait3A_268, %dma_wait3A_269] : memref<10112x128xf32, #tpu.memory_space<hbm>> -> memref<120x128xf32, #tpu.memory_space<hbm>>
        tpu.wait_dma2 semaphore(%arg15 : memref<!tpu.dma_semaphore, #tpu.memory_space<semaphore_mem>>) src(%dma_wait3A_270 : memref<120x128xf32, #tpu.memory_space<hbm>>) dst(%dma_wait3A_267 : memref<120x128xf32, #tpu.memory_space<vmem>>)
      } else {
      }
      %dma_start3A_172 = arith.constant 2 : i32
      %dma_start3A_173 = arith.constant 2 : i32
      %dma_start3A_174 = arith.constant 0 : i32
      %dma_start3A_175 = arith.constant 0 : i32
      %dma_start3A_176 = tpu.memref_slice %arg9[%dma_start3A_173, %dma_start3A_174, %dma_start3A_175] : memref<3x120x128xf32, #tpu.memory_space<vmem>> -> memref<1x120x128xf32, #tpu.memory_space<vmem>>
      %dma_start3A_177 = tpu.memref_squeeze %dma_start3A_176 : memref<1x120x128xf32, #tpu.memory_space<vmem>> -> memref<120x128xf32, #tpu.memory_space<vmem>>
      %dma_start3A_178 = arith.constant 0 : i32
      %dma_start3A_179 = tpu.memref_slice %arg7[%rem3A_95, %dma_start3A_172, %dma_start3A_178] : memref<2x3x120xi32, #tpu.memory_space<vmem>> -> memref<1x1x120xi32, #tpu.memory_space<vmem>>
      %dma_start3A_180 = tpu.memref_squeeze %dma_start3A_179 : memref<1x1x120xi32, #tpu.memory_space<vmem>> -> memref<120xi32, #tpu.memory_space<vmem>>
      %dma_start3A_181 = arith.constant 0 : i32
      %dma_start3A_182 = arith.constant 0 : i32
      %dma_start3A_183 = tpu.memref_slice %arg2[%dma_start3A_181, %dma_start3A_182] : memref<130000x128xf32, #tpu.memory_space<hbm>> -> memref<130000x128xf32, #tpu.memory_space<hbm>>
      tpu.enqueue_indirect_dma source(%dma_start3A_183 : memref<130000x128xf32, #tpu.memory_space<hbm>>) target(%dma_start3A_177 : memref<120x128xf32, #tpu.memory_space<vmem>>) offsets(%dma_start3A_180 : memref<120xi32, #tpu.memory_space<vmem>>) semaphore(%arg12 : memref<!tpu.dma_semaphore, #tpu.memory_space<semaphore_mem>>)
      %dma_wait3A_184 = arith.constant 0 : i32
      %dma_wait3A_185 = arith.constant 0 : i32
      %dma_wait3A_186 = arith.constant 0 : i32
      %dma_wait3A_187 = arith.constant 0 : i32
      %dma_wait3A_188 = tpu.memref_slice %arg9[%dma_wait3A_185, %dma_wait3A_186, %dma_wait3A_187] : memref<3x120x128xf32, #tpu.memory_space<vmem>> -> memref<1x120x128xf32, #tpu.memory_space<vmem>>
      %dma_wait3A_189 = tpu.memref_squeeze %dma_wait3A_188 : memref<1x120x128xf32, #tpu.memory_space<vmem>> -> memref<120x128xf32, #tpu.memory_space<vmem>>
      %dma_wait3A_190 = arith.constant 0 : i32
      %dma_wait3A_191 = tpu.memref_slice %arg7[%rem3A_95, %dma_wait3A_184, %dma_wait3A_190] : memref<2x3x120xi32, #tpu.memory_space<vmem>> -> memref<1x1x120xi32, #tpu.memory_space<vmem>>
      %dma_wait3A_192 = tpu.memref_squeeze %dma_wait3A_191 : memref<1x1x120xi32, #tpu.memory_space<vmem>> -> memref<120xi32, #tpu.memory_space<vmem>>
      %dma_wait3A_193 = arith.constant 0 : i32
      %dma_wait3A_194 = arith.constant 0 : i32
      %dma_wait3A_195 = tpu.memref_slice %arg2[%dma_wait3A_193, %dma_wait3A_194] : memref<130000x128xf32, #tpu.memory_space<hbm>> -> memref<130000x128xf32, #tpu.memory_space<hbm>>
      tpu.wait_indirect_dma semaphore(%arg10 : memref<!tpu.dma_semaphore, #tpu.memory_space<semaphore_mem>>) src(%dma_wait3A_195 : memref<130000x128xf32, #tpu.memory_space<hbm>>) dst(%dma_wait3A_189 : memref<120x128xf32, #tpu.memory_space<vmem>>)
      %dma_start3A_196 = arith.constant 0 : i32
      %dma_start3A_197 = arith.constant 0 : i32
      %dma_start3A_198 = arith.constant 0 : i32
      %dma_start3A_199 = arith.constant 0 : i32
      %dma_start3A_200 = tpu.memref_slice %arg9[%dma_start3A_196, %dma_start3A_198, %dma_start3A_199] : memref<3x120x128xf32, #tpu.memory_space<vmem>> -> memref<1x120x128xf32, #tpu.memory_space<vmem>>
      %dma_start3A_201 = tpu.memref_squeeze %dma_start3A_200 : memref<1x120x128xf32, #tpu.memory_space<vmem>> -> memref<120x128xf32, #tpu.memory_space<vmem>>
      %dma_start3A_202 = arith.constant 0 : i32
      %dma_start3A_203 = tpu.memref_slice %arg8[%rem3A_97, %dma_start3A_197, %dma_start3A_202] : memref<3x3x120xi32, #tpu.memory_space<vmem>> -> memref<1x1x120xi32, #tpu.memory_space<vmem>>
      %dma_start3A_204 = tpu.memref_squeeze %dma_start3A_203 : memref<1x1x120xi32, #tpu.memory_space<vmem>> -> memref<120xi32, #tpu.memory_space<vmem>>
      %dma_start3A_205 = arith.constant 0 : i32
      %dma_start3A_206 = arith.constant 0 : i32
      %dma_start3A_207 = tpu.memref_slice %arg17[%dma_start3A_205, %dma_start3A_206] : memref<10112x128xf32, #tpu.memory_space<vmem_shared>> -> memref<10112x128xf32, #tpu.memory_space<vmem_shared>>
      tpu.enqueue_indirect_dma source(%dma_start3A_201 : memref<120x128xf32, #tpu.memory_space<vmem>>) target(%dma_start3A_207 : memref<10112x128xf32, #tpu.memory_space<vmem_shared>>) offsets(%dma_start3A_204 : memref<120xi32, #tpu.memory_space<vmem>>) semaphore(%arg13 : memref<!tpu.dma_semaphore, #tpu.memory_space<semaphore_mem>>) {add = true}
      %dma_wait3A_208 = arith.constant 1 : i32
      %dma_wait3A_209 = arith.constant 1 : i32
      %dma_wait3A_210 = arith.constant 0 : i32
      %dma_wait3A_211 = arith.constant 0 : i32
      %dma_wait3A_212 = tpu.memref_slice %arg9[%dma_wait3A_209, %dma_wait3A_210, %dma_wait3A_211] : memref<3x120x128xf32, #tpu.memory_space<vmem>> -> memref<1x120x128xf32, #tpu.memory_space<vmem>>
      %dma_wait3A_213 = tpu.memref_squeeze %dma_wait3A_212 : memref<1x120x128xf32, #tpu.memory_space<vmem>> -> memref<120x128xf32, #tpu.memory_space<vmem>>
      %dma_wait3A_214 = arith.constant 0 : i32
      %dma_wait3A_215 = tpu.memref_slice %arg7[%rem3A_95, %dma_wait3A_208, %dma_wait3A_214] : memref<2x3x120xi32, #tpu.memory_space<vmem>> -> memref<1x1x120xi32, #tpu.memory_space<vmem>>
      %dma_wait3A_216 = tpu.memref_squeeze %dma_wait3A_215 : memref<1x1x120xi32, #tpu.memory_space<vmem>> -> memref<120xi32, #tpu.memory_space<vmem>>
      %dma_wait3A_217 = arith.constant 0 : i32
      %dma_wait3A_218 = arith.constant 0 : i32
      %dma_wait3A_219 = tpu.memref_slice %arg2[%dma_wait3A_217, %dma_wait3A_218] : memref<130000x128xf32, #tpu.memory_space<hbm>> -> memref<130000x128xf32, #tpu.memory_space<hbm>>
      tpu.wait_indirect_dma semaphore(%arg11 : memref<!tpu.dma_semaphore, #tpu.memory_space<semaphore_mem>>) src(%dma_wait3A_219 : memref<130000x128xf32, #tpu.memory_space<hbm>>) dst(%dma_wait3A_213 : memref<120x128xf32, #tpu.memory_space<vmem>>)
      %dma_start3A_220 = arith.constant 1 : i32
      %dma_start3A_221 = arith.constant 1 : i32
      %dma_start3A_222 = arith.constant 0 : i32
      %dma_start3A_223 = arith.constant 0 : i32
      %dma_start3A_224 = tpu.memref_slice %arg9[%dma_start3A_220, %dma_start3A_222, %dma_start3A_223] : memref<3x120x128xf32, #tpu.memory_space<vmem>> -> memref<1x120x128xf32, #tpu.memory_space<vmem>>
      %dma_start3A_225 = tpu.memref_squeeze %dma_start3A_224 : memref<1x120x128xf32, #tpu.memory_space<vmem>> -> memref<120x128xf32, #tpu.memory_space<vmem>>
      %dma_start3A_226 = arith.constant 0 : i32
      %dma_start3A_227 = tpu.memref_slice %arg8[%rem3A_97, %dma_start3A_221, %dma_start3A_226] : memref<3x3x120xi32, #tpu.memory_space<vmem>> -> memref<1x1x120xi32, #tpu.memory_space<vmem>>
      %dma_start3A_228 = tpu.memref_squeeze %dma_start3A_227 : memref<1x1x120xi32, #tpu.memory_space<vmem>> -> memref<120xi32, #tpu.memory_space<vmem>>
      %dma_start3A_229 = arith.constant 0 : i32
      %dma_start3A_230 = arith.constant 0 : i32
      %dma_start3A_231 = tpu.memref_slice %arg17[%dma_start3A_229, %dma_start3A_230] : memref<10112x128xf32, #tpu.memory_space<vmem_shared>> -> memref<10112x128xf32, #tpu.memory_space<vmem_shared>>
      tpu.enqueue_indirect_dma source(%dma_start3A_225 : memref<120x128xf32, #tpu.memory_space<vmem>>) target(%dma_start3A_231 : memref<10112x128xf32, #tpu.memory_space<vmem_shared>>) offsets(%dma_start3A_228 : memref<120xi32, #tpu.memory_space<vmem>>) semaphore(%arg14 : memref<!tpu.dma_semaphore, #tpu.memory_space<semaphore_mem>>) {add = true}
      %dma_wait3A_232 = arith.constant 2 : i32
      %dma_wait3A_233 = arith.constant 2 : i32
      %dma_wait3A_234 = arith.constant 0 : i32
      %dma_wait3A_235 = arith.constant 0 : i32
      %dma_wait3A_236 = tpu.memref_slice %arg9[%dma_wait3A_233, %dma_wait3A_234, %dma_wait3A_235] : memref<3x120x128xf32, #tpu.memory_space<vmem>> -> memref<1x120x128xf32, #tpu.memory_space<vmem>>
      %dma_wait3A_237 = tpu.memref_squeeze %dma_wait3A_236 : memref<1x120x128xf32, #tpu.memory_space<vmem>> -> memref<120x128xf32, #tpu.memory_space<vmem>>
      %dma_wait3A_238 = arith.constant 0 : i32
      %dma_wait3A_239 = tpu.memref_slice %arg7[%rem3A_95, %dma_wait3A_232, %dma_wait3A_238] : memref<2x3x120xi32, #tpu.memory_space<vmem>> -> memref<1x1x120xi32, #tpu.memory_space<vmem>>
      %dma_wait3A_240 = tpu.memref_squeeze %dma_wait3A_239 : memref<1x1x120xi32, #tpu.memory_space<vmem>> -> memref<120xi32, #tpu.memory_space<vmem>>
      %dma_wait3A_241 = arith.constant 0 : i32
      %dma_wait3A_242 = arith.constant 0 : i32
      %dma_wait3A_243 = tpu.memref_slice %arg2[%dma_wait3A_241, %dma_wait3A_242] : memref<130000x128xf32, #tpu.memory_space<hbm>> -> memref<130000x128xf32, #tpu.memory_space<hbm>>
      tpu.wait_indirect_dma semaphore(%arg12 : memref<!tpu.dma_semaphore, #tpu.memory_space<semaphore_mem>>) src(%dma_wait3A_243 : memref<130000x128xf32, #tpu.memory_space<hbm>>) dst(%dma_wait3A_237 : memref<120x128xf32, #tpu.memory_space<vmem>>)
      %dma_start3A_244 = arith.constant 2 : i32
      %dma_start3A_245 = arith.constant 2 : i32
      %dma_start3A_246 = arith.constant 0 : i32
      %dma_start3A_247 = arith.constant 0 : i32
      %dma_start3A_248 = tpu.memref_slice %arg9[%dma_start3A_244, %dma_start3A_246, %dma_start3A_247] : memref<3x120x128xf32, #tpu.memory_space<vmem>> -> memref<1x120x128xf32, #tpu.memory_space<vmem>>
      %dma_start3A_249 = tpu.memref_squeeze %dma_start3A_248 : memref<1x120x128xf32, #tpu.memory_space<vmem>> -> memref<120x128xf32, #tpu.memory_space<vmem>>
      %dma_start3A_250 = arith.constant 0 : i32
      %dma_start3A_251 = tpu.memref_slice %arg8[%rem3A_97, %dma_start3A_245, %dma_start3A_250] : memref<3x3x120xi32, #tpu.memory_space<vmem>> -> memref<1x1x120xi32, #tpu.memory_space<vmem>>
      %dma_start3A_252 = tpu.memref_squeeze %dma_start3A_251 : memref<1x1x120xi32, #tpu.memory_space<vmem>> -> memref<120xi32, #tpu.memory_space<vmem>>
      %dma_start3A_253 = arith.constant 0 : i32
      %dma_start3A_254 = arith.constant 0 : i32
      %dma_start3A_255 = tpu.memref_slice %arg17[%dma_start3A_253, %dma_start3A_254] : memref<10112x128xf32, #tpu.memory_space<vmem_shared>> -> memref<10112x128xf32, #tpu.memory_space<vmem_shared>>
      tpu.enqueue_indirect_dma source(%dma_start3A_249 : memref<120x128xf32, #tpu.memory_space<vmem>>) target(%dma_start3A_255 : memref<10112x128xf32, #tpu.memory_space<vmem_shared>>) offsets(%dma_start3A_252 : memref<120xi32, #tpu.memory_space<vmem>>) semaphore(%arg15 : memref<!tpu.dma_semaphore, #tpu.memory_space<semaphore_mem>>) {add = true}
    }
    %scan3A_44 = arith.constant 28 : i32
    %dma_wait3A = arith.constant 0 : i32
    %dma_wait3A_45 = arith.constant 0 : i32
    %dma_wait3A_46 = arith.constant 0 : i32
    %dma_wait3A_47 = tpu.memref_slice %arg9[%dma_wait3A, %dma_wait3A_45, %dma_wait3A_46] : memref<3x120x128xf32, #tpu.memory_space<vmem>> -> memref<1x120x128xf32, #tpu.memory_space<vmem>>
    %dma_wait3A_48 = tpu.memref_squeeze %dma_wait3A_47 : memref<1x120x128xf32, #tpu.memory_space<vmem>> -> memref<120x128xf32, #tpu.memory_space<vmem>>
    %dma_wait3A_49 = arith.constant 0 : i32
    %dma_wait3A_50 = arith.constant 0 : i32
    %dma_wait3A_51 = tpu.memref_slice %arg5[%dma_wait3A_49, %dma_wait3A_50] : memref<10112x128xf32, #tpu.memory_space<hbm>> -> memref<120x128xf32, #tpu.memory_space<hbm>>
    %dma_wait3A_52 = arith.constant 0 : i32
    %dma_wait3A_53 = arith.constant 0 : i32
    %dma_wait3A_54 = tpu.memref_slice %arg9[%dma_wait3A, %dma_wait3A_52, %dma_wait3A_53] : memref<3x120x128xf32, #tpu.memory_space<vmem>> -> memref<1x120x128xf32, #tpu.memory_space<vmem>>
    %dma_wait3A_55 = tpu.memref_squeeze %dma_wait3A_54 : memref<1x120x128xf32, #tpu.memory_space<vmem>> -> memref<120x128xf32, #tpu.memory_space<vmem>>
    %dma_wait3A_56 = arith.constant 0 : i32
    %dma_wait3A_57 = arith.constant 0 : i32
    %dma_wait3A_58 = tpu.memref_slice %arg5[%dma_wait3A_56, %dma_wait3A_57] : memref<10112x128xf32, #tpu.memory_space<hbm>> -> memref<120x128xf32, #tpu.memory_space<hbm>>
    tpu.wait_dma2 semaphore(%arg13 : memref<!tpu.dma_semaphore, #tpu.memory_space<semaphore_mem>>) src(%dma_wait3A_58 : memref<120x128xf32, #tpu.memory_space<hbm>>) dst(%dma_wait3A_55 : memref<120x128xf32, #tpu.memory_space<vmem>>)
    %dma_wait3A_59 = arith.constant 1 : i32
    %dma_wait3A_60 = arith.constant 0 : i32
    %dma_wait3A_61 = arith.constant 0 : i32
    %dma_wait3A_62 = tpu.memref_slice %arg9[%dma_wait3A_59, %dma_wait3A_60, %dma_wait3A_61] : memref<3x120x128xf32, #tpu.memory_space<vmem>> -> memref<1x120x128xf32, #tpu.memory_space<vmem>>
    %dma_wait3A_63 = tpu.memref_squeeze %dma_wait3A_62 : memref<1x120x128xf32, #tpu.memory_space<vmem>> -> memref<120x128xf32, #tpu.memory_space<vmem>>
    %dma_wait3A_64 = arith.constant 0 : i32
    %dma_wait3A_65 = arith.constant 0 : i32
    %dma_wait3A_66 = tpu.memref_slice %arg5[%dma_wait3A_64, %dma_wait3A_65] : memref<10112x128xf32, #tpu.memory_space<hbm>> -> memref<120x128xf32, #tpu.memory_space<hbm>>
    %dma_wait3A_67 = arith.constant 0 : i32
    %dma_wait3A_68 = arith.constant 0 : i32
    %dma_wait3A_69 = tpu.memref_slice %arg9[%dma_wait3A_59, %dma_wait3A_67, %dma_wait3A_68] : memref<3x120x128xf32, #tpu.memory_space<vmem>> -> memref<1x120x128xf32, #tpu.memory_space<vmem>>
    %dma_wait3A_70 = tpu.memref_squeeze %dma_wait3A_69 : memref<1x120x128xf32, #tpu.memory_space<vmem>> -> memref<120x128xf32, #tpu.memory_space<vmem>>
    %dma_wait3A_71 = arith.constant 0 : i32
    %dma_wait3A_72 = arith.constant 0 : i32
    %dma_wait3A_73 = tpu.memref_slice %arg5[%dma_wait3A_71, %dma_wait3A_72] : memref<10112x128xf32, #tpu.memory_space<hbm>> -> memref<120x128xf32, #tpu.memory_space<hbm>>
    tpu.wait_dma2 semaphore(%arg14 : memref<!tpu.dma_semaphore, #tpu.memory_space<semaphore_mem>>) src(%dma_wait3A_73 : memref<120x128xf32, #tpu.memory_space<hbm>>) dst(%dma_wait3A_70 : memref<120x128xf32, #tpu.memory_space<vmem>>)
    %dma_wait3A_74 = arith.constant 2 : i32
    %dma_wait3A_75 = arith.constant 0 : i32
    %dma_wait3A_76 = arith.constant 0 : i32
    %dma_wait3A_77 = tpu.memref_slice %arg9[%dma_wait3A_74, %dma_wait3A_75, %dma_wait3A_76] : memref<3x120x128xf32, #tpu.memory_space<vmem>> -> memref<1x120x128xf32, #tpu.memory_space<vmem>>
    %dma_wait3A_78 = tpu.memref_squeeze %dma_wait3A_77 : memref<1x120x128xf32, #tpu.memory_space<vmem>> -> memref<120x128xf32, #tpu.memory_space<vmem>>
    %dma_wait3A_79 = arith.constant 0 : i32
    %dma_wait3A_80 = arith.constant 0 : i32
    %dma_wait3A_81 = tpu.memref_slice %arg5[%dma_wait3A_79, %dma_wait3A_80] : memref<10112x128xf32, #tpu.memory_space<hbm>> -> memref<120x128xf32, #tpu.memory_space<hbm>>
    %dma_wait3A_82 = arith.constant 0 : i32
    %dma_wait3A_83 = arith.constant 0 : i32
    %dma_wait3A_84 = tpu.memref_slice %arg9[%dma_wait3A_74, %dma_wait3A_82, %dma_wait3A_83] : memref<3x120x128xf32, #tpu.memory_space<vmem>> -> memref<1x120x128xf32, #tpu.memory_space<vmem>>
    %dma_wait3A_85 = tpu.memref_squeeze %dma_wait3A_84 : memref<1x120x128xf32, #tpu.memory_space<vmem>> -> memref<120x128xf32, #tpu.memory_space<vmem>>
    %dma_wait3A_86 = arith.constant 0 : i32
    %dma_wait3A_87 = arith.constant 0 : i32
    %dma_wait3A_88 = tpu.memref_slice %arg5[%dma_wait3A_86, %dma_wait3A_87] : memref<10112x128xf32, #tpu.memory_space<hbm>> -> memref<120x128xf32, #tpu.memory_space<hbm>>
    tpu.wait_dma2 semaphore(%arg15 : memref<!tpu.dma_semaphore, #tpu.memory_space<semaphore_mem>>) src(%dma_wait3A_88 : memref<120x128xf32, #tpu.memory_space<hbm>>) dst(%dma_wait3A_85 : memref<120x128xf32, #tpu.memory_space<vmem>>)
    %barrier3A_89 = arith.constant 0 : index
    tpu.barrier barrier_id(%barrier3A_89)
    %mul3A_90 = arith.constant 632 : i32
    %mul3A_91 = arith.muli %arg1, %mul3A_90 : i32
    %mul3A_92 = arith.constant 632 : i32
    %mul3A_93 = arith.muli %arg1, %mul3A_92 : i32
    "tpu.region"() ({
      %run_scoped3A = tpu.sem_alloc : memref<!tpu.dma_semaphore, #tpu.memory_space<semaphore_mem>>
      %dma_start3A_94 = arith.constant 0 : i32
      %dma_start3A_95 = tpu.memref_slice %arg6[%arg0, %mul3A_93, %dma_start3A_94] : memref<2x10112x128xf32, #tpu.memory_space<hbm>> -> memref<1x632x128xf32, #tpu.memory_space<hbm>>
      %dma_start3A_96 = tpu.memref_squeeze %dma_start3A_95 : memref<1x632x128xf32, #tpu.memory_space<hbm>> -> memref<632x128xf32, #tpu.memory_space<hbm>>
      %dma_start3A_97 = arith.constant 0 : i32
      %dma_start3A_98 = tpu.memref_slice %arg17[%mul3A_91, %dma_start3A_97] : memref<10112x128xf32, #tpu.memory_space<vmem_shared>> -> memref<632x128xf32, #tpu.memory_space<vmem_shared>>
      tpu.enqueue_dma source(%dma_start3A_98 : memref<632x128xf32, #tpu.memory_space<vmem_shared>>) target(%dma_start3A_96 : memref<632x128xf32, #tpu.memory_space<hbm>>) target_semaphore(%run_scoped3A : memref<!tpu.dma_semaphore, #tpu.memory_space<semaphore_mem>>)
      %dma_wait3A_99 = arith.constant 0 : i32
      %dma_wait3A_100 = tpu.memref_slice %arg6[%arg0, %mul3A_93, %dma_wait3A_99] : memref<2x10112x128xf32, #tpu.memory_space<hbm>> -> memref<1x632x128xf32, #tpu.memory_space<hbm>>
      %dma_wait3A_101 = tpu.memref_squeeze %dma_wait3A_100 : memref<1x632x128xf32, #tpu.memory_space<hbm>> -> memref<632x128xf32, #tpu.memory_space<hbm>>
      %dma_wait3A_102 = arith.constant 0 : i32
      %dma_wait3A_103 = tpu.memref_slice %arg17[%mul3A_91, %dma_wait3A_102] : memref<10112x128xf32, #tpu.memory_space<vmem_shared>> -> memref<632x128xf32, #tpu.memory_space<vmem_shared>>
      tpu.wait_dma2 semaphore(%run_scoped3A : memref<!tpu.dma_semaphore, #tpu.memory_space<semaphore_mem>>) src(%dma_wait3A_103 : memref<632x128xf32, #tpu.memory_space<vmem_shared>>) dst(%dma_wait3A_101 : memref<632x128xf32, #tpu.memory_space<hbm>>)
      tpu.yield
    }) : () -> ()
    return
  }
}

#map = affine_map<(d0, d1) -> (0, 0)>
#map1 = affine_map<(d0, d1) -> (0, 0, 0)>
module attributes {stable_mosaic.version = 14 : i64} {
  func.func @_sc_body(%arg0: i32, %arg1: i32, %arg2: memref<130000x128xf32, #tpu.memory_space<hbm>>, %arg3: memref<896x3x120xi32, #tpu.memory_space<hbm>>, %arg4: memref<896x3x120xi32, #tpu.memory_space<hbm>>, %arg5: memref<10112x128xf32, #tpu.memory_space<hbm>>, %arg6: memref<2x10112x128xf32, #tpu.memory_space<hbm>>, %arg7: memref<2x3x120xi32, #tpu.memory_space<vmem>>, %arg8: memref<3x3x120xi32, #tpu.memory_space<vmem>>, %arg9: memref<3x120x128xf32, #tpu.memory_space<vmem>>, %arg10: memref<!tpu.dma_semaphore, #tpu.memory_space<semaphore_mem>>, %arg11: memref<!tpu.dma_semaphore, #tpu.memory_space<semaphore_mem>>, %arg12: memref<!tpu.dma_semaphore, #tpu.memory_space<semaphore_mem>>, %arg13: memref<!tpu.dma_semaphore, #tpu.memory_space<semaphore_mem>>, %arg14: memref<!tpu.dma_semaphore, #tpu.memory_space<semaphore_mem>>, %arg15: memref<!tpu.dma_semaphore, #tpu.memory_space<semaphore_mem>>, %arg16: memref<!tpu.dma_semaphore, #tpu.memory_space<semaphore_mem>>, %arg17: memref<10112x128xf32, #tpu.memory_space<vmem_shared>>) attributes {dimension_semantics = [#tpu.dimension_semantics<core_parallel>, #tpu.dimension_semantics<subcore_parallel>], iteration_bounds = array<i64: 2, 16>, scalar_prefetch = 0 : i64, scratch_operands = 11 : i64, tpu.core_type = #tpu.core_type<sc_vector_subcore>, window_params = [{transform_indices = #map}, {transform_indices = #map1}, {transform_indices = #map1}, {transform_indices = #map}, {transform_indices = #map1}]} {
    %mul3A = arith.constant 2 : i32
    %mul3A_0 = arith.muli %arg1, %mul3A : i32
    %add3A = arith.addi %mul3A_0, %arg0 : i32
    %mul3A_1 = arith.constant 632 : i32
    %mul3A_2 = arith.muli %arg1, %mul3A_1 : i32
    %mul3A_3 = arith.constant 632 : i32
    %mul3A_4 = arith.muli %arg1, %mul3A_3 : i32
    "tpu.region"() ({
      %run_scoped3A = tpu.sem_alloc : memref<!tpu.dma_semaphore, #tpu.memory_space<semaphore_mem>>
      %dma_start3A_94 = arith.constant 0 : i32
      %dma_start3A_95 = tpu.memref_slice %arg17[%mul3A_4, %dma_start3A_94] : memref<10112x128xf32, #tpu.memory_space<vmem_shared>> -> memref<632x128xf32, #tpu.memory_space<vmem_shared>>
      %dma_start3A_96 = arith.constant 0 : i32
      %dma_start3A_97 = tpu.memref_slice %arg5[%mul3A_2, %dma_start3A_96] : memref<10112x128xf32, #tpu.memory_space<hbm>> -> memref<632x128xf32, #tpu.memory_space<hbm>>
      tpu.enqueue_dma source(%dma_start3A_97 : memref<632x128xf32, #tpu.memory_space<hbm>>) target(%dma_start3A_95 : memref<632x128xf32, #tpu.memory_space<vmem_shared>>) target_semaphore(%run_scoped3A : memref<!tpu.dma_semaphore, #tpu.memory_space<semaphore_mem>>)
      %dma_wait3A_98 = arith.constant 0 : i32
      %dma_wait3A_99 = tpu.memref_slice %arg17[%mul3A_4, %dma_wait3A_98] : memref<10112x128xf32, #tpu.memory_space<vmem_shared>> -> memref<632x128xf32, #tpu.memory_space<vmem_shared>>
      %dma_wait3A_100 = arith.constant 0 : i32
      %dma_wait3A_101 = tpu.memref_slice %arg5[%mul3A_2, %dma_wait3A_100] : memref<10112x128xf32, #tpu.memory_space<hbm>> -> memref<632x128xf32, #tpu.memory_space<hbm>>
      tpu.wait_dma2 semaphore(%run_scoped3A : memref<!tpu.dma_semaphore, #tpu.memory_space<semaphore_mem>>) src(%dma_wait3A_101 : memref<632x128xf32, #tpu.memory_space<hbm>>) dst(%dma_wait3A_99 : memref<632x128xf32, #tpu.memory_space<vmem_shared>>)
      tpu.yield
    }) : () -> ()
    %mul3A_5 = arith.constant 28 : i32
    %mul3A_6 = arith.muli %add3A, %mul3A_5 : i32
    %dma_start3A = arith.constant 0 : i32
    %dma_start3A_7 = arith.constant 0 : i32
    %dma_start3A_8 = arith.constant 0 : i32
    %dma_start3A_9 = tpu.memref_slice %arg7[%dma_start3A, %dma_start3A_7, %dma_start3A_8] : memref<2x3x120xi32, #tpu.memory_space<vmem>> -> memref<1x3x120xi32, #tpu.memory_space<vmem>>
    %dma_start3A_10 = tpu.memref_squeeze %dma_start3A_9 : memref<1x3x120xi32, #tpu.memory_space<vmem>> -> memref<3x120xi32, #tpu.memory_space<vmem>>
    %dma_start3A_11 = arith.constant 0 : i32
    %dma_start3A_12 = arith.constant 0 : i32
    %dma_start3A_13 = tpu.memref_slice %arg3[%mul3A_6, %dma_start3A_11, %dma_start3A_12] : memref<896x3x120xi32, #tpu.memory_space<hbm>> -> memref<1x3x120xi32, #tpu.memory_space<hbm>>
    %dma_start3A_14 = tpu.memref_squeeze %dma_start3A_13 : memref<1x3x120xi32, #tpu.memory_space<hbm>> -> memref<3x120xi32, #tpu.memory_space<hbm>>
    %dma_start3A_15 = arith.constant 0 : i32
    %dma_start3A_16 = arith.constant 0 : i32
    %dma_start3A_17 = tpu.memref_slice %arg7[%dma_start3A, %dma_start3A_15, %dma_start3A_16] : memref<2x3x120xi32, #tpu.memory_space<vmem>> -> memref<1x3x120xi32, #tpu.memory_space<vmem>>
    %dma_start3A_18 = tpu.memref_squeeze %dma_start3A_17 : memref<1x3x120xi32, #tpu.memory_space<vmem>> -> memref<3x120xi32, #tpu.memory_space<vmem>>
    %dma_start3A_19 = arith.constant 0 : i32
    %dma_start3A_20 = arith.constant 0 : i32
    %dma_start3A_21 = tpu.memref_slice %arg3[%mul3A_6, %dma_start3A_19, %dma_start3A_20] : memref<896x3x120xi32, #tpu.memory_space<hbm>> -> memref<1x3x120xi32, #tpu.memory_space<hbm>>
    %dma_start3A_22 = tpu.memref_squeeze %dma_start3A_21 : memref<1x3x120xi32, #tpu.memory_space<hbm>> -> memref<3x120xi32, #tpu.memory_space<hbm>>
    tpu.enqueue_dma source(%dma_start3A_22 : memref<3x120xi32, #tpu.memory_space<hbm>>) target(%dma_start3A_18 : memref<3x120xi32, #tpu.memory_space<vmem>>) target_semaphore(%arg16 : memref<!tpu.dma_semaphore, #tpu.memory_space<semaphore_mem>>)
    %dma_start3A_23 = arith.constant 0 : i32
    %dma_start3A_24 = arith.constant 0 : i32
    %dma_start3A_25 = arith.constant 0 : i32
    %dma_start3A_26 = tpu.memref_slice %arg8[%dma_start3A_23, %dma_start3A_24, %dma_start3A_25] : memref<3x3x120xi32, #tpu.memory_space<vmem>> -> memref<1x3x120xi32, #tpu.memory_space<vmem>>
    %dma_start3A_27 = tpu.memref_squeeze %dma_start3A_26 : memref<1x3x120xi32, #tpu.memory_space<vmem>> -> memref<3x120xi32, #tpu.memory_space<vmem>>
    %dma_start3A_28 = arith.constant 0 : i32
    %dma_start3A_29 = arith.constant 0 : i32
    %dma_start3A_30 = tpu.memref_slice %arg4[%mul3A_6, %dma_start3A_28, %dma_start3A_29] : memref<896x3x120xi32, #tpu.memory_space<hbm>> -> memref<1x3x120xi32, #tpu.memory_space<hbm>>
    %dma_start3A_31 = tpu.memref_squeeze %dma_start3A_30 : memref<1x3x120xi32, #tpu.memory_space<hbm>> -> memref<3x120xi32, #tpu.memory_space<hbm>>
    %dma_start3A_32 = arith.constant 0 : i32
    %dma_start3A_33 = arith.constant 0 : i32
    %dma_start3A_34 = tpu.memref_slice %arg8[%dma_start3A_23, %dma_start3A_32, %dma_start3A_33] : memref<3x3x120xi32, #tpu.memory_space<vmem>> -> memref<1x3x120xi32, #tpu.memory_space<vmem>>
    %dma_start3A_35 = tpu.memref_squeeze %dma_start3A_34 : memref<1x3x120xi32, #tpu.memory_space<vmem>> -> memref<3x120xi32, #tpu.memory_space<vmem>>
    %dma_start3A_36 = arith.constant 0 : i32
    %dma_start3A_37 = arith.constant 0 : i32
    %dma_start3A_38 = tpu.memref_slice %arg4[%mul3A_6, %dma_start3A_36, %dma_start3A_37] : memref<896x3x120xi32, #tpu.memory_space<hbm>> -> memref<1x3x120xi32, #tpu.memory_space<hbm>>
    %dma_start3A_39 = tpu.memref_squeeze %dma_start3A_38 : memref<1x3x120xi32, #tpu.memory_space<hbm>> -> memref<3x120xi32, #tpu.memory_space<hbm>>
    tpu.enqueue_dma source(%dma_start3A_39 : memref<3x120xi32, #tpu.memory_space<hbm>>) target(%dma_start3A_35 : memref<3x120xi32, #tpu.memory_space<vmem>>) target_semaphore(%arg16 : memref<!tpu.dma_semaphore, #tpu.memory_space<semaphore_mem>>)
    %barrier3A = arith.constant 0 : index
    tpu.barrier barrier_id(%barrier3A)
    %scan3A = arith.constant 0 : i32
    %scan3A_40 = arith.constant 0 : i32
    %scan3A_41 = arith.constant 28 : i32
    %scan3A_42 = arith.addi %scan3A_40, %scan3A_41 : i32
    %scan3A_43 = arith.constant 1 : i32
    scf.for %scan3A_94 = %scan3A_40 to %scan3A_42 step %scan3A_43  : i32 {
      %rem3A = arith.constant 2 : i32
      %rem3A_95 = arith.remsi %scan3A_94, %rem3A : i32
      %rem3A_96 = arith.constant 3 : i32
      %rem3A_97 = arith.remsi %scan3A_94, %rem3A_96 : i32
      %dma_wait3A_98 = arith.constant 0 : i32
      %dma_wait3A_99 = arith.constant 0 : i32
      %dma_wait3A_100 = tpu.memref_slice %arg7[%rem3A_95, %dma_wait3A_98, %dma_wait3A_99] : memref<2x3x120xi32, #tpu.memory_space<vmem>> -> memref<1x3x120xi32, #tpu.memory_space<vmem>>
      %dma_wait3A_101 = tpu.memref_squeeze %dma_wait3A_100 : memref<1x3x120xi32, #tpu.memory_space<vmem>> -> memref<3x120xi32, #tpu.memory_space<vmem>>
      %dma_wait3A_102 = arith.constant 0 : i32
      %dma_wait3A_103 = arith.constant 0 : i32
      %dma_wait3A_104 = tpu.memref_slice %arg3[%mul3A_6, %dma_wait3A_102, %dma_wait3A_103] : memref<896x3x120xi32, #tpu.memory_space<hbm>> -> memref<1x3x120xi32, #tpu.memory_space<hbm>>
      %dma_wait3A_105 = tpu.memref_squeeze %dma_wait3A_104 : memref<1x3x120xi32, #tpu.memory_space<hbm>> -> memref<3x120xi32, #tpu.memory_space<hbm>>
      %dma_wait3A_106 = arith.constant 0 : i32
      %dma_wait3A_107 = arith.constant 0 : i32
      %dma_wait3A_108 = tpu.memref_slice %arg7[%rem3A_95, %dma_wait3A_106, %dma_wait3A_107] : memref<2x3x120xi32, #tpu.memory_space<vmem>> -> memref<1x3x120xi32, #tpu.memory_space<vmem>>
      %dma_wait3A_109 = tpu.memref_squeeze %dma_wait3A_108 : memref<1x3x120xi32, #tpu.memory_space<vmem>> -> memref<3x120xi32, #tpu.memory_space<vmem>>
      %dma_wait3A_110 = arith.constant 0 : i32
      %dma_wait3A_111 = arith.constant 0 : i32
      %dma_wait3A_112 = tpu.memref_slice %arg3[%mul3A_6, %dma_wait3A_110, %dma_wait3A_111] : memref<896x3x120xi32, #tpu.memory_space<hbm>> -> memref<1x3x120xi32, #tpu.memory_space<hbm>>
      %dma_wait3A_113 = tpu.memref_squeeze %dma_wait3A_112 : memref<1x3x120xi32, #tpu.memory_space<hbm>> -> memref<3x120xi32, #tpu.memory_space<hbm>>
      tpu.wait_dma2 semaphore(%arg16 : memref<!tpu.dma_semaphore, #tpu.memory_space<semaphore_mem>>) src(%dma_wait3A_113 : memref<3x120xi32, #tpu.memory_space<hbm>>) dst(%dma_wait3A_109 : memref<3x120xi32, #tpu.memory_space<vmem>>)
      %dma_wait3A_114 = arith.constant 0 : i32
      %dma_wait3A_115 = arith.constant 0 : i32
      %dma_wait3A_116 = tpu.memref_slice %arg7[%rem3A_95, %dma_wait3A_114, %dma_wait3A_115] : memref<2x3x120xi32, #tpu.memory_space<vmem>> -> memref<1x3x120xi32, #tpu.memory_space<vmem>>
      %dma_wait3A_117 = tpu.memref_squeeze %dma_wait3A_116 : memref<1x3x120xi32, #tpu.memory_space<vmem>> -> memref<3x120xi32, #tpu.memory_space<vmem>>
      %dma_wait3A_118 = arith.constant 0 : i32
      %dma_wait3A_119 = arith.constant 0 : i32
      %dma_wait3A_120 = tpu.memref_slice %arg3[%mul3A_6, %dma_wait3A_118, %dma_wait3A_119] : memref<896x3x120xi32, #tpu.memory_space<hbm>> -> memref<1x3x120xi32, #tpu.memory_space<hbm>>
      %dma_wait3A_121 = tpu.memref_squeeze %dma_wait3A_120 : memref<1x3x120xi32, #tpu.memory_space<hbm>> -> memref<3x120xi32, #tpu.memory_space<hbm>>
      %dma_wait3A_122 = arith.constant 0 : i32
      %dma_wait3A_123 = arith.constant 0 : i32
      %dma_wait3A_124 = tpu.memref_slice %arg7[%rem3A_95, %dma_wait3A_122, %dma_wait3A_123] : memref<2x3x120xi32, #tpu.memory_space<vmem>> -> memref<1x3x120xi32, #tpu.memory_space<vmem>>
      %dma_wait3A_125 = tpu.memref_squeeze %dma_wait3A_124 : memref<1x3x120xi32, #tpu.memory_space<vmem>> -> memref<3x120xi32, #tpu.memory_space<vmem>>
      %dma_wait3A_126 = arith.constant 0 : i32
      %dma_wait3A_127 = arith.constant 0 : i32
      %dma_wait3A_128 = tpu.memref_slice %arg3[%mul3A_6, %dma_wait3A_126, %dma_wait3A_127] : memref<896x3x120xi32, #tpu.memory_space<hbm>> -> memref<1x3x120xi32, #tpu.memory_space<hbm>>
      %dma_wait3A_129 = tpu.memref_squeeze %dma_wait3A_128 : memref<1x3x120xi32, #tpu.memory_space<hbm>> -> memref<3x120xi32, #tpu.memory_space<hbm>>
      tpu.wait_dma2 semaphore(%arg16 : memref<!tpu.dma_semaphore, #tpu.memory_space<semaphore_mem>>) src(%dma_wait3A_129 : memref<3x120xi32, #tpu.memory_space<hbm>>) dst(%dma_wait3A_125 : memref<3x120xi32, #tpu.memory_space<vmem>>)
      %add3A_130 = arith.constant 1 : i32
      %add3A_131 = arith.addi %scan3A_94, %add3A_130 : i32
      %lt3A = arith.constant 28 : i32
      %lt3A_132 = arith.cmpi slt, %add3A_131, %lt3A : i32
      %convert_element_type3A = arith.extui %lt3A_132 : i1 to i32
      %cond3A = arith.constant 0 : i32
      %cond3A_133 = arith.cmpi ne, %convert_element_type3A, %cond3A : i32
      scf.if %cond3A_133 {
        %mul3A_256 = arith.constant 28 : i32
        %mul3A_257 = arith.muli %add3A, %mul3A_256 : i32
        %add3A_258 = arith.addi %mul3A_257, %scan3A_94 : i32
        %add3A_259 = arith.constant 1 : i32
        %add3A_260 = arith.addi %add3A_258, %add3A_259 : i32
        %sub3A = arith.constant 1 : i32
        %sub3A_261 = arith.subi %sub3A, %rem3A_95 : i32
        %dma_start3A_262 = arith.constant 0 : i32
        %dma_start3A_263 = arith.constant 0 : i32
        %dma_start3A_264 = tpu.memref_slice %arg7[%sub3A_261, %dma_start3A_262, %dma_start3A_263] : memref<2x3x120xi32, #tpu.memory_space<vmem>> -> memref<1x3x120xi32, #tpu.memory_space<vmem>>
        %dma_start3A_265 = tpu.memref_squeeze %dma_start3A_264 : memref<1x3x120xi32, #tpu.memory_space<vmem>> -> memref<3x120xi32, #tpu.memory_space<vmem>>
        %dma_start3A_266 = arith.constant 0 : i32
        %dma_start3A_267 = arith.constant 0 : i32
        %dma_start3A_268 = tpu.memref_slice %arg3[%add3A_260, %dma_start3A_266, %dma_start3A_267] : memref<896x3x120xi32, #tpu.memory_space<hbm>> -> memref<1x3x120xi32, #tpu.memory_space<hbm>>
        %dma_start3A_269 = tpu.memref_squeeze %dma_start3A_268 : memref<1x3x120xi32, #tpu.memory_space<hbm>> -> memref<3x120xi32, #tpu.memory_space<hbm>>
        %dma_start3A_270 = arith.constant 0 : i32
        %dma_start3A_271 = arith.constant 0 : i32
        %dma_start3A_272 = tpu.memref_slice %arg7[%sub3A_261, %dma_start3A_270, %dma_start3A_271] : memref<2x3x120xi32, #tpu.memory_space<vmem>> -> memref<1x3x120xi32, #tpu.memory_space<vmem>>
        %dma_start3A_273 = tpu.memref_squeeze %dma_start3A_272 : memref<1x3x120xi32, #tpu.memory_space<vmem>> -> memref<3x120xi32, #tpu.memory_space<vmem>>
        %dma_start3A_274 = arith.constant 0 : i32
        %dma_start3A_275 = arith.constant 0 : i32
        %dma_start3A_276 = tpu.memref_slice %arg3[%add3A_260, %dma_start3A_274, %dma_start3A_275] : memref<896x3x120xi32, #tpu.memory_space<hbm>> -> memref<1x3x120xi32, #tpu.memory_space<hbm>>
        %dma_start3A_277 = tpu.memref_squeeze %dma_start3A_276 : memref<1x3x120xi32, #tpu.memory_space<hbm>> -> memref<3x120xi32, #tpu.memory_space<hbm>>
        tpu.enqueue_dma source(%dma_start3A_277 : memref<3x120xi32, #tpu.memory_space<hbm>>) target(%dma_start3A_273 : memref<3x120xi32, #tpu.memory_space<vmem>>) target_semaphore(%arg16 : memref<!tpu.dma_semaphore, #tpu.memory_space<semaphore_mem>>)
        %add3A_278 = arith.constant 1 : i32
        %add3A_279 = arith.addi %scan3A_94, %add3A_278 : i32
        %rem3A_280 = arith.constant 3 : i32
        %rem3A_281 = arith.remsi %add3A_279, %rem3A_280 : i32
        %dma_start3A_282 = arith.constant 0 : i32
        %dma_start3A_283 = arith.constant 0 : i32
        %dma_start3A_284 = tpu.memref_slice %arg8[%rem3A_281, %dma_start3A_282, %dma_start3A_283] : memref<3x3x120xi32, #tpu.memory_space<vmem>> -> memref<1x3x120xi32, #tpu.memory_space<vmem>>
        %dma_start3A_285 = tpu.memref_squeeze %dma_start3A_284 : memref<1x3x120xi32, #tpu.memory_space<vmem>> -> memref<3x120xi32, #tpu.memory_space<vmem>>
        %dma_start3A_286 = arith.constant 0 : i32
        %dma_start3A_287 = arith.constant 0 : i32
        %dma_start3A_288 = tpu.memref_slice %arg4[%add3A_260, %dma_start3A_286, %dma_start3A_287] : memref<896x3x120xi32, #tpu.memory_space<hbm>> -> memref<1x3x120xi32, #tpu.memory_space<hbm>>
        %dma_start3A_289 = tpu.memref_squeeze %dma_start3A_288 : memref<1x3x120xi32, #tpu.memory_space<hbm>> -> memref<3x120xi32, #tpu.memory_space<hbm>>
        %dma_start3A_290 = arith.constant 0 : i32
        %dma_start3A_291 = arith.constant 0 : i32
        %dma_start3A_292 = tpu.memref_slice %arg8[%rem3A_281, %dma_start3A_290, %dma_start3A_291] : memref<3x3x120xi32, #tpu.memory_space<vmem>> -> memref<1x3x120xi32, #tpu.memory_space<vmem>>
        %dma_start3A_293 = tpu.memref_squeeze %dma_start3A_292 : memref<1x3x120xi32, #tpu.memory_space<vmem>> -> memref<3x120xi32, #tpu.memory_space<vmem>>
        %dma_start3A_294 = arith.constant 0 : i32
        %dma_start3A_295 = arith.constant 0 : i32
        %dma_start3A_296 = tpu.memref_slice %arg4[%add3A_260, %dma_start3A_294, %dma_start3A_295] : memref<896x3x120xi32, #tpu.memory_space<hbm>> -> memref<1x3x120xi32, #tpu.memory_space<hbm>>
        %dma_start3A_297 = tpu.memref_squeeze %dma_start3A_296 : memref<1x3x120xi32, #tpu.memory_space<hbm>> -> memref<3x120xi32, #tpu.memory_space<hbm>>
        tpu.enqueue_dma source(%dma_start3A_297 : memref<3x120xi32, #tpu.memory_space<hbm>>) target(%dma_start3A_293 : memref<3x120xi32, #tpu.memory_space<vmem>>) target_semaphore(%arg16 : memref<!tpu.dma_semaphore, #tpu.memory_space<semaphore_mem>>)
      } else {
      }
      %gt3A = arith.constant 0 : i32
      %gt3A_134 = arith.cmpi sgt, %scan3A_94, %gt3A : i32
      %convert_element_type3A_135 = arith.extui %gt3A_134 : i1 to i32
      %cond3A_136 = arith.constant 0 : i32
      %cond3A_137 = arith.cmpi ne, %convert_element_type3A_135, %cond3A_136 : i32
      scf.if %cond3A_137 {
        %dma_wait3A_256 = arith.constant 0 : i32
        %dma_wait3A_257 = arith.constant 0 : i32
        %dma_wait3A_258 = arith.constant 0 : i32
        %dma_wait3A_259 = tpu.memref_slice %arg9[%dma_wait3A_256, %dma_wait3A_257, %dma_wait3A_258] : memref<3x120x128xf32, #tpu.memory_space<vmem>> -> memref<1x120x128xf32, #tpu.memory_space<vmem>>
        %dma_wait3A_260 = tpu.memref_squeeze %dma_wait3A_259 : memref<1x120x128xf32, #tpu.memory_space<vmem>> -> memref<120x128xf32, #tpu.memory_space<vmem>>
        %dma_wait3A_261 = arith.constant 0 : i32
        %dma_wait3A_262 = arith.constant 0 : i32
        %dma_wait3A_263 = tpu.memref_slice %arg5[%dma_wait3A_261, %dma_wait3A_262] : memref<10112x128xf32, #tpu.memory_space<hbm>> -> memref<120x128xf32, #tpu.memory_space<hbm>>
        %dma_wait3A_264 = arith.constant 0 : i32
        %dma_wait3A_265 = arith.constant 0 : i32
        %dma_wait3A_266 = tpu.memref_slice %arg9[%dma_wait3A_256, %dma_wait3A_264, %dma_wait3A_265] : memref<3x120x128xf32, #tpu.memory_space<vmem>> -> memref<1x120x128xf32, #tpu.memory_space<vmem>>
        %dma_wait3A_267 = tpu.memref_squeeze %dma_wait3A_266 : memref<1x120x128xf32, #tpu.memory_space<vmem>> -> memref<120x128xf32, #tpu.memory_space<vmem>>
        %dma_wait3A_268 = arith.constant 0 : i32
        %dma_wait3A_269 = arith.constant 0 : i32
        %dma_wait3A_270 = tpu.memref_slice %arg5[%dma_wait3A_268, %dma_wait3A_269] : memref<10112x128xf32, #tpu.memory_space<hbm>> -> memref<120x128xf32, #tpu.memory_space<hbm>>
        tpu.wait_dma2 semaphore(%arg13 : memref<!tpu.dma_semaphore, #tpu.memory_space<semaphore_mem>>) src(%dma_wait3A_270 : memref<120x128xf32, #tpu.memory_space<hbm>>) dst(%dma_wait3A_267 : memref<120x128xf32, #tpu.memory_space<vmem>>)
      } else {
      }
      %dma_start3A_138 = arith.constant 0 : i32
      %dma_start3A_139 = arith.constant 0 : i32
      %dma_start3A_140 = arith.constant 0 : i32
      %dma_start3A_141 = arith.constant 0 : i32
      %dma_start3A_142 = tpu.memref_slice %arg9[%dma_start3A_139, %dma_start3A_140, %dma_start3A_141] : memref<3x120x128xf32, #tpu.memory_space<vmem>> -> memref<1x120x128xf32, #tpu.memory_space<vmem>>
      %dma_start3A_143 = tpu.memref_squeeze %dma_start3A_142 : memref<1x120x128xf32, #tpu.memory_space<vmem>> -> memref<120x128xf32, #tpu.memory_space<vmem>>
      %dma_start3A_144 = arith.constant 0 : i32
      %dma_start3A_145 = tpu.memref_slice %arg7[%rem3A_95, %dma_start3A_138, %dma_start3A_144] : memref<2x3x120xi32, #tpu.memory_space<vmem>> -> memref<1x1x120xi32, #tpu.memory_space<vmem>>
      %dma_start3A_146 = tpu.memref_squeeze %dma_start3A_145 : memref<1x1x120xi32, #tpu.memory_space<vmem>> -> memref<120xi32, #tpu.memory_space<vmem>>
      %dma_start3A_147 = arith.constant 0 : i32
      %dma_start3A_148 = arith.constant 0 : i32
      %dma_start3A_149 = tpu.memref_slice %arg2[%dma_start3A_147, %dma_start3A_148] : memref<130000x128xf32, #tpu.memory_space<hbm>> -> memref<130000x128xf32, #tpu.memory_space<hbm>>
      tpu.enqueue_indirect_dma source(%dma_start3A_149 : memref<130000x128xf32, #tpu.memory_space<hbm>>) target(%dma_start3A_143 : memref<120x128xf32, #tpu.memory_space<vmem>>) offsets(%dma_start3A_146 : memref<120xi32, #tpu.memory_space<vmem>>) semaphore(%arg10 : memref<!tpu.dma_semaphore, #tpu.memory_space<semaphore_mem>>)
      %gt3A_150 = arith.constant 0 : i32
      %gt3A_151 = arith.cmpi sgt, %scan3A_94, %gt3A_150 : i32
      %convert_element_type3A_152 = arith.extui %gt3A_151 : i1 to i32
      %cond3A_153 = arith.constant 0 : i32
      %cond3A_154 = arith.cmpi ne, %convert_element_type3A_152, %cond3A_153 : i32
      scf.if %cond3A_154 {
        %dma_wait3A_256 = arith.constant 1 : i32
        %dma_wait3A_257 = arith.constant 0 : i32
        %dma_wait3A_258 = arith.constant 0 : i32
        %dma_wait3A_259 = tpu.memref_slice %arg9[%dma_wait3A_256, %dma_wait3A_257, %dma_wait3A_258] : memref<3x120x128xf32, #tpu.memory_space<vmem>> -> memref<1x120x128xf32, #tpu.memory_space<vmem>>
        %dma_wait3A_260 = tpu.memref_squeeze %dma_wait3A_259 : memref<1x120x128xf32, #tpu.memory_space<vmem>> -> memref<120x128xf32, #tpu.memory_space<vmem>>
        %dma_wait3A_261 = arith.constant 0 : i32
        %dma_wait3A_262 = arith.constant 0 : i32
        %dma_wait3A_263 = tpu.memref_slice %arg5[%dma_wait3A_261, %dma_wait3A_262] : memref<10112x128xf32, #tpu.memory_space<hbm>> -> memref<120x128xf32, #tpu.memory_space<hbm>>
        %dma_wait3A_264 = arith.constant 0 : i32
        %dma_wait3A_265 = arith.constant 0 : i32
        %dma_wait3A_266 = tpu.memref_slice %arg9[%dma_wait3A_256, %dma_wait3A_264, %dma_wait3A_265] : memref<3x120x128xf32, #tpu.memory_space<vmem>> -> memref<1x120x128xf32, #tpu.memory_space<vmem>>
        %dma_wait3A_267 = tpu.memref_squeeze %dma_wait3A_266 : memref<1x120x128xf32, #tpu.memory_space<vmem>> -> memref<120x128xf32, #tpu.memory_space<vmem>>
        %dma_wait3A_268 = arith.constant 0 : i32
        %dma_wait3A_269 = arith.constant 0 : i32
        %dma_wait3A_270 = tpu.memref_slice %arg5[%dma_wait3A_268, %dma_wait3A_269] : memref<10112x128xf32, #tpu.memory_space<hbm>> -> memref<120x128xf32, #tpu.memory_space<hbm>>
        tpu.wait_dma2 semaphore(%arg14 : memref<!tpu.dma_semaphore, #tpu.memory_space<semaphore_mem>>) src(%dma_wait3A_270 : memref<120x128xf32, #tpu.memory_space<hbm>>) dst(%dma_wait3A_267 : memref<120x128xf32, #tpu.memory_space<vmem>>)
      } else {
      }
      %dma_start3A_155 = arith.constant 1 : i32
      %dma_start3A_156 = arith.constant 1 : i32
      %dma_start3A_157 = arith.constant 0 : i32
      %dma_start3A_158 = arith.constant 0 : i32
      %dma_start3A_159 = tpu.memref_slice %arg9[%dma_start3A_156, %dma_start3A_157, %dma_start3A_158] : memref<3x120x128xf32, #tpu.memory_space<vmem>> -> memref<1x120x128xf32, #tpu.memory_space<vmem>>
      %dma_start3A_160 = tpu.memref_squeeze %dma_start3A_159 : memref<1x120x128xf32, #tpu.memory_space<vmem>> -> memref<120x128xf32, #tpu.memory_space<vmem>>
      %dma_start3A_161 = arith.constant 0 : i32
      %dma_start3A_162 = tpu.memref_slice %arg7[%rem3A_95, %dma_start3A_155, %dma_start3A_161] : memref<2x3x120xi32, #tpu.memory_space<vmem>> -> memref<1x1x120xi32, #tpu.memory_space<vmem>>
      %dma_start3A_163 = tpu.memref_squeeze %dma_start3A_162 : memref<1x1x120xi32, #tpu.memory_space<vmem>> -> memref<120xi32, #tpu.memory_space<vmem>>
      %dma_start3A_164 = arith.constant 0 : i32
      %dma_start3A_165 = arith.constant 0 : i32
      %dma_start3A_166 = tpu.memref_slice %arg2[%dma_start3A_164, %dma_start3A_165] : memref<130000x128xf32, #tpu.memory_space<hbm>> -> memref<130000x128xf32, #tpu.memory_space<hbm>>
      tpu.enqueue_indirect_dma source(%dma_start3A_166 : memref<130000x128xf32, #tpu.memory_space<hbm>>) target(%dma_start3A_160 : memref<120x128xf32, #tpu.memory_space<vmem>>) offsets(%dma_start3A_163 : memref<120xi32, #tpu.memory_space<vmem>>) semaphore(%arg11 : memref<!tpu.dma_semaphore, #tpu.memory_space<semaphore_mem>>)
      %gt3A_167 = arith.constant 0 : i32
      %gt3A_168 = arith.cmpi sgt, %scan3A_94, %gt3A_167 : i32
      %convert_element_type3A_169 = arith.extui %gt3A_168 : i1 to i32
      %cond3A_170 = arith.constant 0 : i32
      %cond3A_171 = arith.cmpi ne, %convert_element_type3A_169, %cond3A_170 : i32
      scf.if %cond3A_171 {
        %dma_wait3A_256 = arith.constant 2 : i32
        %dma_wait3A_257 = arith.constant 0 : i32
        %dma_wait3A_258 = arith.constant 0 : i32
        %dma_wait3A_259 = tpu.memref_slice %arg9[%dma_wait3A_256, %dma_wait3A_257, %dma_wait3A_258] : memref<3x120x128xf32, #tpu.memory_space<vmem>> -> memref<1x120x128xf32, #tpu.memory_space<vmem>>
        %dma_wait3A_260 = tpu.memref_squeeze %dma_wait3A_259 : memref<1x120x128xf32, #tpu.memory_space<vmem>> -> memref<120x128xf32, #tpu.memory_space<vmem>>
        %dma_wait3A_261 = arith.constant 0 : i32
        %dma_wait3A_262 = arith.constant 0 : i32
        %dma_wait3A_263 = tpu.memref_slice %arg5[%dma_wait3A_261, %dma_wait3A_262] : memref<10112x128xf32, #tpu.memory_space<hbm>> -> memref<120x128xf32, #tpu.memory_space<hbm>>
        %dma_wait3A_264 = arith.constant 0 : i32
        %dma_wait3A_265 = arith.constant 0 : i32
        %dma_wait3A_266 = tpu.memref_slice %arg9[%dma_wait3A_256, %dma_wait3A_264, %dma_wait3A_265] : memref<3x120x128xf32, #tpu.memory_space<vmem>> -> memref<1x120x128xf32, #tpu.memory_space<vmem>>
        %dma_wait3A_267 = tpu.memref_squeeze %dma_wait3A_266 : memref<1x120x128xf32, #tpu.memory_space<vmem>> -> memref<120x128xf32, #tpu.memory_space<vmem>>
        %dma_wait3A_268 = arith.constant 0 : i32
        %dma_wait3A_269 = arith.constant 0 : i32
        %dma_wait3A_270 = tpu.memref_slice %arg5[%dma_wait3A_268, %dma_wait3A_269] : memref<10112x128xf32, #tpu.memory_space<hbm>> -> memref<120x128xf32, #tpu.memory_space<hbm>>
        tpu.wait_dma2 semaphore(%arg15 : memref<!tpu.dma_semaphore, #tpu.memory_space<semaphore_mem>>) src(%dma_wait3A_270 : memref<120x128xf32, #tpu.memory_space<hbm>>) dst(%dma_wait3A_267 : memref<120x128xf32, #tpu.memory_space<vmem>>)
      } else {
      }
      %dma_start3A_172 = arith.constant 2 : i32
      %dma_start3A_173 = arith.constant 2 : i32
      %dma_start3A_174 = arith.constant 0 : i32
      %dma_start3A_175 = arith.constant 0 : i32
      %dma_start3A_176 = tpu.memref_slice %arg9[%dma_start3A_173, %dma_start3A_174, %dma_start3A_175] : memref<3x120x128xf32, #tpu.memory_space<vmem>> -> memref<1x120x128xf32, #tpu.memory_space<vmem>>
      %dma_start3A_177 = tpu.memref_squeeze %dma_start3A_176 : memref<1x120x128xf32, #tpu.memory_space<vmem>> -> memref<120x128xf32, #tpu.memory_space<vmem>>
      %dma_start3A_178 = arith.constant 0 : i32
      %dma_start3A_179 = tpu.memref_slice %arg7[%rem3A_95, %dma_start3A_172, %dma_start3A_178] : memref<2x3x120xi32, #tpu.memory_space<vmem>> -> memref<1x1x120xi32, #tpu.memory_space<vmem>>
      %dma_start3A_180 = tpu.memref_squeeze %dma_start3A_179 : memref<1x1x120xi32, #tpu.memory_space<vmem>> -> memref<120xi32, #tpu.memory_space<vmem>>
      %dma_start3A_181 = arith.constant 0 : i32
      %dma_start3A_182 = arith.constant 0 : i32
      %dma_start3A_183 = tpu.memref_slice %arg2[%dma_start3A_181, %dma_start3A_182] : memref<130000x128xf32, #tpu.memory_space<hbm>> -> memref<130000x128xf32, #tpu.memory_space<hbm>>
      tpu.enqueue_indirect_dma source(%dma_start3A_183 : memref<130000x128xf32, #tpu.memory_space<hbm>>) target(%dma_start3A_177 : memref<120x128xf32, #tpu.memory_space<vmem>>) offsets(%dma_start3A_180 : memref<120xi32, #tpu.memory_space<vmem>>) semaphore(%arg12 : memref<!tpu.dma_semaphore, #tpu.memory_space<semaphore_mem>>)
      %dma_wait3A_184 = arith.constant 0 : i32
      %dma_wait3A_185 = arith.constant 0 : i32
      %dma_wait3A_186 = arith.constant 0 : i32
      %dma_wait3A_187 = arith.constant 0 : i32
      %dma_wait3A_188 = tpu.memref_slice %arg9[%dma_wait3A_185, %dma_wait3A_186, %dma_wait3A_187] : memref<3x120x128xf32, #tpu.memory_space<vmem>> -> memref<1x120x128xf32, #tpu.memory_space<vmem>>
      %dma_wait3A_189 = tpu.memref_squeeze %dma_wait3A_188 : memref<1x120x128xf32, #tpu.memory_space<vmem>> -> memref<120x128xf32, #tpu.memory_space<vmem>>
      %dma_wait3A_190 = arith.constant 0 : i32
      %dma_wait3A_191 = tpu.memref_slice %arg7[%rem3A_95, %dma_wait3A_184, %dma_wait3A_190] : memref<2x3x120xi32, #tpu.memory_space<vmem>> -> memref<1x1x120xi32, #tpu.memory_space<vmem>>
      %dma_wait3A_192 = tpu.memref_squeeze %dma_wait3A_191 : memref<1x1x120xi32, #tpu.memory_space<vmem>> -> memref<120xi32, #tpu.memory_space<vmem>>
      %dma_wait3A_193 = arith.constant 0 : i32
      %dma_wait3A_194 = arith.constant 0 : i32
      %dma_wait3A_195 = tpu.memref_slice %arg2[%dma_wait3A_193, %dma_wait3A_194] : memref<130000x128xf32, #tpu.memory_space<hbm>> -> memref<130000x128xf32, #tpu.memory_space<hbm>>
      tpu.wait_indirect_dma semaphore(%arg10 : memref<!tpu.dma_semaphore, #tpu.memory_space<semaphore_mem>>) src(%dma_wait3A_195 : memref<130000x128xf32, #tpu.memory_space<hbm>>) dst(%dma_wait3A_189 : memref<120x128xf32, #tpu.memory_space<vmem>>)
      %dma_start3A_196 = arith.constant 0 : i32
      %dma_start3A_197 = arith.constant 0 : i32
      %dma_start3A_198 = arith.constant 0 : i32
      %dma_start3A_199 = arith.constant 0 : i32
      %dma_start3A_200 = tpu.memref_slice %arg9[%dma_start3A_196, %dma_start3A_198, %dma_start3A_199] : memref<3x120x128xf32, #tpu.memory_space<vmem>> -> memref<1x120x128xf32, #tpu.memory_space<vmem>>
      %dma_start3A_201 = tpu.memref_squeeze %dma_start3A_200 : memref<1x120x128xf32, #tpu.memory_space<vmem>> -> memref<120x128xf32, #tpu.memory_space<vmem>>
      %dma_start3A_202 = arith.constant 0 : i32
      %dma_start3A_203 = tpu.memref_slice %arg8[%rem3A_97, %dma_start3A_197, %dma_start3A_202] : memref<3x3x120xi32, #tpu.memory_space<vmem>> -> memref<1x1x120xi32, #tpu.memory_space<vmem>>
      %dma_start3A_204 = tpu.memref_squeeze %dma_start3A_203 : memref<1x1x120xi32, #tpu.memory_space<vmem>> -> memref<120xi32, #tpu.memory_space<vmem>>
      %dma_start3A_205 = arith.constant 0 : i32
      %dma_start3A_206 = arith.constant 0 : i32
      %dma_start3A_207 = tpu.memref_slice %arg17[%dma_start3A_205, %dma_start3A_206] : memref<10112x128xf32, #tpu.memory_space<vmem_shared>> -> memref<10112x128xf32, #tpu.memory_space<vmem_shared>>
      tpu.enqueue_indirect_dma source(%dma_start3A_201 : memref<120x128xf32, #tpu.memory_space<vmem>>) target(%dma_start3A_207 : memref<10112x128xf32, #tpu.memory_space<vmem_shared>>) offsets(%dma_start3A_204 : memref<120xi32, #tpu.memory_space<vmem>>) semaphore(%arg13 : memref<!tpu.dma_semaphore, #tpu.memory_space<semaphore_mem>>) {add = true}
      %dma_wait3A_208 = arith.constant 1 : i32
      %dma_wait3A_209 = arith.constant 1 : i32
      %dma_wait3A_210 = arith.constant 0 : i32
      %dma_wait3A_211 = arith.constant 0 : i32
      %dma_wait3A_212 = tpu.memref_slice %arg9[%dma_wait3A_209, %dma_wait3A_210, %dma_wait3A_211] : memref<3x120x128xf32, #tpu.memory_space<vmem>> -> memref<1x120x128xf32, #tpu.memory_space<vmem>>
      %dma_wait3A_213 = tpu.memref_squeeze %dma_wait3A_212 : memref<1x120x128xf32, #tpu.memory_space<vmem>> -> memref<120x128xf32, #tpu.memory_space<vmem>>
      %dma_wait3A_214 = arith.constant 0 : i32
      %dma_wait3A_215 = tpu.memref_slice %arg7[%rem3A_95, %dma_wait3A_208, %dma_wait3A_214] : memref<2x3x120xi32, #tpu.memory_space<vmem>> -> memref<1x1x120xi32, #tpu.memory_space<vmem>>
      %dma_wait3A_216 = tpu.memref_squeeze %dma_wait3A_215 : memref<1x1x120xi32, #tpu.memory_space<vmem>> -> memref<120xi32, #tpu.memory_space<vmem>>
      %dma_wait3A_217 = arith.constant 0 : i32
      %dma_wait3A_218 = arith.constant 0 : i32
      %dma_wait3A_219 = tpu.memref_slice %arg2[%dma_wait3A_217, %dma_wait3A_218] : memref<130000x128xf32, #tpu.memory_space<hbm>> -> memref<130000x128xf32, #tpu.memory_space<hbm>>
      tpu.wait_indirect_dma semaphore(%arg11 : memref<!tpu.dma_semaphore, #tpu.memory_space<semaphore_mem>>) src(%dma_wait3A_219 : memref<130000x128xf32, #tpu.memory_space<hbm>>) dst(%dma_wait3A_213 : memref<120x128xf32, #tpu.memory_space<vmem>>)
      %dma_start3A_220 = arith.constant 1 : i32
      %dma_start3A_221 = arith.constant 1 : i32
      %dma_start3A_222 = arith.constant 0 : i32
      %dma_start3A_223 = arith.constant 0 : i32
      %dma_start3A_224 = tpu.memref_slice %arg9[%dma_start3A_220, %dma_start3A_222, %dma_start3A_223] : memref<3x120x128xf32, #tpu.memory_space<vmem>> -> memref<1x120x128xf32, #tpu.memory_space<vmem>>
      %dma_start3A_225 = tpu.memref_squeeze %dma_start3A_224 : memref<1x120x128xf32, #tpu.memory_space<vmem>> -> memref<120x128xf32, #tpu.memory_space<vmem>>
      %dma_start3A_226 = arith.constant 0 : i32
      %dma_start3A_227 = tpu.memref_slice %arg8[%rem3A_97, %dma_start3A_221, %dma_start3A_226] : memref<3x3x120xi32, #tpu.memory_space<vmem>> -> memref<1x1x120xi32, #tpu.memory_space<vmem>>
      %dma_start3A_228 = tpu.memref_squeeze %dma_start3A_227 : memref<1x1x120xi32, #tpu.memory_space<vmem>> -> memref<120xi32, #tpu.memory_space<vmem>>
      %dma_start3A_229 = arith.constant 0 : i32
      %dma_start3A_230 = arith.constant 0 : i32
      %dma_start3A_231 = tpu.memref_slice %arg17[%dma_start3A_229, %dma_start3A_230] : memref<10112x128xf32, #tpu.memory_space<vmem_shared>> -> memref<10112x128xf32, #tpu.memory_space<vmem_shared>>
      tpu.enqueue_indirect_dma source(%dma_start3A_225 : memref<120x128xf32, #tpu.memory_space<vmem>>) target(%dma_start3A_231 : memref<10112x128xf32, #tpu.memory_space<vmem_shared>>) offsets(%dma_start3A_228 : memref<120xi32, #tpu.memory_space<vmem>>) semaphore(%arg14 : memref<!tpu.dma_semaphore, #tpu.memory_space<semaphore_mem>>) {add = true}
      %dma_wait3A_232 = arith.constant 2 : i32
      %dma_wait3A_233 = arith.constant 2 : i32
      %dma_wait3A_234 = arith.constant 0 : i32
      %dma_wait3A_235 = arith.constant 0 : i32
      %dma_wait3A_236 = tpu.memref_slice %arg9[%dma_wait3A_233, %dma_wait3A_234, %dma_wait3A_235] : memref<3x120x128xf32, #tpu.memory_space<vmem>> -> memref<1x120x128xf32, #tpu.memory_space<vmem>>
      %dma_wait3A_237 = tpu.memref_squeeze %dma_wait3A_236 : memref<1x120x128xf32, #tpu.memory_space<vmem>> -> memref<120x128xf32, #tpu.memory_space<vmem>>
      %dma_wait3A_238 = arith.constant 0 : i32
      %dma_wait3A_239 = tpu.memref_slice %arg7[%rem3A_95, %dma_wait3A_232, %dma_wait3A_238] : memref<2x3x120xi32, #tpu.memory_space<vmem>> -> memref<1x1x120xi32, #tpu.memory_space<vmem>>
      %dma_wait3A_240 = tpu.memref_squeeze %dma_wait3A_239 : memref<1x1x120xi32, #tpu.memory_space<vmem>> -> memref<120xi32, #tpu.memory_space<vmem>>
      %dma_wait3A_241 = arith.constant 0 : i32
      %dma_wait3A_242 = arith.constant 0 : i32
      %dma_wait3A_243 = tpu.memref_slice %arg2[%dma_wait3A_241, %dma_wait3A_242] : memref<130000x128xf32, #tpu.memory_space<hbm>> -> memref<130000x128xf32, #tpu.memory_space<hbm>>
      tpu.wait_indirect_dma semaphore(%arg12 : memref<!tpu.dma_semaphore, #tpu.memory_space<semaphore_mem>>) src(%dma_wait3A_243 : memref<130000x128xf32, #tpu.memory_space<hbm>>) dst(%dma_wait3A_237 : memref<120x128xf32, #tpu.memory_space<vmem>>)
      %dma_start3A_244 = arith.constant 2 : i32
      %dma_start3A_245 = arith.constant 2 : i32
      %dma_start3A_246 = arith.constant 0 : i32
      %dma_start3A_247 = arith.constant 0 : i32
      %dma_start3A_248 = tpu.memref_slice %arg9[%dma_start3A_244, %dma_start3A_246, %dma_start3A_247] : memref<3x120x128xf32, #tpu.memory_space<vmem>> -> memref<1x120x128xf32, #tpu.memory_space<vmem>>
      %dma_start3A_249 = tpu.memref_squeeze %dma_start3A_248 : memref<1x120x128xf32, #tpu.memory_space<vmem>> -> memref<120x128xf32, #tpu.memory_space<vmem>>
      %dma_start3A_250 = arith.constant 0 : i32
      %dma_start3A_251 = tpu.memref_slice %arg8[%rem3A_97, %dma_start3A_245, %dma_start3A_250] : memref<3x3x120xi32, #tpu.memory_space<vmem>> -> memref<1x1x120xi32, #tpu.memory_space<vmem>>
      %dma_start3A_252 = tpu.memref_squeeze %dma_start3A_251 : memref<1x1x120xi32, #tpu.memory_space<vmem>> -> memref<120xi32, #tpu.memory_space<vmem>>
      %dma_start3A_253 = arith.constant 0 : i32
      %dma_start3A_254 = arith.constant 0 : i32
      %dma_start3A_255 = tpu.memref_slice %arg17[%dma_start3A_253, %dma_start3A_254] : memref<10112x128xf32, #tpu.memory_space<vmem_shared>> -> memref<10112x128xf32, #tpu.memory_space<vmem_shared>>
      tpu.enqueue_indirect_dma source(%dma_start3A_249 : memref<120x128xf32, #tpu.memory_space<vmem>>) target(%dma_start3A_255 : memref<10112x128xf32, #tpu.memory_space<vmem_shared>>) offsets(%dma_start3A_252 : memref<120xi32, #tpu.memory_space<vmem>>) semaphore(%arg15 : memref<!tpu.dma_semaphore, #tpu.memory_space<semaphore_mem>>) {add = true}
    }
    %scan3A_44 = arith.constant 28 : i32
    %dma_wait3A = arith.constant 0 : i32
    %dma_wait3A_45 = arith.constant 0 : i32
    %dma_wait3A_46 = arith.constant 0 : i32
    %dma_wait3A_47 = tpu.memref_slice %arg9[%dma_wait3A, %dma_wait3A_45, %dma_wait3A_46] : memref<3x120x128xf32, #tpu.memory_space<vmem>> -> memref<1x120x128xf32, #tpu.memory_space<vmem>>
    %dma_wait3A_48 = tpu.memref_squeeze %dma_wait3A_47 : memref<1x120x128xf32, #tpu.memory_space<vmem>> -> memref<120x128xf32, #tpu.memory_space<vmem>>
    %dma_wait3A_49 = arith.constant 0 : i32
    %dma_wait3A_50 = arith.constant 0 : i32
    %dma_wait3A_51 = tpu.memref_slice %arg5[%dma_wait3A_49, %dma_wait3A_50] : memref<10112x128xf32, #tpu.memory_space<hbm>> -> memref<120x128xf32, #tpu.memory_space<hbm>>
    %dma_wait3A_52 = arith.constant 0 : i32
    %dma_wait3A_53 = arith.constant 0 : i32
    %dma_wait3A_54 = tpu.memref_slice %arg9[%dma_wait3A, %dma_wait3A_52, %dma_wait3A_53] : memref<3x120x128xf32, #tpu.memory_space<vmem>> -> memref<1x120x128xf32, #tpu.memory_space<vmem>>
    %dma_wait3A_55 = tpu.memref_squeeze %dma_wait3A_54 : memref<1x120x128xf32, #tpu.memory_space<vmem>> -> memref<120x128xf32, #tpu.memory_space<vmem>>
    %dma_wait3A_56 = arith.constant 0 : i32
    %dma_wait3A_57 = arith.constant 0 : i32
    %dma_wait3A_58 = tpu.memref_slice %arg5[%dma_wait3A_56, %dma_wait3A_57] : memref<10112x128xf32, #tpu.memory_space<hbm>> -> memref<120x128xf32, #tpu.memory_space<hbm>>
    tpu.wait_dma2 semaphore(%arg13 : memref<!tpu.dma_semaphore, #tpu.memory_space<semaphore_mem>>) src(%dma_wait3A_58 : memref<120x128xf32, #tpu.memory_space<hbm>>) dst(%dma_wait3A_55 : memref<120x128xf32, #tpu.memory_space<vmem>>)
    %dma_wait3A_59 = arith.constant 1 : i32
    %dma_wait3A_60 = arith.constant 0 : i32
    %dma_wait3A_61 = arith.constant 0 : i32
    %dma_wait3A_62 = tpu.memref_slice %arg9[%dma_wait3A_59, %dma_wait3A_60, %dma_wait3A_61] : memref<3x120x128xf32, #tpu.memory_space<vmem>> -> memref<1x120x128xf32, #tpu.memory_space<vmem>>
    %dma_wait3A_63 = tpu.memref_squeeze %dma_wait3A_62 : memref<1x120x128xf32, #tpu.memory_space<vmem>> -> memref<120x128xf32, #tpu.memory_space<vmem>>
    %dma_wait3A_64 = arith.constant 0 : i32
    %dma_wait3A_65 = arith.constant 0 : i32
    %dma_wait3A_66 = tpu.memref_slice %arg5[%dma_wait3A_64, %dma_wait3A_65] : memref<10112x128xf32, #tpu.memory_space<hbm>> -> memref<120x128xf32, #tpu.memory_space<hbm>>
    %dma_wait3A_67 = arith.constant 0 : i32
    %dma_wait3A_68 = arith.constant 0 : i32
    %dma_wait3A_69 = tpu.memref_slice %arg9[%dma_wait3A_59, %dma_wait3A_67, %dma_wait3A_68] : memref<3x120x128xf32, #tpu.memory_space<vmem>> -> memref<1x120x128xf32, #tpu.memory_space<vmem>>
    %dma_wait3A_70 = tpu.memref_squeeze %dma_wait3A_69 : memref<1x120x128xf32, #tpu.memory_space<vmem>> -> memref<120x128xf32, #tpu.memory_space<vmem>>
    %dma_wait3A_71 = arith.constant 0 : i32
    %dma_wait3A_72 = arith.constant 0 : i32
    %dma_wait3A_73 = tpu.memref_slice %arg5[%dma_wait3A_71, %dma_wait3A_72] : memref<10112x128xf32, #tpu.memory_space<hbm>> -> memref<120x128xf32, #tpu.memory_space<hbm>>
    tpu.wait_dma2 semaphore(%arg14 : memref<!tpu.dma_semaphore, #tpu.memory_space<semaphore_mem>>) src(%dma_wait3A_73 : memref<120x128xf32, #tpu.memory_space<hbm>>) dst(%dma_wait3A_70 : memref<120x128xf32, #tpu.memory_space<vmem>>)
    %dma_wait3A_74 = arith.constant 2 : i32
    %dma_wait3A_75 = arith.constant 0 : i32
    %dma_wait3A_76 = arith.constant 0 : i32
    %dma_wait3A_77 = tpu.memref_slice %arg9[%dma_wait3A_74, %dma_wait3A_75, %dma_wait3A_76] : memref<3x120x128xf32, #tpu.memory_space<vmem>> -> memref<1x120x128xf32, #tpu.memory_space<vmem>>
    %dma_wait3A_78 = tpu.memref_squeeze %dma_wait3A_77 : memref<1x120x128xf32, #tpu.memory_space<vmem>> -> memref<120x128xf32, #tpu.memory_space<vmem>>
    %dma_wait3A_79 = arith.constant 0 : i32
    %dma_wait3A_80 = arith.constant 0 : i32
    %dma_wait3A_81 = tpu.memref_slice %arg5[%dma_wait3A_79, %dma_wait3A_80] : memref<10112x128xf32, #tpu.memory_space<hbm>> -> memref<120x128xf32, #tpu.memory_space<hbm>>
    %dma_wait3A_82 = arith.constant 0 : i32
    %dma_wait3A_83 = arith.constant 0 : i32
    %dma_wait3A_84 = tpu.memref_slice %arg9[%dma_wait3A_74, %dma_wait3A_82, %dma_wait3A_83] : memref<3x120x128xf32, #tpu.memory_space<vmem>> -> memref<1x120x128xf32, #tpu.memory_space<vmem>>
    %dma_wait3A_85 = tpu.memref_squeeze %dma_wait3A_84 : memref<1x120x128xf32, #tpu.memory_space<vmem>> -> memref<120x128xf32, #tpu.memory_space<vmem>>
    %dma_wait3A_86 = arith.constant 0 : i32
    %dma_wait3A_87 = arith.constant 0 : i32
    %dma_wait3A_88 = tpu.memref_slice %arg5[%dma_wait3A_86, %dma_wait3A_87] : memref<10112x128xf32, #tpu.memory_space<hbm>> -> memref<120x128xf32, #tpu.memory_space<hbm>>
    tpu.wait_dma2 semaphore(%arg15 : memref<!tpu.dma_semaphore, #tpu.memory_space<semaphore_mem>>) src(%dma_wait3A_88 : memref<120x128xf32, #tpu.memory_space<hbm>>) dst(%dma_wait3A_85 : memref<120x128xf32, #tpu.memory_space<vmem>>)
    %barrier3A_89 = arith.constant 0 : index
    tpu.barrier barrier_id(%barrier3A_89)
    %mul3A_90 = arith.constant 632 : i32
    %mul3A_91 = arith.muli %arg1, %mul3A_90 : i32
    %mul3A_92 = arith.constant 632 : i32
    %mul3A_93 = arith.muli %arg1, %mul3A_92 : i32
    "tpu.region"() ({
      %run_scoped3A = tpu.sem_alloc : memref<!tpu.dma_semaphore, #tpu.memory_space<semaphore_mem>>
      %dma_start3A_94 = arith.constant 0 : i32
      %dma_start3A_95 = tpu.memref_slice %arg6[%arg0, %mul3A_93, %dma_start3A_94] : memref<2x10112x128xf32, #tpu.memory_space<hbm>> -> memref<1x632x128xf32, #tpu.memory_space<hbm>>
      %dma_start3A_96 = tpu.memref_squeeze %dma_start3A_95 : memref<1x632x128xf32, #tpu.memory_space<hbm>> -> memref<632x128xf32, #tpu.memory_space<hbm>>
      %dma_start3A_97 = arith.constant 0 : i32
      %dma_start3A_98 = tpu.memref_slice %arg17[%mul3A_91, %dma_start3A_97] : memref<10112x128xf32, #tpu.memory_space<vmem_shared>> -> memref<632x128xf32, #tpu.memory_space<vmem_shared>>
      tpu.enqueue_dma source(%dma_start3A_98 : memref<632x128xf32, #tpu.memory_space<vmem_shared>>) target(%dma_start3A_96 : memref<632x128xf32, #tpu.memory_space<hbm>>) target_semaphore(%run_scoped3A : memref<!tpu.dma_semaphore, #tpu.memory_space<semaphore_mem>>)
      %dma_wait3A_99 = arith.constant 0 : i32
      %dma_wait3A_100 = tpu.memref_slice %arg6[%arg0, %mul3A_93, %dma_wait3A_99] : memref<2x10112x128xf32, #tpu.memory_space<hbm>> -> memref<1x632x128xf32, #tpu.memory_space<hbm>>
      %dma_wait3A_101 = tpu.memref_squeeze %dma_wait3A_100 : memref<1x632x128xf32, #tpu.memory_space<hbm>> -> memref<632x128xf32, #tpu.memory_space<hbm>>
      %dma_wait3A_102 = arith.constant 0 : i32
      %dma_wait3A_103 = tpu.memref_slice %arg17[%mul3A_91, %dma_wait3A_102] : memref<10112x128xf32, #tpu.memory_space<vmem_shared>> -> memref<632x128xf32, #tpu.memory_space<vmem_shared>>
      tpu.wait_dma2 semaphore(%run_scoped3A : memref<!tpu.dma_semaphore, #tpu.memory_space<semaphore_mem>>) src(%dma_wait3A_103 : memref<632x128xf32, #tpu.memory_space<vmem_shared>>) dst(%dma_wait3A_101 : memref<632x128xf32, #tpu.memory_space<hbm>>)
      tpu.yield
    }) : () -> ()
    return
  }
}

#map = affine_map<(d0, d1) -> (0, 0)>
#map1 = affine_map<(d0, d1) -> (0, 0, 0)>
module attributes {stable_mosaic.version = 14 : i64} {
  func.func @_sc_body(%arg0: i32, %arg1: i32, %arg2: memref<130000x128xf32, #tpu.memory_space<hbm>>, %arg3: memref<896x3x120xi32, #tpu.memory_space<hbm>>, %arg4: memref<896x3x120xi32, #tpu.memory_space<hbm>>, %arg5: memref<10112x128xf32, #tpu.memory_space<hbm>>, %arg6: memref<2x10112x128xf32, #tpu.memory_space<hbm>>, %arg7: memref<2x3x120xi32, #tpu.memory_space<vmem>>, %arg8: memref<3x3x120xi32, #tpu.memory_space<vmem>>, %arg9: memref<3x120x128xf32, #tpu.memory_space<vmem>>, %arg10: memref<!tpu.dma_semaphore, #tpu.memory_space<semaphore_mem>>, %arg11: memref<!tpu.dma_semaphore, #tpu.memory_space<semaphore_mem>>, %arg12: memref<!tpu.dma_semaphore, #tpu.memory_space<semaphore_mem>>, %arg13: memref<!tpu.dma_semaphore, #tpu.memory_space<semaphore_mem>>, %arg14: memref<!tpu.dma_semaphore, #tpu.memory_space<semaphore_mem>>, %arg15: memref<!tpu.dma_semaphore, #tpu.memory_space<semaphore_mem>>, %arg16: memref<!tpu.dma_semaphore, #tpu.memory_space<semaphore_mem>>, %arg17: memref<10112x128xf32, #tpu.memory_space<vmem_shared>>) attributes {dimension_semantics = [#tpu.dimension_semantics<core_parallel>, #tpu.dimension_semantics<subcore_parallel>], iteration_bounds = array<i64: 2, 16>, scalar_prefetch = 0 : i64, scratch_operands = 11 : i64, tpu.core_type = #tpu.core_type<sc_vector_subcore>, window_params = [{transform_indices = #map}, {transform_indices = #map1}, {transform_indices = #map1}, {transform_indices = #map}, {transform_indices = #map1}]} {
    %mul3A = arith.constant 2 : i32
    %mul3A_0 = arith.muli %arg1, %mul3A : i32
    %add3A = arith.addi %mul3A_0, %arg0 : i32
    %mul3A_1 = arith.constant 632 : i32
    %mul3A_2 = arith.muli %arg1, %mul3A_1 : i32
    %mul3A_3 = arith.constant 632 : i32
    %mul3A_4 = arith.muli %arg1, %mul3A_3 : i32
    "tpu.region"() ({
      %run_scoped3A = tpu.sem_alloc : memref<!tpu.dma_semaphore, #tpu.memory_space<semaphore_mem>>
      %dma_start3A_94 = arith.constant 0 : i32
      %dma_start3A_95 = tpu.memref_slice %arg17[%mul3A_4, %dma_start3A_94] : memref<10112x128xf32, #tpu.memory_space<vmem_shared>> -> memref<632x128xf32, #tpu.memory_space<vmem_shared>>
      %dma_start3A_96 = arith.constant 0 : i32
      %dma_start3A_97 = tpu.memref_slice %arg5[%mul3A_2, %dma_start3A_96] : memref<10112x128xf32, #tpu.memory_space<hbm>> -> memref<632x128xf32, #tpu.memory_space<hbm>>
      tpu.enqueue_dma source(%dma_start3A_97 : memref<632x128xf32, #tpu.memory_space<hbm>>) target(%dma_start3A_95 : memref<632x128xf32, #tpu.memory_space<vmem_shared>>) target_semaphore(%run_scoped3A : memref<!tpu.dma_semaphore, #tpu.memory_space<semaphore_mem>>)
      %dma_wait3A_98 = arith.constant 0 : i32
      %dma_wait3A_99 = tpu.memref_slice %arg17[%mul3A_4, %dma_wait3A_98] : memref<10112x128xf32, #tpu.memory_space<vmem_shared>> -> memref<632x128xf32, #tpu.memory_space<vmem_shared>>
      %dma_wait3A_100 = arith.constant 0 : i32
      %dma_wait3A_101 = tpu.memref_slice %arg5[%mul3A_2, %dma_wait3A_100] : memref<10112x128xf32, #tpu.memory_space<hbm>> -> memref<632x128xf32, #tpu.memory_space<hbm>>
      tpu.wait_dma2 semaphore(%run_scoped3A : memref<!tpu.dma_semaphore, #tpu.memory_space<semaphore_mem>>) src(%dma_wait3A_101 : memref<632x128xf32, #tpu.memory_space<hbm>>) dst(%dma_wait3A_99 : memref<632x128xf32, #tpu.memory_space<vmem_shared>>)
      tpu.yield
    }) : () -> ()
    %mul3A_5 = arith.constant 28 : i32
    %mul3A_6 = arith.muli %add3A, %mul3A_5 : i32
    %dma_start3A = arith.constant 0 : i32
    %dma_start3A_7 = arith.constant 0 : i32
    %dma_start3A_8 = arith.constant 0 : i32
    %dma_start3A_9 = tpu.memref_slice %arg7[%dma_start3A, %dma_start3A_7, %dma_start3A_8] : memref<2x3x120xi32, #tpu.memory_space<vmem>> -> memref<1x3x120xi32, #tpu.memory_space<vmem>>
    %dma_start3A_10 = tpu.memref_squeeze %dma_start3A_9 : memref<1x3x120xi32, #tpu.memory_space<vmem>> -> memref<3x120xi32, #tpu.memory_space<vmem>>
    %dma_start3A_11 = arith.constant 0 : i32
    %dma_start3A_12 = arith.constant 0 : i32
    %dma_start3A_13 = tpu.memref_slice %arg3[%mul3A_6, %dma_start3A_11, %dma_start3A_12] : memref<896x3x120xi32, #tpu.memory_space<hbm>> -> memref<1x3x120xi32, #tpu.memory_space<hbm>>
    %dma_start3A_14 = tpu.memref_squeeze %dma_start3A_13 : memref<1x3x120xi32, #tpu.memory_space<hbm>> -> memref<3x120xi32, #tpu.memory_space<hbm>>
    %dma_start3A_15 = arith.constant 0 : i32
    %dma_start3A_16 = arith.constant 0 : i32
    %dma_start3A_17 = tpu.memref_slice %arg7[%dma_start3A, %dma_start3A_15, %dma_start3A_16] : memref<2x3x120xi32, #tpu.memory_space<vmem>> -> memref<1x3x120xi32, #tpu.memory_space<vmem>>
    %dma_start3A_18 = tpu.memref_squeeze %dma_start3A_17 : memref<1x3x120xi32, #tpu.memory_space<vmem>> -> memref<3x120xi32, #tpu.memory_space<vmem>>
    %dma_start3A_19 = arith.constant 0 : i32
    %dma_start3A_20 = arith.constant 0 : i32
    %dma_start3A_21 = tpu.memref_slice %arg3[%mul3A_6, %dma_start3A_19, %dma_start3A_20] : memref<896x3x120xi32, #tpu.memory_space<hbm>> -> memref<1x3x120xi32, #tpu.memory_space<hbm>>
    %dma_start3A_22 = tpu.memref_squeeze %dma_start3A_21 : memref<1x3x120xi32, #tpu.memory_space<hbm>> -> memref<3x120xi32, #tpu.memory_space<hbm>>
    tpu.enqueue_dma source(%dma_start3A_22 : memref<3x120xi32, #tpu.memory_space<hbm>>) target(%dma_start3A_18 : memref<3x120xi32, #tpu.memory_space<vmem>>) target_semaphore(%arg16 : memref<!tpu.dma_semaphore, #tpu.memory_space<semaphore_mem>>)
    %dma_start3A_23 = arith.constant 0 : i32
    %dma_start3A_24 = arith.constant 0 : i32
    %dma_start3A_25 = arith.constant 0 : i32
    %dma_start3A_26 = tpu.memref_slice %arg8[%dma_start3A_23, %dma_start3A_24, %dma_start3A_25] : memref<3x3x120xi32, #tpu.memory_space<vmem>> -> memref<1x3x120xi32, #tpu.memory_space<vmem>>
    %dma_start3A_27 = tpu.memref_squeeze %dma_start3A_26 : memref<1x3x120xi32, #tpu.memory_space<vmem>> -> memref<3x120xi32, #tpu.memory_space<vmem>>
    %dma_start3A_28 = arith.constant 0 : i32
    %dma_start3A_29 = arith.constant 0 : i32
    %dma_start3A_30 = tpu.memref_slice %arg4[%mul3A_6, %dma_start3A_28, %dma_start3A_29] : memref<896x3x120xi32, #tpu.memory_space<hbm>> -> memref<1x3x120xi32, #tpu.memory_space<hbm>>
    %dma_start3A_31 = tpu.memref_squeeze %dma_start3A_30 : memref<1x3x120xi32, #tpu.memory_space<hbm>> -> memref<3x120xi32, #tpu.memory_space<hbm>>
    %dma_start3A_32 = arith.constant 0 : i32
    %dma_start3A_33 = arith.constant 0 : i32
    %dma_start3A_34 = tpu.memref_slice %arg8[%dma_start3A_23, %dma_start3A_32, %dma_start3A_33] : memref<3x3x120xi32, #tpu.memory_space<vmem>> -> memref<1x3x120xi32, #tpu.memory_space<vmem>>
    %dma_start3A_35 = tpu.memref_squeeze %dma_start3A_34 : memref<1x3x120xi32, #tpu.memory_space<vmem>> -> memref<3x120xi32, #tpu.memory_space<vmem>>
    %dma_start3A_36 = arith.constant 0 : i32
    %dma_start3A_37 = arith.constant 0 : i32
    %dma_start3A_38 = tpu.memref_slice %arg4[%mul3A_6, %dma_start3A_36, %dma_start3A_37] : memref<896x3x120xi32, #tpu.memory_space<hbm>> -> memref<1x3x120xi32, #tpu.memory_space<hbm>>
    %dma_start3A_39 = tpu.memref_squeeze %dma_start3A_38 : memref<1x3x120xi32, #tpu.memory_space<hbm>> -> memref<3x120xi32, #tpu.memory_space<hbm>>
    tpu.enqueue_dma source(%dma_start3A_39 : memref<3x120xi32, #tpu.memory_space<hbm>>) target(%dma_start3A_35 : memref<3x120xi32, #tpu.memory_space<vmem>>) target_semaphore(%arg16 : memref<!tpu.dma_semaphore, #tpu.memory_space<semaphore_mem>>)
    %barrier3A = arith.constant 0 : index
    tpu.barrier barrier_id(%barrier3A)
    %scan3A = arith.constant 0 : i32
    %scan3A_40 = arith.constant 0 : i32
    %scan3A_41 = arith.constant 28 : i32
    %scan3A_42 = arith.addi %scan3A_40, %scan3A_41 : i32
    %scan3A_43 = arith.constant 1 : i32
    scf.for %scan3A_94 = %scan3A_40 to %scan3A_42 step %scan3A_43  : i32 {
      %rem3A = arith.constant 2 : i32
      %rem3A_95 = arith.remsi %scan3A_94, %rem3A : i32
      %rem3A_96 = arith.constant 3 : i32
      %rem3A_97 = arith.remsi %scan3A_94, %rem3A_96 : i32
      %dma_wait3A_98 = arith.constant 0 : i32
      %dma_wait3A_99 = arith.constant 0 : i32
      %dma_wait3A_100 = tpu.memref_slice %arg7[%rem3A_95, %dma_wait3A_98, %dma_wait3A_99] : memref<2x3x120xi32, #tpu.memory_space<vmem>> -> memref<1x3x120xi32, #tpu.memory_space<vmem>>
      %dma_wait3A_101 = tpu.memref_squeeze %dma_wait3A_100 : memref<1x3x120xi32, #tpu.memory_space<vmem>> -> memref<3x120xi32, #tpu.memory_space<vmem>>
      %dma_wait3A_102 = arith.constant 0 : i32
      %dma_wait3A_103 = arith.constant 0 : i32
      %dma_wait3A_104 = tpu.memref_slice %arg3[%mul3A_6, %dma_wait3A_102, %dma_wait3A_103] : memref<896x3x120xi32, #tpu.memory_space<hbm>> -> memref<1x3x120xi32, #tpu.memory_space<hbm>>
      %dma_wait3A_105 = tpu.memref_squeeze %dma_wait3A_104 : memref<1x3x120xi32, #tpu.memory_space<hbm>> -> memref<3x120xi32, #tpu.memory_space<hbm>>
      %dma_wait3A_106 = arith.constant 0 : i32
      %dma_wait3A_107 = arith.constant 0 : i32
      %dma_wait3A_108 = tpu.memref_slice %arg7[%rem3A_95, %dma_wait3A_106, %dma_wait3A_107] : memref<2x3x120xi32, #tpu.memory_space<vmem>> -> memref<1x3x120xi32, #tpu.memory_space<vmem>>
      %dma_wait3A_109 = tpu.memref_squeeze %dma_wait3A_108 : memref<1x3x120xi32, #tpu.memory_space<vmem>> -> memref<3x120xi32, #tpu.memory_space<vmem>>
      %dma_wait3A_110 = arith.constant 0 : i32
      %dma_wait3A_111 = arith.constant 0 : i32
      %dma_wait3A_112 = tpu.memref_slice %arg3[%mul3A_6, %dma_wait3A_110, %dma_wait3A_111] : memref<896x3x120xi32, #tpu.memory_space<hbm>> -> memref<1x3x120xi32, #tpu.memory_space<hbm>>
      %dma_wait3A_113 = tpu.memref_squeeze %dma_wait3A_112 : memref<1x3x120xi32, #tpu.memory_space<hbm>> -> memref<3x120xi32, #tpu.memory_space<hbm>>
      tpu.wait_dma2 semaphore(%arg16 : memref<!tpu.dma_semaphore, #tpu.memory_space<semaphore_mem>>) src(%dma_wait3A_113 : memref<3x120xi32, #tpu.memory_space<hbm>>) dst(%dma_wait3A_109 : memref<3x120xi32, #tpu.memory_space<vmem>>)
      %dma_wait3A_114 = arith.constant 0 : i32
      %dma_wait3A_115 = arith.constant 0 : i32
      %dma_wait3A_116 = tpu.memref_slice %arg7[%rem3A_95, %dma_wait3A_114, %dma_wait3A_115] : memref<2x3x120xi32, #tpu.memory_space<vmem>> -> memref<1x3x120xi32, #tpu.memory_space<vmem>>
      %dma_wait3A_117 = tpu.memref_squeeze %dma_wait3A_116 : memref<1x3x120xi32, #tpu.memory_space<vmem>> -> memref<3x120xi32, #tpu.memory_space<vmem>>
      %dma_wait3A_118 = arith.constant 0 : i32
      %dma_wait3A_119 = arith.constant 0 : i32
      %dma_wait3A_120 = tpu.memref_slice %arg3[%mul3A_6, %dma_wait3A_118, %dma_wait3A_119] : memref<896x3x120xi32, #tpu.memory_space<hbm>> -> memref<1x3x120xi32, #tpu.memory_space<hbm>>
      %dma_wait3A_121 = tpu.memref_squeeze %dma_wait3A_120 : memref<1x3x120xi32, #tpu.memory_space<hbm>> -> memref<3x120xi32, #tpu.memory_space<hbm>>
      %dma_wait3A_122 = arith.constant 0 : i32
      %dma_wait3A_123 = arith.constant 0 : i32
      %dma_wait3A_124 = tpu.memref_slice %arg7[%rem3A_95, %dma_wait3A_122, %dma_wait3A_123] : memref<2x3x120xi32, #tpu.memory_space<vmem>> -> memref<1x3x120xi32, #tpu.memory_space<vmem>>
      %dma_wait3A_125 = tpu.memref_squeeze %dma_wait3A_124 : memref<1x3x120xi32, #tpu.memory_space<vmem>> -> memref<3x120xi32, #tpu.memory_space<vmem>>
      %dma_wait3A_126 = arith.constant 0 : i32
      %dma_wait3A_127 = arith.constant 0 : i32
      %dma_wait3A_128 = tpu.memref_slice %arg3[%mul3A_6, %dma_wait3A_126, %dma_wait3A_127] : memref<896x3x120xi32, #tpu.memory_space<hbm>> -> memref<1x3x120xi32, #tpu.memory_space<hbm>>
      %dma_wait3A_129 = tpu.memref_squeeze %dma_wait3A_128 : memref<1x3x120xi32, #tpu.memory_space<hbm>> -> memref<3x120xi32, #tpu.memory_space<hbm>>
      tpu.wait_dma2 semaphore(%arg16 : memref<!tpu.dma_semaphore, #tpu.memory_space<semaphore_mem>>) src(%dma_wait3A_129 : memref<3x120xi32, #tpu.memory_space<hbm>>) dst(%dma_wait3A_125 : memref<3x120xi32, #tpu.memory_space<vmem>>)
      %add3A_130 = arith.constant 1 : i32
      %add3A_131 = arith.addi %scan3A_94, %add3A_130 : i32
      %lt3A = arith.constant 28 : i32
      %lt3A_132 = arith.cmpi slt, %add3A_131, %lt3A : i32
      %convert_element_type3A = arith.extui %lt3A_132 : i1 to i32
      %cond3A = arith.constant 0 : i32
      %cond3A_133 = arith.cmpi ne, %convert_element_type3A, %cond3A : i32
      scf.if %cond3A_133 {
        %mul3A_256 = arith.constant 28 : i32
        %mul3A_257 = arith.muli %add3A, %mul3A_256 : i32
        %add3A_258 = arith.addi %mul3A_257, %scan3A_94 : i32
        %add3A_259 = arith.constant 1 : i32
        %add3A_260 = arith.addi %add3A_258, %add3A_259 : i32
        %sub3A = arith.constant 1 : i32
        %sub3A_261 = arith.subi %sub3A, %rem3A_95 : i32
        %dma_start3A_262 = arith.constant 0 : i32
        %dma_start3A_263 = arith.constant 0 : i32
        %dma_start3A_264 = tpu.memref_slice %arg7[%sub3A_261, %dma_start3A_262, %dma_start3A_263] : memref<2x3x120xi32, #tpu.memory_space<vmem>> -> memref<1x3x120xi32, #tpu.memory_space<vmem>>
        %dma_start3A_265 = tpu.memref_squeeze %dma_start3A_264 : memref<1x3x120xi32, #tpu.memory_space<vmem>> -> memref<3x120xi32, #tpu.memory_space<vmem>>
        %dma_start3A_266 = arith.constant 0 : i32
        %dma_start3A_267 = arith.constant 0 : i32
        %dma_start3A_268 = tpu.memref_slice %arg3[%add3A_260, %dma_start3A_266, %dma_start3A_267] : memref<896x3x120xi32, #tpu.memory_space<hbm>> -> memref<1x3x120xi32, #tpu.memory_space<hbm>>
        %dma_start3A_269 = tpu.memref_squeeze %dma_start3A_268 : memref<1x3x120xi32, #tpu.memory_space<hbm>> -> memref<3x120xi32, #tpu.memory_space<hbm>>
        %dma_start3A_270 = arith.constant 0 : i32
        %dma_start3A_271 = arith.constant 0 : i32
        %dma_start3A_272 = tpu.memref_slice %arg7[%sub3A_261, %dma_start3A_270, %dma_start3A_271] : memref<2x3x120xi32, #tpu.memory_space<vmem>> -> memref<1x3x120xi32, #tpu.memory_space<vmem>>
        %dma_start3A_273 = tpu.memref_squeeze %dma_start3A_272 : memref<1x3x120xi32, #tpu.memory_space<vmem>> -> memref<3x120xi32, #tpu.memory_space<vmem>>
        %dma_start3A_274 = arith.constant 0 : i32
        %dma_start3A_275 = arith.constant 0 : i32
        %dma_start3A_276 = tpu.memref_slice %arg3[%add3A_260, %dma_start3A_274, %dma_start3A_275] : memref<896x3x120xi32, #tpu.memory_space<hbm>> -> memref<1x3x120xi32, #tpu.memory_space<hbm>>
        %dma_start3A_277 = tpu.memref_squeeze %dma_start3A_276 : memref<1x3x120xi32, #tpu.memory_space<hbm>> -> memref<3x120xi32, #tpu.memory_space<hbm>>
        tpu.enqueue_dma source(%dma_start3A_277 : memref<3x120xi32, #tpu.memory_space<hbm>>) target(%dma_start3A_273 : memref<3x120xi32, #tpu.memory_space<vmem>>) target_semaphore(%arg16 : memref<!tpu.dma_semaphore, #tpu.memory_space<semaphore_mem>>)
        %add3A_278 = arith.constant 1 : i32
        %add3A_279 = arith.addi %scan3A_94, %add3A_278 : i32
        %rem3A_280 = arith.constant 3 : i32
        %rem3A_281 = arith.remsi %add3A_279, %rem3A_280 : i32
        %dma_start3A_282 = arith.constant 0 : i32
        %dma_start3A_283 = arith.constant 0 : i32
        %dma_start3A_284 = tpu.memref_slice %arg8[%rem3A_281, %dma_start3A_282, %dma_start3A_283] : memref<3x3x120xi32, #tpu.memory_space<vmem>> -> memref<1x3x120xi32, #tpu.memory_space<vmem>>
        %dma_start3A_285 = tpu.memref_squeeze %dma_start3A_284 : memref<1x3x120xi32, #tpu.memory_space<vmem>> -> memref<3x120xi32, #tpu.memory_space<vmem>>
        %dma_start3A_286 = arith.constant 0 : i32
        %dma_start3A_287 = arith.constant 0 : i32
        %dma_start3A_288 = tpu.memref_slice %arg4[%add3A_260, %dma_start3A_286, %dma_start3A_287] : memref<896x3x120xi32, #tpu.memory_space<hbm>> -> memref<1x3x120xi32, #tpu.memory_space<hbm>>
        %dma_start3A_289 = tpu.memref_squeeze %dma_start3A_288 : memref<1x3x120xi32, #tpu.memory_space<hbm>> -> memref<3x120xi32, #tpu.memory_space<hbm>>
        %dma_start3A_290 = arith.constant 0 : i32
        %dma_start3A_291 = arith.constant 0 : i32
        %dma_start3A_292 = tpu.memref_slice %arg8[%rem3A_281, %dma_start3A_290, %dma_start3A_291] : memref<3x3x120xi32, #tpu.memory_space<vmem>> -> memref<1x3x120xi32, #tpu.memory_space<vmem>>
        %dma_start3A_293 = tpu.memref_squeeze %dma_start3A_292 : memref<1x3x120xi32, #tpu.memory_space<vmem>> -> memref<3x120xi32, #tpu.memory_space<vmem>>
        %dma_start3A_294 = arith.constant 0 : i32
        %dma_start3A_295 = arith.constant 0 : i32
        %dma_start3A_296 = tpu.memref_slice %arg4[%add3A_260, %dma_start3A_294, %dma_start3A_295] : memref<896x3x120xi32, #tpu.memory_space<hbm>> -> memref<1x3x120xi32, #tpu.memory_space<hbm>>
        %dma_start3A_297 = tpu.memref_squeeze %dma_start3A_296 : memref<1x3x120xi32, #tpu.memory_space<hbm>> -> memref<3x120xi32, #tpu.memory_space<hbm>>
        tpu.enqueue_dma source(%dma_start3A_297 : memref<3x120xi32, #tpu.memory_space<hbm>>) target(%dma_start3A_293 : memref<3x120xi32, #tpu.memory_space<vmem>>) target_semaphore(%arg16 : memref<!tpu.dma_semaphore, #tpu.memory_space<semaphore_mem>>)
      } else {
      }
      %gt3A = arith.constant 0 : i32
      %gt3A_134 = arith.cmpi sgt, %scan3A_94, %gt3A : i32
      %convert_element_type3A_135 = arith.extui %gt3A_134 : i1 to i32
      %cond3A_136 = arith.constant 0 : i32
      %cond3A_137 = arith.cmpi ne, %convert_element_type3A_135, %cond3A_136 : i32
      scf.if %cond3A_137 {
        %dma_wait3A_256 = arith.constant 0 : i32
        %dma_wait3A_257 = arith.constant 0 : i32
        %dma_wait3A_258 = arith.constant 0 : i32
        %dma_wait3A_259 = tpu.memref_slice %arg9[%dma_wait3A_256, %dma_wait3A_257, %dma_wait3A_258] : memref<3x120x128xf32, #tpu.memory_space<vmem>> -> memref<1x120x128xf32, #tpu.memory_space<vmem>>
        %dma_wait3A_260 = tpu.memref_squeeze %dma_wait3A_259 : memref<1x120x128xf32, #tpu.memory_space<vmem>> -> memref<120x128xf32, #tpu.memory_space<vmem>>
        %dma_wait3A_261 = arith.constant 0 : i32
        %dma_wait3A_262 = arith.constant 0 : i32
        %dma_wait3A_263 = tpu.memref_slice %arg5[%dma_wait3A_261, %dma_wait3A_262] : memref<10112x128xf32, #tpu.memory_space<hbm>> -> memref<120x128xf32, #tpu.memory_space<hbm>>
        %dma_wait3A_264 = arith.constant 0 : i32
        %dma_wait3A_265 = arith.constant 0 : i32
        %dma_wait3A_266 = tpu.memref_slice %arg9[%dma_wait3A_256, %dma_wait3A_264, %dma_wait3A_265] : memref<3x120x128xf32, #tpu.memory_space<vmem>> -> memref<1x120x128xf32, #tpu.memory_space<vmem>>
        %dma_wait3A_267 = tpu.memref_squeeze %dma_wait3A_266 : memref<1x120x128xf32, #tpu.memory_space<vmem>> -> memref<120x128xf32, #tpu.memory_space<vmem>>
        %dma_wait3A_268 = arith.constant 0 : i32
        %dma_wait3A_269 = arith.constant 0 : i32
        %dma_wait3A_270 = tpu.memref_slice %arg5[%dma_wait3A_268, %dma_wait3A_269] : memref<10112x128xf32, #tpu.memory_space<hbm>> -> memref<120x128xf32, #tpu.memory_space<hbm>>
        tpu.wait_dma2 semaphore(%arg13 : memref<!tpu.dma_semaphore, #tpu.memory_space<semaphore_mem>>) src(%dma_wait3A_270 : memref<120x128xf32, #tpu.memory_space<hbm>>) dst(%dma_wait3A_267 : memref<120x128xf32, #tpu.memory_space<vmem>>)
      } else {
      }
      %dma_start3A_138 = arith.constant 0 : i32
      %dma_start3A_139 = arith.constant 0 : i32
      %dma_start3A_140 = arith.constant 0 : i32
      %dma_start3A_141 = arith.constant 0 : i32
      %dma_start3A_142 = tpu.memref_slice %arg9[%dma_start3A_139, %dma_start3A_140, %dma_start3A_141] : memref<3x120x128xf32, #tpu.memory_space<vmem>> -> memref<1x120x128xf32, #tpu.memory_space<vmem>>
      %dma_start3A_143 = tpu.memref_squeeze %dma_start3A_142 : memref<1x120x128xf32, #tpu.memory_space<vmem>> -> memref<120x128xf32, #tpu.memory_space<vmem>>
      %dma_start3A_144 = arith.constant 0 : i32
      %dma_start3A_145 = tpu.memref_slice %arg7[%rem3A_95, %dma_start3A_138, %dma_start3A_144] : memref<2x3x120xi32, #tpu.memory_space<vmem>> -> memref<1x1x120xi32, #tpu.memory_space<vmem>>
      %dma_start3A_146 = tpu.memref_squeeze %dma_start3A_145 : memref<1x1x120xi32, #tpu.memory_space<vmem>> -> memref<120xi32, #tpu.memory_space<vmem>>
      %dma_start3A_147 = arith.constant 0 : i32
      %dma_start3A_148 = arith.constant 0 : i32
      %dma_start3A_149 = tpu.memref_slice %arg2[%dma_start3A_147, %dma_start3A_148] : memref<130000x128xf32, #tpu.memory_space<hbm>> -> memref<130000x128xf32, #tpu.memory_space<hbm>>
      tpu.enqueue_indirect_dma source(%dma_start3A_149 : memref<130000x128xf32, #tpu.memory_space<hbm>>) target(%dma_start3A_143 : memref<120x128xf32, #tpu.memory_space<vmem>>) offsets(%dma_start3A_146 : memref<120xi32, #tpu.memory_space<vmem>>) semaphore(%arg10 : memref<!tpu.dma_semaphore, #tpu.memory_space<semaphore_mem>>)
      %gt3A_150 = arith.constant 0 : i32
      %gt3A_151 = arith.cmpi sgt, %scan3A_94, %gt3A_150 : i32
      %convert_element_type3A_152 = arith.extui %gt3A_151 : i1 to i32
      %cond3A_153 = arith.constant 0 : i32
      %cond3A_154 = arith.cmpi ne, %convert_element_type3A_152, %cond3A_153 : i32
      scf.if %cond3A_154 {
        %dma_wait3A_256 = arith.constant 1 : i32
        %dma_wait3A_257 = arith.constant 0 : i32
        %dma_wait3A_258 = arith.constant 0 : i32
        %dma_wait3A_259 = tpu.memref_slice %arg9[%dma_wait3A_256, %dma_wait3A_257, %dma_wait3A_258] : memref<3x120x128xf32, #tpu.memory_space<vmem>> -> memref<1x120x128xf32, #tpu.memory_space<vmem>>
        %dma_wait3A_260 = tpu.memref_squeeze %dma_wait3A_259 : memref<1x120x128xf32, #tpu.memory_space<vmem>> -> memref<120x128xf32, #tpu.memory_space<vmem>>
        %dma_wait3A_261 = arith.constant 0 : i32
        %dma_wait3A_262 = arith.constant 0 : i32
        %dma_wait3A_263 = tpu.memref_slice %arg5[%dma_wait3A_261, %dma_wait3A_262] : memref<10112x128xf32, #tpu.memory_space<hbm>> -> memref<120x128xf32, #tpu.memory_space<hbm>>
        %dma_wait3A_264 = arith.constant 0 : i32
        %dma_wait3A_265 = arith.constant 0 : i32
        %dma_wait3A_266 = tpu.memref_slice %arg9[%dma_wait3A_256, %dma_wait3A_264, %dma_wait3A_265] : memref<3x120x128xf32, #tpu.memory_space<vmem>> -> memref<1x120x128xf32, #tpu.memory_space<vmem>>
        %dma_wait3A_267 = tpu.memref_squeeze %dma_wait3A_266 : memref<1x120x128xf32, #tpu.memory_space<vmem>> -> memref<120x128xf32, #tpu.memory_space<vmem>>
        %dma_wait3A_268 = arith.constant 0 : i32
        %dma_wait3A_269 = arith.constant 0 : i32
        %dma_wait3A_270 = tpu.memref_slice %arg5[%dma_wait3A_268, %dma_wait3A_269] : memref<10112x128xf32, #tpu.memory_space<hbm>> -> memref<120x128xf32, #tpu.memory_space<hbm>>
        tpu.wait_dma2 semaphore(%arg14 : memref<!tpu.dma_semaphore, #tpu.memory_space<semaphore_mem>>) src(%dma_wait3A_270 : memref<120x128xf32, #tpu.memory_space<hbm>>) dst(%dma_wait3A_267 : memref<120x128xf32, #tpu.memory_space<vmem>>)
      } else {
      }
      %dma_start3A_155 = arith.constant 1 : i32
      %dma_start3A_156 = arith.constant 1 : i32
      %dma_start3A_157 = arith.constant 0 : i32
      %dma_start3A_158 = arith.constant 0 : i32
      %dma_start3A_159 = tpu.memref_slice %arg9[%dma_start3A_156, %dma_start3A_157, %dma_start3A_158] : memref<3x120x128xf32, #tpu.memory_space<vmem>> -> memref<1x120x128xf32, #tpu.memory_space<vmem>>
      %dma_start3A_160 = tpu.memref_squeeze %dma_start3A_159 : memref<1x120x128xf32, #tpu.memory_space<vmem>> -> memref<120x128xf32, #tpu.memory_space<vmem>>
      %dma_start3A_161 = arith.constant 0 : i32
      %dma_start3A_162 = tpu.memref_slice %arg7[%rem3A_95, %dma_start3A_155, %dma_start3A_161] : memref<2x3x120xi32, #tpu.memory_space<vmem>> -> memref<1x1x120xi32, #tpu.memory_space<vmem>>
      %dma_start3A_163 = tpu.memref_squeeze %dma_start3A_162 : memref<1x1x120xi32, #tpu.memory_space<vmem>> -> memref<120xi32, #tpu.memory_space<vmem>>
      %dma_start3A_164 = arith.constant 0 : i32
      %dma_start3A_165 = arith.constant 0 : i32
      %dma_start3A_166 = tpu.memref_slice %arg2[%dma_start3A_164, %dma_start3A_165] : memref<130000x128xf32, #tpu.memory_space<hbm>> -> memref<130000x128xf32, #tpu.memory_space<hbm>>
      tpu.enqueue_indirect_dma source(%dma_start3A_166 : memref<130000x128xf32, #tpu.memory_space<hbm>>) target(%dma_start3A_160 : memref<120x128xf32, #tpu.memory_space<vmem>>) offsets(%dma_start3A_163 : memref<120xi32, #tpu.memory_space<vmem>>) semaphore(%arg11 : memref<!tpu.dma_semaphore, #tpu.memory_space<semaphore_mem>>)
      %gt3A_167 = arith.constant 0 : i32
      %gt3A_168 = arith.cmpi sgt, %scan3A_94, %gt3A_167 : i32
      %convert_element_type3A_169 = arith.extui %gt3A_168 : i1 to i32
      %cond3A_170 = arith.constant 0 : i32
      %cond3A_171 = arith.cmpi ne, %convert_element_type3A_169, %cond3A_170 : i32
      scf.if %cond3A_171 {
        %dma_wait3A_256 = arith.constant 2 : i32
        %dma_wait3A_257 = arith.constant 0 : i32
        %dma_wait3A_258 = arith.constant 0 : i32
        %dma_wait3A_259 = tpu.memref_slice %arg9[%dma_wait3A_256, %dma_wait3A_257, %dma_wait3A_258] : memref<3x120x128xf32, #tpu.memory_space<vmem>> -> memref<1x120x128xf32, #tpu.memory_space<vmem>>
        %dma_wait3A_260 = tpu.memref_squeeze %dma_wait3A_259 : memref<1x120x128xf32, #tpu.memory_space<vmem>> -> memref<120x128xf32, #tpu.memory_space<vmem>>
        %dma_wait3A_261 = arith.constant 0 : i32
        %dma_wait3A_262 = arith.constant 0 : i32
        %dma_wait3A_263 = tpu.memref_slice %arg5[%dma_wait3A_261, %dma_wait3A_262] : memref<10112x128xf32, #tpu.memory_space<hbm>> -> memref<120x128xf32, #tpu.memory_space<hbm>>
        %dma_wait3A_264 = arith.constant 0 : i32
        %dma_wait3A_265 = arith.constant 0 : i32
        %dma_wait3A_266 = tpu.memref_slice %arg9[%dma_wait3A_256, %dma_wait3A_264, %dma_wait3A_265] : memref<3x120x128xf32, #tpu.memory_space<vmem>> -> memref<1x120x128xf32, #tpu.memory_space<vmem>>
        %dma_wait3A_267 = tpu.memref_squeeze %dma_wait3A_266 : memref<1x120x128xf32, #tpu.memory_space<vmem>> -> memref<120x128xf32, #tpu.memory_space<vmem>>
        %dma_wait3A_268 = arith.constant 0 : i32
        %dma_wait3A_269 = arith.constant 0 : i32
        %dma_wait3A_270 = tpu.memref_slice %arg5[%dma_wait3A_268, %dma_wait3A_269] : memref<10112x128xf32, #tpu.memory_space<hbm>> -> memref<120x128xf32, #tpu.memory_space<hbm>>
        tpu.wait_dma2 semaphore(%arg15 : memref<!tpu.dma_semaphore, #tpu.memory_space<semaphore_mem>>) src(%dma_wait3A_270 : memref<120x128xf32, #tpu.memory_space<hbm>>) dst(%dma_wait3A_267 : memref<120x128xf32, #tpu.memory_space<vmem>>)
      } else {
      }
      %dma_start3A_172 = arith.constant 2 : i32
      %dma_start3A_173 = arith.constant 2 : i32
      %dma_start3A_174 = arith.constant 0 : i32
      %dma_start3A_175 = arith.constant 0 : i32
      %dma_start3A_176 = tpu.memref_slice %arg9[%dma_start3A_173, %dma_start3A_174, %dma_start3A_175] : memref<3x120x128xf32, #tpu.memory_space<vmem>> -> memref<1x120x128xf32, #tpu.memory_space<vmem>>
      %dma_start3A_177 = tpu.memref_squeeze %dma_start3A_176 : memref<1x120x128xf32, #tpu.memory_space<vmem>> -> memref<120x128xf32, #tpu.memory_space<vmem>>
      %dma_start3A_178 = arith.constant 0 : i32
      %dma_start3A_179 = tpu.memref_slice %arg7[%rem3A_95, %dma_start3A_172, %dma_start3A_178] : memref<2x3x120xi32, #tpu.memory_space<vmem>> -> memref<1x1x120xi32, #tpu.memory_space<vmem>>
      %dma_start3A_180 = tpu.memref_squeeze %dma_start3A_179 : memref<1x1x120xi32, #tpu.memory_space<vmem>> -> memref<120xi32, #tpu.memory_space<vmem>>
      %dma_start3A_181 = arith.constant 0 : i32
      %dma_start3A_182 = arith.constant 0 : i32
      %dma_start3A_183 = tpu.memref_slice %arg2[%dma_start3A_181, %dma_start3A_182] : memref<130000x128xf32, #tpu.memory_space<hbm>> -> memref<130000x128xf32, #tpu.memory_space<hbm>>
      tpu.enqueue_indirect_dma source(%dma_start3A_183 : memref<130000x128xf32, #tpu.memory_space<hbm>>) target(%dma_start3A_177 : memref<120x128xf32, #tpu.memory_space<vmem>>) offsets(%dma_start3A_180 : memref<120xi32, #tpu.memory_space<vmem>>) semaphore(%arg12 : memref<!tpu.dma_semaphore, #tpu.memory_space<semaphore_mem>>)
      %dma_wait3A_184 = arith.constant 0 : i32
      %dma_wait3A_185 = arith.constant 0 : i32
      %dma_wait3A_186 = arith.constant 0 : i32
      %dma_wait3A_187 = arith.constant 0 : i32
      %dma_wait3A_188 = tpu.memref_slice %arg9[%dma_wait3A_185, %dma_wait3A_186, %dma_wait3A_187] : memref<3x120x128xf32, #tpu.memory_space<vmem>> -> memref<1x120x128xf32, #tpu.memory_space<vmem>>
      %dma_wait3A_189 = tpu.memref_squeeze %dma_wait3A_188 : memref<1x120x128xf32, #tpu.memory_space<vmem>> -> memref<120x128xf32, #tpu.memory_space<vmem>>
      %dma_wait3A_190 = arith.constant 0 : i32
      %dma_wait3A_191 = tpu.memref_slice %arg7[%rem3A_95, %dma_wait3A_184, %dma_wait3A_190] : memref<2x3x120xi32, #tpu.memory_space<vmem>> -> memref<1x1x120xi32, #tpu.memory_space<vmem>>
      %dma_wait3A_192 = tpu.memref_squeeze %dma_wait3A_191 : memref<1x1x120xi32, #tpu.memory_space<vmem>> -> memref<120xi32, #tpu.memory_space<vmem>>
      %dma_wait3A_193 = arith.constant 0 : i32
      %dma_wait3A_194 = arith.constant 0 : i32
      %dma_wait3A_195 = tpu.memref_slice %arg2[%dma_wait3A_193, %dma_wait3A_194] : memref<130000x128xf32, #tpu.memory_space<hbm>> -> memref<130000x128xf32, #tpu.memory_space<hbm>>
      tpu.wait_indirect_dma semaphore(%arg10 : memref<!tpu.dma_semaphore, #tpu.memory_space<semaphore_mem>>) src(%dma_wait3A_195 : memref<130000x128xf32, #tpu.memory_space<hbm>>) dst(%dma_wait3A_189 : memref<120x128xf32, #tpu.memory_space<vmem>>)
      %dma_start3A_196 = arith.constant 0 : i32
      %dma_start3A_197 = arith.constant 0 : i32
      %dma_start3A_198 = arith.constant 0 : i32
      %dma_start3A_199 = arith.constant 0 : i32
      %dma_start3A_200 = tpu.memref_slice %arg9[%dma_start3A_196, %dma_start3A_198, %dma_start3A_199] : memref<3x120x128xf32, #tpu.memory_space<vmem>> -> memref<1x120x128xf32, #tpu.memory_space<vmem>>
      %dma_start3A_201 = tpu.memref_squeeze %dma_start3A_200 : memref<1x120x128xf32, #tpu.memory_space<vmem>> -> memref<120x128xf32, #tpu.memory_space<vmem>>
      %dma_start3A_202 = arith.constant 0 : i32
      %dma_start3A_203 = tpu.memref_slice %arg8[%rem3A_97, %dma_start3A_197, %dma_start3A_202] : memref<3x3x120xi32, #tpu.memory_space<vmem>> -> memref<1x1x120xi32, #tpu.memory_space<vmem>>
      %dma_start3A_204 = tpu.memref_squeeze %dma_start3A_203 : memref<1x1x120xi32, #tpu.memory_space<vmem>> -> memref<120xi32, #tpu.memory_space<vmem>>
      %dma_start3A_205 = arith.constant 0 : i32
      %dma_start3A_206 = arith.constant 0 : i32
      %dma_start3A_207 = tpu.memref_slice %arg17[%dma_start3A_205, %dma_start3A_206] : memref<10112x128xf32, #tpu.memory_space<vmem_shared>> -> memref<10112x128xf32, #tpu.memory_space<vmem_shared>>
      tpu.enqueue_indirect_dma source(%dma_start3A_201 : memref<120x128xf32, #tpu.memory_space<vmem>>) target(%dma_start3A_207 : memref<10112x128xf32, #tpu.memory_space<vmem_shared>>) offsets(%dma_start3A_204 : memref<120xi32, #tpu.memory_space<vmem>>) semaphore(%arg13 : memref<!tpu.dma_semaphore, #tpu.memory_space<semaphore_mem>>) {add = true}
      %dma_wait3A_208 = arith.constant 1 : i32
      %dma_wait3A_209 = arith.constant 1 : i32
      %dma_wait3A_210 = arith.constant 0 : i32
      %dma_wait3A_211 = arith.constant 0 : i32
      %dma_wait3A_212 = tpu.memref_slice %arg9[%dma_wait3A_209, %dma_wait3A_210, %dma_wait3A_211] : memref<3x120x128xf32, #tpu.memory_space<vmem>> -> memref<1x120x128xf32, #tpu.memory_space<vmem>>
      %dma_wait3A_213 = tpu.memref_squeeze %dma_wait3A_212 : memref<1x120x128xf32, #tpu.memory_space<vmem>> -> memref<120x128xf32, #tpu.memory_space<vmem>>
      %dma_wait3A_214 = arith.constant 0 : i32
      %dma_wait3A_215 = tpu.memref_slice %arg7[%rem3A_95, %dma_wait3A_208, %dma_wait3A_214] : memref<2x3x120xi32, #tpu.memory_space<vmem>> -> memref<1x1x120xi32, #tpu.memory_space<vmem>>
      %dma_wait3A_216 = tpu.memref_squeeze %dma_wait3A_215 : memref<1x1x120xi32, #tpu.memory_space<vmem>> -> memref<120xi32, #tpu.memory_space<vmem>>
      %dma_wait3A_217 = arith.constant 0 : i32
      %dma_wait3A_218 = arith.constant 0 : i32
      %dma_wait3A_219 = tpu.memref_slice %arg2[%dma_wait3A_217, %dma_wait3A_218] : memref<130000x128xf32, #tpu.memory_space<hbm>> -> memref<130000x128xf32, #tpu.memory_space<hbm>>
      tpu.wait_indirect_dma semaphore(%arg11 : memref<!tpu.dma_semaphore, #tpu.memory_space<semaphore_mem>>) src(%dma_wait3A_219 : memref<130000x128xf32, #tpu.memory_space<hbm>>) dst(%dma_wait3A_213 : memref<120x128xf32, #tpu.memory_space<vmem>>)
      %dma_start3A_220 = arith.constant 1 : i32
      %dma_start3A_221 = arith.constant 1 : i32
      %dma_start3A_222 = arith.constant 0 : i32
      %dma_start3A_223 = arith.constant 0 : i32
      %dma_start3A_224 = tpu.memref_slice %arg9[%dma_start3A_220, %dma_start3A_222, %dma_start3A_223] : memref<3x120x128xf32, #tpu.memory_space<vmem>> -> memref<1x120x128xf32, #tpu.memory_space<vmem>>
      %dma_start3A_225 = tpu.memref_squeeze %dma_start3A_224 : memref<1x120x128xf32, #tpu.memory_space<vmem>> -> memref<120x128xf32, #tpu.memory_space<vmem>>
      %dma_start3A_226 = arith.constant 0 : i32
      %dma_start3A_227 = tpu.memref_slice %arg8[%rem3A_97, %dma_start3A_221, %dma_start3A_226] : memref<3x3x120xi32, #tpu.memory_space<vmem>> -> memref<1x1x120xi32, #tpu.memory_space<vmem>>
      %dma_start3A_228 = tpu.memref_squeeze %dma_start3A_227 : memref<1x1x120xi32, #tpu.memory_space<vmem>> -> memref<120xi32, #tpu.memory_space<vmem>>
      %dma_start3A_229 = arith.constant 0 : i32
      %dma_start3A_230 = arith.constant 0 : i32
      %dma_start3A_231 = tpu.memref_slice %arg17[%dma_start3A_229, %dma_start3A_230] : memref<10112x128xf32, #tpu.memory_space<vmem_shared>> -> memref<10112x128xf32, #tpu.memory_space<vmem_shared>>
      tpu.enqueue_indirect_dma source(%dma_start3A_225 : memref<120x128xf32, #tpu.memory_space<vmem>>) target(%dma_start3A_231 : memref<10112x128xf32, #tpu.memory_space<vmem_shared>>) offsets(%dma_start3A_228 : memref<120xi32, #tpu.memory_space<vmem>>) semaphore(%arg14 : memref<!tpu.dma_semaphore, #tpu.memory_space<semaphore_mem>>) {add = true}
      %dma_wait3A_232 = arith.constant 2 : i32
      %dma_wait3A_233 = arith.constant 2 : i32
      %dma_wait3A_234 = arith.constant 0 : i32
      %dma_wait3A_235 = arith.constant 0 : i32
      %dma_wait3A_236 = tpu.memref_slice %arg9[%dma_wait3A_233, %dma_wait3A_234, %dma_wait3A_235] : memref<3x120x128xf32, #tpu.memory_space<vmem>> -> memref<1x120x128xf32, #tpu.memory_space<vmem>>
      %dma_wait3A_237 = tpu.memref_squeeze %dma_wait3A_236 : memref<1x120x128xf32, #tpu.memory_space<vmem>> -> memref<120x128xf32, #tpu.memory_space<vmem>>
      %dma_wait3A_238 = arith.constant 0 : i32
      %dma_wait3A_239 = tpu.memref_slice %arg7[%rem3A_95, %dma_wait3A_232, %dma_wait3A_238] : memref<2x3x120xi32, #tpu.memory_space<vmem>> -> memref<1x1x120xi32, #tpu.memory_space<vmem>>
      %dma_wait3A_240 = tpu.memref_squeeze %dma_wait3A_239 : memref<1x1x120xi32, #tpu.memory_space<vmem>> -> memref<120xi32, #tpu.memory_space<vmem>>
      %dma_wait3A_241 = arith.constant 0 : i32
      %dma_wait3A_242 = arith.constant 0 : i32
      %dma_wait3A_243 = tpu.memref_slice %arg2[%dma_wait3A_241, %dma_wait3A_242] : memref<130000x128xf32, #tpu.memory_space<hbm>> -> memref<130000x128xf32, #tpu.memory_space<hbm>>
      tpu.wait_indirect_dma semaphore(%arg12 : memref<!tpu.dma_semaphore, #tpu.memory_space<semaphore_mem>>) src(%dma_wait3A_243 : memref<130000x128xf32, #tpu.memory_space<hbm>>) dst(%dma_wait3A_237 : memref<120x128xf32, #tpu.memory_space<vmem>>)
      %dma_start3A_244 = arith.constant 2 : i32
      %dma_start3A_245 = arith.constant 2 : i32
      %dma_start3A_246 = arith.constant 0 : i32
      %dma_start3A_247 = arith.constant 0 : i32
      %dma_start3A_248 = tpu.memref_slice %arg9[%dma_start3A_244, %dma_start3A_246, %dma_start3A_247] : memref<3x120x128xf32, #tpu.memory_space<vmem>> -> memref<1x120x128xf32, #tpu.memory_space<vmem>>
      %dma_start3A_249 = tpu.memref_squeeze %dma_start3A_248 : memref<1x120x128xf32, #tpu.memory_space<vmem>> -> memref<120x128xf32, #tpu.memory_space<vmem>>
      %dma_start3A_250 = arith.constant 0 : i32
      %dma_start3A_251 = tpu.memref_slice %arg8[%rem3A_97, %dma_start3A_245, %dma_start3A_250] : memref<3x3x120xi32, #tpu.memory_space<vmem>> -> memref<1x1x120xi32, #tpu.memory_space<vmem>>
      %dma_start3A_252 = tpu.memref_squeeze %dma_start3A_251 : memref<1x1x120xi32, #tpu.memory_space<vmem>> -> memref<120xi32, #tpu.memory_space<vmem>>
      %dma_start3A_253 = arith.constant 0 : i32
      %dma_start3A_254 = arith.constant 0 : i32
      %dma_start3A_255 = tpu.memref_slice %arg17[%dma_start3A_253, %dma_start3A_254] : memref<10112x128xf32, #tpu.memory_space<vmem_shared>> -> memref<10112x128xf32, #tpu.memory_space<vmem_shared>>
      tpu.enqueue_indirect_dma source(%dma_start3A_249 : memref<120x128xf32, #tpu.memory_space<vmem>>) target(%dma_start3A_255 : memref<10112x128xf32, #tpu.memory_space<vmem_shared>>) offsets(%dma_start3A_252 : memref<120xi32, #tpu.memory_space<vmem>>) semaphore(%arg15 : memref<!tpu.dma_semaphore, #tpu.memory_space<semaphore_mem>>) {add = true}
    }
    %scan3A_44 = arith.constant 28 : i32
    %dma_wait3A = arith.constant 0 : i32
    %dma_wait3A_45 = arith.constant 0 : i32
    %dma_wait3A_46 = arith.constant 0 : i32
    %dma_wait3A_47 = tpu.memref_slice %arg9[%dma_wait3A, %dma_wait3A_45, %dma_wait3A_46] : memref<3x120x128xf32, #tpu.memory_space<vmem>> -> memref<1x120x128xf32, #tpu.memory_space<vmem>>
    %dma_wait3A_48 = tpu.memref_squeeze %dma_wait3A_47 : memref<1x120x128xf32, #tpu.memory_space<vmem>> -> memref<120x128xf32, #tpu.memory_space<vmem>>
    %dma_wait3A_49 = arith.constant 0 : i32
    %dma_wait3A_50 = arith.constant 0 : i32
    %dma_wait3A_51 = tpu.memref_slice %arg5[%dma_wait3A_49, %dma_wait3A_50] : memref<10112x128xf32, #tpu.memory_space<hbm>> -> memref<120x128xf32, #tpu.memory_space<hbm>>
    %dma_wait3A_52 = arith.constant 0 : i32
    %dma_wait3A_53 = arith.constant 0 : i32
    %dma_wait3A_54 = tpu.memref_slice %arg9[%dma_wait3A, %dma_wait3A_52, %dma_wait3A_53] : memref<3x120x128xf32, #tpu.memory_space<vmem>> -> memref<1x120x128xf32, #tpu.memory_space<vmem>>
    %dma_wait3A_55 = tpu.memref_squeeze %dma_wait3A_54 : memref<1x120x128xf32, #tpu.memory_space<vmem>> -> memref<120x128xf32, #tpu.memory_space<vmem>>
    %dma_wait3A_56 = arith.constant 0 : i32
    %dma_wait3A_57 = arith.constant 0 : i32
    %dma_wait3A_58 = tpu.memref_slice %arg5[%dma_wait3A_56, %dma_wait3A_57] : memref<10112x128xf32, #tpu.memory_space<hbm>> -> memref<120x128xf32, #tpu.memory_space<hbm>>
    tpu.wait_dma2 semaphore(%arg13 : memref<!tpu.dma_semaphore, #tpu.memory_space<semaphore_mem>>) src(%dma_wait3A_58 : memref<120x128xf32, #tpu.memory_space<hbm>>) dst(%dma_wait3A_55 : memref<120x128xf32, #tpu.memory_space<vmem>>)
    %dma_wait3A_59 = arith.constant 1 : i32
    %dma_wait3A_60 = arith.constant 0 : i32
    %dma_wait3A_61 = arith.constant 0 : i32
    %dma_wait3A_62 = tpu.memref_slice %arg9[%dma_wait3A_59, %dma_wait3A_60, %dma_wait3A_61] : memref<3x120x128xf32, #tpu.memory_space<vmem>> -> memref<1x120x128xf32, #tpu.memory_space<vmem>>
    %dma_wait3A_63 = tpu.memref_squeeze %dma_wait3A_62 : memref<1x120x128xf32, #tpu.memory_space<vmem>> -> memref<120x128xf32, #tpu.memory_space<vmem>>
    %dma_wait3A_64 = arith.constant 0 : i32
    %dma_wait3A_65 = arith.constant 0 : i32
    %dma_wait3A_66 = tpu.memref_slice %arg5[%dma_wait3A_64, %dma_wait3A_65] : memref<10112x128xf32, #tpu.memory_space<hbm>> -> memref<120x128xf32, #tpu.memory_space<hbm>>
    %dma_wait3A_67 = arith.constant 0 : i32
    %dma_wait3A_68 = arith.constant 0 : i32
    %dma_wait3A_69 = tpu.memref_slice %arg9[%dma_wait3A_59, %dma_wait3A_67, %dma_wait3A_68] : memref<3x120x128xf32, #tpu.memory_space<vmem>> -> memref<1x120x128xf32, #tpu.memory_space<vmem>>
    %dma_wait3A_70 = tpu.memref_squeeze %dma_wait3A_69 : memref<1x120x128xf32, #tpu.memory_space<vmem>> -> memref<120x128xf32, #tpu.memory_space<vmem>>
    %dma_wait3A_71 = arith.constant 0 : i32
    %dma_wait3A_72 = arith.constant 0 : i32
    %dma_wait3A_73 = tpu.memref_slice %arg5[%dma_wait3A_71, %dma_wait3A_72] : memref<10112x128xf32, #tpu.memory_space<hbm>> -> memref<120x128xf32, #tpu.memory_space<hbm>>
    tpu.wait_dma2 semaphore(%arg14 : memref<!tpu.dma_semaphore, #tpu.memory_space<semaphore_mem>>) src(%dma_wait3A_73 : memref<120x128xf32, #tpu.memory_space<hbm>>) dst(%dma_wait3A_70 : memref<120x128xf32, #tpu.memory_space<vmem>>)
    %dma_wait3A_74 = arith.constant 2 : i32
    %dma_wait3A_75 = arith.constant 0 : i32
    %dma_wait3A_76 = arith.constant 0 : i32
    %dma_wait3A_77 = tpu.memref_slice %arg9[%dma_wait3A_74, %dma_wait3A_75, %dma_wait3A_76] : memref<3x120x128xf32, #tpu.memory_space<vmem>> -> memref<1x120x128xf32, #tpu.memory_space<vmem>>
    %dma_wait3A_78 = tpu.memref_squeeze %dma_wait3A_77 : memref<1x120x128xf32, #tpu.memory_space<vmem>> -> memref<120x128xf32, #tpu.memory_space<vmem>>
    %dma_wait3A_79 = arith.constant 0 : i32
    %dma_wait3A_80 = arith.constant 0 : i32
    %dma_wait3A_81 = tpu.memref_slice %arg5[%dma_wait3A_79, %dma_wait3A_80] : memref<10112x128xf32, #tpu.memory_space<hbm>> -> memref<120x128xf32, #tpu.memory_space<hbm>>
    %dma_wait3A_82 = arith.constant 0 : i32
    %dma_wait3A_83 = arith.constant 0 : i32
    %dma_wait3A_84 = tpu.memref_slice %arg9[%dma_wait3A_74, %dma_wait3A_82, %dma_wait3A_83] : memref<3x120x128xf32, #tpu.memory_space<vmem>> -> memref<1x120x128xf32, #tpu.memory_space<vmem>>
    %dma_wait3A_85 = tpu.memref_squeeze %dma_wait3A_84 : memref<1x120x128xf32, #tpu.memory_space<vmem>> -> memref<120x128xf32, #tpu.memory_space<vmem>>
    %dma_wait3A_86 = arith.constant 0 : i32
    %dma_wait3A_87 = arith.constant 0 : i32
    %dma_wait3A_88 = tpu.memref_slice %arg5[%dma_wait3A_86, %dma_wait3A_87] : memref<10112x128xf32, #tpu.memory_space<hbm>> -> memref<120x128xf32, #tpu.memory_space<hbm>>
    tpu.wait_dma2 semaphore(%arg15 : memref<!tpu.dma_semaphore, #tpu.memory_space<semaphore_mem>>) src(%dma_wait3A_88 : memref<120x128xf32, #tpu.memory_space<hbm>>) dst(%dma_wait3A_85 : memref<120x128xf32, #tpu.memory_space<vmem>>)
    %barrier3A_89 = arith.constant 0 : index
    tpu.barrier barrier_id(%barrier3A_89)
    %mul3A_90 = arith.constant 632 : i32
    %mul3A_91 = arith.muli %arg1, %mul3A_90 : i32
    %mul3A_92 = arith.constant 632 : i32
    %mul3A_93 = arith.muli %arg1, %mul3A_92 : i32
    "tpu.region"() ({
      %run_scoped3A = tpu.sem_alloc : memref<!tpu.dma_semaphore, #tpu.memory_space<semaphore_mem>>
      %dma_start3A_94 = arith.constant 0 : i32
      %dma_start3A_95 = tpu.memref_slice %arg6[%arg0, %mul3A_93, %dma_start3A_94] : memref<2x10112x128xf32, #tpu.memory_space<hbm>> -> memref<1x632x128xf32, #tpu.memory_space<hbm>>
      %dma_start3A_96 = tpu.memref_squeeze %dma_start3A_95 : memref<1x632x128xf32, #tpu.memory_space<hbm>> -> memref<632x128xf32, #tpu.memory_space<hbm>>
      %dma_start3A_97 = arith.constant 0 : i32
      %dma_start3A_98 = tpu.memref_slice %arg17[%mul3A_91, %dma_start3A_97] : memref<10112x128xf32, #tpu.memory_space<vmem_shared>> -> memref<632x128xf32, #tpu.memory_space<vmem_shared>>
      tpu.enqueue_dma source(%dma_start3A_98 : memref<632x128xf32, #tpu.memory_space<vmem_shared>>) target(%dma_start3A_96 : memref<632x128xf32, #tpu.memory_space<hbm>>) target_semaphore(%run_scoped3A : memref<!tpu.dma_semaphore, #tpu.memory_space<semaphore_mem>>)
      %dma_wait3A_99 = arith.constant 0 : i32
      %dma_wait3A_100 = tpu.memref_slice %arg6[%arg0, %mul3A_93, %dma_wait3A_99] : memref<2x10112x128xf32, #tpu.memory_space<hbm>> -> memref<1x632x128xf32, #tpu.memory_space<hbm>>
      %dma_wait3A_101 = tpu.memref_squeeze %dma_wait3A_100 : memref<1x632x128xf32, #tpu.memory_space<hbm>> -> memref<632x128xf32, #tpu.memory_space<hbm>>
      %dma_wait3A_102 = arith.constant 0 : i32
      %dma_wait3A_103 = tpu.memref_slice %arg17[%mul3A_91, %dma_wait3A_102] : memref<10112x128xf32, #tpu.memory_space<vmem_shared>> -> memref<632x128xf32, #tpu.memory_space<vmem_shared>>
      tpu.wait_dma2 semaphore(%run_scoped3A : memref<!tpu.dma_semaphore, #tpu.memory_space<semaphore_mem>>) src(%dma_wait3A_103 : memref<632x128xf32, #tpu.memory_space<vmem_shared>>) dst(%dma_wait3A_101 : memref<632x128xf32, #tpu.memory_space<hbm>>)
      tpu.yield
    }) : () -> ()
    return
  }
}

module attributes {stable_mosaic.version = 14 : i64} {
  func.func @_hall_body(%arg0: i32, %arg1: memref<1000x128xf32, #tpu.memory_space<vmem>>, %arg2: memref<13x128x128xbf16, #tpu.memory_space<vmem>>, %arg3: memref<13x1x128xf32, #tpu.memory_space<vmem>>, %arg4: memref<13x1000x128xf32, #tpu.memory_space<vmem>>) attributes {dimension_semantics = [#tpu.dimension_semantics<arbitrary>], iteration_bounds = array<i64: 10>, scalar_prefetch = 0 : i64, scratch_operands = 0 : i64, tpu.core_type = #tpu.core_type<tc>, window_params = [{transform_indices = @transform_0, window_bounds = array<i64: 1000, 128>}, {pipeline_mode = #tpu.pipeline_mode<synchronous>, transform_indices = @transform_1, window_bounds = array<i64: 13, 128, 128>}, {pipeline_mode = #tpu.pipeline_mode<synchronous>, transform_indices = @transform_2, window_bounds = array<i64: 13, 1, 128>}, {transform_indices = @transform_3, window_bounds = array<i64: 13, 1000, 128>}]} {
    %get3A = arith.constant 0 : index
    %get3A_0 = arith.constant 0 : index
    %get3A_1 = vector.load %arg1[%get3A, %get3A_0] : memref<1000x128xf32, #tpu.memory_space<vmem>>, vector<1000x128xf32>
    %convert_element_type3A = arith.truncf %get3A_1 : vector<1000x128xf32> to vector<1000x128xbf16>
    %get3A_2 = arith.constant 0 : index
    %get3A_3 = arith.constant 0 : index
    %get3A_4 = arith.constant 0 : index
    %get3A_5 = vector.load %arg2[%get3A_2, %get3A_3, %get3A_4] : memref<13x128x128xbf16, #tpu.memory_space<vmem>>, vector<1x128x128xbf16>
    %get3A_6 = vector.shape_cast %get3A_5 : vector<1x128x128xbf16> to vector<128x128xbf16>
    %dot_general3A = arith.constant dense<0.000000e+00> : vector<1000x128xf32>
    %dot_general3A_7 = tpu.matmul %convert_element_type3A, %get3A_6, %dot_general3A {dimension_numbers = #tpu.dot_dimension_numbers<[1], [1], [0], [0], [0, 0, 1, 0], [], []>, transpose_lhs_hint = false} : vector<1000x128xbf16>, vector<128x128xbf16>, vector<1000x128xf32> -> vector<1000x128xf32>
    %get3A_8 = arith.constant 0 : index
    %get3A_9 = arith.constant 0 : index
    %get3A_10 = arith.constant 0 : index
    %get3A_11 = vector.load %arg3[%get3A_8, %get3A_9, %get3A_10] : memref<13x1x128xf32, #tpu.memory_space<vmem>>, vector<1x1x128xf32>
    %get3A_12 = vector.shape_cast %get3A_11 : vector<1x1x128xf32> to vector<1x128xf32>
    %add3A = vector.broadcast %get3A_12 : vector<1x128xf32> to vector<1000x128xf32>
    %add3A_13 = arith.addf %dot_general3A_7, %add3A : vector<1000x128xf32>
    %swap3A = arith.constant 0 : index
    %swap3A_14 = arith.constant 0 : index
    %swap3A_15 = arith.constant 0 : index
    %swap3A_16 = vector.load %arg4[%swap3A, %swap3A_14, %swap3A_15] : memref<13x1000x128xf32, #tpu.memory_space<vmem>>, vector<1x1000x128xf32>
    %swap3A_17 = vector.shape_cast %swap3A_16 : vector<1x1000x128xf32> to vector<1000x128xf32>
    %swap3A_18 = vector.shape_cast %add3A_13 : vector<1000x128xf32> to vector<1x1000x128xf32>
    tpu.vector_store %arg4[%swap3A, %swap3A_14, %swap3A_15], %swap3A_18 {strides = array<i32>} : memref<13x1000x128xf32, #tpu.memory_space<vmem>>, vector<1x1000x128xf32>,
    %get3A_19 = arith.constant 1 : index
    %get3A_20 = arith.constant 0 : index
    %get3A_21 = arith.constant 0 : index
    %get3A_22 = vector.load %arg2[%get3A_19, %get3A_20, %get3A_21] : memref<13x128x128xbf16, #tpu.memory_space<vmem>>, vector<1x128x128xbf16>
    %get3A_23 = vector.shape_cast %get3A_22 : vector<1x128x128xbf16> to vector<128x128xbf16>
    %dot_general3A_24 = arith.constant dense<0.000000e+00> : vector<1000x128xf32>
    %dot_general3A_25 = tpu.matmul %convert_element_type3A, %get3A_23, %dot_general3A_24 {dimension_numbers = #tpu.dot_dimension_numbers<[1], [1], [0], [0], [0, 0, 1, 0], [], []>, transpose_lhs_hint = false} : vector<1000x128xbf16>, vector<128x128xbf16>, vector<1000x128xf32> -> vector<1000x128xf32>
    %get3A_26 = arith.constant 1 : index
    %get3A_27 = arith.constant 0 : index
    %get3A_28 = arith.constant 0 : index
    %get3A_29 = vector.load %arg3[%get3A_26, %get3A_27, %get3A_28] : memref<13x1x128xf32, #tpu.memory_space<vmem>>, vector<1x1x128xf32>
    %get3A_30 = vector.shape_cast %get3A_29 : vector<1x1x128xf32> to vector<1x128xf32>
    %add3A_31 = vector.broadcast %get3A_30 : vector<1x128xf32> to vector<1000x128xf32>
    %add3A_32 = arith.addf %dot_general3A_25, %add3A_31 : vector<1000x128xf32>
    %swap3A_33 = arith.constant 1 : index
    %swap3A_34 = arith.constant 0 : index
    %swap3A_35 = arith.constant 0 : index
    %swap3A_36 = vector.load %arg4[%swap3A_33, %swap3A_34, %swap3A_35] : memref<13x1000x128xf32, #tpu.memory_space<vmem>>, vector<1x1000x128xf32>
    %swap3A_37 = vector.shape_cast %swap3A_36 : vector<1x1000x128xf32> to vector<1000x128xf32>
    %swap3A_38 = vector.shape_cast %add3A_32 : vector<1000x128xf32> to vector<1x1000x128xf32>
    tpu.vector_store %arg4[%swap3A_33, %swap3A_34, %swap3A_35], %swap3A_38 {strides = array<i32>} : memref<13x1000x128xf32, #tpu.memory_space<vmem>>, vector<1x1000x128xf32>,
    %get3A_39 = arith.constant 2 : index
    %get3A_40 = arith.constant 0 : index
    %get3A_41 = arith.constant 0 : index
    %get3A_42 = vector.load %arg2[%get3A_39, %get3A_40, %get3A_41] : memref<13x128x128xbf16, #tpu.memory_space<vmem>>, vector<1x128x128xbf16>
    %get3A_43 = vector.shape_cast %get3A_42 : vector<1x128x128xbf16> to vector<128x128xbf16>
    %dot_general3A_44 = arith.constant dense<0.000000e+00> : vector<1000x128xf32>
    %dot_general3A_45 = tpu.matmul %convert_element_type3A, %get3A_43, %dot_general3A_44 {dimension_numbers = #tpu.dot_dimension_numbers<[1], [1], [0], [0], [0, 0, 1, 0], [], []>, transpose_lhs_hint = false} : vector<1000x128xbf16>, vector<128x128xbf16>, vector<1000x128xf32> -> vector<1000x128xf32>
    %get3A_46 = arith.constant 2 : index
    %get3A_47 = arith.constant 0 : index
    %get3A_48 = arith.constant 0 : index
    %get3A_49 = vector.load %arg3[%get3A_46, %get3A_47, %get3A_48] : memref<13x1x128xf32, #tpu.memory_space<vmem>>, vector<1x1x128xf32>
    %get3A_50 = vector.shape_cast %get3A_49 : vector<1x1x128xf32> to vector<1x128xf32>
    %add3A_51 = vector.broadcast %get3A_50 : vector<1x128xf32> to vector<1000x128xf32>
    %add3A_52 = arith.addf %dot_general3A_45, %add3A_51 : vector<1000x128xf32>
    %swap3A_53 = arith.constant 2 : index
    %swap3A_54 = arith.constant 0 : index
    %swap3A_55 = arith.constant 0 : index
    %swap3A_56 = vector.load %arg4[%swap3A_53, %swap3A_54, %swap3A_55] : memref<13x1000x128xf32, #tpu.memory_space<vmem>>, vector<1x1000x128xf32>
    %swap3A_57 = vector.shape_cast %swap3A_56 : vector<1x1000x128xf32> to vector<1000x128xf32>
    %swap3A_58 = vector.shape_cast %add3A_52 : vector<1000x128xf32> to vector<1x1000x128xf32>
    tpu.vector_store %arg4[%swap3A_53, %swap3A_54, %swap3A_55], %swap3A_58 {strides = array<i32>} : memref<13x1000x128xf32, #tpu.memory_space<vmem>>, vector<1x1000x128xf32>,
    %get3A_59 = arith.constant 3 : index
    %get3A_60 = arith.constant 0 : index
    %get3A_61 = arith.constant 0 : index
    %get3A_62 = vector.load %arg2[%get3A_59, %get3A_60, %get3A_61] : memref<13x128x128xbf16, #tpu.memory_space<vmem>>, vector<1x128x128xbf16>
    %get3A_63 = vector.shape_cast %get3A_62 : vector<1x128x128xbf16> to vector<128x128xbf16>
    %dot_general3A_64 = arith.constant dense<0.000000e+00> : vector<1000x128xf32>
    %dot_general3A_65 = tpu.matmul %convert_element_type3A, %get3A_63, %dot_general3A_64 {dimension_numbers = #tpu.dot_dimension_numbers<[1], [1], [0], [0], [0, 0, 1, 0], [], []>, transpose_lhs_hint = false} : vector<1000x128xbf16>, vector<128x128xbf16>, vector<1000x128xf32> -> vector<1000x128xf32>
    %get3A_66 = arith.constant 3 : index
    %get3A_67 = arith.constant 0 : index
    %get3A_68 = arith.constant 0 : index
    %get3A_69 = vector.load %arg3[%get3A_66, %get3A_67, %get3A_68] : memref<13x1x128xf32, #tpu.memory_space<vmem>>, vector<1x1x128xf32>
    %get3A_70 = vector.shape_cast %get3A_69 : vector<1x1x128xf32> to vector<1x128xf32>
    %add3A_71 = vector.broadcast %get3A_70 : vector<1x128xf32> to vector<1000x128xf32>
    %add3A_72 = arith.addf %dot_general3A_65, %add3A_71 : vector<1000x128xf32>
    %swap3A_73 = arith.constant 3 : index
    %swap3A_74 = arith.constant 0 : index
    %swap3A_75 = arith.constant 0 : index
    %swap3A_76 = vector.load %arg4[%swap3A_73, %swap3A_74, %swap3A_75] : memref<13x1000x128xf32, #tpu.memory_space<vmem>>, vector<1x1000x128xf32>
    %swap3A_77 = vector.shape_cast %swap3A_76 : vector<1x1000x128xf32> to vector<1000x128xf32>
    %swap3A_78 = vector.shape_cast %add3A_72 : vector<1000x128xf32> to vector<1x1000x128xf32>
    tpu.vector_store %arg4[%swap3A_73, %swap3A_74, %swap3A_75], %swap3A_78 {strides = array<i32>} : memref<13x1000x128xf32, #tpu.memory_space<vmem>>, vector<1x1000x128xf32>,
    %get3A_79 = arith.constant 4 : index
    %get3A_80 = arith.constant 0 : index
    %get3A_81 = arith.constant 0 : index
    %get3A_82 = vector.load %arg2[%get3A_79, %get3A_80, %get3A_81] : memref<13x128x128xbf16, #tpu.memory_space<vmem>>, vector<1x128x128xbf16>
    %get3A_83 = vector.shape_cast %get3A_82 : vector<1x128x128xbf16> to vector<128x128xbf16>
    %dot_general3A_84 = arith.constant dense<0.000000e+00> : vector<1000x128xf32>
    %dot_general3A_85 = tpu.matmul %convert_element_type3A, %get3A_83, %dot_general3A_84 {dimension_numbers = #tpu.dot_dimension_numbers<[1], [1], [0], [0], [0, 0, 1, 0], [], []>, transpose_lhs_hint = false} : vector<1000x128xbf16>, vector<128x128xbf16>, vector<1000x128xf32> -> vector<1000x128xf32>
    %get3A_86 = arith.constant 4 : index
    %get3A_87 = arith.constant 0 : index
    %get3A_88 = arith.constant 0 : index
    %get3A_89 = vector.load %arg3[%get3A_86, %get3A_87, %get3A_88] : memref<13x1x128xf32, #tpu.memory_space<vmem>>, vector<1x1x128xf32>
    %get3A_90 = vector.shape_cast %get3A_89 : vector<1x1x128xf32> to vector<1x128xf32>
    %add3A_91 = vector.broadcast %get3A_90 : vector<1x128xf32> to vector<1000x128xf32>
    %add3A_92 = arith.addf %dot_general3A_85, %add3A_91 : vector<1000x128xf32>
    %swap3A_93 = arith.constant 4 : index
    %swap3A_94 = arith.constant 0 : index
    %swap3A_95 = arith.constant 0 : index
    %swap3A_96 = vector.load %arg4[%swap3A_93, %swap3A_94, %swap3A_95] : memref<13x1000x128xf32, #tpu.memory_space<vmem>>, vector<1x1000x128xf32>
    %swap3A_97 = vector.shape_cast %swap3A_96 : vector<1x1000x128xf32> to vector<1000x128xf32>
    %swap3A_98 = vector.shape_cast %add3A_92 : vector<1000x128xf32> to vector<1x1000x128xf32>
    tpu.vector_store %arg4[%swap3A_93, %swap3A_94, %swap3A_95], %swap3A_98 {strides = array<i32>} : memref<13x1000x128xf32, #tpu.memory_space<vmem>>, vector<1x1000x128xf32>,
    %get3A_99 = arith.constant 5 : index
    %get3A_100 = arith.constant 0 : index
    %get3A_101 = arith.constant 0 : index
    %get3A_102 = vector.load %arg2[%get3A_99, %get3A_100, %get3A_101] : memref<13x128x128xbf16, #tpu.memory_space<vmem>>, vector<1x128x128xbf16>
    %get3A_103 = vector.shape_cast %get3A_102 : vector<1x128x128xbf16> to vector<128x128xbf16>
    %dot_general3A_104 = arith.constant dense<0.000000e+00> : vector<1000x128xf32>
    %dot_general3A_105 = tpu.matmul %convert_element_type3A, %get3A_103, %dot_general3A_104 {dimension_numbers = #tpu.dot_dimension_numbers<[1], [1], [0], [0], [0, 0, 1, 0], [], []>, transpose_lhs_hint = false} : vector<1000x128xbf16>, vector<128x128xbf16>, vector<1000x128xf32> -> vector<1000x128xf32>
    %get3A_106 = arith.constant 5 : index
    %get3A_107 = arith.constant 0 : index
    %get3A_108 = arith.constant 0 : index
    %get3A_109 = vector.load %arg3[%get3A_106, %get3A_107, %get3A_108] : memref<13x1x128xf32, #tpu.memory_space<vmem>>, vector<1x1x128xf32>
    %get3A_110 = vector.shape_cast %get3A_109 : vector<1x1x128xf32> to vector<1x128xf32>
    %add3A_111 = vector.broadcast %get3A_110 : vector<1x128xf32> to vector<1000x128xf32>
    %add3A_112 = arith.addf %dot_general3A_105, %add3A_111 : vector<1000x128xf32>
    %swap3A_113 = arith.constant 5 : index
    %swap3A_114 = arith.constant 0 : index
    %swap3A_115 = arith.constant 0 : index
    %swap3A_116 = vector.load %arg4[%swap3A_113, %swap3A_114, %swap3A_115] : memref<13x1000x128xf32, #tpu.memory_space<vmem>>, vector<1x1000x128xf32>
    %swap3A_117 = vector.shape_cast %swap3A_116 : vector<1x1000x128xf32> to vector<1000x128xf32>
    %swap3A_118 = vector.shape_cast %add3A_112 : vector<1000x128xf32> to vector<1x1000x128xf32>
    tpu.vector_store %arg4[%swap3A_113, %swap3A_114, %swap3A_115], %swap3A_118 {strides = array<i32>} : memref<13x1000x128xf32, #tpu.memory_space<vmem>>, vector<1x1000x128xf32>,
    %get3A_119 = arith.constant 6 : index
    %get3A_120 = arith.constant 0 : index
    %get3A_121 = arith.constant 0 : index
    %get3A_122 = vector.load %arg2[%get3A_119, %get3A_120, %get3A_121] : memref<13x128x128xbf16, #tpu.memory_space<vmem>>, vector<1x128x128xbf16>
    %get3A_123 = vector.shape_cast %get3A_122 : vector<1x128x128xbf16> to vector<128x128xbf16>
    %dot_general3A_124 = arith.constant dense<0.000000e+00> : vector<1000x128xf32>
    %dot_general3A_125 = tpu.matmul %convert_element_type3A, %get3A_123, %dot_general3A_124 {dimension_numbers = #tpu.dot_dimension_numbers<[1], [1], [0], [0], [0, 0, 1, 0], [], []>, transpose_lhs_hint = false} : vector<1000x128xbf16>, vector<128x128xbf16>, vector<1000x128xf32> -> vector<1000x128xf32>
    %get3A_126 = arith.constant 6 : index
    %get3A_127 = arith.constant 0 : index
    %get3A_128 = arith.constant 0 : index
    %get3A_129 = vector.load %arg3[%get3A_126, %get3A_127, %get3A_128] : memref<13x1x128xf32, #tpu.memory_space<vmem>>, vector<1x1x128xf32>
    %get3A_130 = vector.shape_cast %get3A_129 : vector<1x1x128xf32> to vector<1x128xf32>
    %add3A_131 = vector.broadcast %get3A_130 : vector<1x128xf32> to vector<1000x128xf32>
    %add3A_132 = arith.addf %dot_general3A_125, %add3A_131 : vector<1000x128xf32>
    %swap3A_133 = arith.constant 6 : index
    %swap3A_134 = arith.constant 0 : index
    %swap3A_135 = arith.constant 0 : index
    %swap3A_136 = vector.load %arg4[%swap3A_133, %swap3A_134, %swap3A_135] : memref<13x1000x128xf32, #tpu.memory_space<vmem>>, vector<1x1000x128xf32>
    %swap3A_137 = vector.shape_cast %swap3A_136 : vector<1x1000x128xf32> to vector<1000x128xf32>
    %swap3A_138 = vector.shape_cast %add3A_132 : vector<1000x128xf32> to vector<1x1000x128xf32>
    tpu.vector_store %arg4[%swap3A_133, %swap3A_134, %swap3A_135], %swap3A_138 {strides = array<i32>} : memref<13x1000x128xf32, #tpu.memory_space<vmem>>, vector<1x1000x128xf32>,
    %get3A_139 = arith.constant 7 : index
    %get3A_140 = arith.constant 0 : index
    %get3A_141 = arith.constant 0 : index
    %get3A_142 = vector.load %arg2[%get3A_139, %get3A_140, %get3A_141] : memref<13x128x128xbf16, #tpu.memory_space<vmem>>, vector<1x128x128xbf16>
    %get3A_143 = vector.shape_cast %get3A_142 : vector<1x128x128xbf16> to vector<128x128xbf16>
    %dot_general3A_144 = arith.constant dense<0.000000e+00> : vector<1000x128xf32>
    %dot_general3A_145 = tpu.matmul %convert_element_type3A, %get3A_143, %dot_general3A_144 {dimension_numbers = #tpu.dot_dimension_numbers<[1], [1], [0], [0], [0, 0, 1, 0], [], []>, transpose_lhs_hint = false} : vector<1000x128xbf16>, vector<128x128xbf16>, vector<1000x128xf32> -> vector<1000x128xf32>
    %get3A_146 = arith.constant 7 : index
    %get3A_147 = arith.constant 0 : index
    %get3A_148 = arith.constant 0 : index
    %get3A_149 = vector.load %arg3[%get3A_146, %get3A_147, %get3A_148] : memref<13x1x128xf32, #tpu.memory_space<vmem>>, vector<1x1x128xf32>
    %get3A_150 = vector.shape_cast %get3A_149 : vector<1x1x128xf32> to vector<1x128xf32>
    %add3A_151 = vector.broadcast %get3A_150 : vector<1x128xf32> to vector<1000x128xf32>
    %add3A_152 = arith.addf %dot_general3A_145, %add3A_151 : vector<1000x128xf32>
    %swap3A_153 = arith.constant 7 : index
    %swap3A_154 = arith.constant 0 : index
    %swap3A_155 = arith.constant 0 : index
    %swap3A_156 = vector.load %arg4[%swap3A_153, %swap3A_154, %swap3A_155] : memref<13x1000x128xf32, #tpu.memory_space<vmem>>, vector<1x1000x128xf32>
    %swap3A_157 = vector.shape_cast %swap3A_156 : vector<1x1000x128xf32> to vector<1000x128xf32>
    %swap3A_158 = vector.shape_cast %add3A_152 : vector<1000x128xf32> to vector<1x1000x128xf32>
    tpu.vector_store %arg4[%swap3A_153, %swap3A_154, %swap3A_155], %swap3A_158 {strides = array<i32>} : memref<13x1000x128xf32, #tpu.memory_space<vmem>>, vector<1x1000x128xf32>,
    %get3A_159 = arith.constant 8 : index
    %get3A_160 = arith.constant 0 : index
    %get3A_161 = arith.constant 0 : index
    %get3A_162 = vector.load %arg2[%get3A_159, %get3A_160, %get3A_161] : memref<13x128x128xbf16, #tpu.memory_space<vmem>>, vector<1x128x128xbf16>
    %get3A_163 = vector.shape_cast %get3A_162 : vector<1x128x128xbf16> to vector<128x128xbf16>
    %dot_general3A_164 = arith.constant dense<0.000000e+00> : vector<1000x128xf32>
    %dot_general3A_165 = tpu.matmul %convert_element_type3A, %get3A_163, %dot_general3A_164 {dimension_numbers = #tpu.dot_dimension_numbers<[1], [1], [0], [0], [0, 0, 1, 0], [], []>, transpose_lhs_hint = false} : vector<1000x128xbf16>, vector<128x128xbf16>, vector<1000x128xf32> -> vector<1000x128xf32>
    %get3A_166 = arith.constant 8 : index
    %get3A_167 = arith.constant 0 : index
    %get3A_168 = arith.constant 0 : index
    %get3A_169 = vector.load %arg3[%get3A_166, %get3A_167, %get3A_168] : memref<13x1x128xf32, #tpu.memory_space<vmem>>, vector<1x1x128xf32>
    %get3A_170 = vector.shape_cast %get3A_169 : vector<1x1x128xf32> to vector<1x128xf32>
    %add3A_171 = vector.broadcast %get3A_170 : vector<1x128xf32> to vector<1000x128xf32>
    %add3A_172 = arith.addf %dot_general3A_165, %add3A_171 : vector<1000x128xf32>
    %swap3A_173 = arith.constant 8 : index
    %swap3A_174 = arith.constant 0 : index
    %swap3A_175 = arith.constant 0 : index
    %swap3A_176 = vector.load %arg4[%swap3A_173, %swap3A_174, %swap3A_175] : memref<13x1000x128xf32, #tpu.memory_space<vmem>>, vector<1x1000x128xf32>
    %swap3A_177 = vector.shape_cast %swap3A_176 : vector<1x1000x128xf32> to vector<1000x128xf32>
    %swap3A_178 = vector.shape_cast %add3A_172 : vector<1000x128xf32> to vector<1x1000x128xf32>
    tpu.vector_store %arg4[%swap3A_173, %swap3A_174, %swap3A_175], %swap3A_178 {strides = array<i32>} : memref<13x1000x128xf32, #tpu.memory_space<vmem>>, vector<1x1000x128xf32>,
    %get3A_179 = arith.constant 9 : index
    %get3A_180 = arith.constant 0 : index
    %get3A_181 = arith.constant 0 : index
    %get3A_182 = vector.load %arg2[%get3A_179, %get3A_180, %get3A_181] : memref<13x128x128xbf16, #tpu.memory_space<vmem>>, vector<1x128x128xbf16>
    %get3A_183 = vector.shape_cast %get3A_182 : vector<1x128x128xbf16> to vector<128x128xbf16>
    %dot_general3A_184 = arith.constant dense<0.000000e+00> : vector<1000x128xf32>
    %dot_general3A_185 = tpu.matmul %convert_element_type3A, %get3A_183, %dot_general3A_184 {dimension_numbers = #tpu.dot_dimension_numbers<[1], [1], [0], [0], [0, 0, 1, 0], [], []>, transpose_lhs_hint = false} : vector<1000x128xbf16>, vector<128x128xbf16>, vector<1000x128xf32> -> vector<1000x128xf32>
    %get3A_186 = arith.constant 9 : index
    %get3A_187 = arith.constant 0 : index
    %get3A_188 = arith.constant 0 : index
    %get3A_189 = vector.load %arg3[%get3A_186, %get3A_187, %get3A_188] : memref<13x1x128xf32, #tpu.memory_space<vmem>>, vector<1x1x128xf32>
    %get3A_190 = vector.shape_cast %get3A_189 : vector<1x1x128xf32> to vector<1x128xf32>
    %add3A_191 = vector.broadcast %get3A_190 : vector<1x128xf32> to vector<1000x128xf32>
    %add3A_192 = arith.addf %dot_general3A_185, %add3A_191 : vector<1000x128xf32>
    %swap3A_193 = arith.constant 9 : index
    %swap3A_194 = arith.constant 0 : index
    %swap3A_195 = arith.constant 0 : index
    %swap3A_196 = vector.load %arg4[%swap3A_193, %swap3A_194, %swap3A_195] : memref<13x1000x128xf32, #tpu.memory_space<vmem>>, vector<1x1000x128xf32>
    %swap3A_197 = vector.shape_cast %swap3A_196 : vector<1x1000x128xf32> to vector<1000x128xf32>
    %swap3A_198 = vector.shape_cast %add3A_192 : vector<1000x128xf32> to vector<1x1000x128xf32>
    tpu.vector_store %arg4[%swap3A_193, %swap3A_194, %swap3A_195], %swap3A_198 {strides = array<i32>} : memref<13x1000x128xf32, #tpu.memory_space<vmem>>, vector<1x1000x128xf32>,
    %get3A_199 = arith.constant 10 : index
    %get3A_200 = arith.constant 0 : index
    %get3A_201 = arith.constant 0 : index
    %get3A_202 = vector.load %arg2[%get3A_199, %get3A_200, %get3A_201] : memref<13x128x128xbf16, #tpu.memory_space<vmem>>, vector<1x128x128xbf16>
    %get3A_203 = vector.shape_cast %get3A_202 : vector<1x128x128xbf16> to vector<128x128xbf16>
    %dot_general3A_204 = arith.constant dense<0.000000e+00> : vector<1000x128xf32>
    %dot_general3A_205 = tpu.matmul %convert_element_type3A, %get3A_203, %dot_general3A_204 {dimension_numbers = #tpu.dot_dimension_numbers<[1], [1], [0], [0], [0, 0, 1, 0], [], []>, transpose_lhs_hint = false} : vector<1000x128xbf16>, vector<128x128xbf16>, vector<1000x128xf32> -> vector<1000x128xf32>
    %get3A_206 = arith.constant 10 : index
    %get3A_207 = arith.constant 0 : index
    %get3A_208 = arith.constant 0 : index
    %get3A_209 = vector.load %arg3[%get3A_206, %get3A_207, %get3A_208] : memref<13x1x128xf32, #tpu.memory_space<vmem>>, vector<1x1x128xf32>
    %get3A_210 = vector.shape_cast %get3A_209 : vector<1x1x128xf32> to vector<1x128xf32>
    %add3A_211 = vector.broadcast %get3A_210 : vector<1x128xf32> to vector<1000x128xf32>
    %add3A_212 = arith.addf %dot_general3A_205, %add3A_211 : vector<1000x128xf32>
    %swap3A_213 = arith.constant 10 : index
    %swap3A_214 = arith.constant 0 : index
    %swap3A_215 = arith.constant 0 : index
    %swap3A_216 = vector.load %arg4[%swap3A_213, %swap3A_214, %swap3A_215] : memref<13x1000x128xf32, #tpu.memory_space<vmem>>, vector<1x1000x128xf32>
    %swap3A_217 = vector.shape_cast %swap3A_216 : vector<1x1000x128xf32> to vector<1000x128xf32>
    %swap3A_218 = vector.shape_cast %add3A_212 : vector<1000x128xf32> to vector<1x1000x128xf32>
    tpu.vector_store %arg4[%swap3A_213, %swap3A_214, %swap3A_215], %swap3A_218 {strides = array<i32>} : memref<13x1000x128xf32, #tpu.memory_space<vmem>>, vector<1x1000x128xf32>,
    %get3A_219 = arith.constant 11 : index
    %get3A_220 = arith.constant 0 : index
    %get3A_221 = arith.constant 0 : index
    %get3A_222 = vector.load %arg2[%get3A_219, %get3A_220, %get3A_221] : memref<13x128x128xbf16, #tpu.memory_space<vmem>>, vector<1x128x128xbf16>
    %get3A_223 = vector.shape_cast %get3A_222 : vector<1x128x128xbf16> to vector<128x128xbf16>
    %dot_general3A_224 = arith.constant dense<0.000000e+00> : vector<1000x128xf32>
    %dot_general3A_225 = tpu.matmul %convert_element_type3A, %get3A_223, %dot_general3A_224 {dimension_numbers = #tpu.dot_dimension_numbers<[1], [1], [0], [0], [0, 0, 1, 0], [], []>, transpose_lhs_hint = false} : vector<1000x128xbf16>, vector<128x128xbf16>, vector<1000x128xf32> -> vector<1000x128xf32>
    %get3A_226 = arith.constant 11 : index
    %get3A_227 = arith.constant 0 : index
    %get3A_228 = arith.constant 0 : index
    %get3A_229 = vector.load %arg3[%get3A_226, %get3A_227, %get3A_228] : memref<13x1x128xf32, #tpu.memory_space<vmem>>, vector<1x1x128xf32>
    %get3A_230 = vector.shape_cast %get3A_229 : vector<1x1x128xf32> to vector<1x128xf32>
    %add3A_231 = vector.broadcast %get3A_230 : vector<1x128xf32> to vector<1000x128xf32>
    %add3A_232 = arith.addf %dot_general3A_225, %add3A_231 : vector<1000x128xf32>
    %swap3A_233 = arith.constant 11 : index
    %swap3A_234 = arith.constant 0 : index
    %swap3A_235 = arith.constant 0 : index
    %swap3A_236 = vector.load %arg4[%swap3A_233, %swap3A_234, %swap3A_235] : memref<13x1000x128xf32, #tpu.memory_space<vmem>>, vector<1x1000x128xf32>
    %swap3A_237 = vector.shape_cast %swap3A_236 : vector<1x1000x128xf32> to vector<1000x128xf32>
    %swap3A_238 = vector.shape_cast %add3A_232 : vector<1000x128xf32> to vector<1x1000x128xf32>
    tpu.vector_store %arg4[%swap3A_233, %swap3A_234, %swap3A_235], %swap3A_238 {strides = array<i32>} : memref<13x1000x128xf32, #tpu.memory_space<vmem>>, vector<1x1000x128xf32>,
    %get3A_239 = arith.constant 12 : index
    %get3A_240 = arith.constant 0 : index
    %get3A_241 = arith.constant 0 : index
    %get3A_242 = vector.load %arg2[%get3A_239, %get3A_240, %get3A_241] : memref<13x128x128xbf16, #tpu.memory_space<vmem>>, vector<1x128x128xbf16>
    %get3A_243 = vector.shape_cast %get3A_242 : vector<1x128x128xbf16> to vector<128x128xbf16>
    %dot_general3A_244 = arith.constant dense<0.000000e+00> : vector<1000x128xf32>
    %dot_general3A_245 = tpu.matmul %convert_element_type3A, %get3A_243, %dot_general3A_244 {dimension_numbers = #tpu.dot_dimension_numbers<[1], [1], [0], [0], [0, 0, 1, 0], [], []>, transpose_lhs_hint = false} : vector<1000x128xbf16>, vector<128x128xbf16>, vector<1000x128xf32> -> vector<1000x128xf32>
    %get3A_246 = arith.constant 12 : index
    %get3A_247 = arith.constant 0 : index
    %get3A_248 = arith.constant 0 : index
    %get3A_249 = vector.load %arg3[%get3A_246, %get3A_247, %get3A_248] : memref<13x1x128xf32, #tpu.memory_space<vmem>>, vector<1x1x128xf32>
    %get3A_250 = vector.shape_cast %get3A_249 : vector<1x1x128xf32> to vector<1x128xf32>
    %add3A_251 = vector.broadcast %get3A_250 : vector<1x128xf32> to vector<1000x128xf32>
    %add3A_252 = arith.addf %dot_general3A_245, %add3A_251 : vector<1000x128xf32>
    %swap3A_253 = arith.constant 12 : index
    %swap3A_254 = arith.constant 0 : index
    %swap3A_255 = arith.constant 0 : index
    %swap3A_256 = vector.load %arg4[%swap3A_253, %swap3A_254, %swap3A_255] : memref<13x1000x128xf32, #tpu.memory_space<vmem>>, vector<1x1000x128xf32>
    %swap3A_257 = vector.shape_cast %swap3A_256 : vector<1x1000x128xf32> to vector<1000x128xf32>
    %swap3A_258 = vector.shape_cast %add3A_252 : vector<1000x128xf32> to vector<1x1000x128xf32>
    tpu.vector_store %arg4[%swap3A_253, %swap3A_254, %swap3A_255], %swap3A_258 {strides = array<i32>} : memref<13x1000x128xf32, #tpu.memory_space<vmem>>, vector<1x1000x128xf32>,
    return
  }
  func.func @transform_0(%arg0: i32) -> (i32, i32) {
    %c0_i32 = arith.constant 0 : i32
    %c0_i32_0 = arith.constant 0 : i32
    return %arg0, %c0_i32 : i32, i32
  }
  func.func @transform_1(%arg0: i32) -> (i32, i32, i32) {
    %c0_i32 = arith.constant 0 : i32
    %c0_i32_0 = arith.constant 0 : i32
    %c0_i32_1 = arith.constant 0 : i32
    %c0_i32_2 = arith.constant 0 : i32
    return %c0_i32, %c0_i32_0, %c0_i32_1 : i32, i32, i32
  }
  func.func @transform_2(%arg0: i32) -> (i32, i32, i32) {
    %c0_i32 = arith.constant 0 : i32
    %c0_i32_0 = arith.constant 0 : i32
    %c0_i32_1 = arith.constant 0 : i32
    %c0_i32_2 = arith.constant 0 : i32
    return %c0_i32, %c0_i32_0, %c0_i32_1 : i32, i32, i32
  }
  func.func @transform_3(%arg0: i32) -> (i32, i32, i32) {
    %c0_i32 = arith.constant 0 : i32
    %c0_i32_0 = arith.constant 0 : i32
    %c0_i32_1 = arith.constant 0 : i32
    return %c0_i32, %arg0, %c0_i32_0 : i32, i32, i32
  }
}

module attributes {stable_mosaic.version = 14 : i64} {
  func.func @_gru_hall_body(%arg0: i32, %arg1: memref<2x1000x128xf32, #tpu.memory_space<vmem>>, %arg2: memref<1000x128xf32, #tpu.memory_space<vmem>>, %arg3: memref<384x128xf32, #tpu.memory_space<vmem>>, %arg4: memref<384x128xf32, #tpu.memory_space<vmem>>, %arg5: memref<1x384xf32, #tpu.memory_space<vmem>>, %arg6: memref<1x384xf32, #tpu.memory_space<vmem>>, %arg7: memref<13x128x128xbf16, #tpu.memory_space<vmem>>, %arg8: memref<13x1x128xf32, #tpu.memory_space<vmem>>, %arg9: memref<1000x128xf32, #tpu.memory_space<vmem>>, %arg10: memref<13x1000x128xf32, #tpu.memory_space<vmem>>) attributes {dimension_semantics = [#tpu.dimension_semantics<arbitrary>], iteration_bounds = array<i64: 10>, scalar_prefetch = 0 : i64, scratch_operands = 0 : i64, tpu.core_type = #tpu.core_type<tc>, window_params = [{transform_indices = @transform_0, window_bounds = array<i64: 2, 1000, 128>}, {transform_indices = @transform_1, window_bounds = array<i64: 1000, 128>}, {pipeline_mode = #tpu.pipeline_mode<synchronous>, transform_indices = @transform_2, window_bounds = array<i64: 384, 128>}, {pipeline_mode = #tpu.pipeline_mode<synchronous>, transform_indices = @transform_3, window_bounds = array<i64: 384, 128>}, {pipeline_mode = #tpu.pipeline_mode<synchronous>, transform_indices = @transform_4, window_bounds = array<i64: 1, 384>}, {pipeline_mode = #tpu.pipeline_mode<synchronous>, transform_indices = @transform_5, window_bounds = array<i64: 1, 384>}, {pipeline_mode = #tpu.pipeline_mode<synchronous>, transform_indices = @transform_6, window_bounds = array<i64: 13, 128, 128>}, {pipeline_mode = #tpu.pipeline_mode<synchronous>, transform_indices = @transform_7, window_bounds = array<i64: 13, 1, 128>}, {transform_indices = @transform_8, window_bounds = array<i64: 1000, 128>}, {transform_indices = @transform_9, window_bounds = array<i64: 13, 1000, 128>}]} {
    %get3A = arith.constant 0 : index
    %get3A_0 = arith.constant 0 : index
    %get3A_1 = arith.constant 0 : index
    %get3A_2 = vector.load %arg1[%get3A, %get3A_0, %get3A_1] : memref<2x1000x128xf32, #tpu.memory_space<vmem>>, vector<1x1000x128xf32>
    %get3A_3 = vector.shape_cast %get3A_2 : vector<1x1000x128xf32> to vector<1000x128xf32>
    %get3A_4 = arith.constant 1 : index
    %get3A_5 = arith.constant 0 : index
    %get3A_6 = arith.constant 0 : index
    %get3A_7 = vector.load %arg1[%get3A_4, %get3A_5, %get3A_6] : memref<2x1000x128xf32, #tpu.memory_space<vmem>>, vector<1x1000x128xf32>
    %get3A_8 = vector.shape_cast %get3A_7 : vector<1x1000x128xf32> to vector<1000x128xf32>
    %add3A = arith.addf %get3A_3, %get3A_8 : vector<1000x128xf32>
    %get3A_9 = arith.constant 0 : index
    %get3A_10 = arith.constant 0 : index
    %get3A_11 = vector.load %arg2[%get3A_9, %get3A_10] : memref<1000x128xf32, #tpu.memory_space<vmem>>, vector<1000x128xf32>
    %get3A_12 = arith.constant 0 : index
    %get3A_13 = arith.constant 0 : index
    %get3A_14 = vector.load %arg3[%get3A_12, %get3A_13] : memref<384x128xf32, #tpu.memory_space<vmem>>, vector<384x128xf32>
    %dot_general3A = arith.constant dense<0.000000e+00> : vector<1000x384xf32>
    %dot_general3A_15 = tpu.matmul %add3A, %get3A_14, %dot_general3A {dimension_numbers = #tpu.dot_dimension_numbers<[1], [1], [0], [0], [0, 0, 1, 0], [], []>, transpose_lhs_hint = false} : vector<1000x128xf32>, vector<384x128xf32>, vector<1000x384xf32> -> vector<1000x384xf32>
    %get3A_16 = arith.constant 0 : index
    %get3A_17 = arith.constant 0 : index
    %get3A_18 = vector.load %arg5[%get3A_16, %get3A_17] : memref<1x384xf32, #tpu.memory_space<vmem>>, vector<1x384xf32>
    %add3A_19 = vector.broadcast %get3A_18 : vector<1x384xf32> to vector<1000x384xf32>
    %add3A_20 = arith.addf %dot_general3A_15, %add3A_19 : vector<1000x384xf32>
    %get3A_21 = arith.constant 0 : index
    %get3A_22 = arith.constant 0 : index
    %get3A_23 = vector.load %arg4[%get3A_21, %get3A_22] : memref<384x128xf32, #tpu.memory_space<vmem>>, vector<384x128xf32>
    %dot_general3A_24 = arith.constant dense<0.000000e+00> : vector<1000x384xf32>
    %dot_general3A_25 = tpu.matmul %get3A_11, %get3A_23, %dot_general3A_24 {dimension_numbers = #tpu.dot_dimension_numbers<[1], [1], [0], [0], [0, 0, 1, 0], [], []>, transpose_lhs_hint = false} : vector<1000x128xf32>, vector<384x128xf32>, vector<1000x384xf32> -> vector<1000x384xf32>
    %get3A_26 = arith.constant 0 : index
    %get3A_27 = arith.constant 0 : index
    %get3A_28 = vector.load %arg6[%get3A_26, %get3A_27] : memref<1x384xf32, #tpu.memory_space<vmem>>, vector<1x384xf32>
    %add3A_29 = vector.broadcast %get3A_28 : vector<1x384xf32> to vector<1000x384xf32>
    %add3A_30 = arith.addf %dot_general3A_25, %add3A_29 : vector<1000x384xf32>
    %slice3A = vector.extract_strided_slice %add3A_20 {offsets = [0, 0], sizes = [1000, 128], strides = [1, 1]} : vector<1000x384xf32> to vector<1000x128xf32>
    %slice3A_31 = vector.extract_strided_slice %add3A_30 {offsets = [0, 0], sizes = [1000, 128], strides = [1, 1]} : vector<1000x384xf32> to vector<1000x128xf32>
    %add3A_32 = arith.addf %slice3A, %slice3A_31 : vector<1000x128xf32>
    %logistic3A = arith.negf %add3A_32 : vector<1000x128xf32>
    %logistic3A_33 = math.exp %logistic3A : vector<1000x128xf32>
    %logistic3A_34 = arith.constant 1.000000e+00 : f32
    %logistic3A_35 = vector.broadcast %logistic3A_34 : f32 to vector<1000x128xf32>
    %logistic3A_36 = arith.addf %logistic3A_35, %logistic3A_33 : vector<1000x128xf32>
    %logistic3A_37 = arith.divf %logistic3A_35, %logistic3A_36 : vector<1000x128xf32>
    %slice3A_38 = vector.extract_strided_slice %add3A_20 {offsets = [0, 128], sizes = [1000, 128], strides = [1, 1]} : vector<1000x384xf32> to vector<1000x128xf32>
    %slice3A_39 = vector.extract_strided_slice %add3A_30 {offsets = [0, 128], sizes = [1000, 128], strides = [1, 1]} : vector<1000x384xf32> to vector<1000x128xf32>
    %add3A_40 = arith.addf %slice3A_38, %slice3A_39 : vector<1000x128xf32>
    %logistic3A_41 = arith.negf %add3A_40 : vector<1000x128xf32>
    %logistic3A_42 = math.exp %logistic3A_41 : vector<1000x128xf32>
    %logistic3A_43 = arith.constant 1.000000e+00 : f32
    %logistic3A_44 = vector.broadcast %logistic3A_43 : f32 to vector<1000x128xf32>
    %logistic3A_45 = arith.addf %logistic3A_44, %logistic3A_42 : vector<1000x128xf32>
    %logistic3A_46 = arith.divf %logistic3A_44, %logistic3A_45 : vector<1000x128xf32>
    %slice3A_47 = vector.extract_strided_slice %add3A_20 {offsets = [0, 256], sizes = [1000, 128], strides = [1, 1]} : vector<1000x384xf32> to vector<1000x128xf32>
    %slice3A_48 = vector.extract_strided_slice %add3A_30 {offsets = [0, 256], sizes = [1000, 128], strides = [1, 1]} : vector<1000x384xf32> to vector<1000x128xf32>
    %mul3A = arith.mulf %logistic3A_37, %slice3A_48 : vector<1000x128xf32>
    %add3A_49 = arith.addf %slice3A_47, %mul3A : vector<1000x128xf32>
    %tanh3A = math.tanh %add3A_49 : vector<1000x128xf32>
    %sub3A = arith.constant 1.000000e+00 : f32
    %sub3A_50 = vector.broadcast %sub3A : f32 to vector<1000x128xf32>
    %sub3A_51 = arith.subf %sub3A_50, %logistic3A_46 : vector<1000x128xf32>
    %mul3A_52 = arith.mulf %sub3A_51, %tanh3A : vector<1000x128xf32>
    %mul3A_53 = arith.mulf %logistic3A_46, %get3A_11 : vector<1000x128xf32>
    %add3A_54 = arith.addf %mul3A_52, %mul3A_53 : vector<1000x128xf32>
    %swap3A = arith.constant 0 : index
    %swap3A_55 = arith.constant 0 : index
    %swap3A_56 = vector.load %arg9[%swap3A, %swap3A_55] : memref<1000x128xf32, #tpu.memory_space<vmem>>, vector<1000x128xf32>
    tpu.vector_store %arg9[%swap3A, %swap3A_55], %add3A_54 {strides = array<i32>} : memref<1000x128xf32, #tpu.memory_space<vmem>>, vector<1000x128xf32>,
    %convert_element_type3A = arith.truncf %add3A_54 : vector<1000x128xf32> to vector<1000x128xbf16>
    %get3A_57 = arith.constant 0 : index
    %get3A_58 = arith.constant 0 : index
    %get3A_59 = arith.constant 0 : index
    %get3A_60 = vector.load %arg7[%get3A_57, %get3A_58, %get3A_59] : memref<13x128x128xbf16, #tpu.memory_space<vmem>>, vector<1x128x128xbf16>
    %get3A_61 = vector.shape_cast %get3A_60 : vector<1x128x128xbf16> to vector<128x128xbf16>
    %dot_general3A_62 = arith.constant dense<0.000000e+00> : vector<1000x128xf32>
    %dot_general3A_63 = tpu.matmul %convert_element_type3A, %get3A_61, %dot_general3A_62 {dimension_numbers = #tpu.dot_dimension_numbers<[1], [1], [0], [0], [0, 0, 1, 0], [], []>, transpose_lhs_hint = false} : vector<1000x128xbf16>, vector<128x128xbf16>, vector<1000x128xf32> -> vector<1000x128xf32>
    %get3A_64 = arith.constant 0 : index
    %get3A_65 = arith.constant 0 : index
    %get3A_66 = arith.constant 0 : index
    %get3A_67 = vector.load %arg8[%get3A_64, %get3A_65, %get3A_66] : memref<13x1x128xf32, #tpu.memory_space<vmem>>, vector<1x1x128xf32>
    %get3A_68 = vector.shape_cast %get3A_67 : vector<1x1x128xf32> to vector<1x128xf32>
    %add3A_69 = vector.broadcast %get3A_68 : vector<1x128xf32> to vector<1000x128xf32>
    %add3A_70 = arith.addf %dot_general3A_63, %add3A_69 : vector<1000x128xf32>
    %swap3A_71 = arith.constant 0 : index
    %swap3A_72 = arith.constant 0 : index
    %swap3A_73 = arith.constant 0 : index
    %swap3A_74 = vector.load %arg10[%swap3A_71, %swap3A_72, %swap3A_73] : memref<13x1000x128xf32, #tpu.memory_space<vmem>>, vector<1x1000x128xf32>
    %swap3A_75 = vector.shape_cast %swap3A_74 : vector<1x1000x128xf32> to vector<1000x128xf32>
    %swap3A_76 = vector.shape_cast %add3A_70 : vector<1000x128xf32> to vector<1x1000x128xf32>
    tpu.vector_store %arg10[%swap3A_71, %swap3A_72, %swap3A_73], %swap3A_76 {strides = array<i32>} : memref<13x1000x128xf32, #tpu.memory_space<vmem>>, vector<1x1000x128xf32>,
    %get3A_77 = arith.constant 1 : index
    %get3A_78 = arith.constant 0 : index
    %get3A_79 = arith.constant 0 : index
    %get3A_80 = vector.load %arg7[%get3A_77, %get3A_78, %get3A_79] : memref<13x128x128xbf16, #tpu.memory_space<vmem>>, vector<1x128x128xbf16>
    %get3A_81 = vector.shape_cast %get3A_80 : vector<1x128x128xbf16> to vector<128x128xbf16>
    %dot_general3A_82 = arith.constant dense<0.000000e+00> : vector<1000x128xf32>
    %dot_general3A_83 = tpu.matmul %convert_element_type3A, %get3A_81, %dot_general3A_82 {dimension_numbers = #tpu.dot_dimension_numbers<[1], [1], [0], [0], [0, 0, 1, 0], [], []>, transpose_lhs_hint = false} : vector<1000x128xbf16>, vector<128x128xbf16>, vector<1000x128xf32> -> vector<1000x128xf32>
    %get3A_84 = arith.constant 1 : index
    %get3A_85 = arith.constant 0 : index
    %get3A_86 = arith.constant 0 : index
    %get3A_87 = vector.load %arg8[%get3A_84, %get3A_85, %get3A_86] : memref<13x1x128xf32, #tpu.memory_space<vmem>>, vector<1x1x128xf32>
    %get3A_88 = vector.shape_cast %get3A_87 : vector<1x1x128xf32> to vector<1x128xf32>
    %add3A_89 = vector.broadcast %get3A_88 : vector<1x128xf32> to vector<1000x128xf32>
    %add3A_90 = arith.addf %dot_general3A_83, %add3A_89 : vector<1000x128xf32>
    %swap3A_91 = arith.constant 1 : index
    %swap3A_92 = arith.constant 0 : index
    %swap3A_93 = arith.constant 0 : index
    %swap3A_94 = vector.load %arg10[%swap3A_91, %swap3A_92, %swap3A_93] : memref<13x1000x128xf32, #tpu.memory_space<vmem>>, vector<1x1000x128xf32>
    %swap3A_95 = vector.shape_cast %swap3A_94 : vector<1x1000x128xf32> to vector<1000x128xf32>
    %swap3A_96 = vector.shape_cast %add3A_90 : vector<1000x128xf32> to vector<1x1000x128xf32>
    tpu.vector_store %arg10[%swap3A_91, %swap3A_92, %swap3A_93], %swap3A_96 {strides = array<i32>} : memref<13x1000x128xf32, #tpu.memory_space<vmem>>, vector<1x1000x128xf32>,
    %get3A_97 = arith.constant 2 : index
    %get3A_98 = arith.constant 0 : index
    %get3A_99 = arith.constant 0 : index
    %get3A_100 = vector.load %arg7[%get3A_97, %get3A_98, %get3A_99] : memref<13x128x128xbf16, #tpu.memory_space<vmem>>, vector<1x128x128xbf16>
    %get3A_101 = vector.shape_cast %get3A_100 : vector<1x128x128xbf16> to vector<128x128xbf16>
    %dot_general3A_102 = arith.constant dense<0.000000e+00> : vector<1000x128xf32>
    %dot_general3A_103 = tpu.matmul %convert_element_type3A, %get3A_101, %dot_general3A_102 {dimension_numbers = #tpu.dot_dimension_numbers<[1], [1], [0], [0], [0, 0, 1, 0], [], []>, transpose_lhs_hint = false} : vector<1000x128xbf16>, vector<128x128xbf16>, vector<1000x128xf32> -> vector<1000x128xf32>
    %get3A_104 = arith.constant 2 : index
    %get3A_105 = arith.constant 0 : index
    %get3A_106 = arith.constant 0 : index
    %get3A_107 = vector.load %arg8[%get3A_104, %get3A_105, %get3A_106] : memref<13x1x128xf32, #tpu.memory_space<vmem>>, vector<1x1x128xf32>
    %get3A_108 = vector.shape_cast %get3A_107 : vector<1x1x128xf32> to vector<1x128xf32>
    %add3A_109 = vector.broadcast %get3A_108 : vector<1x128xf32> to vector<1000x128xf32>
    %add3A_110 = arith.addf %dot_general3A_103, %add3A_109 : vector<1000x128xf32>
    %swap3A_111 = arith.constant 2 : index
    %swap3A_112 = arith.constant 0 : index
    %swap3A_113 = arith.constant 0 : index
    %swap3A_114 = vector.load %arg10[%swap3A_111, %swap3A_112, %swap3A_113] : memref<13x1000x128xf32, #tpu.memory_space<vmem>>, vector<1x1000x128xf32>
    %swap3A_115 = vector.shape_cast %swap3A_114 : vector<1x1000x128xf32> to vector<1000x128xf32>
    %swap3A_116 = vector.shape_cast %add3A_110 : vector<1000x128xf32> to vector<1x1000x128xf32>
    tpu.vector_store %arg10[%swap3A_111, %swap3A_112, %swap3A_113], %swap3A_116 {strides = array<i32>} : memref<13x1000x128xf32, #tpu.memory_space<vmem>>, vector<1x1000x128xf32>,
    %get3A_117 = arith.constant 3 : index
    %get3A_118 = arith.constant 0 : index
    %get3A_119 = arith.constant 0 : index
    %get3A_120 = vector.load %arg7[%get3A_117, %get3A_118, %get3A_119] : memref<13x128x128xbf16, #tpu.memory_space<vmem>>, vector<1x128x128xbf16>
    %get3A_121 = vector.shape_cast %get3A_120 : vector<1x128x128xbf16> to vector<128x128xbf16>
    %dot_general3A_122 = arith.constant dense<0.000000e+00> : vector<1000x128xf32>
    %dot_general3A_123 = tpu.matmul %convert_element_type3A, %get3A_121, %dot_general3A_122 {dimension_numbers = #tpu.dot_dimension_numbers<[1], [1], [0], [0], [0, 0, 1, 0], [], []>, transpose_lhs_hint = false} : vector<1000x128xbf16>, vector<128x128xbf16>, vector<1000x128xf32> -> vector<1000x128xf32>
    %get3A_124 = arith.constant 3 : index
    %get3A_125 = arith.constant 0 : index
    %get3A_126 = arith.constant 0 : index
    %get3A_127 = vector.load %arg8[%get3A_124, %get3A_125, %get3A_126] : memref<13x1x128xf32, #tpu.memory_space<vmem>>, vector<1x1x128xf32>
    %get3A_128 = vector.shape_cast %get3A_127 : vector<1x1x128xf32> to vector<1x128xf32>
    %add3A_129 = vector.broadcast %get3A_128 : vector<1x128xf32> to vector<1000x128xf32>
    %add3A_130 = arith.addf %dot_general3A_123, %add3A_129 : vector<1000x128xf32>
    %swap3A_131 = arith.constant 3 : index
    %swap3A_132 = arith.constant 0 : index
    %swap3A_133 = arith.constant 0 : index
    %swap3A_134 = vector.load %arg10[%swap3A_131, %swap3A_132, %swap3A_133] : memref<13x1000x128xf32, #tpu.memory_space<vmem>>, vector<1x1000x128xf32>
    %swap3A_135 = vector.shape_cast %swap3A_134 : vector<1x1000x128xf32> to vector<1000x128xf32>
    %swap3A_136 = vector.shape_cast %add3A_130 : vector<1000x128xf32> to vector<1x1000x128xf32>
    tpu.vector_store %arg10[%swap3A_131, %swap3A_132, %swap3A_133], %swap3A_136 {strides = array<i32>} : memref<13x1000x128xf32, #tpu.memory_space<vmem>>, vector<1x1000x128xf32>,
    %get3A_137 = arith.constant 4 : index
    %get3A_138 = arith.constant 0 : index
    %get3A_139 = arith.constant 0 : index
    %get3A_140 = vector.load %arg7[%get3A_137, %get3A_138, %get3A_139] : memref<13x128x128xbf16, #tpu.memory_space<vmem>>, vector<1x128x128xbf16>
    %get3A_141 = vector.shape_cast %get3A_140 : vector<1x128x128xbf16> to vector<128x128xbf16>
    %dot_general3A_142 = arith.constant dense<0.000000e+00> : vector<1000x128xf32>
    %dot_general3A_143 = tpu.matmul %convert_element_type3A, %get3A_141, %dot_general3A_142 {dimension_numbers = #tpu.dot_dimension_numbers<[1], [1], [0], [0], [0, 0, 1, 0], [], []>, transpose_lhs_hint = false} : vector<1000x128xbf16>, vector<128x128xbf16>, vector<1000x128xf32> -> vector<1000x128xf32>
    %get3A_144 = arith.constant 4 : index
    %get3A_145 = arith.constant 0 : index
    %get3A_146 = arith.constant 0 : index
    %get3A_147 = vector.load %arg8[%get3A_144, %get3A_145, %get3A_146] : memref<13x1x128xf32, #tpu.memory_space<vmem>>, vector<1x1x128xf32>
    %get3A_148 = vector.shape_cast %get3A_147 : vector<1x1x128xf32> to vector<1x128xf32>
    %add3A_149 = vector.broadcast %get3A_148 : vector<1x128xf32> to vector<1000x128xf32>
    %add3A_150 = arith.addf %dot_general3A_143, %add3A_149 : vector<1000x128xf32>
    %swap3A_151 = arith.constant 4 : index
    %swap3A_152 = arith.constant 0 : index
    %swap3A_153 = arith.constant 0 : index
    %swap3A_154 = vector.load %arg10[%swap3A_151, %swap3A_152, %swap3A_153] : memref<13x1000x128xf32, #tpu.memory_space<vmem>>, vector<1x1000x128xf32>
    %swap3A_155 = vector.shape_cast %swap3A_154 : vector<1x1000x128xf32> to vector<1000x128xf32>
    %swap3A_156 = vector.shape_cast %add3A_150 : vector<1000x128xf32> to vector<1x1000x128xf32>
    tpu.vector_store %arg10[%swap3A_151, %swap3A_152, %swap3A_153], %swap3A_156 {strides = array<i32>} : memref<13x1000x128xf32, #tpu.memory_space<vmem>>, vector<1x1000x128xf32>,
    %get3A_157 = arith.constant 5 : index
    %get3A_158 = arith.constant 0 : index
    %get3A_159 = arith.constant 0 : index
    %get3A_160 = vector.load %arg7[%get3A_157, %get3A_158, %get3A_159] : memref<13x128x128xbf16, #tpu.memory_space<vmem>>, vector<1x128x128xbf16>
    %get3A_161 = vector.shape_cast %get3A_160 : vector<1x128x128xbf16> to vector<128x128xbf16>
    %dot_general3A_162 = arith.constant dense<0.000000e+00> : vector<1000x128xf32>
    %dot_general3A_163 = tpu.matmul %convert_element_type3A, %get3A_161, %dot_general3A_162 {dimension_numbers = #tpu.dot_dimension_numbers<[1], [1], [0], [0], [0, 0, 1, 0], [], []>, transpose_lhs_hint = false} : vector<1000x128xbf16>, vector<128x128xbf16>, vector<1000x128xf32> -> vector<1000x128xf32>
    %get3A_164 = arith.constant 5 : index
    %get3A_165 = arith.constant 0 : index
    %get3A_166 = arith.constant 0 : index
    %get3A_167 = vector.load %arg8[%get3A_164, %get3A_165, %get3A_166] : memref<13x1x128xf32, #tpu.memory_space<vmem>>, vector<1x1x128xf32>
    %get3A_168 = vector.shape_cast %get3A_167 : vector<1x1x128xf32> to vector<1x128xf32>
    %add3A_169 = vector.broadcast %get3A_168 : vector<1x128xf32> to vector<1000x128xf32>
    %add3A_170 = arith.addf %dot_general3A_163, %add3A_169 : vector<1000x128xf32>
    %swap3A_171 = arith.constant 5 : index
    %swap3A_172 = arith.constant 0 : index
    %swap3A_173 = arith.constant 0 : index
    %swap3A_174 = vector.load %arg10[%swap3A_171, %swap3A_172, %swap3A_173] : memref<13x1000x128xf32, #tpu.memory_space<vmem>>, vector<1x1000x128xf32>
    %swap3A_175 = vector.shape_cast %swap3A_174 : vector<1x1000x128xf32> to vector<1000x128xf32>
    %swap3A_176 = vector.shape_cast %add3A_170 : vector<1000x128xf32> to vector<1x1000x128xf32>
    tpu.vector_store %arg10[%swap3A_171, %swap3A_172, %swap3A_173], %swap3A_176 {strides = array<i32>} : memref<13x1000x128xf32, #tpu.memory_space<vmem>>, vector<1x1000x128xf32>,
    %get3A_177 = arith.constant 6 : index
    %get3A_178 = arith.constant 0 : index
    %get3A_179 = arith.constant 0 : index
    %get3A_180 = vector.load %arg7[%get3A_177, %get3A_178, %get3A_179] : memref<13x128x128xbf16, #tpu.memory_space<vmem>>, vector<1x128x128xbf16>
    %get3A_181 = vector.shape_cast %get3A_180 : vector<1x128x128xbf16> to vector<128x128xbf16>
    %dot_general3A_182 = arith.constant dense<0.000000e+00> : vector<1000x128xf32>
    %dot_general3A_183 = tpu.matmul %convert_element_type3A, %get3A_181, %dot_general3A_182 {dimension_numbers = #tpu.dot_dimension_numbers<[1], [1], [0], [0], [0, 0, 1, 0], [], []>, transpose_lhs_hint = false} : vector<1000x128xbf16>, vector<128x128xbf16>, vector<1000x128xf32> -> vector<1000x128xf32>
    %get3A_184 = arith.constant 6 : index
    %get3A_185 = arith.constant 0 : index
    %get3A_186 = arith.constant 0 : index
    %get3A_187 = vector.load %arg8[%get3A_184, %get3A_185, %get3A_186] : memref<13x1x128xf32, #tpu.memory_space<vmem>>, vector<1x1x128xf32>
    %get3A_188 = vector.shape_cast %get3A_187 : vector<1x1x128xf32> to vector<1x128xf32>
    %add3A_189 = vector.broadcast %get3A_188 : vector<1x128xf32> to vector<1000x128xf32>
    %add3A_190 = arith.addf %dot_general3A_183, %add3A_189 : vector<1000x128xf32>
    %swap3A_191 = arith.constant 6 : index
    %swap3A_192 = arith.constant 0 : index
    %swap3A_193 = arith.constant 0 : index
    %swap3A_194 = vector.load %arg10[%swap3A_191, %swap3A_192, %swap3A_193] : memref<13x1000x128xf32, #tpu.memory_space<vmem>>, vector<1x1000x128xf32>
    %swap3A_195 = vector.shape_cast %swap3A_194 : vector<1x1000x128xf32> to vector<1000x128xf32>
    %swap3A_196 = vector.shape_cast %add3A_190 : vector<1000x128xf32> to vector<1x1000x128xf32>
    tpu.vector_store %arg10[%swap3A_191, %swap3A_192, %swap3A_193], %swap3A_196 {strides = array<i32>} : memref<13x1000x128xf32, #tpu.memory_space<vmem>>, vector<1x1000x128xf32>,
    %get3A_197 = arith.constant 7 : index
    %get3A_198 = arith.constant 0 : index
    %get3A_199 = arith.constant 0 : index
    %get3A_200 = vector.load %arg7[%get3A_197, %get3A_198, %get3A_199] : memref<13x128x128xbf16, #tpu.memory_space<vmem>>, vector<1x128x128xbf16>
    %get3A_201 = vector.shape_cast %get3A_200 : vector<1x128x128xbf16> to vector<128x128xbf16>
    %dot_general3A_202 = arith.constant dense<0.000000e+00> : vector<1000x128xf32>
    %dot_general3A_203 = tpu.matmul %convert_element_type3A, %get3A_201, %dot_general3A_202 {dimension_numbers = #tpu.dot_dimension_numbers<[1], [1], [0], [0], [0, 0, 1, 0], [], []>, transpose_lhs_hint = false} : vector<1000x128xbf16>, vector<128x128xbf16>, vector<1000x128xf32> -> vector<1000x128xf32>
    %get3A_204 = arith.constant 7 : index
    %get3A_205 = arith.constant 0 : index
    %get3A_206 = arith.constant 0 : index
    %get3A_207 = vector.load %arg8[%get3A_204, %get3A_205, %get3A_206] : memref<13x1x128xf32, #tpu.memory_space<vmem>>, vector<1x1x128xf32>
    %get3A_208 = vector.shape_cast %get3A_207 : vector<1x1x128xf32> to vector<1x128xf32>
    %add3A_209 = vector.broadcast %get3A_208 : vector<1x128xf32> to vector<1000x128xf32>
    %add3A_210 = arith.addf %dot_general3A_203, %add3A_209 : vector<1000x128xf32>
    %swap3A_211 = arith.constant 7 : index
    %swap3A_212 = arith.constant 0 : index
    %swap3A_213 = arith.constant 0 : index
    %swap3A_214 = vector.load %arg10[%swap3A_211, %swap3A_212, %swap3A_213] : memref<13x1000x128xf32, #tpu.memory_space<vmem>>, vector<1x1000x128xf32>
    %swap3A_215 = vector.shape_cast %swap3A_214 : vector<1x1000x128xf32> to vector<1000x128xf32>
    %swap3A_216 = vector.shape_cast %add3A_210 : vector<1000x128xf32> to vector<1x1000x128xf32>
    tpu.vector_store %arg10[%swap3A_211, %swap3A_212, %swap3A_213], %swap3A_216 {strides = array<i32>} : memref<13x1000x128xf32, #tpu.memory_space<vmem>>, vector<1x1000x128xf32>,
    %get3A_217 = arith.constant 8 : index
    %get3A_218 = arith.constant 0 : index
    %get3A_219 = arith.constant 0 : index
    %get3A_220 = vector.load %arg7[%get3A_217, %get3A_218, %get3A_219] : memref<13x128x128xbf16, #tpu.memory_space<vmem>>, vector<1x128x128xbf16>
    %get3A_221 = vector.shape_cast %get3A_220 : vector<1x128x128xbf16> to vector<128x128xbf16>
    %dot_general3A_222 = arith.constant dense<0.000000e+00> : vector<1000x128xf32>
    %dot_general3A_223 = tpu.matmul %convert_element_type3A, %get3A_221, %dot_general3A_222 {dimension_numbers = #tpu.dot_dimension_numbers<[1], [1], [0], [0], [0, 0, 1, 0], [], []>, transpose_lhs_hint = false} : vector<1000x128xbf16>, vector<128x128xbf16>, vector<1000x128xf32> -> vector<1000x128xf32>
    %get3A_224 = arith.constant 8 : index
    %get3A_225 = arith.constant 0 : index
    %get3A_226 = arith.constant 0 : index
    %get3A_227 = vector.load %arg8[%get3A_224, %get3A_225, %get3A_226] : memref<13x1x128xf32, #tpu.memory_space<vmem>>, vector<1x1x128xf32>
    %get3A_228 = vector.shape_cast %get3A_227 : vector<1x1x128xf32> to vector<1x128xf32>
    %add3A_229 = vector.broadcast %get3A_228 : vector<1x128xf32> to vector<1000x128xf32>
    %add3A_230 = arith.addf %dot_general3A_223, %add3A_229 : vector<1000x128xf32>
    %swap3A_231 = arith.constant 8 : index
    %swap3A_232 = arith.constant 0 : index
    %swap3A_233 = arith.constant 0 : index
    %swap3A_234 = vector.load %arg10[%swap3A_231, %swap3A_232, %swap3A_233] : memref<13x1000x128xf32, #tpu.memory_space<vmem>>, vector<1x1000x128xf32>
    %swap3A_235 = vector.shape_cast %swap3A_234 : vector<1x1000x128xf32> to vector<1000x128xf32>
    %swap3A_236 = vector.shape_cast %add3A_230 : vector<1000x128xf32> to vector<1x1000x128xf32>
    tpu.vector_store %arg10[%swap3A_231, %swap3A_232, %swap3A_233], %swap3A_236 {strides = array<i32>} : memref<13x1000x128xf32, #tpu.memory_space<vmem>>, vector<1x1000x128xf32>,
    %get3A_237 = arith.constant 9 : index
    %get3A_238 = arith.constant 0 : index
    %get3A_239 = arith.constant 0 : index
    %get3A_240 = vector.load %arg7[%get3A_237, %get3A_238, %get3A_239] : memref<13x128x128xbf16, #tpu.memory_space<vmem>>, vector<1x128x128xbf16>
    %get3A_241 = vector.shape_cast %get3A_240 : vector<1x128x128xbf16> to vector<128x128xbf16>
    %dot_general3A_242 = arith.constant dense<0.000000e+00> : vector<1000x128xf32>
    %dot_general3A_243 = tpu.matmul %convert_element_type3A, %get3A_241, %dot_general3A_242 {dimension_numbers = #tpu.dot_dimension_numbers<[1], [1], [0], [0], [0, 0, 1, 0], [], []>, transpose_lhs_hint = false} : vector<1000x128xbf16>, vector<128x128xbf16>, vector<1000x128xf32> -> vector<1000x128xf32>
    %get3A_244 = arith.constant 9 : index
    %get3A_245 = arith.constant 0 : index
    %get3A_246 = arith.constant 0 : index
    %get3A_247 = vector.load %arg8[%get3A_244, %get3A_245, %get3A_246] : memref<13x1x128xf32, #tpu.memory_space<vmem>>, vector<1x1x128xf32>
    %get3A_248 = vector.shape_cast %get3A_247 : vector<1x1x128xf32> to vector<1x128xf32>
    %add3A_249 = vector.broadcast %get3A_248 : vector<1x128xf32> to vector<1000x128xf32>
    %add3A_250 = arith.addf %dot_general3A_243, %add3A_249 : vector<1000x128xf32>
    %swap3A_251 = arith.constant 9 : index
    %swap3A_252 = arith.constant 0 : index
    %swap3A_253 = arith.constant 0 : index
    %swap3A_254 = vector.load %arg10[%swap3A_251, %swap3A_252, %swap3A_253] : memref<13x1000x128xf32, #tpu.memory_space<vmem>>, vector<1x1000x128xf32>
    %swap3A_255 = vector.shape_cast %swap3A_254 : vector<1x1000x128xf32> to vector<1000x128xf32>
    %swap3A_256 = vector.shape_cast %add3A_250 : vector<1000x128xf32> to vector<1x1000x128xf32>
    tpu.vector_store %arg10[%swap3A_251, %swap3A_252, %swap3A_253], %swap3A_256 {strides = array<i32>} : memref<13x1000x128xf32, #tpu.memory_space<vmem>>, vector<1x1000x128xf32>,
    %get3A_257 = arith.constant 10 : index
    %get3A_258 = arith.constant 0 : index
    %get3A_259 = arith.constant 0 : index
    %get3A_260 = vector.load %arg7[%get3A_257, %get3A_258, %get3A_259] : memref<13x128x128xbf16, #tpu.memory_space<vmem>>, vector<1x128x128xbf16>
    %get3A_261 = vector.shape_cast %get3A_260 : vector<1x128x128xbf16> to vector<128x128xbf16>
    %dot_general3A_262 = arith.constant dense<0.000000e+00> : vector<1000x128xf32>
    %dot_general3A_263 = tpu.matmul %convert_element_type3A, %get3A_261, %dot_general3A_262 {dimension_numbers = #tpu.dot_dimension_numbers<[1], [1], [0], [0], [0, 0, 1, 0], [], []>, transpose_lhs_hint = false} : vector<1000x128xbf16>, vector<128x128xbf16>, vector<1000x128xf32> -> vector<1000x128xf32>
    %get3A_264 = arith.constant 10 : index
    %get3A_265 = arith.constant 0 : index
    %get3A_266 = arith.constant 0 : index
    %get3A_267 = vector.load %arg8[%get3A_264, %get3A_265, %get3A_266] : memref<13x1x128xf32, #tpu.memory_space<vmem>>, vector<1x1x128xf32>
    %get3A_268 = vector.shape_cast %get3A_267 : vector<1x1x128xf32> to vector<1x128xf32>
    %add3A_269 = vector.broadcast %get3A_268 : vector<1x128xf32> to vector<1000x128xf32>
    %add3A_270 = arith.addf %dot_general3A_263, %add3A_269 : vector<1000x128xf32>
    %swap3A_271 = arith.constant 10 : index
    %swap3A_272 = arith.constant 0 : index
    %swap3A_273 = arith.constant 0 : index
    %swap3A_274 = vector.load %arg10[%swap3A_271, %swap3A_272, %swap3A_273] : memref<13x1000x128xf32, #tpu.memory_space<vmem>>, vector<1x1000x128xf32>
    %swap3A_275 = vector.shape_cast %swap3A_274 : vector<1x1000x128xf32> to vector<1000x128xf32>
    %swap3A_276 = vector.shape_cast %add3A_270 : vector<1000x128xf32> to vector<1x1000x128xf32>
    tpu.vector_store %arg10[%swap3A_271, %swap3A_272, %swap3A_273], %swap3A_276 {strides = array<i32>} : memref<13x1000x128xf32, #tpu.memory_space<vmem>>, vector<1x1000x128xf32>,
    %get3A_277 = arith.constant 11 : index
    %get3A_278 = arith.constant 0 : index
    %get3A_279 = arith.constant 0 : index
    %get3A_280 = vector.load %arg7[%get3A_277, %get3A_278, %get3A_279] : memref<13x128x128xbf16, #tpu.memory_space<vmem>>, vector<1x128x128xbf16>
    %get3A_281 = vector.shape_cast %get3A_280 : vector<1x128x128xbf16> to vector<128x128xbf16>
    %dot_general3A_282 = arith.constant dense<0.000000e+00> : vector<1000x128xf32>
    %dot_general3A_283 = tpu.matmul %convert_element_type3A, %get3A_281, %dot_general3A_282 {dimension_numbers = #tpu.dot_dimension_numbers<[1], [1], [0], [0], [0, 0, 1, 0], [], []>, transpose_lhs_hint = false} : vector<1000x128xbf16>, vector<128x128xbf16>, vector<1000x128xf32> -> vector<1000x128xf32>
    %get3A_284 = arith.constant 11 : index
    %get3A_285 = arith.constant 0 : index
    %get3A_286 = arith.constant 0 : index
    %get3A_287 = vector.load %arg8[%get3A_284, %get3A_285, %get3A_286] : memref<13x1x128xf32, #tpu.memory_space<vmem>>, vector<1x1x128xf32>
    %get3A_288 = vector.shape_cast %get3A_287 : vector<1x1x128xf32> to vector<1x128xf32>
    %add3A_289 = vector.broadcast %get3A_288 : vector<1x128xf32> to vector<1000x128xf32>
    %add3A_290 = arith.addf %dot_general3A_283, %add3A_289 : vector<1000x128xf32>
    %swap3A_291 = arith.constant 11 : index
    %swap3A_292 = arith.constant 0 : index
    %swap3A_293 = arith.constant 0 : index
    %swap3A_294 = vector.load %arg10[%swap3A_291, %swap3A_292, %swap3A_293] : memref<13x1000x128xf32, #tpu.memory_space<vmem>>, vector<1x1000x128xf32>
    %swap3A_295 = vector.shape_cast %swap3A_294 : vector<1x1000x128xf32> to vector<1000x128xf32>
    %swap3A_296 = vector.shape_cast %add3A_290 : vector<1000x128xf32> to vector<1x1000x128xf32>
    tpu.vector_store %arg10[%swap3A_291, %swap3A_292, %swap3A_293], %swap3A_296 {strides = array<i32>} : memref<13x1000x128xf32, #tpu.memory_space<vmem>>, vector<1x1000x128xf32>,
    %get3A_297 = arith.constant 12 : index
    %get3A_298 = arith.constant 0 : index
    %get3A_299 = arith.constant 0 : index
    %get3A_300 = vector.load %arg7[%get3A_297, %get3A_298, %get3A_299] : memref<13x128x128xbf16, #tpu.memory_space<vmem>>, vector<1x128x128xbf16>
    %get3A_301 = vector.shape_cast %get3A_300 : vector<1x128x128xbf16> to vector<128x128xbf16>
    %dot_general3A_302 = arith.constant dense<0.000000e+00> : vector<1000x128xf32>
    %dot_general3A_303 = tpu.matmul %convert_element_type3A, %get3A_301, %dot_general3A_302 {dimension_numbers = #tpu.dot_dimension_numbers<[1], [1], [0], [0], [0, 0, 1, 0], [], []>, transpose_lhs_hint = false} : vector<1000x128xbf16>, vector<128x128xbf16>, vector<1000x128xf32> -> vector<1000x128xf32>
    %get3A_304 = arith.constant 12 : index
    %get3A_305 = arith.constant 0 : index
    %get3A_306 = arith.constant 0 : index
    %get3A_307 = vector.load %arg8[%get3A_304, %get3A_305, %get3A_306] : memref<13x1x128xf32, #tpu.memory_space<vmem>>, vector<1x1x128xf32>
    %get3A_308 = vector.shape_cast %get3A_307 : vector<1x1x128xf32> to vector<1x128xf32>
    %add3A_309 = vector.broadcast %get3A_308 : vector<1x128xf32> to vector<1000x128xf32>
    %add3A_310 = arith.addf %dot_general3A_303, %add3A_309 : vector<1000x128xf32>
    %swap3A_311 = arith.constant 12 : index
    %swap3A_312 = arith.constant 0 : index
    %swap3A_313 = arith.constant 0 : index
    %swap3A_314 = vector.load %arg10[%swap3A_311, %swap3A_312, %swap3A_313] : memref<13x1000x128xf32, #tpu.memory_space<vmem>>, vector<1x1000x128xf32>
    %swap3A_315 = vector.shape_cast %swap3A_314 : vector<1x1000x128xf32> to vector<1000x128xf32>
    %swap3A_316 = vector.shape_cast %add3A_310 : vector<1000x128xf32> to vector<1x1000x128xf32>
    tpu.vector_store %arg10[%swap3A_311, %swap3A_312, %swap3A_313], %swap3A_316 {strides = array<i32>} : memref<13x1000x128xf32, #tpu.memory_space<vmem>>, vector<1x1000x128xf32>,
    return
  }
  func.func @transform_0(%arg0: i32) -> (i32, i32, i32) {
    %c0_i32 = arith.constant 0 : i32
    %c0_i32_0 = arith.constant 0 : i32
    %c0_i32_1 = arith.constant 0 : i32
    return %c0_i32, %arg0, %c0_i32_0 : i32, i32, i32
  }
  func.func @transform_1(%arg0: i32) -> (i32, i32) {
    %c0_i32 = arith.constant 0 : i32
    %c0_i32_0 = arith.constant 0 : i32
    return %arg0, %c0_i32 : i32, i32
  }
  func.func @transform_2(%arg0: i32) -> (i32, i32) {
    %c0_i32 = arith.constant 0 : i32
    %c0_i32_0 = arith.constant 0 : i32
    %c0_i32_1 = arith.constant 0 : i32
    return %c0_i32, %c0_i32_0 : i32, i32
  }
  func.func @transform_3(%arg0: i32) -> (i32, i32) {
    %c0_i32 = arith.constant 0 : i32
    %c0_i32_0 = arith.constant 0 : i32
    %c0_i32_1 = arith.constant 0 : i32
    return %c0_i32, %c0_i32_0 : i32, i32
  }
  func.func @transform_4(%arg0: i32) -> (i32, i32) {
    %c0_i32 = arith.constant 0 : i32
    %c0_i32_0 = arith.constant 0 : i32
    %c0_i32_1 = arith.constant 0 : i32
    return %c0_i32, %c0_i32_0 : i32, i32
  }
  func.func @transform_5(%arg0: i32) -> (i32, i32) {
    %c0_i32 = arith.constant 0 : i32
    %c0_i32_0 = arith.constant 0 : i32
    %c0_i32_1 = arith.constant 0 : i32
    return %c0_i32, %c0_i32_0 : i32, i32
  }
  func.func @transform_6(%arg0: i32) -> (i32, i32, i32) {
    %c0_i32 = arith.constant 0 : i32
    %c0_i32_0 = arith.constant 0 : i32
    %c0_i32_1 = arith.constant 0 : i32
    %c0_i32_2 = arith.constant 0 : i32
    return %c0_i32, %c0_i32_0, %c0_i32_1 : i32, i32, i32
  }
  func.func @transform_7(%arg0: i32) -> (i32, i32, i32) {
    %c0_i32 = arith.constant 0 : i32
    %c0_i32_0 = arith.constant 0 : i32
    %c0_i32_1 = arith.constant 0 : i32
    %c0_i32_2 = arith.constant 0 : i32
    return %c0_i32, %c0_i32_0, %c0_i32_1 : i32, i32, i32
  }
  func.func @transform_8(%arg0: i32) -> (i32, i32) {
    %c0_i32 = arith.constant 0 : i32
    %c0_i32_0 = arith.constant 0 : i32
    return %arg0, %c0_i32 : i32, i32
  }
  func.func @transform_9(%arg0: i32) -> (i32, i32, i32) {
    %c0_i32 = arith.constant 0 : i32
    %c0_i32_0 = arith.constant 0 : i32
    %c0_i32_1 = arith.constant 0 : i32
    return %c0_i32, %arg0, %c0_i32_0 : i32, i32, i32
  }
}

module attributes {stable_mosaic.version = 14 : i64} {
  func.func @_gru_final_body(%arg0: i32, %arg1: memref<2x1000x128xf32, #tpu.memory_space<vmem>>, %arg2: memref<1000x128xf32, #tpu.memory_space<vmem>>, %arg3: memref<384x128xf32, #tpu.memory_space<vmem>>, %arg4: memref<384x128xf32, #tpu.memory_space<vmem>>, %arg5: memref<1x384xf32, #tpu.memory_space<vmem>>, %arg6: memref<1x384xf32, #tpu.memory_space<vmem>>, %arg7: memref<128x128xf32, #tpu.memory_space<vmem>>, %arg8: memref<1x128xf32, #tpu.memory_space<vmem>>, %arg9: memref<1x128xf32, #tpu.memory_space<vmem>>) attributes {dimension_semantics = [#tpu.dimension_semantics<arbitrary>], iteration_bounds = array<i64: 10>, scalar_prefetch = 0 : i64, scratch_operands = 0 : i64, tpu.core_type = #tpu.core_type<tc>, window_params = [{transform_indices = @transform_0, window_bounds = array<i64: 2, 1000, 128>}, {transform_indices = @transform_1, window_bounds = array<i64: 1000, 128>}, {pipeline_mode = #tpu.pipeline_mode<synchronous>, transform_indices = @transform_2, window_bounds = array<i64: 384, 128>}, {pipeline_mode = #tpu.pipeline_mode<synchronous>, transform_indices = @transform_3, window_bounds = array<i64: 384, 128>}, {pipeline_mode = #tpu.pipeline_mode<synchronous>, transform_indices = @transform_4, window_bounds = array<i64: 1, 384>}, {pipeline_mode = #tpu.pipeline_mode<synchronous>, transform_indices = @transform_5, window_bounds = array<i64: 1, 384>}, {pipeline_mode = #tpu.pipeline_mode<synchronous>, transform_indices = @transform_6, window_bounds = array<i64: 128, 128>}, {pipeline_mode = #tpu.pipeline_mode<synchronous>, transform_indices = @transform_7, window_bounds = array<i64: 1, 128>}, {pipeline_mode = #tpu.pipeline_mode<synchronous>, transform_indices = @transform_8, window_bounds = array<i64: 1, 128>}]} {
    %get3A = arith.constant 0 : index
    %get3A_0 = arith.constant 0 : index
    %get3A_1 = arith.constant 0 : index
    %get3A_2 = vector.load %arg1[%get3A, %get3A_0, %get3A_1] : memref<2x1000x128xf32, #tpu.memory_space<vmem>>, vector<1x1000x128xf32>
    %get3A_3 = vector.shape_cast %get3A_2 : vector<1x1000x128xf32> to vector<1000x128xf32>
    %get3A_4 = arith.constant 1 : index
    %get3A_5 = arith.constant 0 : index
    %get3A_6 = arith.constant 0 : index
    %get3A_7 = vector.load %arg1[%get3A_4, %get3A_5, %get3A_6] : memref<2x1000x128xf32, #tpu.memory_space<vmem>>, vector<1x1000x128xf32>
    %get3A_8 = vector.shape_cast %get3A_7 : vector<1x1000x128xf32> to vector<1000x128xf32>
    %add3A = arith.addf %get3A_3, %get3A_8 : vector<1000x128xf32>
    %get3A_9 = arith.constant 0 : index
    %get3A_10 = arith.constant 0 : index
    %get3A_11 = vector.load %arg2[%get3A_9, %get3A_10] : memref<1000x128xf32, #tpu.memory_space<vmem>>, vector<1000x128xf32>
    %get3A_12 = arith.constant 0 : index
    %get3A_13 = arith.constant 0 : index
    %get3A_14 = vector.load %arg3[%get3A_12, %get3A_13] : memref<384x128xf32, #tpu.memory_space<vmem>>, vector<384x128xf32>
    %dot_general3A = arith.constant dense<0.000000e+00> : vector<1000x384xf32>
    %dot_general3A_15 = tpu.matmul %add3A, %get3A_14, %dot_general3A {dimension_numbers = #tpu.dot_dimension_numbers<[1], [1], [0], [0], [0, 0, 1, 0], [], []>, transpose_lhs_hint = false} : vector<1000x128xf32>, vector<384x128xf32>, vector<1000x384xf32> -> vector<1000x384xf32>
    %get3A_16 = arith.constant 0 : index
    %get3A_17 = arith.constant 0 : index
    %get3A_18 = vector.load %arg5[%get3A_16, %get3A_17] : memref<1x384xf32, #tpu.memory_space<vmem>>, vector<1x384xf32>
    %add3A_19 = vector.broadcast %get3A_18 : vector<1x384xf32> to vector<1000x384xf32>
    %add3A_20 = arith.addf %dot_general3A_15, %add3A_19 : vector<1000x384xf32>
    %get3A_21 = arith.constant 0 : index
    %get3A_22 = arith.constant 0 : index
    %get3A_23 = vector.load %arg4[%get3A_21, %get3A_22] : memref<384x128xf32, #tpu.memory_space<vmem>>, vector<384x128xf32>
    %dot_general3A_24 = arith.constant dense<0.000000e+00> : vector<1000x384xf32>
    %dot_general3A_25 = tpu.matmul %get3A_11, %get3A_23, %dot_general3A_24 {dimension_numbers = #tpu.dot_dimension_numbers<[1], [1], [0], [0], [0, 0, 1, 0], [], []>, transpose_lhs_hint = false} : vector<1000x128xf32>, vector<384x128xf32>, vector<1000x384xf32> -> vector<1000x384xf32>
    %get3A_26 = arith.constant 0 : index
    %get3A_27 = arith.constant 0 : index
    %get3A_28 = vector.load %arg6[%get3A_26, %get3A_27] : memref<1x384xf32, #tpu.memory_space<vmem>>, vector<1x384xf32>
    %add3A_29 = vector.broadcast %get3A_28 : vector<1x384xf32> to vector<1000x384xf32>
    %add3A_30 = arith.addf %dot_general3A_25, %add3A_29 : vector<1000x384xf32>
    %slice3A = vector.extract_strided_slice %add3A_20 {offsets = [0, 0], sizes = [1000, 128], strides = [1, 1]} : vector<1000x384xf32> to vector<1000x128xf32>
    %slice3A_31 = vector.extract_strided_slice %add3A_30 {offsets = [0, 0], sizes = [1000, 128], strides = [1, 1]} : vector<1000x384xf32> to vector<1000x128xf32>
    %add3A_32 = arith.addf %slice3A, %slice3A_31 : vector<1000x128xf32>
    %logistic3A = arith.negf %add3A_32 : vector<1000x128xf32>
    %logistic3A_33 = math.exp %logistic3A : vector<1000x128xf32>
    %logistic3A_34 = arith.constant 1.000000e+00 : f32
    %logistic3A_35 = vector.broadcast %logistic3A_34 : f32 to vector<1000x128xf32>
    %logistic3A_36 = arith.addf %logistic3A_35, %logistic3A_33 : vector<1000x128xf32>
    %logistic3A_37 = arith.divf %logistic3A_35, %logistic3A_36 : vector<1000x128xf32>
    %slice3A_38 = vector.extract_strided_slice %add3A_20 {offsets = [0, 128], sizes = [1000, 128], strides = [1, 1]} : vector<1000x384xf32> to vector<1000x128xf32>
    %slice3A_39 = vector.extract_strided_slice %add3A_30 {offsets = [0, 128], sizes = [1000, 128], strides = [1, 1]} : vector<1000x384xf32> to vector<1000x128xf32>
    %add3A_40 = arith.addf %slice3A_38, %slice3A_39 : vector<1000x128xf32>
    %logistic3A_41 = arith.negf %add3A_40 : vector<1000x128xf32>
    %logistic3A_42 = math.exp %logistic3A_41 : vector<1000x128xf32>
    %logistic3A_43 = arith.constant 1.000000e+00 : f32
    %logistic3A_44 = vector.broadcast %logistic3A_43 : f32 to vector<1000x128xf32>
    %logistic3A_45 = arith.addf %logistic3A_44, %logistic3A_42 : vector<1000x128xf32>
    %logistic3A_46 = arith.divf %logistic3A_44, %logistic3A_45 : vector<1000x128xf32>
    %slice3A_47 = vector.extract_strided_slice %add3A_20 {offsets = [0, 256], sizes = [1000, 128], strides = [1, 1]} : vector<1000x384xf32> to vector<1000x128xf32>
    %slice3A_48 = vector.extract_strided_slice %add3A_30 {offsets = [0, 256], sizes = [1000, 128], strides = [1, 1]} : vector<1000x384xf32> to vector<1000x128xf32>
    %mul3A = arith.mulf %logistic3A_37, %slice3A_48 : vector<1000x128xf32>
    %add3A_49 = arith.addf %slice3A_47, %mul3A : vector<1000x128xf32>
    %tanh3A = math.tanh %add3A_49 : vector<1000x128xf32>
    %sub3A = arith.constant 1.000000e+00 : f32
    %sub3A_50 = vector.broadcast %sub3A : f32 to vector<1000x128xf32>
    %sub3A_51 = arith.subf %sub3A_50, %logistic3A_46 : vector<1000x128xf32>
    %mul3A_52 = arith.mulf %sub3A_51, %tanh3A : vector<1000x128xf32>
    %mul3A_53 = arith.mulf %logistic3A_46, %get3A_11 : vector<1000x128xf32>
    %add3A_54 = arith.addf %mul3A_52, %mul3A_53 : vector<1000x128xf32>
    %eq3A = arith.constant 0 : i32
    %eq3A_55 = arith.cmpi eq, %arg0, %eq3A : i32
    %convert_element_type3A = arith.extui %eq3A_55 : i1 to i32
    %cond3A = arith.constant 0 : i32
    %cond3A_56 = arith.cmpi ne, %convert_element_type3A, %cond3A : i32
    scf.if %cond3A_56 {
      %broadcast_in_dim3A_69 = arith.constant 0.000000e+00 : f32
      %broadcast_in_dim3A_70 = vector.broadcast %broadcast_in_dim3A_69 : f32 to vector<1x128xf32>
      %swap3A_71 = arith.constant 0 : index
      %swap3A_72 = arith.constant 0 : index
      %swap3A_73 = vector.load %arg9[%swap3A_71, %swap3A_72] : memref<1x128xf32, #tpu.memory_space<vmem>>, vector<1x128xf32>
      tpu.vector_store %arg9[%swap3A_71, %swap3A_72], %broadcast_in_dim3A_70 {strides = array<i32>} : memref<1x128xf32, #tpu.memory_space<vmem>>, vector<1x128xf32>,
    } else {
    }
    %get3A_57 = arith.constant 0 : index
    %get3A_58 = arith.constant 0 : index
    %get3A_59 = vector.load %arg9[%get3A_57, %get3A_58] : memref<1x128xf32, #tpu.memory_space<vmem>>, vector<1x128xf32>
    %reduce_sum3A = arith.constant dense<0.000000e+00> : vector<128xf32>
    %reduce_sum3A_60 = vector.multi_reduction <add>, %add3A_54, %reduce_sum3A [0] : vector<1000x128xf32> to vector<128xf32>
    %broadcast_in_dim3A = vector.shape_cast %reduce_sum3A_60 : vector<128xf32> to vector<1x128xf32>
    %add3A_61 = arith.addf %get3A_59, %broadcast_in_dim3A : vector<1x128xf32>
    %swap3A = arith.constant 0 : index
    %swap3A_62 = arith.constant 0 : index
    %swap3A_63 = vector.load %arg9[%swap3A, %swap3A_62] : memref<1x128xf32, #tpu.memory_space<vmem>>, vector<1x128xf32>
    tpu.vector_store %arg9[%swap3A, %swap3A_62], %add3A_61 {strides = array<i32>} : memref<1x128xf32, #tpu.memory_space<vmem>>, vector<1x128xf32>,
    %eq3A_64 = arith.constant 9 : i32
    %eq3A_65 = arith.cmpi eq, %arg0, %eq3A_64 : i32
    %convert_element_type3A_66 = arith.extui %eq3A_65 : i1 to i32
    %cond3A_67 = arith.constant 0 : i32
    %cond3A_68 = arith.cmpi ne, %convert_element_type3A_66, %cond3A_67 : i32
    scf.if %cond3A_68 {
      %get3A_69 = arith.constant 0 : index
      %get3A_70 = arith.constant 0 : index
      %get3A_71 = vector.load %arg9[%get3A_69, %get3A_70] : memref<1x128xf32, #tpu.memory_space<vmem>>, vector<1x128xf32>
      %get3A_72 = arith.constant 0 : index
      %get3A_73 = arith.constant 0 : index
      %get3A_74 = vector.load %arg7[%get3A_72, %get3A_73] : memref<128x128xf32, #tpu.memory_space<vmem>>, vector<128x128xf32>
      %dot_general3A_75 = arith.constant dense<0.000000e+00> : vector<1x128xf32>
      %dot_general3A_76 = tpu.matmul %get3A_71, %get3A_74, %dot_general3A_75 {dimension_numbers = #tpu.dot_dimension_numbers<[1], [1], [0], [0], [0, 0, 1, 0], [], []>, transpose_lhs_hint = false} : vector<1x128xf32>, vector<128x128xf32>, vector<1x128xf32> -> vector<1x128xf32>
      %get3A_77 = arith.constant 0 : index
      %get3A_78 = arith.constant 0 : index
      %get3A_79 = vector.load %arg8[%get3A_77, %get3A_78] : memref<1x128xf32, #tpu.memory_space<vmem>>, vector<1x128xf32>
      %add3A_80 = arith.addf %dot_general3A_76, %get3A_79 : vector<1x128xf32>
      %swap3A_81 = arith.constant 0 : index
      %swap3A_82 = arith.constant 0 : index
      %swap3A_83 = vector.load %arg9[%swap3A_81, %swap3A_82] : memref<1x128xf32, #tpu.memory_space<vmem>>, vector<1x128xf32>
      tpu.vector_store %arg9[%swap3A_81, %swap3A_82], %add3A_80 {strides = array<i32>} : memref<1x128xf32, #tpu.memory_space<vmem>>, vector<1x128xf32>,
    } else {
    }
    return
  }
  func.func @transform_0(%arg0: i32) -> (i32, i32, i32) {
    %c0_i32 = arith.constant 0 : i32
    %c0_i32_0 = arith.constant 0 : i32
    %c0_i32_1 = arith.constant 0 : i32
    return %c0_i32, %arg0, %c0_i32_0 : i32, i32, i32
  }
  func.func @transform_1(%arg0: i32) -> (i32, i32) {
    %c0_i32 = arith.constant 0 : i32
    %c0_i32_0 = arith.constant 0 : i32
    return %arg0, %c0_i32 : i32, i32
  }
  func.func @transform_2(%arg0: i32) -> (i32, i32) {
    %c0_i32 = arith.constant 0 : i32
    %c0_i32_0 = arith.constant 0 : i32
    %c0_i32_1 = arith.constant 0 : i32
    return %c0_i32, %c0_i32_0 : i32, i32
  }
  func.func @transform_3(%arg0: i32) -> (i32, i32) {
    %c0_i32 = arith.constant 0 : i32
    %c0_i32_0 = arith.constant 0 : i32
    %c0_i32_1 = arith.constant 0 : i32
    return %c0_i32, %c0_i32_0 : i32, i32
  }
  func.func @transform_4(%arg0: i32) -> (i32, i32) {
    %c0_i32 = arith.constant 0 : i32
    %c0_i32_0 = arith.constant 0 : i32
    %c0_i32_1 = arith.constant 0 : i32
    return %c0_i32, %c0_i32_0 : i32, i32
  }
  func.func @transform_5(%arg0: i32) -> (i32, i32) {
    %c0_i32 = arith.constant 0 : i32
    %c0_i32_0 = arith.constant 0 : i32
    %c0_i32_1 = arith.constant 0 : i32
    return %c0_i32, %c0_i32_0 : i32, i32
  }
  func.func @transform_6(%arg0: i32) -> (i32, i32) {
    %c0_i32 = arith.constant 0 : i32
    %c0_i32_0 = arith.constant 0 : i32
    %c0_i32_1 = arith.constant 0 : i32
    return %c0_i32, %c0_i32_0 : i32, i32
  }
  func.func @transform_7(%arg0: i32) -> (i32, i32) {
    %c0_i32 = arith.constant 0 : i32
    %c0_i32_0 = arith.constant 0 : i32
    %c0_i32_1 = arith.constant 0 : i32
    return %c0_i32, %c0_i32_0 : i32, i32
  }
  func.func @transform_8(%arg0: i32) -> (i32, i32) {
    %c0_i32 = arith.constant 0 : i32
    %c0_i32_0 = arith.constant 0 : i32
    %c0_i32_1 = arith.constant 0 : i32
    return %c0_i32, %c0_i32_0 : i32, i32
  }
}

</mosaic_0001>

<sc_bundles>
// kernel: gather_offload_async_start.1
scs
__scs_entry_jumppad:
0x0: {  	(pc) =	sbr.rel $0x88, $3  }
0x1: {  	(tag) =	ssettag $0x0;
	lr =	simm.s32 $0x1  }
0x2: {  	[smem:$0x3F96] =	sst lr;
	_ =	strace $0xD0000000  }
0x3: {  	_ = 	snop  }
0x4: {  	_ = 	snop  }
0x5: {  	_ = 	snop  }
0x6: {  	_ = 	snop  }
0x7: {  	_ = 	snop  }
__scs_overlays_trampoline_lowered:
0x8: {  	[smem:$0x3FA5] =	sst s0  }
0x9: {  	[smem:$0x3FA6] =	sst s1  }
0xa: {  	[smem:$0x3FA7] =	sst s2  }
0xb: {  	[smem:$0x3FA8] =	sst s3  }
0xc: {  	[smem:$0x3FA9] =	sst s4  }
0xd: {  	[smem:$0x3FAA] =	sst s5  }
0xe: {  	[smem:$0x3FAB] =	sst s6  }
0xf: {  	[smem:$0x3FAC] =	sst s7  }
0x10: {  	[smem:$0x3FAD] =	sst s8  }
0x11: {  	[smem:$0x3FAE] =	sst s9;
	s0 =	simm.s32 @!p0 $0x0  }
0x12: {  	s1 =	sld [smem:$0x3F94];
	s0 =	simm.s32 @p0 $0x1  }
0x13: {  	[smem:$0x3FAF] =	sst s0;
	s0 =	simm.s32 @!p1 $0x0  }
0x14: {  	s2 =	sld [smem:$0x3F93];
	s0 =	simm.s32 @p1 $0x1  }
0x15: {  	[smem:$0x3FB0] =	sst s0;
	s0 =	simm.s32 @!p2 $0x0  }
0x16: {  	s3 =	sld [smem:$0x3FDB];
	s0 =	simm.s32 @p2 $0x1  }
0x17: {  	s4 =	simm.s32 $0x1BF5;
	[smem:$0x3FB2] =	sst s0  }
0x18: {  	s0 =	sld [smem:$0x3F95];
	_ =	swait.ge [sflag:s4], $0x0  }
0x19: {  	s7 =	sld [smem:$0x3F96]  }
0x1a: {  	s8 =	sadd.s32 $0xFFFFE003, lr  }
0x1b: {  	s9 =	sadd.s32 $0xFFFFFEF7, lr;
	s5 =	simm.s32 $0xFFFFFFFF;
	p2 =	slt.u32 s8, $0xFFFFF086  }
0x1c: {  	p1 =	slt.u32 s9, $0xF7A;
	s5 =	simm.s32 @!p2 $0x0  }
0x1d: {  	s5 =	simm.s32 @p1 $0x1;
	p0 =	seq.s32 s7, s2  }
0x1e: {  	s7 =	smul.u32 @!p0 $0xF7A, s2;
	p2 =	seq.s32 @!p0 s5, $0x0  }
0x1f: {  	s9 =	smul.u32 $0xF7A, s1;
	s8 =	simm.s32 @!p0 $0x1BF5;
	p2 =	por !p2, p0  }
0x20: {  	[sflag:s8] =	ssyncset.s32 @!p0 $0xFFFFF086;
	s6 =	sadd.s32 @!p0 s3, s7;
	s7 =	simm.s32 @!p0 $0x108  }
0x21: {  	s3 =	sadd.s32 s3, s9;
	s6 =	sadd.s32 @!p0 $0x88, s6;
	s7 =	simm.s32 @p2 $0x1082  }
0x22: {  	[simem:s7], [sflag:s8] =	dma.local @!p0 [hbm:s6], $0xF7A  }
0x23: {  	s9 =	sor.u32 $0xD0000000, s2;
	s6 =	simm.s32 $0x108;
	_ =	swait.ge @!p0 [sflag:s8], $0x0  }
0x24: {  	s3 =	sadd.s32 $0x88, s3;
	s6 =	simm.s32 @!p1 $0x1082;
	[sflag:s4] =	ssyncset.s32 $0xFFFFF086  }
0x25: {  	[simem:s6], [sflag:s4] =	dma.local [hbm:s3], $0xF7A  }
0x26: {  	[smem:$0x3F96] =	sst s1;
	(tag) =	ssettag s2;
	_ =	strace s9  }
0x27: {  	s1 =	sld [smem:$0x3FA6]  }
0x28: {  	s2 =	sld [smem:$0x3FA7]  }
0x29: {  	s4 =	sld [smem:$0x3FA9]  }
0x2a: {  	p0 =	seq.s32 s5, $0x0;
	s5 =	sld [smem:$0x3FAA]  }
0x2b: {  	s6 =	sld [smem:$0x3FAB]  }
0x2c: {  	s7 =	sld [smem:$0x3FAC]  }
0x2d: {  	s3 =	simm.s32 $0x108;
	s8 =	sld [smem:$0x3FAD]  }
0x2e: {  	s3 =	simm.s32 @!p0 $0x1082;
	s9 =	sld [smem:$0x3FAE]  }
0x2f: {  	lr =	sadd.s32 s0, s3;
	s0 =	sld [smem:$0x3FA5]  }
0x30: {  	s3 =	sld [smem:$0x3FA8]  }
0x31: {  	[smem:$0x3FB1] =	sst s10  }
0x32: {  	s10 =	sld [smem:$0x3FAF];
	_ =	sdelay $0x3  }
0x33: {  	p0 =	seq.s32 s10, $0x1;
	s10 =	sld [smem:$0x3FB1];
	_ =	sdelay $0x3  }
0x34: {  	[smem:$0x3FB1] =	sst s10  }
0x35: {  	s10 =	sld [smem:$0x3FB0];
	_ =	sdelay $0x3  }
0x36: {  	p1 =	seq.s32 s10, $0x1;
	s10 =	sld [smem:$0x3FB1];
	_ =	sdelay $0x3  }
0x37: {  	[smem:$0x3FB1] =	sst s10  }
0x38: {  	s10 =	sld [smem:$0x3FB2]  }
0x39: {  	_ = 	snop;
	(pc) =	sbr.ind lr, $3  }
0x3a: {  	_ = 	snop  }
0x3b: {  	_ = 	snop  }
0x3c: {  	p2 =	seq.s32 s10, $0x1;
	s10 =	sld [smem:$0x3FB1]  }
0x3d: {  	_ =	shalt  }
0x3e: {  	_ =	shalt  }
0x3f: {  	_ =	shalt  }
0x40: {  	_ =	shalt  }
0x41: {  	_ =	shalt  }
0x42: {  	_ =	shalt  }
0x43: {  	_ =	shalt  }
0x44: {  	_ =	shalt  }
0x45: {  	_ =	shalt  }
0x46: {  	_ =	shalt  }
0x47: {  	_ =	shalt  }
0x48: {  	_ =	shalt  }
0x49: {  	_ =	shalt  }
0x4a: {  	_ =	shalt  }
0x4b: {  	_ =	shalt  }
0x4c: {  	_ =	shalt  }
0x4d: {  	_ =	shalt  }
0x4e: {  	_ =	shalt  }
0x4f: {  	_ =	shalt  }
0x50: {  	_ =	shalt  }
0x51: {  	_ =	shalt  }
0x52: {  	_ =	shalt  }
0x53: {  	_ =	shalt  }
0x54: {  	_ =	shalt  }
0x55: {  	_ =	shalt  }
0x56: {  	_ =	shalt  }
0x57: {  	_ =	shalt  }
0x58: {  	_ =	shalt  }
0x59: {  	_ =	shalt  }
0x5a: {  	_ =	shalt  }
0x5b: {  	_ =	shalt  }
0x5c: {  	_ =	shalt  }
0x5d: {  	_ =	shalt  }
0x5e: {  	_ =	shalt  }
0x5f: {  	_ =	shalt  }
0x60: {  	_ =	shalt  }
0x61: {  	_ =	shalt  }
0x62: {  	_ =	shalt  }
0x63: {  	_ =	shalt  }
0x64: {  	_ =	shalt  }
0x65: {  	_ =	shalt  }
0x66: {  	_ =	shalt  }
0x67: {  	_ =	shalt  }
0x68: {  	_ =	shalt  }
0x69: {  	_ =	shalt  }
0x6a: {  	_ =	shalt  }
0x6b: {  	_ =	shalt  }
0x6c: {  	_ =	shalt  }
0x6d: {  	_ =	shalt  }
0x6e: {  	_ =	shalt  }
0x6f: {  	_ =	shalt  }
0x70: {  	_ =	shalt  }
0x71: {  	_ =	shalt  }
0x72: {  	_ =	shalt  }
0x73: {  	_ =	shalt  }
0x74: {  	_ =	shalt  }
0x75: {  	_ =	shalt  }
0x76: {  	_ =	shalt  }
0x77: {  	_ =	shalt  }
0x78: {  	_ =	shalt  }
0x79: {  	_ =	shalt  }
0x7a: {  	_ =	shalt  }
0x7b: {  	_ =	shalt  }
0x7c: {  	_ =	shalt  }
0x7d: {  	_ =	shalt  }
0x7e: {  	_ =	shalt  }
0x7f: {  	_ =	shalt  }
0x80: {  	_ =	shalt  }
0x81: {  	_ =	shalt  }
0x82: {  	_ =	shalt  }
0x83: {  	_ =	shalt  }
0x84: {  	_ =	shalt  }
0x85: {  	_ =	shalt  }
0x86: {  	_ =	shalt  }
0x87: {  	_ =	shalt  }
.Lfunc_end0:
.L_simem_size_0:
called_computation.1_lowered:
.L_overlay_start_0:
0x88: {  	s2 =	sld [smem:$0x3FD9]  }
0x89: {  	s3 =	sld [smem:$0x3FFE];
	_ =	sdelay $0x1  }
0x8a: {  	s1 =	srdreg.scid  }
0x8b: {  	s0 =	sand.u32 $0x1, s1  }
0x8c: {  	s16 =	sshll.u32 s0, $0xA;
	s2 =	sadd.s32 s3, s2  }
0x8d: {  	s2 =	sadd.s32 s2, s16  }
0x8e: {  	[smem:$0x3FBD] =	sst s2  }
0x8f: {  	_ = 	snop  }
0x90: {  	(tm) =	ssettm $0x1  }
0x91: {  	s17 =	sld [smem:$0x3FFB];
	_ =	sdelay $0x3  }
0x92: {  	_ =	strace s17  }
0x93: {  	s2 =	sld [smem:$0x3FFC];
	_ =	sdelay $0x3  }
0x94: {  	_ =	strace s2  }
0x95: {  	s2 =	sld [smem:$0x3FFD];
	_ =	sdelay $0x3  }
0x96: {  	_ =	strace s2  }
0x97: {  	_ =	strace $0x8FFFFFFF  }
0x98: {  	s18 =	sld [smem:$0x3FDB];
	_ =	sdelay $0x1  }
0x99: {  	s19 =	simm.s32 $_scs_section_size  }
0x9a: {  	s4 =	simm.s32 $_size__tile_overlayer_lowered;
	s5 =	simm.s32 $_tile_overlayer_lowered  }
0x9b: {  	s22 =	simm.s32 $0x1BFF;
	s21 =	sshll.u32 s5, $0x1;
	s2 =	sadd.s32 s19, s18  }
0x9c: {  	s6 =	simm.s32 $0x0;
	s20 =	sshll.u32 s4, $0x1;
	s4 =	sadd.s32 s21, s2  }
0x9d: {  	[timem:s6], [sflag:s22] =	dma.local [hbm:s4], s20  }
0x9e: {  	_ =	swait.ge [sflag:s22], s20  }
0x9f: {  	s3 =	ssub.s32 $0x0, s20;
	[sflag:s22] =	ssyncset.done $0x0  }
0xa0: {  	[sflag:s22] =	ssyncadd.s32 s3;
	_ =	sdelay $0x1  }
0xa1: {  	s23 =	simm.s32 $0x1B8B  }
0xa2: {  	_ =	swait.ge [sflag:s23], $0x1  }
0xa3: {  	[sflag:s23] =	ssyncset.done $0x0  }
0xa4: {  	s25 =	simm.s32 $0x1B8E;
	s24 =	sld [smem:$0x3FFE];
	[sflag:s23] =	ssyncadd.s32 $0xFFFFFFFF  }
0xa5: {  	s26 =	simm.s32 $execute0_lowered;
	[smem:$0x3FD2] =	sst s25  }
0xa6: {  	s4 =	sshll.u32 s26, $0x1;
	_ =	strace $0x80000049;
	[dreg:$0x1] =	wrdreg $0xFFFFFFFF  }
0xa7: {  	s28 =	simm.s32 $_size_execute0_lowered;
	s2 =	sadd.s32 s2, s4;
	[dreg:$0x0] =	wrdreg $0x0  }
0xa8: {  	s4 =	sshll.u32 s28, $0x1;
	[dreg:$0x2] =	wrdreg s2  }
0xa9: {  	[dreg:$0x3] =	wrdreg s4  }
0xaa: {  	[dreg:$0x4] =	wrdreg $0xC0  }
0xab: {  	_ =	task [dreg:s6], $0x5FFFF  }
0xac: {  	[dreg:$0x1] =	wrdreg $0xFFFFFFFF  }
0xad: {  	[dreg:$0x0] =	wrdreg $0x60  }
0xae: {  	[dreg:$0x2] =	wrdreg s24  }
0xaf: {  	[dreg:$0x3] =	wrdreg $0x9  }
0xb0: {  	_ =	task.clear_ibuf [dreg:s6], $0x4FFFF;
	_ =	strace $0x90000049  }
0xb1: {  	s29 =	simm.s32 $0x9;
	_ =	strace $0x8000004B  }
0xb2: {  	_ =	swait.ge [sflag:s29], $0x1  }
0xb3: {  	[sflag:s29] =	ssyncadd.s32 $0xFFFFFFFF  }
0xb4: {  	_ =	strace $0x9000004B  }
0xb5: {  	_ =	sfence  }
0xb6: {  	s30 =	sld [smem:$0x0];
	_ =	sdelay $0x2  }
0xb7: {  	s31 =	sshll.u32 s1, $0xD;
	s1 =	sshrl.u32 s1, $0x2  }
0xb8: {  	s3 =	sand.u32 $0x4000, s31;
	s1 =	sadd.s32 s1, s30  }
0xb9: {  	s0 =	sor.u32 s3, s0;
	s1 =	sshll.u32 s1, $0x11  }
0xba: {  	s0 =	sor.u32 s1, s0  }
0xbb: {  	s0 =	sadd.s32 $0x8F2B, s0  }
0xbc: {  	[sflag:s0] =	ssyncadd.remote.s32 $0x1  }
0xbd: {  	_ =	sfence.sel $0xFFFF  }
0xbe: {  	[dreg:$0x0] =	wrdreg $0xFFFFFFFF;
	(pc) =	sbr.abs _section_cstart, $3  }
0xbf: {  	[dreg:$0x1] =	wrdreg $0xFFFFFFFF  }
0xc0: {  	_ =	task.clear_ibuf [dreg:s6], $0x2FFFF;
	_ =	strace $0x9FFFFFFF  }
0xc1: {  	(tm) =	ssettm $0x7FFFFFFF  }
tec
execute0_lowered:
.L_overlay_start_1:
0x0: {  	(tag) =	ssettag $0x1  }
0x1: {  	s8 =	rddreg [dreg:$0x0]  }
0x2: {  	s0 =	rddreg [dreg:$0x1];
	_ =	strace $0x8000004A;
	s1 =	stileid.u32  }
0x3: {  	s3 =	srdreg.scid;
	s4 =	simm.s32 $0x1;
	s7 =	simm.s32 $0x1  }
0x4: {  	s9 =	simm.s32 $0x1;
	s10 =	simm.s32 $0x3;
	s13 =	simm.s32 $0x0  }
0x5: {  	s12 =	simm.s32 $0x0;
	s5 =	sand.u32 $0x1, s3;
	s6 =	sshll.u32 s1, $0x1  }
0x6: {  	s2 =	sadd.s32 $0x7400, s8;
	s3 =	sadd.s32 $0x1B000, s8;
	s5 =	sor.u32 s6, s5  }
.Ltmp0:
0x7: {  	[sflag:s4] =	ssyncpa.u1 $0x0;
	p0 =	slt.u32 s5, $0x9;
	(pc) =	sbr.rel .LBB2_1-.Ltmp0, $4  }
0x8: {  	s6 =	simm.s32 $0x2;
	s7 =	simm.s32 @!p0 $0x0;
	p0 =	sne.s32 s5, $0x8  }
0x9: {  	[sflag:s6] =	ssyncpa.u1 $0x0;
	s5 =	smul.u32 $0x1F40, s5;
	s9 =	simm.s32 @!p0 $0x0  }
0xa: {  	s8 =	sadd.s32 $0x11200, s8;
	[sflag:s10] =	ssyncpa.u1 $0x0;
	s7 =	sadd.s32 s9, s7  }
0xb: {  	vm0 =	vmmov $0xffff;
	s10 =	simm.s32 $0x0;
	s11 =	smov.u32 s5;
	s9 =	sadd.s32 $0x1, s7  }
.LBB2_4:
0xc: {  	v2 =	vnsel vm1, $0x0, v2  }
0xd: {  	vm1 =	vgt.s32 v0, $0x0;
	v2 =	vmin.u32 v2, $0x4E1FF  }
0xe: {  	v0 =	vnsel vm1, $0x0, v0  }
0xf: {  	v0 =	vmin.u32 v0, $0x4E1FF  }
0x10: {  	[tilespmem:s18], [sflag:$0x1] =	stream.indirect_vreg.gather [hbm4b:s2+s10], $0x1, v1, vm0, $0x4038;
	[tilespmem:$0x7D00] =	vst v63  }
0x11: {  	(ifvalue) =	ssetifvalue $0x7FFFFFFF  }
0x12: {  	[tilespmem:s15], [sflag:$0x1] =	stream.indirect_vreg.gather [hbm4b:s2+s10], $0x1, v2, vm0, $0x4038;
	[tilespmem:$0x7D00] =	vst v63  }
0x13: {  	s29 =	sadd.s32 $0x10, s15;
	(ifvalue) =	ssetifvalue $0x7FFFFFFF  }
0x14: {  	[tilespmem:s29], [sflag:$0x1] =	stream.indirect_vreg.gather [hbm4b:s2+s10], $0x1, v0, vm0, $0x4038;
	[tilespmem:$0x7D00] =	vst v63  }
0x15: {  	_ =	swait.ge [sflag:s4], $0x1F40  }
0x16: {  	s30 =	sshrl.u32 s13, $0x3;
	[sflag:s4] =	ssyncset.done $0x0  }
0x17: {  	s31 =	sand.u32 $0x7, s13;
	s15 =	sadd.s32 s8, s30;
	[sflag:s4] =	ssyncadd.s32 $0xFFFFE0C0  }
0x18: {  	[hbm4b:s15+s31] =	stream.linear.scatter [tilespmem:s14], [sflag:$0x3], $0x1F40, $0x38;
	[tilespmem:$0x7D00] =	vst v63  }
.LBB2_5:
0x19: {  	s15 =	sadd.s32 $0x3E800, s11  }
0x1a: {  	p1 =	sgt.s32 s15, $0x4E1FF  }
0x1b: {  	s15 =	smov.u32 @p1 s5;
	p1 =	sne.s32 s12, s9  }
.Ltmp1:
0x1c: {  	p0 =	slt.u32 s12, $0x2;
	(pc) =	sbr.rel @!p1 .LBB2_6-.Ltmp1, $4  }
0x1d: {  	s14 =	simm.s32 @!p0 $0x3  }
0x1e: {  	_ =	swait.ge @!p0 [sflag:s14], $0x1F40  }
0x1f: {  	s16 =	sadd.s32 $0x1, s12;
	s13 =	smov.u32 s11;
	[sflag:s14] =	ssyncset.done @!p0 $0x0  }
0x20: {  	s12 =	smov.u32 s16;
	s11 =	smov.u32 s15;
	[sflag:s14] =	ssyncadd.s32 @!p0 $0xFFFFE0C0  }
.LBB2_1:
0x21: {  	p0 =	sge.u32 s12, s7  }
0x22: {  	s14 =	sxor.u32 @!p0 $0x1, s12  }
0x23: {  	s14 =	smul.u32 @!p0 $0x7D00, s14  }
0x24: {  	s31 =	sadd.s32 $0xFFFFFFFF, s12;
	s15 =	sshrl.u32 @!p0 s11, $0x3  }
0x25: {  	s16 =	sand.u32 @!p0 $0x7, s11;
	s15 =	sadd.s32 @!p0 s3, s15;
	s14 =	sshra.s32 @!p0 s14, $0x2  }
0x26: {  	[tilespmem:s14], [sflag:$0x2] =	stream.linear.gather @!p0 [hbm4b:s15+s16], $0x1F40, $0x38;
	[tilespmem:$0x7D00] =	vst v63  }
0x27: {  	p0 =	sge.u32 s31, s7  }
.Ltmp2:
0x28: {  	_ = 	snop;
	(pc) =	sbr.rel @p0 .LBB2_5-.Ltmp2, $1  }
0x29: {  	_ =	sdelay $0x3  }
0x2a: {  	s14 =	sand.u32 $0x1, s12  }
0x2b: {  	_ =	swait.ge [sflag:s6], $0x1F40;
	p0 =	seq.s32 s14, $0x1;
	s14 =	simm.s32 $0x1F40  }
0x2c: {  	[sflag:s6] =	ssyncset.done $0x0;
	s14 =	simm.s32 @!p0 $0x0  }
0x2d: {  	[sflag:s6] =	ssyncadd.s32 $0xFFFFE0C0;
	(ifvalue) =	ssetifvalue $0x7FFFFFFF;
	v0 =	vld.msk [tilespmem:s14+$0x0 ss:$0x1], $0xffff;
	_ =	sdelay $0x4  }
0x2e: {  	s15 =	sadd.s32 $0x10, s14;
	vm1 =	vgt.s32 v0, $0x0  }
0x2f: {  	v2 =	vld.msk [tilespmem:s15+$0x0 ss:$0x1], $0xffff;
	v1 =	vnsel vm1, $0x0, v0  }
0x30: {  	v1 =	vmin.u32 v1, $0x4E1FF;
	_ =	sdelay $0x2  }
0x31: {  	s17 =	simm.s32 $0x20;
	s14 =	sadd.s32 $0x3E80, s14;
	s16 =	sadd.s32 $0x10, s15  }
0x32: {  	s15 =	sadd.s32 $0x10, s14;
	s18 =	smov.u32 s14;
	v0 =	vld.msk [tilespmem:s16+$0x0 ss:$0x1], $0xffff;
	vm1 =	vgt.s32 v2, $0x0;
	(ifvalue) =	ssetifvalue $0x7FFFFFFF  }
.LBB2_3:
0x33: {  	[tilespmem:s18], [sflag:$0x1] =	stream.indirect_vreg.gather [hbm4b:s2+s10], $0x1, v1, vm0, $0x4038;
	[tilespmem:$0x7D00] =	vst v63  }
0x34: {  	s17 =	sadd.s32 $0x10, s17  }
0x35: {  	v2 =	vnsel vm1, $0x0, v2;
	p0 =	slt.u32 s17, $0x1F30  }
.Ltmp3:
0x36: {  	s18 =	smov.u32 s15;
	v1 =	vmin.u32 v2, $0x4E1FF;
	(pc) =	sbr.rel @p0 .LBB2_3-.Ltmp3, $3  }
0x37: {  	_ =	sdelay $0x1  }
0x38: {  	s16 =	sadd.s32 $0x10, s16  }
0x39: {  	vm1 =	vgt.s32 v0, $0x0;
	s15 =	sadd.s32 $0x10, s15;
	v2 =	vmov v0;
	(ifvalue) =	ssetifvalue $0x7FFFFFFF;
	v0 =	vld.msk [tilespmem:s16+$0x0 ss:$0x1], $0xffff  }
.Ltmp4:
0x3a: {  	_ = 	snop;
	(pc) =	sbr.rel .LBB2_4-.Ltmp4, $1  }
0x3b: {  	_ =	sdelay $0x3  }
.LBB2_6:
0x3c: {  	_ =	sfence.sel $0x180000  }
0x3d: {  	s2 =	simm.s32 $0x2;
	[bflag:$0x0] =	sbarrier.arrive $0xFFFF  }
0x3e: {  	s30 =	simm.s32 $0x3;
	[sflag:s2] =	ssyncpa.u1 $0x1  }
0x3f: {  	s31 =	simm.s32 $0x1;
	[sflag:s30] =	ssyncpa.u1 $0x1  }
0x40: {  	[sflag:s31] =	ssyncpa.u1 $0x1  }
0x41: {  	p0 =	sne.s32 s1, $0x0;
	_ =	strace $0x9000004A  }
0x42: {  	s0 =	sadd.s32 @!p0 $0x100000, s0;
	[bflag:$0x2] =	sbarrier.arrive $0xFFFF  }
0x43: {  	[sflag:s0] =	ssyncadd.tile.s32 @!p0 $0x1;
	_ =	shalt  }
.Lfunc_end2:
_tile_overlayer_lowered:
.L_overlay_start_2:
0x44: {  	(tag) =	ssettag $0x2  }
0x45: {  	s0 =	rddreg [dreg:$0x0];
	s2 =	stileid.u32  }
0x46: {  	s1 =	rddreg [dreg:$0x1];
	p0 =	sne.s32 s2, $0x0  }
0x47: {  	s3 =	rddreg [dreg:$0x2];
	[bflag:$0x3] =	sbarrier.arrive $0xFFFF;
	s2 =	simm.s32 @!p0 $0x1C01  }
0x48: {  	[timem:s3], [sflag:s2] =	dma.local @!p0 [hbm:s0], s1  }
0x49: {  	s0 =	simm.s32 @!p0 $0x1  }
0x4a: {  	_ =	swait.ge @!p0 [sflag:s0], s1  }
0x4b: {  	s1 =	ssub.s32 @!p0 $0x0, s1;
	[sflag:s0] =	ssyncset.done @!p0 $0x0  }
0x4c: {  	[sflag:s0] =	ssyncadd.s32 @!p0 s1  }
0x4d: {  	[bflag:$0x3] =	sbarrier.arrive $0xFFFF  }
0x4e: {  	_ =	shalt  }

// kernel: gather_offload_async_start
scs
__scs_entry_jumppad:
0x0: {  	(pc) =	sbr.rel $0x88, $3  }
0x1: {  	(tag) =	ssettag $0x0;
	lr =	simm.s32 $0x1  }
0x2: {  	[smem:$0x3F96] =	sst lr;
	_ =	strace $0xD0000000  }
0x3: {  	_ = 	snop  }
0x4: {  	_ = 	snop  }
0x5: {  	_ = 	snop  }
0x6: {  	_ = 	snop  }
0x7: {  	_ = 	snop  }
__scs_overlays_trampoline_lowered:
0x8: {  	[smem:$0x3FA5] =	sst s0  }
0x9: {  	[smem:$0x3FA6] =	sst s1  }
0xa: {  	[smem:$0x3FA7] =	sst s2  }
0xb: {  	[smem:$0x3FA8] =	sst s3  }
0xc: {  	[smem:$0x3FA9] =	sst s4  }
0xd: {  	[smem:$0x3FAA] =	sst s5  }
0xe: {  	[smem:$0x3FAB] =	sst s6  }
0xf: {  	[smem:$0x3FAC] =	sst s7  }
0x10: {  	[smem:$0x3FAD] =	sst s8  }
0x11: {  	[smem:$0x3FAE] =	sst s9;
	s0 =	simm.s32 @!p0 $0x0  }
0x12: {  	s1 =	sld [smem:$0x3F94];
	s0 =	simm.s32 @p0 $0x1  }
0x13: {  	[smem:$0x3FAF] =	sst s0;
	s0 =	simm.s32 @!p1 $0x0  }
0x14: {  	s2 =	sld [smem:$0x3F93];
	s0 =	simm.s32 @p1 $0x1  }
0x15: {  	[smem:$0x3FB0] =	sst s0;
	s0 =	simm.s32 @!p2 $0x0  }
0x16: {  	s3 =	sld [smem:$0x3FDB];
	s0 =	simm.s32 @p2 $0x1  }
0x17: {  	s4 =	simm.s32 $0x1BF5;
	[smem:$0x3FB2] =	sst s0  }
0x18: {  	s0 =	sld [smem:$0x3F95];
	_ =	swait.ge [sflag:s4], $0x0  }
0x19: {  	s7 =	sld [smem:$0x3F96]  }
0x1a: {  	s8 =	sadd.s32 $0xFFFFE003, lr  }
0x1b: {  	s9 =	sadd.s32 $0xFFFFFEF7, lr;
	s5 =	simm.s32 $0xFFFFFFFF;
	p2 =	slt.u32 s8, $0xFFFFF086  }
0x1c: {  	p1 =	slt.u32 s9, $0xF7A;
	s5 =	simm.s32 @!p2 $0x0  }
0x1d: {  	s5 =	simm.s32 @p1 $0x1;
	p0 =	seq.s32 s7, s2  }
0x1e: {  	s7 =	smul.u32 @!p0 $0xF7A, s2;
	p2 =	seq.s32 @!p0 s5, $0x0  }
0x1f: {  	s9 =	smul.u32 $0xF7A, s1;
	s8 =	simm.s32 @!p0 $0x1BF5;
	p2 =	por !p2, p0  }
0x20: {  	[sflag:s8] =	ssyncset.s32 @!p0 $0xFFFFF086;
	s6 =	sadd.s32 @!p0 s3, s7;
	s7 =	simm.s32 @!p0 $0x108  }
0x21: {  	s3 =	sadd.s32 s3, s9;
	s6 =	sadd.s32 @!p0 $0x88, s6;
	s7 =	simm.s32 @p2 $0x1082  }
0x22: {  	[simem:s7], [sflag:s8] =	dma.local @!p0 [hbm:s6], $0xF7A  }
0x23: {  	s9 =	sor.u32 $0xD0000000, s2;
	s6 =	simm.s32 $0x108;
	_ =	swait.ge @!p0 [sflag:s8], $0x0  }
0x24: {  	s3 =	sadd.s32 $0x88, s3;
	s6 =	simm.s32 @!p1 $0x1082;
	[sflag:s4] =	ssyncset.s32 $0xFFFFF086  }
0x25: {  	[simem:s6], [sflag:s4] =	dma.local [hbm:s3], $0xF7A  }
0x26: {  	[smem:$0x3F96] =	sst s1;
	(tag) =	ssettag s2;
	_ =	strace s9  }
0x27: {  	s1 =	sld [smem:$0x3FA6]  }
0x28: {  	s2 =	sld [smem:$0x3FA7]  }
0x29: {  	s4 =	sld [smem:$0x3FA9]  }
0x2a: {  	p0 =	seq.s32 s5, $0x0;
	s5 =	sld [smem:$0x3FAA]  }
0x2b: {  	s6 =	sld [smem:$0x3FAB]  }
0x2c: {  	s7 =	sld [smem:$0x3FAC]  }
0x2d: {  	s3 =	simm.s32 $0x108;
	s8 =	sld [smem:$0x3FAD]  }
0x2e: {  	s3 =	simm.s32 @!p0 $0x1082;
	s9 =	sld [smem:$0x3FAE]  }
0x2f: {  	lr =	sadd.s32 s0, s3;
	s0 =	sld [smem:$0x3FA5]  }
0x30: {  	s3 =	sld [smem:$0x3FA8]  }
0x31: {  	[smem:$0x3FB1] =	sst s10  }
0x32: {  	s10 =	sld [smem:$0x3FAF];
	_ =	sdelay $0x3  }
0x33: {  	p0 =	seq.s32 s10, $0x1;
	s10 =	sld [smem:$0x3FB1];
	_ =	sdelay $0x3  }
0x34: {  	[smem:$0x3FB1] =	sst s10  }
0x35: {  	s10 =	sld [smem:$0x3FB0];
	_ =	sdelay $0x3  }
0x36: {  	p1 =	seq.s32 s10, $0x1;
	s10 =	sld [smem:$0x3FB1];
	_ =	sdelay $0x3  }
0x37: {  	[smem:$0x3FB1] =	sst s10  }
0x38: {  	s10 =	sld [smem:$0x3FB2]  }
0x39: {  	_ = 	snop;
	(pc) =	sbr.ind lr, $3  }
0x3a: {  	_ = 	snop  }
0x3b: {  	_ = 	snop  }
0x3c: {  	p2 =	seq.s32 s10, $0x1;
	s10 =	sld [smem:$0x3FB1]  }
0x3d: {  	_ =	shalt  }
0x3e: {  	_ =	shalt  }
0x3f: {  	_ =	shalt  }
0x40: {  	_ =	shalt  }
0x41: {  	_ =	shalt  }
0x42: {  	_ =	shalt  }
0x43: {  	_ =	shalt  }
0x44: {  	_ =	shalt  }
0x45: {  	_ =	shalt  }
0x46: {  	_ =	shalt  }
0x47: {  	_ =	shalt  }
0x48: {  	_ =	shalt  }
0x49: {  	_ =	shalt  }
0x4a: {  	_ =	shalt  }
0x4b: {  	_ =	shalt  }
0x4c: {  	_ =	shalt  }
0x4d: {  	_ =	shalt  }
0x4e: {  	_ =	shalt  }
0x4f: {  	_ =	shalt  }
0x50: {  	_ =	shalt  }
0x51: {  	_ =	shalt  }
0x52: {  	_ =	shalt  }
0x53: {  	_ =	shalt  }
0x54: {  	_ =	shalt  }
0x55: {  	_ =	shalt  }
0x56: {  	_ =	shalt  }
0x57: {  	_ =	shalt  }
0x58: {  	_ =	shalt  }
0x59: {  	_ =	shalt  }
0x5a: {  	_ =	shalt  }
0x5b: {  	_ =	shalt  }
0x5c: {  	_ =	shalt  }
0x5d: {  	_ =	shalt  }
0x5e: {  	_ =	shalt  }
0x5f: {  	_ =	shalt  }
0x60: {  	_ =	shalt  }
0x61: {  	_ =	shalt  }
0x62: {  	_ =	shalt  }
0x63: {  	_ =	shalt  }
0x64: {  	_ =	shalt  }
0x65: {  	_ =	shalt  }
0x66: {  	_ =	shalt  }
0x67: {  	_ =	shalt  }
0x68: {  	_ =	shalt  }
0x69: {  	_ =	shalt  }
0x6a: {  	_ =	shalt  }
0x6b: {  	_ =	shalt  }
0x6c: {  	_ =	shalt  }
0x6d: {  	_ =	shalt  }
0x6e: {  	_ =	shalt  }
0x6f: {  	_ =	shalt  }
0x70: {  	_ =	shalt  }
0x71: {  	_ =	shalt  }
0x72: {  	_ =	shalt  }
0x73: {  	_ =	shalt  }
0x74: {  	_ =	shalt  }
0x75: {  	_ =	shalt  }
0x76: {  	_ =	shalt  }
0x77: {  	_ =	shalt  }
0x78: {  	_ =	shalt  }
0x79: {  	_ =	shalt  }
0x7a: {  	_ =	shalt  }
0x7b: {  	_ =	shalt  }
0x7c: {  	_ =	shalt  }
0x7d: {  	_ =	shalt  }
0x7e: {  	_ =	shalt  }
0x7f: {  	_ =	shalt  }
0x80: {  	_ =	shalt  }
0x81: {  	_ =	shalt  }
0x82: {  	_ =	shalt  }
0x83: {  	_ =	shalt  }
0x84: {  	_ =	shalt  }
0x85: {  	_ =	shalt  }
0x86: {  	_ =	shalt  }
0x87: {  	_ =	shalt  }
.Lfunc_end0:
.L_simem_size_0:
called_computation_lowered:
.L_overlay_start_0:
0x88: {  	s2 =	sld [smem:$0x3FD9]  }
0x89: {  	s3 =	sld [smem:$0x3FFE];
	_ =	sdelay $0x1  }
0x8a: {  	s1 =	srdreg.scid  }
0x8b: {  	s0 =	sand.u32 $0x1, s1  }
0x8c: {  	s16 =	sshll.u32 s0, $0xA;
	s2 =	sadd.s32 s3, s2  }
0x8d: {  	s2 =	sadd.s32 s2, s16  }
0x8e: {  	[smem:$0x3FBD] =	sst s2  }
0x8f: {  	_ = 	snop  }
0x90: {  	(tm) =	ssettm $0x1  }
0x91: {  	s17 =	sld [smem:$0x3FFB];
	_ =	sdelay $0x3  }
0x92: {  	_ =	strace s17  }
0x93: {  	s2 =	sld [smem:$0x3FFC];
	_ =	sdelay $0x3  }
0x94: {  	_ =	strace s2  }
0x95: {  	s2 =	sld [smem:$0x3FFD];
	_ =	sdelay $0x3  }
0x96: {  	_ =	strace s2  }
0x97: {  	_ =	strace $0x8FFFFFFF  }
0x98: {  	s18 =	sld [smem:$0x3FDB];
	_ =	sdelay $0x1  }
0x99: {  	s19 =	simm.s32 $_scs_section_size  }
0x9a: {  	s4 =	simm.s32 $_size__tile_overlayer_lowered;
	s5 =	simm.s32 $_tile_overlayer_lowered  }
0x9b: {  	s22 =	simm.s32 $0x1BFF;
	s21 =	sshll.u32 s5, $0x1;
	s2 =	sadd.s32 s19, s18  }
0x9c: {  	s6 =	simm.s32 $0x0;
	s20 =	sshll.u32 s4, $0x1;
	s4 =	sadd.s32 s21, s2  }
0x9d: {  	[timem:s6], [sflag:s22] =	dma.local [hbm:s4], s20  }
0x9e: {  	_ =	swait.ge [sflag:s22], s20  }
0x9f: {  	s3 =	ssub.s32 $0x0, s20;
	[sflag:s22] =	ssyncset.done $0x0  }
0xa0: {  	[sflag:s22] =	ssyncadd.s32 s3;
	_ =	sdelay $0x1  }
0xa1: {  	s23 =	simm.s32 $0x1B8B  }
0xa2: {  	_ =	swait.ge [sflag:s23], $0x1  }
0xa3: {  	[sflag:s23] =	ssyncset.done $0x0  }
0xa4: {  	s25 =	simm.s32 $0x1B8E;
	s24 =	sld [smem:$0x3FFE];
	[sflag:s23] =	ssyncadd.s32 $0xFFFFFFFF  }
0xa5: {  	s26 =	simm.s32 $execute0_lowered;
	[smem:$0x3FD2] =	sst s25  }
0xa6: {  	s4 =	sshll.u32 s26, $0x1;
	_ =	strace $0x80000046;
	[dreg:$0x1] =	wrdreg $0xFFFFFFFF  }
0xa7: {  	s28 =	simm.s32 $_size_execute0_lowered;
	s2 =	sadd.s32 s2, s4;
	[dreg:$0x0] =	wrdreg $0x0  }
0xa8: {  	s4 =	sshll.u32 s28, $0x1;
	[dreg:$0x2] =	wrdreg s2  }
0xa9: {  	[dreg:$0x3] =	wrdreg s4  }
0xaa: {  	[dreg:$0x4] =	wrdreg $0xC0  }
0xab: {  	_ =	task [dreg:s6], $0x5FFFF  }
0xac: {  	[dreg:$0x1] =	wrdreg $0xFFFFFFFF  }
0xad: {  	[dreg:$0x0] =	wrdreg $0x60  }
0xae: {  	[dreg:$0x2] =	wrdreg s24  }
0xaf: {  	[dreg:$0x3] =	wrdreg $0x9  }
0xb0: {  	_ =	task.clear_ibuf [dreg:s6], $0x4FFFF;
	_ =	strace $0x90000046  }
0xb1: {  	s29 =	simm.s32 $0x9;
	_ =	strace $0x80000048  }
0xb2: {  	_ =	swait.ge [sflag:s29], $0x1  }
0xb3: {  	[sflag:s29] =	ssyncadd.s32 $0xFFFFFFFF  }
0xb4: {  	_ =	strace $0x90000048  }
0xb5: {  	_ =	sfence  }
0xb6: {  	s30 =	sld [smem:$0x0];
	_ =	sdelay $0x2  }
0xb7: {  	s31 =	sshll.u32 s1, $0xD;
	s1 =	sshrl.u32 s1, $0x2  }
0xb8: {  	s3 =	sand.u32 $0x4000, s31;
	s1 =	sadd.s32 s1, s30  }
0xb9: {  	s0 =	sor.u32 s3, s0;
	s1 =	sshll.u32 s1, $0x11  }
0xba: {  	s0 =	sor.u32 s1, s0  }
0xbb: {  	s0 =	sadd.s32 $0x8F2B, s0  }
0xbc: {  	[sflag:s0] =	ssyncadd.remote.s32 $0x1  }
0xbd: {  	_ =	sfence.sel $0xFFFF  }
0xbe: {  	[dreg:$0x0] =	wrdreg $0xFFFFFFFF;
	(pc) =	sbr.abs _section_cstart, $3  }
0xbf: {  	[dreg:$0x1] =	wrdreg $0xFFFFFFFF  }
0xc0: {  	_ =	task.clear_ibuf [dreg:s6], $0x2FFFF;
	_ =	strace $0x9FFFFFFF  }
0xc1: {  	(tm) =	ssettm $0x7FFFFFFF  }
tec
execute0_lowered:
.L_overlay_start_1:
0x0: {  	(tag) =	ssettag $0x1  }
0x1: {  	s8 =	rddreg [dreg:$0x0]  }
0x2: {  	s0 =	rddreg [dreg:$0x1];
	_ =	strace $0x80000047;
	s1 =	stileid.u32  }
0x3: {  	s3 =	srdreg.scid;
	s4 =	simm.s32 $0x1;
	s7 =	simm.s32 $0x1  }
0x4: {  	s9 =	simm.s32 $0x1;
	s10 =	simm.s32 $0x3;
	s13 =	simm.s32 $0x0  }
0x5: {  	s12 =	simm.s32 $0x0;
	s5 =	sand.u32 $0x1, s3;
	s6 =	sshll.u32 s1, $0x1  }
0x6: {  	s2 =	sadd.s32 $0x11200, s8;
	s3 =	sadd.s32 $0x1B000, s8;
	s5 =	sor.u32 s6, s5  }
.Ltmp0:
0x7: {  	[sflag:s4] =	ssyncpa.u1 $0x0;
	p0 =	slt.u32 s5, $0x9;
	(pc) =	sbr.rel .LBB2_1-.Ltmp0, $4  }
0x8: {  	s6 =	simm.s32 $0x2;
	s7 =	simm.s32 @!p0 $0x0;
	p0 =	sne.s32 s5, $0x8  }
0x9: {  	[sflag:s6] =	ssyncpa.u1 $0x0;
	s5 =	smul.u32 $0x1F40, s5;
	s9 =	simm.s32 @!p0 $0x0  }
0xa: {  	s8 =	sadd.s32 $0x24E00, s8;
	[sflag:s10] =	ssyncpa.u1 $0x0;
	s7 =	sadd.s32 s9, s7  }
0xb: {  	vm0 =	vmmov $0xffff;
	s10 =	simm.s32 $0x0;
	s11 =	smov.u32 s5;
	s9 =	sadd.s32 $0x1, s7  }
.LBB2_4:
0xc: {  	v2 =	vnsel vm1, $0x0, v2  }
0xd: {  	vm1 =	vgt.s32 v0, $0x0;
	v2 =	vmin.u32 v2, $0x4E1FF  }
0xe: {  	v0 =	vnsel vm1, $0x0, v0  }
0xf: {  	v0 =	vmin.u32 v0, $0x4E1FF  }
0x10: {  	[tilespmem:s18], [sflag:$0x1] =	stream.indirect_vreg.gather [hbm4b:s2+s10], $0x1, v1, vm0, $0x4038;
	[tilespmem:$0x7D00] =	vst v63  }
0x11: {  	(ifvalue) =	ssetifvalue $0x7FFFFFFF  }
0x12: {  	[tilespmem:s15], [sflag:$0x1] =	stream.indirect_vreg.gather [hbm4b:s2+s10], $0x1, v2, vm0, $0x4038;
	[tilespmem:$0x7D00] =	vst v63  }
0x13: {  	s29 =	sadd.s32 $0x10, s15;
	(ifvalue) =	ssetifvalue $0x7FFFFFFF  }
0x14: {  	[tilespmem:s29], [sflag:$0x1] =	stream.indirect_vreg.gather [hbm4b:s2+s10], $0x1, v0, vm0, $0x4038;
	[tilespmem:$0x7D00] =	vst v63  }
0x15: {  	_ =	swait.ge [sflag:s4], $0x1F40  }
0x16: {  	s30 =	sshrl.u32 s13, $0x3;
	[sflag:s4] =	ssyncset.done $0x0  }
0x17: {  	s31 =	sand.u32 $0x7, s13;
	s15 =	sadd.s32 s8, s30;
	[sflag:s4] =	ssyncadd.s32 $0xFFFFE0C0  }
0x18: {  	[hbm4b:s15+s31] =	stream.linear.scatter [tilespmem:s14], [sflag:$0x3], $0x1F40, $0x38;
	[tilespmem:$0x7D00] =	vst v63  }
.LBB2_5:
0x19: {  	s15 =	sadd.s32 $0x3E800, s11  }
0x1a: {  	p1 =	sgt.s32 s15, $0x4E1FF  }
0x1b: {  	s15 =	smov.u32 @p1 s5;
	p1 =	sne.s32 s12, s9  }
.Ltmp1:
0x1c: {  	p0 =	slt.u32 s12, $0x2;
	(pc) =	sbr.rel @!p1 .LBB2_6-.Ltmp1, $4  }
0x1d: {  	s14 =	simm.s32 @!p0 $0x3  }
0x1e: {  	_ =	swait.ge @!p0 [sflag:s14], $0x1F40  }
0x1f: {  	s16 =	sadd.s32 $0x1, s12;
	s13 =	smov.u32 s11;
	[sflag:s14] =	ssyncset.done @!p0 $0x0  }
0x20: {  	s12 =	smov.u32 s16;
	s11 =	smov.u32 s15;
	[sflag:s14] =	ssyncadd.s32 @!p0 $0xFFFFE0C0  }
.LBB2_1:
0x21: {  	p0 =	sge.u32 s12, s7  }
0x22: {  	s14 =	sxor.u32 @!p0 $0x1, s12  }
0x23: {  	s14 =	smul.u32 @!p0 $0x7D00, s14  }
0x24: {  	s31 =	sadd.s32 $0xFFFFFFFF, s12;
	s15 =	sshrl.u32 @!p0 s11, $0x3  }
0x25: {  	s16 =	sand.u32 @!p0 $0x7, s11;
	s15 =	sadd.s32 @!p0 s3, s15;
	s14 =	sshra.s32 @!p0 s14, $0x2  }
0x26: {  	[tilespmem:s14], [sflag:$0x2] =	stream.linear.gather @!p0 [hbm4b:s15+s16], $0x1F40, $0x38;
	[tilespmem:$0x7D00] =	vst v63  }
0x27: {  	p0 =	sge.u32 s31, s7  }
.Ltmp2:
0x28: {  	_ = 	snop;
	(pc) =	sbr.rel @p0 .LBB2_5-.Ltmp2, $1  }
0x29: {  	_ =	sdelay $0x3  }
0x2a: {  	s14 =	sand.u32 $0x1, s12  }
0x2b: {  	_ =	swait.ge [sflag:s6], $0x1F40;
	p0 =	seq.s32 s14, $0x1;
	s14 =	simm.s32 $0x1F40  }
0x2c: {  	[sflag:s6] =	ssyncset.done $0x0;
	s14 =	simm.s32 @!p0 $0x0  }
0x2d: {  	[sflag:s6] =	ssyncadd.s32 $0xFFFFE0C0;
	(ifvalue) =	ssetifvalue $0x7FFFFFFF;
	v0 =	vld.msk [tilespmem:s14+$0x0 ss:$0x1], $0xffff;
	_ =	sdelay $0x4  }
0x2e: {  	s15 =	sadd.s32 $0x10, s14;
	vm1 =	vgt.s32 v0, $0x0  }
0x2f: {  	v2 =	vld.msk [tilespmem:s15+$0x0 ss:$0x1], $0xffff;
	v1 =	vnsel vm1, $0x0, v0  }
0x30: {  	v1 =	vmin.u32 v1, $0x4E1FF;
	_ =	sdelay $0x2  }
0x31: {  	s17 =	simm.s32 $0x20;
	s14 =	sadd.s32 $0x3E80, s14;
	s16 =	sadd.s32 $0x10, s15  }
0x32: {  	s15 =	sadd.s32 $0x10, s14;
	s18 =	smov.u32 s14;
	v0 =	vld.msk [tilespmem:s16+$0x0 ss:$0x1], $0xffff;
	vm1 =	vgt.s32 v2, $0x0;
	(ifvalue) =	ssetifvalue $0x7FFFFFFF  }
.LBB2_3:
0x33: {  	[tilespmem:s18], [sflag:$0x1] =	stream.indirect_vreg.gather [hbm4b:s2+s10], $0x1, v1, vm0, $0x4038;
	[tilespmem:$0x7D00] =	vst v63  }
0x34: {  	s17 =	sadd.s32 $0x10, s17  }
0x35: {  	v2 =	vnsel vm1, $0x0, v2;
	p0 =	slt.u32 s17, $0x1F30  }
.Ltmp3:
0x36: {  	s18 =	smov.u32 s15;
	v1 =	vmin.u32 v2, $0x4E1FF;
	(pc) =	sbr.rel @p0 .LBB2_3-.Ltmp3, $3  }
0x37: {  	_ =	sdelay $0x1  }
0x38: {  	s16 =	sadd.s32 $0x10, s16  }
0x39: {  	vm1 =	vgt.s32 v0, $0x0;
	s15 =	sadd.s32 $0x10, s15;
	v2 =	vmov v0;
	(ifvalue) =	ssetifvalue $0x7FFFFFFF;
	v0 =	vld.msk [tilespmem:s16+$0x0 ss:$0x1], $0xffff  }
.Ltmp4:
0x3a: {  	_ = 	snop;
	(pc) =	sbr.rel .LBB2_4-.Ltmp4, $1  }
0x3b: {  	_ =	sdelay $0x3  }
.LBB2_6:
0x3c: {  	_ =	sfence.sel $0x180000  }
0x3d: {  	s2 =	simm.s32 $0x2;
	[bflag:$0x0] =	sbarrier.arrive $0xFFFF  }
0x3e: {  	s30 =	simm.s32 $0x3;
	[sflag:s2] =	ssyncpa.u1 $0x1  }
0x3f: {  	s31 =	simm.s32 $0x1;
	[sflag:s30] =	ssyncpa.u1 $0x1  }
0x40: {  	[sflag:s31] =	ssyncpa.u1 $0x1  }
0x41: {  	p0 =	sne.s32 s1, $0x0;
	_ =	strace $0x90000047  }
0x42: {  	s0 =	sadd.s32 @!p0 $0x100000, s0;
	[bflag:$0x2] =	sbarrier.arrive $0xFFFF  }
0x43: {  	[sflag:s0] =	ssyncadd.tile.s32 @!p0 $0x1;
	_ =	shalt  }
.Lfunc_end2:
_tile_overlayer_lowered:
.L_overlay_start_2:
0x44: {  	(tag) =	ssettag $0x2  }
0x45: {  	s0 =	rddreg [dreg:$0x0];
	s2 =	stileid.u32  }
0x46: {  	s1 =	rddreg [dreg:$0x1];
	p0 =	sne.s32 s2, $0x0  }
0x47: {  	s3 =	rddreg [dreg:$0x2];
	[bflag:$0x3] =	sbarrier.arrive $0xFFFF;
	s2 =	simm.s32 @!p0 $0x1C01  }
0x48: {  	[timem:s3], [sflag:s2] =	dma.local @!p0 [hbm:s0], s1  }
0x49: {  	s0 =	simm.s32 @!p0 $0x1  }
0x4a: {  	_ =	swait.ge @!p0 [sflag:s0], s1  }
0x4b: {  	s1 =	ssub.s32 @!p0 $0x0, s1;
	[sflag:s0] =	ssyncset.done @!p0 $0x0  }
0x4c: {  	[sflag:s0] =	ssyncadd.s32 @!p0 s1  }
0x4d: {  	[bflag:$0x3] =	sbarrier.arrive $0xFFFF  }
0x4e: {  	_ =	shalt  }

// kernel: kernel.15.cloned.1.call-start
scs
__scs_entry_jumppad:
0x0: {  	(pc) =	sbr.rel $0x88, $3  }
0x1: {  	(tag) =	ssettag $0x0;
	lr =	simm.s32 $0x1  }
0x2: {  	[smem:$0x3F96] =	sst lr;
	_ =	strace $0xD0000000  }
0x3: {  	_ = 	snop  }
0x4: {  	_ = 	snop  }
0x5: {  	_ = 	snop  }
0x6: {  	_ = 	snop  }
0x7: {  	_ = 	snop  }
__scs_overlays_trampoline_lowered:
0x8: {  	[smem:$0x3FA5] =	sst s0  }
0x9: {  	[smem:$0x3FA6] =	sst s1  }
0xa: {  	[smem:$0x3FA7] =	sst s2  }
0xb: {  	[smem:$0x3FA8] =	sst s3  }
0xc: {  	[smem:$0x3FA9] =	sst s4  }
0xd: {  	[smem:$0x3FAA] =	sst s5  }
0xe: {  	[smem:$0x3FAB] =	sst s6  }
0xf: {  	[smem:$0x3FAC] =	sst s7  }
0x10: {  	[smem:$0x3FAD] =	sst s8  }
0x11: {  	[smem:$0x3FAE] =	sst s9;
	s0 =	simm.s32 @!p0 $0x0  }
0x12: {  	s1 =	sld [smem:$0x3F94];
	s0 =	simm.s32 @p0 $0x1  }
0x13: {  	[smem:$0x3FAF] =	sst s0;
	s0 =	simm.s32 @!p1 $0x0  }
0x14: {  	s2 =	sld [smem:$0x3F93];
	s0 =	simm.s32 @p1 $0x1  }
0x15: {  	[smem:$0x3FB0] =	sst s0;
	s0 =	simm.s32 @!p2 $0x0  }
0x16: {  	s3 =	sld [smem:$0x3FDB];
	s0 =	simm.s32 @p2 $0x1  }
0x17: {  	s4 =	simm.s32 $0x1BF5;
	[smem:$0x3FB2] =	sst s0  }
0x18: {  	s0 =	sld [smem:$0x3F95];
	_ =	swait.ge [sflag:s4], $0x0  }
0x19: {  	s7 =	sld [smem:$0x3F96]  }
0x1a: {  	s8 =	sadd.s32 $0xFFFFE003, lr  }
0x1b: {  	s9 =	sadd.s32 $0xFFFFFEF7, lr;
	s5 =	simm.s32 $0xFFFFFFFF;
	p2 =	slt.u32 s8, $0xFFFFF086  }
0x1c: {  	p1 =	slt.u32 s9, $0xF7A;
	s5 =	simm.s32 @!p2 $0x0  }
0x1d: {  	s5 =	simm.s32 @p1 $0x1;
	p0 =	seq.s32 s7, s2  }
0x1e: {  	s7 =	smul.u32 @!p0 $0xF7A, s2;
	p2 =	seq.s32 @!p0 s5, $0x0  }
0x1f: {  	s9 =	smul.u32 $0xF7A, s1;
	s8 =	simm.s32 @!p0 $0x1BF5;
	p2 =	por !p2, p0  }
0x20: {  	[sflag:s8] =	ssyncset.s32 @!p0 $0xFFFFF086;
	s6 =	sadd.s32 @!p0 s3, s7;
	s7 =	simm.s32 @!p0 $0x108  }
0x21: {  	s3 =	sadd.s32 s3, s9;
	s6 =	sadd.s32 @!p0 $0x88, s6;
	s7 =	simm.s32 @p2 $0x1082  }
0x22: {  	[simem:s7], [sflag:s8] =	dma.local @!p0 [hbm:s6], $0xF7A  }
0x23: {  	s9 =	sor.u32 $0xD0000000, s2;
	s6 =	simm.s32 $0x108;
	_ =	swait.ge @!p0 [sflag:s8], $0x0  }
0x24: {  	s3 =	sadd.s32 $0x88, s3;
	s6 =	simm.s32 @!p1 $0x1082;
	[sflag:s4] =	ssyncset.s32 $0xFFFFF086  }
0x25: {  	[simem:s6], [sflag:s4] =	dma.local [hbm:s3], $0xF7A  }
0x26: {  	[smem:$0x3F96] =	sst s1;
	(tag) =	ssettag s2;
	_ =	strace s9  }
0x27: {  	s1 =	sld [smem:$0x3FA6]  }
0x28: {  	s2 =	sld [smem:$0x3FA7]  }
0x29: {  	s4 =	sld [smem:$0x3FA9]  }
0x2a: {  	p0 =	seq.s32 s5, $0x0;
	s5 =	sld [smem:$0x3FAA]  }
0x2b: {  	s6 =	sld [smem:$0x3FAB]  }
0x2c: {  	s7 =	sld [smem:$0x3FAC]  }
0x2d: {  	s3 =	simm.s32 $0x108;
	s8 =	sld [smem:$0x3FAD]  }
0x2e: {  	s3 =	simm.s32 @!p0 $0x1082;
	s9 =	sld [smem:$0x3FAE]  }
0x2f: {  	lr =	sadd.s32 s0, s3;
	s0 =	sld [smem:$0x3FA5]  }
0x30: {  	s3 =	sld [smem:$0x3FA8]  }
0x31: {  	[smem:$0x3FB1] =	sst s10  }
0x32: {  	s10 =	sld [smem:$0x3FAF];
	_ =	sdelay $0x3  }
0x33: {  	p0 =	seq.s32 s10, $0x1;
	s10 =	sld [smem:$0x3FB1];
	_ =	sdelay $0x3  }
0x34: {  	[smem:$0x3FB1] =	sst s10  }
0x35: {  	s10 =	sld [smem:$0x3FB0];
	_ =	sdelay $0x3  }
0x36: {  	p1 =	seq.s32 s10, $0x1;
	s10 =	sld [smem:$0x3FB1];
	_ =	sdelay $0x3  }
0x37: {  	[smem:$0x3FB1] =	sst s10  }
0x38: {  	s10 =	sld [smem:$0x3FB2]  }
0x39: {  	_ = 	snop;
	(pc) =	sbr.ind lr, $3  }
0x3a: {  	_ = 	snop  }
0x3b: {  	_ = 	snop  }
0x3c: {  	p2 =	seq.s32 s10, $0x1;
	s10 =	sld [smem:$0x3FB1]  }
0x3d: {  	_ =	shalt  }
0x3e: {  	_ =	shalt  }
0x3f: {  	_ =	shalt  }
0x40: {  	_ =	shalt  }
0x41: {  	_ =	shalt  }
0x42: {  	_ =	shalt  }
0x43: {  	_ =	shalt  }
0x44: {  	_ =	shalt  }
0x45: {  	_ =	shalt  }
0x46: {  	_ =	shalt  }
0x47: {  	_ =	shalt  }
0x48: {  	_ =	shalt  }
0x49: {  	_ =	shalt  }
0x4a: {  	_ =	shalt  }
0x4b: {  	_ =	shalt  }
0x4c: {  	_ =	shalt  }
0x4d: {  	_ =	shalt  }
0x4e: {  	_ =	shalt  }
0x4f: {  	_ =	shalt  }
0x50: {  	_ =	shalt  }
0x51: {  	_ =	shalt  }
0x52: {  	_ =	shalt  }
0x53: {  	_ =	shalt  }
0x54: {  	_ =	shalt  }
0x55: {  	_ =	shalt  }
0x56: {  	_ =	shalt  }
0x57: {  	_ =	shalt  }
0x58: {  	_ =	shalt  }
0x59: {  	_ =	shalt  }
0x5a: {  	_ =	shalt  }
0x5b: {  	_ =	shalt  }
0x5c: {  	_ =	shalt  }
0x5d: {  	_ =	shalt  }
0x5e: {  	_ =	shalt  }
0x5f: {  	_ =	shalt  }
0x60: {  	_ =	shalt  }
0x61: {  	_ =	shalt  }
0x62: {  	_ =	shalt  }
0x63: {  	_ =	shalt  }
0x64: {  	_ =	shalt  }
0x65: {  	_ =	shalt  }
0x66: {  	_ =	shalt  }
0x67: {  	_ =	shalt  }
0x68: {  	_ =	shalt  }
0x69: {  	_ =	shalt  }
0x6a: {  	_ =	shalt  }
0x6b: {  	_ =	shalt  }
0x6c: {  	_ =	shalt  }
0x6d: {  	_ =	shalt  }
0x6e: {  	_ =	shalt  }
0x6f: {  	_ =	shalt  }
0x70: {  	_ =	shalt  }
0x71: {  	_ =	shalt  }
0x72: {  	_ =	shalt  }
0x73: {  	_ =	shalt  }
0x74: {  	_ =	shalt  }
0x75: {  	_ =	shalt  }
0x76: {  	_ =	shalt  }
0x77: {  	_ =	shalt  }
0x78: {  	_ =	shalt  }
0x79: {  	_ =	shalt  }
0x7a: {  	_ =	shalt  }
0x7b: {  	_ =	shalt  }
0x7c: {  	_ =	shalt  }
0x7d: {  	_ =	shalt  }
0x7e: {  	_ =	shalt  }
0x7f: {  	_ =	shalt  }
0x80: {  	_ =	shalt  }
0x81: {  	_ =	shalt  }
0x82: {  	_ =	shalt  }
0x83: {  	_ =	shalt  }
0x84: {  	_ =	shalt  }
0x85: {  	_ =	shalt  }
0x86: {  	_ =	shalt  }
0x87: {  	_ =	shalt  }
.Lfunc_end0:
.L_simem_size_0:
called_computation.2_lowered:
.L_overlay_start_0:
0x88: {  	s2 =	sld [smem:$0x3FD9]  }
0x89: {  	s3 =	sld [smem:$0x3FFE];
	_ =	sdelay $0x1  }
0x8a: {  	s1 =	srdreg.scid  }
0x8b: {  	s0 =	sand.u32 $0x1, s1  }
0x8c: {  	s16 =	sshll.u32 s0, $0xA;
	s2 =	sadd.s32 s3, s2  }
0x8d: {  	s2 =	sadd.s32 s2, s16  }
0x8e: {  	[smem:$0x3FBD] =	sst s2  }
0x8f: {  	_ = 	snop  }
0x90: {  	(tm) =	ssettm $0x1  }
0x91: {  	s17 =	sld [smem:$0x3FFB];
	_ =	sdelay $0x3  }
0x92: {  	_ =	strace s17  }
0x93: {  	s2 =	sld [smem:$0x3FFC];
	_ =	sdelay $0x3  }
0x94: {  	_ =	strace s2  }
0x95: {  	s2 =	sld [smem:$0x3FFD];
	_ =	sdelay $0x3  }
0x96: {  	_ =	strace s2  }
0x97: {  	_ =	strace $0x8FFFFFFF  }
0x98: {  	s18 =	sld [smem:$0x3FDB];
	_ =	sdelay $0x1  }
0x99: {  	s19 =	simm.s32 $_scs_section_size  }
0x9a: {  	s4 =	simm.s32 $_size__tile_overlayer_lowered;
	s5 =	simm.s32 $_tile_overlayer_lowered  }
0x9b: {  	s22 =	simm.s32 $0x1BFF;
	s21 =	sshll.u32 s5, $0x1;
	s2 =	sadd.s32 s19, s18  }
0x9c: {  	s6 =	simm.s32 $0x0;
	s20 =	sshll.u32 s4, $0x1;
	s4 =	sadd.s32 s21, s2  }
0x9d: {  	[timem:s6], [sflag:s22] =	dma.local [hbm:s4], s20  }
0x9e: {  	_ =	swait.ge [sflag:s22], s20  }
0x9f: {  	s3 =	ssub.s32 $0x0, s20;
	[sflag:s22] =	ssyncset.done $0x0  }
0xa0: {  	[sflag:s22] =	ssyncadd.s32 s3;
	_ =	sdelay $0x1  }
0xa1: {  	s23 =	simm.s32 $0x1B8B  }
0xa2: {  	_ =	swait.ge [sflag:s23], $0x1  }
0xa3: {  	[sflag:s23] =	ssyncset.done $0x0  }
0xa4: {  	s25 =	simm.s32 $0x1B8E;
	s24 =	sld [smem:$0x3FFE];
	[sflag:s23] =	ssyncadd.s32 $0xFFFFFFFF  }
0xa5: {  	s26 =	simm.s32 $execute0_lowered;
	[smem:$0x3FD2] =	sst s25  }
0xa6: {  	s4 =	sshll.u32 s26, $0x1;
	_ =	strace $0x8000004C;
	[dreg:$0x1] =	wrdreg $0xFFFFFFFF  }
0xa7: {  	s28 =	simm.s32 $_size_execute0_lowered;
	s2 =	sadd.s32 s2, s4;
	[dreg:$0x0] =	wrdreg $0x0  }
0xa8: {  	s4 =	sshll.u32 s28, $0x1;
	[dreg:$0x2] =	wrdreg s2  }
0xa9: {  	[dreg:$0x3] =	wrdreg s4  }
0xaa: {  	[dreg:$0x4] =	wrdreg $0xC0  }
0xab: {  	_ =	task [dreg:s6], $0x5FFFF  }
0xac: {  	[dreg:$0x1] =	wrdreg $0xFFFFFFFF  }
0xad: {  	[dreg:$0x0] =	wrdreg $0x60  }
0xae: {  	[dreg:$0x2] =	wrdreg s24  }
0xaf: {  	[dreg:$0x3] =	wrdreg $0xBE000  }
0xb0: {  	[dreg:$0x4] =	wrdreg $0x9  }
0xb1: {  	_ =	task.clear_ibuf [dreg:s6], $0x5FFFF;
	_ =	strace $0x9000004C  }
0xb2: {  	s29 =	simm.s32 $0x9;
	_ =	strace $0x8000004E  }
0xb3: {  	_ =	swait.ge [sflag:s29], $0x1  }
0xb4: {  	[sflag:s29] =	ssyncadd.s32 $0xFFFFFFFF  }
0xb5: {  	_ =	strace $0x9000004E  }
0xb6: {  	_ =	sfence  }
0xb7: {  	s30 =	sld [smem:$0x0];
	_ =	sdelay $0x2  }
0xb8: {  	s31 =	sshll.u32 s1, $0xD;
	s1 =	sshrl.u32 s1, $0x2  }
0xb9: {  	s3 =	sand.u32 $0x4000, s31;
	s1 =	sadd.s32 s1, s30  }
0xba: {  	s0 =	sor.u32 s3, s0;
	s1 =	sshll.u32 s1, $0x11  }
0xbb: {  	s0 =	sor.u32 s1, s0  }
0xbc: {  	s0 =	sadd.s32 $0x8F2B, s0  }
0xbd: {  	[sflag:s0] =	ssyncadd.remote.s32 $0x1  }
0xbe: {  	_ =	sfence.sel $0xFFFF  }
0xbf: {  	[dreg:$0x0] =	wrdreg $0xFFFFFFFF;
	(pc) =	sbr.abs _section_cstart, $3  }
0xc0: {  	[dreg:$0x1] =	wrdreg $0xFFFFFFFF  }
0xc1: {  	_ =	task.clear_ibuf [dreg:s6], $0x2FFFF;
	_ =	strace $0x9FFFFFFF  }
0xc2: {  	(tm) =	ssettm $0x7FFFFFFF  }
0xc3: {  	_ =	shalt  }
tec
execute0_lowered:
.L_overlay_start_1:
0x0: {  	(tag) =	ssettag $0x1  }
0x1: {  	s0 =	rddreg [dreg:$0x0]  }
0x2: {  	s2 =	rddreg [dreg:$0x1]  }
0x3: {  	s4 =	simm.s32 $0x0;
	s3 =	stileid.u32;
	s1 =	srdreg.scid  }
0x4: {  	s16 =	simm.s32 $0x7;
	s17 =	simm.s32 $0x78;
	s18 =	simm.s32 $0xA00  }
0x5: {  	s19 =	simm.s32 $0x80;
	s20 =	simm.s32 $0x4600;
	s28 =	simm.s32 $0x6  }
0x6: {  	s29 =	simm.s32 $0x0;
	[smem:$0x7FF] =	sst s4;
	s5 =	smul.u32 $0x13C00, s3  }
0x7: {  	s1 =	sand.u32 $0x1, s1;
	s4 =	sadd.s32 $0x2EC00, s0;
	s10 =	sadd.s32 $0x22AA00, s0  }
0x8: {  	s11 =	sadd.s32 $0x7400, s0;
	s8 =	smul.u32 $0x4F000, s3;
	s9 =	sshll.u32 s3, $0x1  }
0x9: {  	s25 =	sshll.u32 s3, $0x6;
	s14 =	smul.u32 $0xE00, s3;
	_ =	strace $0x8000004D  }
0xa: {  	s6 =	smul.u32 $0x13C000, s1;
	s21 =	ssub.s32 $0x2, s1;
	s24 =	sor.u32 s1, s9  }
0xb: {  	s1 =	smul.u32 $0x700, s1;
	s7 =	sshrl.u32 s5, $0x3;
	s22 =	sshrl.u32 s21, $0x1  }
0xc: {  	s23 =	sshrl.u32 s8, $0x2;
	s9 =	smul.u32 $0x700, s24;
	s31 =	sadd.s32 s14, s10  }
0xd: {  	s24 =	simm.s32 $0x3;
	s7 =	sadd.s32 s7, s0;
	s5 =	sadd.s32 s5, s6  }
0xe: {  	s12 =	ssub.s32 s21, s22;
	s13 =	sadd.s32 s23, s2;
	s6 =	sor.u32 $0x1C08, s25  }
0xf: {  	s21 =	simm.s32 $0x8200;
	s22 =	simm.s32 $0x1;
	s23 =	simm.s32 $0x2  }
0x10: {  	s25 =	simm.s32 $0x4;
	s5 =	sshrl.u32 s5, $0x3;
	s26 =	sadd.s32 $0x238A00, s7  }
0x11: {  	s30 =	sadd.s32 s10, s9;
	s8 =	sadd.s32 s11, s9;
	s11 =	sadd.s32 s14, s11  }
0x12: {  	s10 =	smax.u32 s12, $0x1;
	s13 =	sshrl.u32 s13, $0x3;
	[dreg:$0x3] =	wrdreg s26  }
0x13: {  	s14 =	simm.s32 $0x8;
	s0 =	sadd.s32 s5, s0;
	[dreg:$0x4] =	wrdreg s30  }
0x14: {  	s9 =	sadd.s32 $0x260200, s0;
	s0 =	sadd.s32 s1, s31;
	s1 =	sadd.s32 s1, s11  }
0x15: {  	s26 =	simm.s32 $0x5;
	s11 =	sadd.s32 $0x40, s0;
	s12 =	sadd.s32 $0x40, s1  }
.LBB2_1:
0x16: {  	s0 =	rddreg [dreg:$0x3]  }
0x17: {  	[spmem:s13], [sflag:s6] =	dma.local [hbm:s0], $0x2780  }
0x18: {  	_ =	swait.ge [sflag:s14], $0x2780  }
0x19: {  	[sflag:s14] =	ssyncset.done $0x0  }
0x1a: {  	s7 =	simm.s32 $0x0;
	s1 =	rddreg [dreg:$0x4];
	[sflag:s14] =	ssyncadd.s32 $0xFFFFD880  }
0x1b: {  	[tilespmem:s7], [sflag:$0x7] =	stream.linear.gather [hbm4b:s1+s7], $0x180, $0x38;
	[tilespmem:$0x1FA00] =	vst v63  }
0x1c: {  	s15 =	simm.s32 $0x400;
	s30 =	smov.u32 s12  }
0x1d: {  	[tilespmem:s15], [sflag:$0x7] =	stream.linear.gather [hbm4b:s8+s7], $0x180, $0x38;
	[tilespmem:$0x1FA00] =	vst v63  }
0x1e: {  	s31 =	smov.u32 s11;
	s0 =	simm.s32 $0x0;
	[bflag:$0x0] =	sbarrier.arrive $0xFFFF  }
.LBB2_2:
0x1f: {  	_ =	swait.ge [sflag:s16], $0x180;
	s1 =	sadd.s32 $0x1, s0;
	p0 =	seq.s32 s0, $0x1B  }
0x20: {  	[sflag:s16] =	ssyncset.done $0x0;
	s3 =	smul.u32 @!p0 $0xAB, s1  }
0x21: {  	s15 =	sand.u32 $0x1, s0;
	[sflag:s16] =	ssyncadd.s32 $0xFFFFFE80  }
0x22: {  	s5 =	sshll.u32 @!p0 s15, $0x9;
	_ =	swait.ge [sflag:s16], $0x180;
	s3 =	sshrl.u32 @!p0 s3, $0x9  }
0x23: {  	s7 =	simm.s32 @!p0 $0x0;
	[sflag:s16] =	ssyncset.done $0x0;
	s3 =	sand.u32 @!p0 $0x7F, s3  }
0x24: {  	s5 =	sxor.u32 @!p0 $0x200, s5;
	[sflag:s16] =	ssyncadd.s32 $0xFFFFFE80;
	s3 =	smul.u32 @!p0 $0x3, s3  }
0x25: {  	[tilespmem:s5], [sflag:$0x7] =	stream.linear.gather @!p0 [hbm4b:s31+s7], $0x180, $0x38;
	[tilespmem:$0x1FA00] =	vst v63  }
0x26: {  	s3 =	ssub.s32 @!p0 s1, s3  }
0x27: {  	s3 =	sand.u32 @!p0 $0xFF, s3  }
0x28: {  	s3 =	sshll.u32 @!p0 s3, $0x9  }
0x29: {  	p1 =	sne.s32 @!p0 s0, $0x0;
	s3 =	sadd.s32 @!p0 $0x400, s3  }
0x2a: {  	[tilespmem:s3], [sflag:$0x7] =	stream.linear.gather @!p0 [hbm4b:s30+s7], $0x180, $0x38;
	[tilespmem:$0x1FA00] =	vst v63  }
0x2b: {  	p0 =	por p0, p1  }
0x2c: {  	s15 =	simm.s32 @!p0 $0x0  }
0x2d: {  	[tilespmem:s18], [sflag:$0x1] =	stream.indirect.gather @!p0 [hbm4b:s4+s17], $0x80, s15, s17, $0xb8;
	[tilespmem:$0x1FA00] =	vst v63  }
0x2e: {  	_ = 	snop  }
0x2f: {  	[tilespmem:s20], [sflag:$0x2] =	stream.indirect.gather @!p0 [hbm4b:s4+s17], $0x80, s19, s17, $0xb8;
	[tilespmem:$0x1FA00] =	vst v63  }
0x30: {  	_ =	swait.ge @p0 [sflag:s25], $0x3C00  }
0x31: {  	[sflag:s25] =	ssyncset.done @p0 $0x0  }
0x32: {  	s15 =	sshll.u32 @p0 s15, $0x9;
	[sflag:s25] =	ssyncadd.s32 @p0 $0xFFFFC400  }
0x33: {  	[tilespmem:s18], [sflag:$0x1] =	stream.indirect.gather @p0 [hbm4b:s4+s17], $0x80, s15, s17, $0xb8;
	[tilespmem:$0x1FA00] =	vst v63  }
0x34: {  	_ =	swait.ge @p0 [sflag:s26], $0x3C00  }
0x35: {  	[sflag:s26] =	ssyncset.done @p0 $0x0  }
0x36: {  	s5 =	smul.u32 $0xAB, s0;
	s3 =	sor.u32 @p0 $0x80, s15;
	[sflag:s26] =	ssyncadd.s32 @p0 $0xFFFFC400  }
0x37: {  	[tilespmem:s20], [sflag:$0x2] =	stream.indirect.gather @p0 [hbm4b:s4+s17], $0x80, s3, s17, $0xb8;
	[tilespmem:$0x1FA00] =	vst v63  }
0x38: {  	s3 =	sshrl.u32 s5, $0x9  }
0x39: {  	s3 =	sand.u32 $0x7F, s3  }
0x3a: {  	_ =	swait.ge @p0 [sflag:s28], $0x3C00;
	s3 =	smul.u32 $0x3, s3  }
0x3b: {  	[sflag:s28] =	ssyncset.done @p0 $0x0  }
0x3c: {  	s5 =	sadd.s32 $0x100, s15;
	[sflag:s28] =	ssyncadd.s32 @p0 $0xFFFFC400;
	s7 =	ssub.s32 s0, s3  }
0x3d: {  	[tilespmem:s21], [sflag:$0x3] =	stream.indirect.gather [hbm4b:s4+s17], $0x80, s5, s17, $0xb8;
	[tilespmem:$0x1FA00] =	vst v63  }
0x3e: {  	s0 =	sand.u32 $0xFF, s7;
	_ =	swait.ge [sflag:s22], $0x3C00  }
0x3f: {  	[sflag:s22] =	ssyncset.done $0x0;
	s0 =	sshll.u32 s0, $0x9  }
0x40: {  	[sflag:s22] =	ssyncadd.s32 $0xFFFFC400;
	s7 =	sadd.s32 $0x400, s0  }
0x41: {  	[spmem:s2] =	stream.indirect.scatter.add.f32 [tilespmem:s18], [sflag:$0x4], $0x80, s7, s17, $0xb8;
	[tilespmem:$0x1FA00] =	vst v63  }
0x42: {  	_ =	swait.ge [sflag:s23], $0x3C00  }
0x43: {  	[sflag:s23] =	ssyncset.done $0x0  }
0x44: {  	p0 =	sne.s32 s1, $0x1C;
	s15 =	sadd.s32 $0x480, s0;
	[sflag:s23] =	ssyncadd.s32 $0xFFFFC400  }
0x45: {  	[spmem:s2] =	stream.indirect.scatter.add.f32 [tilespmem:s20], [sflag:$0x5], $0x80, s15, s17, $0xb8;
	[tilespmem:$0x1FA00] =	vst v63  }
.Ltmp0:
0x46: {  	_ =	swait.ge [sflag:s24], $0x3C00;
	(pc) =	sbr.rel @p0 .LBB2_2-.Ltmp0, $4  }
0x47: {  	[sflag:s24] =	ssyncset.done $0x0  }
0x48: {  	s0 =	sadd.s32 $0x500, s0;
	[sflag:s24] =	ssyncadd.s32 $0xFFFFC400  }
0x49: {  	[spmem:s2] =	stream.indirect.scatter.add.f32 [tilespmem:s21], [sflag:$0x6], $0x80, s0, s17, $0xb8;
	[tilespmem:$0x1FA00] =	vst v63  }
0x4a: {  	s31 =	sadd.s32 $0x40, s31;
	s30 =	sadd.s32 $0x40, s30;
	s0 =	smov.u32 s1  }
0x4b: {  	_ =	swait.ge [sflag:s25], $0x3C00  }
0x4c: {  	[sflag:s25] =	ssyncset.done $0x0  }
0x4d: {  	[sflag:s25] =	ssyncadd.s32 $0xFFFFC400  }
0x4e: {  	_ =	swait.ge [sflag:s26], $0x3C00  }
0x4f: {  	[sflag:s26] =	ssyncset.done $0x0  }
0x50: {  	[sflag:s26] =	ssyncadd.s32 $0xFFFFC400  }
0x51: {  	_ =	swait.ge [sflag:s28], $0x3C00  }
0x52: {  	s29 =	sadd.s32 $0x1, s29;
	[sflag:s28] =	ssyncset.done $0x0  }
0x53: {  	p0 =	sne.s32 s29, s10;
	[sflag:s28] =	ssyncadd.s32 $0xFFFFC400  }
.Ltmp1:
0x54: {  	[bflag:$0x0] =	sbarrier.arrive $0xFFFF;
	(pc) =	sbr.rel @p0 .LBB2_1-.Ltmp1, $4  }
0x55: {  	[hbm:s9], [sflag:s6] =	dma.local [spmem:s13], $0x2780  }
0x56: {  	_ =	swait.ge [sflag:s14], $0x2780  }
0x57: {  	[sflag:s14] =	ssyncset.done $0x0  }
0x58: {  	[sflag:s14] =	ssyncadd.s32 $0xFFFFD880  }
0x59: {  	_ =	sfence.sel $0x180000  }
0x5a: {  	[bflag:$0x0] =	sbarrier.arrive $0xFFFF  }
0x5b: {  	_ =	strace $0x9000004D  }
0x5c: {  	s0 =	stileid.u32;
	[bflag:$0x2] =	sbarrier.arrive $0xFFFF  }
0x5d: {  	p0 =	sne.s32 s0, $0x0;
	s0 =	rddreg [dreg:$0x2]  }
0x5e: {  	s0 =	sadd.s32 @!p0 $0x100000, s0  }
0x5f: {  	[sflag:s0] =	ssyncadd.tile.s32 @!p0 $0x1;
	_ =	shalt  }
.Lfunc_end2:
_tile_overlayer_lowered:
.L_overlay_start_2:
0x60: {  	(tag) =	ssettag $0x2  }
0x61: {  	s0 =	rddreg [dreg:$0x0];
	s2 =	stileid.u32  }
0x62: {  	s1 =	rddreg [dreg:$0x1];
	p0 =	sne.s32 s2, $0x0  }
0x63: {  	s3 =	rddreg [dreg:$0x2];
	[bflag:$0x3] =	sbarrier.arrive $0xFFFF;
	s2 =	simm.s32 @!p0 $0x1C08  }
0x64: {  	[timem:s3], [sflag:s2] =	dma.local @!p0 [hbm:s0], s1  }
0x65: {  	s0 =	simm.s32 @!p0 $0x8  }
0x66: {  	_ =	swait.ge @!p0 [sflag:s0], s1  }
0x67: {  	s1 =	ssub.s32 @!p0 $0x0, s1;
	[sflag:s0] =	ssyncset.done @!p0 $0x0  }
0x68: {  	[sflag:s0] =	ssyncadd.s32 @!p0 s1  }
0x69: {  	[bflag:$0x3] =	sbarrier.arrive $0xFFFF  }
0x6a: {  	_ =	shalt  }

// kernel: kernel.18.cloned.1.call-start
scs
__scs_entry_jumppad:
0x0: {  	(pc) =	sbr.rel $0x88, $3  }
0x1: {  	(tag) =	ssettag $0x0;
	lr =	simm.s32 $0x1  }
0x2: {  	[smem:$0x3F96] =	sst lr;
	_ =	strace $0xD0000000  }
0x3: {  	_ = 	snop  }
0x4: {  	_ = 	snop  }
0x5: {  	_ = 	snop  }
0x6: {  	_ = 	snop  }
0x7: {  	_ = 	snop  }
__scs_overlays_trampoline_lowered:
0x8: {  	[smem:$0x3FA5] =	sst s0  }
0x9: {  	[smem:$0x3FA6] =	sst s1  }
0xa: {  	[smem:$0x3FA7] =	sst s2  }
0xb: {  	[smem:$0x3FA8] =	sst s3  }
0xc: {  	[smem:$0x3FA9] =	sst s4  }
0xd: {  	[smem:$0x3FAA] =	sst s5  }
0xe: {  	[smem:$0x3FAB] =	sst s6  }
0xf: {  	[smem:$0x3FAC] =	sst s7  }
0x10: {  	[smem:$0x3FAD] =	sst s8  }
0x11: {  	[smem:$0x3FAE] =	sst s9;
	s0 =	simm.s32 @!p0 $0x0  }
0x12: {  	s1 =	sld [smem:$0x3F94];
	s0 =	simm.s32 @p0 $0x1  }
0x13: {  	[smem:$0x3FAF] =	sst s0;
	s0 =	simm.s32 @!p1 $0x0  }
0x14: {  	s2 =	sld [smem:$0x3F93];
	s0 =	simm.s32 @p1 $0x1  }
0x15: {  	[smem:$0x3FB0] =	sst s0;
	s0 =	simm.s32 @!p2 $0x0  }
0x16: {  	s3 =	sld [smem:$0x3FDB];
	s0 =	simm.s32 @p2 $0x1  }
0x17: {  	s4 =	simm.s32 $0x1BF5;
	[smem:$0x3FB2] =	sst s0  }
0x18: {  	s0 =	sld [smem:$0x3F95];
	_ =	swait.ge [sflag:s4], $0x0  }
0x19: {  	s7 =	sld [smem:$0x3F96]  }
0x1a: {  	s8 =	sadd.s32 $0xFFFFE003, lr  }
0x1b: {  	s9 =	sadd.s32 $0xFFFFFEF7, lr;
	s5 =	simm.s32 $0xFFFFFFFF;
	p2 =	slt.u32 s8, $0xFFFFF086  }
0x1c: {  	p1 =	slt.u32 s9, $0xF7A;
	s5 =	simm.s32 @!p2 $0x0  }
0x1d: {  	s5 =	simm.s32 @p1 $0x1;
	p0 =	seq.s32 s7, s2  }
0x1e: {  	s7 =	smul.u32 @!p0 $0xF7A, s2;
	p2 =	seq.s32 @!p0 s5, $0x0  }
0x1f: {  	s9 =	smul.u32 $0xF7A, s1;
	s8 =	simm.s32 @!p0 $0x1BF5;
	p2 =	por !p2, p0  }
0x20: {  	[sflag:s8] =	ssyncset.s32 @!p0 $0xFFFFF086;
	s6 =	sadd.s32 @!p0 s3, s7;
	s7 =	simm.s32 @!p0 $0x108  }
0x21: {  	s3 =	sadd.s32 s3, s9;
	s6 =	sadd.s32 @!p0 $0x88, s6;
	s7 =	simm.s32 @p2 $0x1082  }
0x22: {  	[simem:s7], [sflag:s8] =	dma.local @!p0 [hbm:s6], $0xF7A  }
0x23: {  	s9 =	sor.u32 $0xD0000000, s2;
	s6 =	simm.s32 $0x108;
	_ =	swait.ge @!p0 [sflag:s8], $0x0  }
0x24: {  	s3 =	sadd.s32 $0x88, s3;
	s6 =	simm.s32 @!p1 $0x1082;
	[sflag:s4] =	ssyncset.s32 $0xFFFFF086  }
0x25: {  	[simem:s6], [sflag:s4] =	dma.local [hbm:s3], $0xF7A  }
0x26: {  	[smem:$0x3F96] =	sst s1;
	(tag) =	ssettag s2;
	_ =	strace s9  }
0x27: {  	s1 =	sld [smem:$0x3FA6]  }
0x28: {  	s2 =	sld [smem:$0x3FA7]  }
0x29: {  	s4 =	sld [smem:$0x3FA9]  }
0x2a: {  	p0 =	seq.s32 s5, $0x0;
	s5 =	sld [smem:$0x3FAA]  }
0x2b: {  	s6 =	sld [smem:$0x3FAB]  }
0x2c: {  	s7 =	sld [smem:$0x3FAC]  }
0x2d: {  	s3 =	simm.s32 $0x108;
	s8 =	sld [smem:$0x3FAD]  }
0x2e: {  	s3 =	simm.s32 @!p0 $0x1082;
	s9 =	sld [smem:$0x3FAE]  }
0x2f: {  	lr =	sadd.s32 s0, s3;
	s0 =	sld [smem:$0x3FA5]  }
0x30: {  	s3 =	sld [smem:$0x3FA8]  }
0x31: {  	[smem:$0x3FB1] =	sst s10  }
0x32: {  	s10 =	sld [smem:$0x3FAF];
	_ =	sdelay $0x3  }
0x33: {  	p0 =	seq.s32 s10, $0x1;
	s10 =	sld [smem:$0x3FB1];
	_ =	sdelay $0x3  }
0x34: {  	[smem:$0x3FB1] =	sst s10  }
0x35: {  	s10 =	sld [smem:$0x3FB0];
	_ =	sdelay $0x3  }
0x36: {  	p1 =	seq.s32 s10, $0x1;
	s10 =	sld [smem:$0x3FB1];
	_ =	sdelay $0x3  }
0x37: {  	[smem:$0x3FB1] =	sst s10  }
0x38: {  	s10 =	sld [smem:$0x3FB2]  }
0x39: {  	_ = 	snop;
	(pc) =	sbr.ind lr, $3  }
0x3a: {  	_ = 	snop  }
0x3b: {  	_ = 	snop  }
0x3c: {  	p2 =	seq.s32 s10, $0x1;
	s10 =	sld [smem:$0x3FB1]  }
0x3d: {  	_ =	shalt  }
0x3e: {  	_ =	shalt  }
0x3f: {  	_ =	shalt  }
0x40: {  	_ =	shalt  }
0x41: {  	_ =	shalt  }
0x42: {  	_ =	shalt  }
0x43: {  	_ =	shalt  }
0x44: {  	_ =	shalt  }
0x45: {  	_ =	shalt  }
0x46: {  	_ =	shalt  }
0x47: {  	_ =	shalt  }
0x48: {  	_ =	shalt  }
0x49: {  	_ =	shalt  }
0x4a: {  	_ =	shalt  }
0x4b: {  	_ =	shalt  }
0x4c: {  	_ =	shalt  }
0x4d: {  	_ =	shalt  }
0x4e: {  	_ =	shalt  }
0x4f: {  	_ =	shalt  }
0x50: {  	_ =	shalt  }
0x51: {  	_ =	shalt  }
0x52: {  	_ =	shalt  }
0x53: {  	_ =	shalt  }
0x54: {  	_ =	shalt  }
0x55: {  	_ =	shalt  }
0x56: {  	_ =	shalt  }
0x57: {  	_ =	shalt  }
0x58: {  	_ =	shalt  }
0x59: {  	_ =	shalt  }
0x5a: {  	_ =	shalt  }
0x5b: {  	_ =	shalt  }
0x5c: {  	_ =	shalt  }
0x5d: {  	_ =	shalt  }
0x5e: {  	_ =	shalt  }
0x5f: {  	_ =	shalt  }
0x60: {  	_ =	shalt  }
0x61: {  	_ =	shalt  }
0x62: {  	_ =	shalt  }
0x63: {  	_ =	shalt  }
0x64: {  	_ =	shalt  }
0x65: {  	_ =	shalt  }
0x66: {  	_ =	shalt  }
0x67: {  	_ =	shalt  }
0x68: {  	_ =	shalt  }
0x69: {  	_ =	shalt  }
0x6a: {  	_ =	shalt  }
0x6b: {  	_ =	shalt  }
0x6c: {  	_ =	shalt  }
0x6d: {  	_ =	shalt  }
0x6e: {  	_ =	shalt  }
0x6f: {  	_ =	shalt  }
0x70: {  	_ =	shalt  }
0x71: {  	_ =	shalt  }
0x72: {  	_ =	shalt  }
0x73: {  	_ =	shalt  }
0x74: {  	_ =	shalt  }
0x75: {  	_ =	shalt  }
0x76: {  	_ =	shalt  }
0x77: {  	_ =	shalt  }
0x78: {  	_ =	shalt  }
0x79: {  	_ =	shalt  }
0x7a: {  	_ =	shalt  }
0x7b: {  	_ =	shalt  }
0x7c: {  	_ =	shalt  }
0x7d: {  	_ =	shalt  }
0x7e: {  	_ =	shalt  }
0x7f: {  	_ =	shalt  }
0x80: {  	_ =	shalt  }
0x81: {  	_ =	shalt  }
0x82: {  	_ =	shalt  }
0x83: {  	_ =	shalt  }
0x84: {  	_ =	shalt  }
0x85: {  	_ =	shalt  }
0x86: {  	_ =	shalt  }
0x87: {  	_ =	shalt  }
.Lfunc_end0:
.L_simem_size_0:
called_computation.3_lowered:
.L_overlay_start_0:
0x88: {  	s2 =	sld [smem:$0x3FD9]  }
0x89: {  	s3 =	sld [smem:$0x3FFE];
	_ =	sdelay $0x1  }
0x8a: {  	s1 =	srdreg.scid  }
0x8b: {  	s0 =	sand.u32 $0x1, s1  }
0x8c: {  	s16 =	sshll.u32 s0, $0xA;
	s2 =	sadd.s32 s3, s2  }
0x8d: {  	s2 =	sadd.s32 s2, s16  }
0x8e: {  	[smem:$0x3FBD] =	sst s2  }
0x8f: {  	_ = 	snop  }
0x90: {  	(tm) =	ssettm $0x1  }
0x91: {  	s17 =	sld [smem:$0x3FFB];
	_ =	sdelay $0x3  }
0x92: {  	_ =	strace s17  }
0x93: {  	s2 =	sld [smem:$0x3FFC];
	_ =	sdelay $0x3  }
0x94: {  	_ =	strace s2  }
0x95: {  	s2 =	sld [smem:$0x3FFD];
	_ =	sdelay $0x3  }
0x96: {  	_ =	strace s2  }
0x97: {  	_ =	strace $0x8FFFFFFF  }
0x98: {  	s18 =	sld [smem:$0x3FDB];
	_ =	sdelay $0x1  }
0x99: {  	s19 =	simm.s32 $_scs_section_size  }
0x9a: {  	s4 =	simm.s32 $_size__tile_overlayer_lowered;
	s5 =	simm.s32 $_tile_overlayer_lowered  }
0x9b: {  	s22 =	simm.s32 $0x1BFF;
	s21 =	sshll.u32 s5, $0x1;
	s2 =	sadd.s32 s19, s18  }
0x9c: {  	s6 =	simm.s32 $0x0;
	s20 =	sshll.u32 s4, $0x1;
	s4 =	sadd.s32 s21, s2  }
0x9d: {  	[timem:s6], [sflag:s22] =	dma.local [hbm:s4], s20  }
0x9e: {  	_ =	swait.ge [sflag:s22], s20  }
0x9f: {  	s3 =	ssub.s32 $0x0, s20;
	[sflag:s22] =	ssyncset.done $0x0  }
0xa0: {  	[sflag:s22] =	ssyncadd.s32 s3;
	_ =	sdelay $0x1  }
0xa1: {  	s23 =	simm.s32 $0x1B8B  }
0xa2: {  	_ =	swait.ge [sflag:s23], $0x1  }
0xa3: {  	[sflag:s23] =	ssyncset.done $0x0  }
0xa4: {  	s25 =	simm.s32 $0x1B8E;
	s24 =	sld [smem:$0x3FFE];
	[sflag:s23] =	ssyncadd.s32 $0xFFFFFFFF  }
0xa5: {  	s26 =	simm.s32 $execute0_lowered;
	[smem:$0x3FD2] =	sst s25  }
0xa6: {  	s4 =	sshll.u32 s26, $0x1;
	_ =	strace $0x8000004F;
	[dreg:$0x1] =	wrdreg $0xFFFFFFFF  }
0xa7: {  	s28 =	simm.s32 $_size_execute0_lowered;
	s2 =	sadd.s32 s2, s4;
	[dreg:$0x0] =	wrdreg $0x0  }
0xa8: {  	s4 =	sshll.u32 s28, $0x1;
	[dreg:$0x2] =	wrdreg s2  }
0xa9: {  	[dreg:$0x3] =	wrdreg s4  }
0xaa: {  	[dreg:$0x4] =	wrdreg $0xC0  }
0xab: {  	_ =	task [dreg:s6], $0x5FFFF  }
0xac: {  	[dreg:$0x1] =	wrdreg $0xFFFFFFFF  }
0xad: {  	[dreg:$0x0] =	wrdreg $0x60  }
0xae: {  	[dreg:$0x2] =	wrdreg s24  }
0xaf: {  	[dreg:$0x3] =	wrdreg $0xBE000  }
0xb0: {  	[dreg:$0x4] =	wrdreg $0x9  }
0xb1: {  	_ =	task.clear_ibuf [dreg:s6], $0x5FFFF;
	_ =	strace $0x9000004F  }
0xb2: {  	s29 =	simm.s32 $0x9;
	_ =	strace $0x80000051  }
0xb3: {  	_ =	swait.ge [sflag:s29], $0x1  }
0xb4: {  	[sflag:s29] =	ssyncadd.s32 $0xFFFFFFFF  }
0xb5: {  	_ =	strace $0x90000051  }
0xb6: {  	_ =	sfence  }
0xb7: {  	s30 =	sld [smem:$0x0];
	_ =	sdelay $0x2  }
0xb8: {  	s31 =	sshll.u32 s1, $0xD;
	s1 =	sshrl.u32 s1, $0x2  }
0xb9: {  	s3 =	sand.u32 $0x4000, s31;
	s1 =	sadd.s32 s1, s30  }
0xba: {  	s0 =	sor.u32 s3, s0;
	s1 =	sshll.u32 s1, $0x11  }
0xbb: {  	s0 =	sor.u32 s1, s0  }
0xbc: {  	s0 =	sadd.s32 $0x8F2B, s0  }
0xbd: {  	[sflag:s0] =	ssyncadd.remote.s32 $0x1  }
0xbe: {  	_ =	sfence.sel $0xFFFF  }
0xbf: {  	[dreg:$0x0] =	wrdreg $0xFFFFFFFF;
	(pc) =	sbr.abs _section_cstart, $3  }
0xc0: {  	[dreg:$0x1] =	wrdreg $0xFFFFFFFF  }
0xc1: {  	_ =	task.clear_ibuf [dreg:s6], $0x2FFFF;
	_ =	strace $0x9FFFFFFF  }
0xc2: {  	(tm) =	ssettm $0x7FFFFFFF  }
0xc3: {  	_ =	shalt  }
tec
execute0_lowered:
.L_overlay_start_1:
0x0: {  	(tag) =	ssettag $0x1  }
0x1: {  	s0 =	rddreg [dreg:$0x0]  }
0x2: {  	s2 =	rddreg [dreg:$0x1]  }
0x3: {  	s4 =	simm.s32 $0x0;
	s3 =	stileid.u32;
	s1 =	srdreg.scid  }
0x4: {  	s16 =	simm.s32 $0x7;
	s17 =	simm.s32 $0x78;
	s18 =	simm.s32 $0xA00  }
0x5: {  	s19 =	simm.s32 $0x80;
	s20 =	simm.s32 $0x4600;
	s28 =	simm.s32 $0x6  }
0x6: {  	s29 =	simm.s32 $0x0;
	[smem:$0x7FF] =	sst s4;
	s5 =	smul.u32 $0x13C00, s3  }
0x7: {  	s1 =	sand.u32 $0x1, s1;
	s4 =	sadd.s32 $0x15400, s0;
	s10 =	sadd.s32 $0x22AA00, s0  }
0x8: {  	s11 =	sadd.s32 $0x7400, s0;
	s8 =	smul.u32 $0x4F000, s3;
	s9 =	sshll.u32 s3, $0x1  }
0x9: {  	s25 =	sshll.u32 s3, $0x6;
	s14 =	smul.u32 $0xE00, s3;
	_ =	strace $0x80000050  }
0xa: {  	s6 =	smul.u32 $0x13C000, s1;
	s21 =	ssub.s32 $0x2, s1;
	s24 =	sor.u32 s1, s9  }
0xb: {  	s1 =	smul.u32 $0x700, s1;
	s7 =	sshrl.u32 s5, $0x3;
	s22 =	sshrl.u32 s21, $0x1  }
0xc: {  	s23 =	sshrl.u32 s8, $0x2;
	s9 =	smul.u32 $0x700, s24;
	s31 =	sadd.s32 s14, s10  }
0xd: {  	s24 =	simm.s32 $0x3;
	s7 =	sadd.s32 s7, s0;
	s5 =	sadd.s32 s5, s6  }
0xe: {  	s12 =	ssub.s32 s21, s22;
	s13 =	sadd.s32 s23, s2;
	s6 =	sor.u32 $0x1C08, s25  }
0xf: {  	s21 =	simm.s32 $0x8200;
	s22 =	simm.s32 $0x1;
	s23 =	simm.s32 $0x2  }
0x10: {  	s25 =	simm.s32 $0x4;
	s5 =	sshrl.u32 s5, $0x3;
	s26 =	sadd.s32 $0x238A00, s7  }
0x11: {  	s30 =	sadd.s32 s10, s9;
	s8 =	sadd.s32 s11, s9;
	s11 =	sadd.s32 s14, s11  }
0x12: {  	s10 =	smax.u32 s12, $0x1;
	s13 =	sshrl.u32 s13, $0x3;
	[dreg:$0x3] =	wrdreg s26  }
0x13: {  	s14 =	simm.s32 $0x8;
	s0 =	sadd.s32 s5, s0;
	[dreg:$0x4] =	wrdreg s30  }
0x14: {  	s9 =	sadd.s32 $0x260200, s0;
	s0 =	sadd.s32 s1, s31;
	s1 =	sadd.s32 s1, s11  }
0x15: {  	s26 =	simm.s32 $0x5;
	s11 =	sadd.s32 $0x40, s0;
	s12 =	sadd.s32 $0x40, s1  }
.LBB2_1:
0x16: {  	s0 =	rddreg [dreg:$0x3]  }
0x17: {  	[spmem:s13], [sflag:s6] =	dma.local [hbm:s0], $0x2780  }
0x18: {  	_ =	swait.ge [sflag:s14], $0x2780  }
0x19: {  	[sflag:s14] =	ssyncset.done $0x0  }
0x1a: {  	s7 =	simm.s32 $0x0;
	s1 =	rddreg [dreg:$0x4];
	[sflag:s14] =	ssyncadd.s32 $0xFFFFD880  }
0x1b: {  	[tilespmem:s7], [sflag:$0x7] =	stream.linear.gather [hbm4b:s1+s7], $0x180, $0x38;
	[tilespmem:$0x1FA00] =	vst v63  }
0x1c: {  	s15 =	simm.s32 $0x400;
	s30 =	smov.u32 s12  }
0x1d: {  	[tilespmem:s15], [sflag:$0x7] =	stream.linear.gather [hbm4b:s8+s7], $0x180, $0x38;
	[tilespmem:$0x1FA00] =	vst v63  }
0x1e: {  	s31 =	smov.u32 s11;
	s0 =	simm.s32 $0x0;
	[bflag:$0x0] =	sbarrier.arrive $0xFFFF  }
.LBB2_2:
0x1f: {  	_ =	swait.ge [sflag:s16], $0x180;
	s1 =	sadd.s32 $0x1, s0;
	p0 =	seq.s32 s0, $0x1B  }
0x20: {  	[sflag:s16] =	ssyncset.done $0x0;
	s3 =	smul.u32 @!p0 $0xAB, s1  }
0x21: {  	s15 =	sand.u32 $0x1, s0;
	[sflag:s16] =	ssyncadd.s32 $0xFFFFFE80  }
0x22: {  	s5 =	sshll.u32 @!p0 s15, $0x9;
	_ =	swait.ge [sflag:s16], $0x180;
	s3 =	sshrl.u32 @!p0 s3, $0x9  }
0x23: {  	s7 =	simm.s32 @!p0 $0x0;
	[sflag:s16] =	ssyncset.done $0x0;
	s3 =	sand.u32 @!p0 $0x7F, s3  }
0x24: {  	s5 =	sxor.u32 @!p0 $0x200, s5;
	[sflag:s16] =	ssyncadd.s32 $0xFFFFFE80;
	s3 =	smul.u32 @!p0 $0x3, s3  }
0x25: {  	[tilespmem:s5], [sflag:$0x7] =	stream.linear.gather @!p0 [hbm4b:s31+s7], $0x180, $0x38;
	[tilespmem:$0x1FA00] =	vst v63  }
0x26: {  	s3 =	ssub.s32 @!p0 s1, s3  }
0x27: {  	s3 =	sand.u32 @!p0 $0xFF, s3  }
0x28: {  	s3 =	sshll.u32 @!p0 s3, $0x9  }
0x29: {  	p1 =	sne.s32 @!p0 s0, $0x0;
	s3 =	sadd.s32 @!p0 $0x400, s3  }
0x2a: {  	[tilespmem:s3], [sflag:$0x7] =	stream.linear.gather @!p0 [hbm4b:s30+s7], $0x180, $0x38;
	[tilespmem:$0x1FA00] =	vst v63  }
0x2b: {  	p0 =	por p0, p1  }
0x2c: {  	s15 =	simm.s32 @!p0 $0x0  }
0x2d: {  	[tilespmem:s18], [sflag:$0x1] =	stream.indirect.gather @!p0 [hbm4b:s4+s17], $0x80, s15, s17, $0xb8;
	[tilespmem:$0x1FA00] =	vst v63  }
0x2e: {  	_ = 	snop  }
0x2f: {  	[tilespmem:s20], [sflag:$0x2] =	stream.indirect.gather @!p0 [hbm4b:s4+s17], $0x80, s19, s17, $0xb8;
	[tilespmem:$0x1FA00] =	vst v63  }
0x30: {  	_ =	swait.ge @p0 [sflag:s25], $0x3C00  }
0x31: {  	[sflag:s25] =	ssyncset.done @p0 $0x0  }
0x32: {  	s15 =	sshll.u32 @p0 s15, $0x9;
	[sflag:s25] =	ssyncadd.s32 @p0 $0xFFFFC400  }
0x33: {  	[tilespmem:s18], [sflag:$0x1] =	stream.indirect.gather @p0 [hbm4b:s4+s17], $0x80, s15, s17, $0xb8;
	[tilespmem:$0x1FA00] =	vst v63  }
0x34: {  	_ =	swait.ge @p0 [sflag:s26], $0x3C00  }
0x35: {  	[sflag:s26] =	ssyncset.done @p0 $0x0  }
0x36: {  	s5 =	smul.u32 $0xAB, s0;
	s3 =	sor.u32 @p0 $0x80, s15;
	[sflag:s26] =	ssyncadd.s32 @p0 $0xFFFFC400  }
0x37: {  	[tilespmem:s20], [sflag:$0x2] =	stream.indirect.gather @p0 [hbm4b:s4+s17], $0x80, s3, s17, $0xb8;
	[tilespmem:$0x1FA00] =	vst v63  }
0x38: {  	s3 =	sshrl.u32 s5, $0x9  }
0x39: {  	s3 =	sand.u32 $0x7F, s3  }
0x3a: {  	_ =	swait.ge @p0 [sflag:s28], $0x3C00;
	s3 =	smul.u32 $0x3, s3  }
0x3b: {  	[sflag:s28] =	ssyncset.done @p0 $0x0  }
0x3c: {  	s5 =	sadd.s32 $0x100, s15;
	[sflag:s28] =	ssyncadd.s32 @p0 $0xFFFFC400;
	s7 =	ssub.s32 s0, s3  }
0x3d: {  	[tilespmem:s21], [sflag:$0x3] =	stream.indirect.gather [hbm4b:s4+s17], $0x80, s5, s17, $0xb8;
	[tilespmem:$0x1FA00] =	vst v63  }
0x3e: {  	s0 =	sand.u32 $0xFF, s7;
	_ =	swait.ge [sflag:s22], $0x3C00  }
0x3f: {  	[sflag:s22] =	ssyncset.done $0x0;
	s0 =	sshll.u32 s0, $0x9  }
0x40: {  	[sflag:s22] =	ssyncadd.s32 $0xFFFFC400;
	s7 =	sadd.s32 $0x400, s0  }
0x41: {  	[spmem:s2] =	stream.indirect.scatter.add.f32 [tilespmem:s18], [sflag:$0x4], $0x80, s7, s17, $0xb8;
	[tilespmem:$0x1FA00] =	vst v63  }
0x42: {  	_ =	swait.ge [sflag:s23], $0x3C00  }
0x43: {  	[sflag:s23] =	ssyncset.done $0x0  }
0x44: {  	p0 =	sne.s32 s1, $0x1C;
	s15 =	sadd.s32 $0x480, s0;
	[sflag:s23] =	ssyncadd.s32 $0xFFFFC400  }
0x45: {  	[spmem:s2] =	stream.indirect.scatter.add.f32 [tilespmem:s20], [sflag:$0x5], $0x80, s15, s17, $0xb8;
	[tilespmem:$0x1FA00] =	vst v63  }
.Ltmp0:
0x46: {  	_ =	swait.ge [sflag:s24], $0x3C00;
	(pc) =	sbr.rel @p0 .LBB2_2-.Ltmp0, $4  }
0x47: {  	[sflag:s24] =	ssyncset.done $0x0  }
0x48: {  	s0 =	sadd.s32 $0x500, s0;
	[sflag:s24] =	ssyncadd.s32 $0xFFFFC400  }
0x49: {  	[spmem:s2] =	stream.indirect.scatter.add.f32 [tilespmem:s21], [sflag:$0x6], $0x80, s0, s17, $0xb8;
	[tilespmem:$0x1FA00] =	vst v63  }
0x4a: {  	s31 =	sadd.s32 $0x40, s31;
	s30 =	sadd.s32 $0x40, s30;
	s0 =	smov.u32 s1  }
0x4b: {  	_ =	swait.ge [sflag:s25], $0x3C00  }
0x4c: {  	[sflag:s25] =	ssyncset.done $0x0  }
0x4d: {  	[sflag:s25] =	ssyncadd.s32 $0xFFFFC400  }
0x4e: {  	_ =	swait.ge [sflag:s26], $0x3C00  }
0x4f: {  	[sflag:s26] =	ssyncset.done $0x0  }
0x50: {  	[sflag:s26] =	ssyncadd.s32 $0xFFFFC400  }
0x51: {  	_ =	swait.ge [sflag:s28], $0x3C00  }
0x52: {  	s29 =	sadd.s32 $0x1, s29;
	[sflag:s28] =	ssyncset.done $0x0  }
0x53: {  	p0 =	sne.s32 s29, s10;
	[sflag:s28] =	ssyncadd.s32 $0xFFFFC400  }
.Ltmp1:
0x54: {  	[bflag:$0x0] =	sbarrier.arrive $0xFFFF;
	(pc) =	sbr.rel @p0 .LBB2_1-.Ltmp1, $4  }
0x55: {  	[hbm:s9], [sflag:s6] =	dma.local [spmem:s13], $0x2780  }
0x56: {  	_ =	swait.ge [sflag:s14], $0x2780  }
0x57: {  	[sflag:s14] =	ssyncset.done $0x0  }
0x58: {  	[sflag:s14] =	ssyncadd.s32 $0xFFFFD880  }
0x59: {  	_ =	sfence.sel $0x180000  }
0x5a: {  	[bflag:$0x0] =	sbarrier.arrive $0xFFFF  }
0x5b: {  	_ =	strace $0x90000050  }
0x5c: {  	s0 =	stileid.u32;
	[bflag:$0x2] =	sbarrier.arrive $0xFFFF  }
0x5d: {  	p0 =	sne.s32 s0, $0x0;
	s0 =	rddreg [dreg:$0x2]  }
0x5e: {  	s0 =	sadd.s32 @!p0 $0x100000, s0  }
0x5f: {  	[sflag:s0] =	ssyncadd.tile.s32 @!p0 $0x1;
	_ =	shalt  }
.Lfunc_end2:
_tile_overlayer_lowered:
.L_overlay_start_2:
0x60: {  	(tag) =	ssettag $0x2  }
0x61: {  	s0 =	rddreg [dreg:$0x0];
	s2 =	stileid.u32  }
0x62: {  	s1 =	rddreg [dreg:$0x1];
	p0 =	sne.s32 s2, $0x0  }
0x63: {  	s3 =	rddreg [dreg:$0x2];
	[bflag:$0x3] =	sbarrier.arrive $0xFFFF;
	s2 =	simm.s32 @!p0 $0x1C08  }
0x64: {  	[timem:s3], [sflag:s2] =	dma.local @!p0 [hbm:s0], s1  }
0x65: {  	s0 =	simm.s32 @!p0 $0x8  }
0x66: {  	_ =	swait.ge @!p0 [sflag:s0], s1  }
0x67: {  	s1 =	ssub.s32 @!p0 $0x0, s1;
	[sflag:s0] =	ssyncset.done @!p0 $0x0  }
0x68: {  	[sflag:s0] =	ssyncadd.s32 @!p0 s1  }
0x69: {  	[bflag:$0x3] =	sbarrier.arrive $0xFFFF  }
0x6a: {  	_ =	shalt  }

// kernel: kernel.21.cloned.1.call-start
scs
__scs_entry_jumppad:
0x0: {  	(pc) =	sbr.rel $0x88, $3  }
0x1: {  	(tag) =	ssettag $0x0;
	lr =	simm.s32 $0x1  }
0x2: {  	[smem:$0x3F96] =	sst lr;
	_ =	strace $0xD0000000  }
0x3: {  	_ = 	snop  }
0x4: {  	_ = 	snop  }
0x5: {  	_ = 	snop  }
0x6: {  	_ = 	snop  }
0x7: {  	_ = 	snop  }
__scs_overlays_trampoline_lowered:
0x8: {  	[smem:$0x3FA5] =	sst s0  }
0x9: {  	[smem:$0x3FA6] =	sst s1  }
0xa: {  	[smem:$0x3FA7] =	sst s2  }
0xb: {  	[smem:$0x3FA8] =	sst s3  }
0xc: {  	[smem:$0x3FA9] =	sst s4  }
0xd: {  	[smem:$0x3FAA] =	sst s5  }
0xe: {  	[smem:$0x3FAB] =	sst s6  }
0xf: {  	[smem:$0x3FAC] =	sst s7  }
0x10: {  	[smem:$0x3FAD] =	sst s8  }
0x11: {  	[smem:$0x3FAE] =	sst s9;
	s0 =	simm.s32 @!p0 $0x0  }
0x12: {  	s1 =	sld [smem:$0x3F94];
	s0 =	simm.s32 @p0 $0x1  }
0x13: {  	[smem:$0x3FAF] =	sst s0;
	s0 =	simm.s32 @!p1 $0x0  }
0x14: {  	s2 =	sld [smem:$0x3F93];
	s0 =	simm.s32 @p1 $0x1  }
0x15: {  	[smem:$0x3FB0] =	sst s0;
	s0 =	simm.s32 @!p2 $0x0  }
0x16: {  	s3 =	sld [smem:$0x3FDB];
	s0 =	simm.s32 @p2 $0x1  }
0x17: {  	s4 =	simm.s32 $0x1BF5;
	[smem:$0x3FB2] =	sst s0  }
0x18: {  	s0 =	sld [smem:$0x3F95];
	_ =	swait.ge [sflag:s4], $0x0  }
0x19: {  	s7 =	sld [smem:$0x3F96]  }
0x1a: {  	s8 =	sadd.s32 $0xFFFFE003, lr  }
0x1b: {  	s9 =	sadd.s32 $0xFFFFFEF7, lr;
	s5 =	simm.s32 $0xFFFFFFFF;
	p2 =	slt.u32 s8, $0xFFFFF086  }
0x1c: {  	p1 =	slt.u32 s9, $0xF7A;
	s5 =	simm.s32 @!p2 $0x0  }
0x1d: {  	s5 =	simm.s32 @p1 $0x1;
	p0 =	seq.s32 s7, s2  }
0x1e: {  	s7 =	smul.u32 @!p0 $0xF7A, s2;
	p2 =	seq.s32 @!p0 s5, $0x0  }
0x1f: {  	s9 =	smul.u32 $0xF7A, s1;
	s8 =	simm.s32 @!p0 $0x1BF5;
	p2 =	por !p2, p0  }
0x20: {  	[sflag:s8] =	ssyncset.s32 @!p0 $0xFFFFF086;
	s6 =	sadd.s32 @!p0 s3, s7;
	s7 =	simm.s32 @!p0 $0x108  }
0x21: {  	s3 =	sadd.s32 s3, s9;
	s6 =	sadd.s32 @!p0 $0x88, s6;
	s7 =	simm.s32 @p2 $0x1082  }
0x22: {  	[simem:s7], [sflag:s8] =	dma.local @!p0 [hbm:s6], $0xF7A  }
0x23: {  	s9 =	sor.u32 $0xD0000000, s2;
	s6 =	simm.s32 $0x108;
	_ =	swait.ge @!p0 [sflag:s8], $0x0  }
0x24: {  	s3 =	sadd.s32 $0x88, s3;
	s6 =	simm.s32 @!p1 $0x1082;
	[sflag:s4] =	ssyncset.s32 $0xFFFFF086  }
0x25: {  	[simem:s6], [sflag:s4] =	dma.local [hbm:s3], $0xF7A  }
0x26: {  	[smem:$0x3F96] =	sst s1;
	(tag) =	ssettag s2;
	_ =	strace s9  }
0x27: {  	s1 =	sld [smem:$0x3FA6]  }
0x28: {  	s2 =	sld [smem:$0x3FA7]  }
0x29: {  	s4 =	sld [smem:$0x3FA9]  }
0x2a: {  	p0 =	seq.s32 s5, $0x0;
	s5 =	sld [smem:$0x3FAA]  }
0x2b: {  	s6 =	sld [smem:$0x3FAB]  }
0x2c: {  	s7 =	sld [smem:$0x3FAC]  }
0x2d: {  	s3 =	simm.s32 $0x108;
	s8 =	sld [smem:$0x3FAD]  }
0x2e: {  	s3 =	simm.s32 @!p0 $0x1082;
	s9 =	sld [smem:$0x3FAE]  }
0x2f: {  	lr =	sadd.s32 s0, s3;
	s0 =	sld [smem:$0x3FA5]  }
0x30: {  	s3 =	sld [smem:$0x3FA8]  }
0x31: {  	[smem:$0x3FB1] =	sst s10  }
0x32: {  	s10 =	sld [smem:$0x3FAF];
	_ =	sdelay $0x3  }
0x33: {  	p0 =	seq.s32 s10, $0x1;
	s10 =	sld [smem:$0x3FB1];
	_ =	sdelay $0x3  }
0x34: {  	[smem:$0x3FB1] =	sst s10  }
0x35: {  	s10 =	sld [smem:$0x3FB0];
	_ =	sdelay $0x3  }
0x36: {  	p1 =	seq.s32 s10, $0x1;
	s10 =	sld [smem:$0x3FB1];
	_ =	sdelay $0x3  }
0x37: {  	[smem:$0x3FB1] =	sst s10  }
0x38: {  	s10 =	sld [smem:$0x3FB2]  }
0x39: {  	_ = 	snop;
	(pc) =	sbr.ind lr, $3  }
0x3a: {  	_ = 	snop  }
0x3b: {  	_ = 	snop  }
0x3c: {  	p2 =	seq.s32 s10, $0x1;
	s10 =	sld [smem:$0x3FB1]  }
0x3d: {  	_ =	shalt  }
0x3e: {  	_ =	shalt  }
0x3f: {  	_ =	shalt  }
0x40: {  	_ =	shalt  }
0x41: {  	_ =	shalt  }
0x42: {  	_ =	shalt  }
0x43: {  	_ =	shalt  }
0x44: {  	_ =	shalt  }
0x45: {  	_ =	shalt  }
0x46: {  	_ =	shalt  }
0x47: {  	_ =	shalt  }
0x48: {  	_ =	shalt  }
0x49: {  	_ =	shalt  }
0x4a: {  	_ =	shalt  }
0x4b: {  	_ =	shalt  }
0x4c: {  	_ =	shalt  }
0x4d: {  	_ =	shalt  }
0x4e: {  	_ =	shalt  }
0x4f: {  	_ =	shalt  }
0x50: {  	_ =	shalt  }
0x51: {  	_ =	shalt  }
0x52: {  	_ =	shalt  }
0x53: {  	_ =	shalt  }
0x54: {  	_ =	shalt  }
0x55: {  	_ =	shalt  }
0x56: {  	_ =	shalt  }
0x57: {  	_ =	shalt  }
0x58: {  	_ =	shalt  }
0x59: {  	_ =	shalt  }
0x5a: {  	_ =	shalt  }
0x5b: {  	_ =	shalt  }
0x5c: {  	_ =	shalt  }
0x5d: {  	_ =	shalt  }
0x5e: {  	_ =	shalt  }
0x5f: {  	_ =	shalt  }
0x60: {  	_ =	shalt  }
0x61: {  	_ =	shalt  }
0x62: {  	_ =	shalt  }
0x63: {  	_ =	shalt  }
0x64: {  	_ =	shalt  }
0x65: {  	_ =	shalt  }
0x66: {  	_ =	shalt  }
0x67: {  	_ =	shalt  }
0x68: {  	_ =	shalt  }
0x69: {  	_ =	shalt  }
0x6a: {  	_ =	shalt  }
0x6b: {  	_ =	shalt  }
0x6c: {  	_ =	shalt  }
0x6d: {  	_ =	shalt  }
0x6e: {  	_ =	shalt  }
0x6f: {  	_ =	shalt  }
0x70: {  	_ =	shalt  }
0x71: {  	_ =	shalt  }
0x72: {  	_ =	shalt  }
0x73: {  	_ =	shalt  }
0x74: {  	_ =	shalt  }
0x75: {  	_ =	shalt  }
0x76: {  	_ =	shalt  }
0x77: {  	_ =	shalt  }
0x78: {  	_ =	shalt  }
0x79: {  	_ =	shalt  }
0x7a: {  	_ =	shalt  }
0x7b: {  	_ =	shalt  }
0x7c: {  	_ =	shalt  }
0x7d: {  	_ =	shalt  }
0x7e: {  	_ =	shalt  }
0x7f: {  	_ =	shalt  }
0x80: {  	_ =	shalt  }
0x81: {  	_ =	shalt  }
0x82: {  	_ =	shalt  }
0x83: {  	_ =	shalt  }
0x84: {  	_ =	shalt  }
0x85: {  	_ =	shalt  }
0x86: {  	_ =	shalt  }
0x87: {  	_ =	shalt  }
.Lfunc_end0:
.L_simem_size_0:
called_computation.4_lowered:
.L_overlay_start_0:
0x88: {  	s2 =	sld [smem:$0x3FD9]  }
0x89: {  	s3 =	sld [smem:$0x3FFE];
	_ =	sdelay $0x1  }
0x8a: {  	s1 =	srdreg.scid  }
0x8b: {  	s0 =	sand.u32 $0x1, s1  }
0x8c: {  	s16 =	sshll.u32 s0, $0xA;
	s2 =	sadd.s32 s3, s2  }
0x8d: {  	s2 =	sadd.s32 s2, s16  }
0x8e: {  	[smem:$0x3FBD] =	sst s2  }
0x8f: {  	_ = 	snop  }
0x90: {  	(tm) =	ssettm $0x1  }
0x91: {  	s17 =	sld [smem:$0x3FFB];
	_ =	sdelay $0x3  }
0x92: {  	_ =	strace s17  }
0x93: {  	s2 =	sld [smem:$0x3FFC];
	_ =	sdelay $0x3  }
0x94: {  	_ =	strace s2  }
0x95: {  	s2 =	sld [smem:$0x3FFD];
	_ =	sdelay $0x3  }
0x96: {  	_ =	strace s2  }
0x97: {  	_ =	strace $0x8FFFFFFF  }
0x98: {  	s18 =	sld [smem:$0x3FDB];
	_ =	sdelay $0x1  }
0x99: {  	s19 =	simm.s32 $_scs_section_size  }
0x9a: {  	s4 =	simm.s32 $_size__tile_overlayer_lowered;
	s5 =	simm.s32 $_tile_overlayer_lowered  }
0x9b: {  	s22 =	simm.s32 $0x1BFF;
	s21 =	sshll.u32 s5, $0x1;
	s2 =	sadd.s32 s19, s18  }
0x9c: {  	s6 =	simm.s32 $0x0;
	s20 =	sshll.u32 s4, $0x1;
	s4 =	sadd.s32 s21, s2  }
0x9d: {  	[timem:s6], [sflag:s22] =	dma.local [hbm:s4], s20  }
0x9e: {  	_ =	swait.ge [sflag:s22], s20  }
0x9f: {  	s3 =	ssub.s32 $0x0, s20;
	[sflag:s22] =	ssyncset.done $0x0  }
0xa0: {  	[sflag:s22] =	ssyncadd.s32 s3;
	_ =	sdelay $0x1  }
0xa1: {  	s23 =	simm.s32 $0x1B8B  }
0xa2: {  	_ =	swait.ge [sflag:s23], $0x1  }
0xa3: {  	[sflag:s23] =	ssyncset.done $0x0  }
0xa4: {  	s25 =	simm.s32 $0x1B8E;
	s24 =	sld [smem:$0x3FFE];
	[sflag:s23] =	ssyncadd.s32 $0xFFFFFFFF  }
0xa5: {  	s26 =	simm.s32 $execute0_lowered;
	[smem:$0x3FD2] =	sst s25  }
0xa6: {  	s4 =	sshll.u32 s26, $0x1;
	_ =	strace $0x80000052;
	[dreg:$0x1] =	wrdreg $0xFFFFFFFF  }
0xa7: {  	s28 =	simm.s32 $_size_execute0_lowered;
	s2 =	sadd.s32 s2, s4;
	[dreg:$0x0] =	wrdreg $0x0  }
0xa8: {  	s4 =	sshll.u32 s28, $0x1;
	[dreg:$0x2] =	wrdreg s2  }
0xa9: {  	[dreg:$0x3] =	wrdreg s4  }
0xaa: {  	[dreg:$0x4] =	wrdreg $0xC0  }
0xab: {  	_ =	task [dreg:s6], $0x5FFFF  }
0xac: {  	[dreg:$0x1] =	wrdreg $0xFFFFFFFF  }
0xad: {  	[dreg:$0x0] =	wrdreg $0x60  }
0xae: {  	[dreg:$0x2] =	wrdreg s24  }
0xaf: {  	[dreg:$0x3] =	wrdreg $0xBE000  }
0xb0: {  	[dreg:$0x4] =	wrdreg $0x9  }
0xb1: {  	_ =	task.clear_ibuf [dreg:s6], $0x5FFFF;
	_ =	strace $0x90000052  }
0xb2: {  	s29 =	simm.s32 $0x9;
	_ =	strace $0x80000054  }
0xb3: {  	_ =	swait.ge [sflag:s29], $0x1  }
0xb4: {  	[sflag:s29] =	ssyncadd.s32 $0xFFFFFFFF  }
0xb5: {  	_ =	strace $0x90000054  }
0xb6: {  	_ =	sfence  }
0xb7: {  	s30 =	sld [smem:$0x0];
	_ =	sdelay $0x2  }
0xb8: {  	s31 =	sshll.u32 s1, $0xD;
	s1 =	sshrl.u32 s1, $0x2  }
0xb9: {  	s3 =	sand.u32 $0x4000, s31;
	s1 =	sadd.s32 s1, s30  }
0xba: {  	s0 =	sor.u32 s3, s0;
	s1 =	sshll.u32 s1, $0x11  }
0xbb: {  	s0 =	sor.u32 s1, s0  }
0xbc: {  	s0 =	sadd.s32 $0x8F2B, s0  }
0xbd: {  	[sflag:s0] =	ssyncadd.remote.s32 $0x1  }
0xbe: {  	_ =	sfence.sel $0xFFFF  }
0xbf: {  	[dreg:$0x0] =	wrdreg $0xFFFFFFFF;
	(pc) =	sbr.abs _section_cstart, $3  }
0xc0: {  	[dreg:$0x1] =	wrdreg $0xFFFFFFFF  }
0xc1: {  	_ =	task.clear_ibuf [dreg:s6], $0x2FFFF;
	_ =	strace $0x9FFFFFFF  }
0xc2: {  	(tm) =	ssettm $0x7FFFFFFF  }
0xc3: {  	_ =	shalt  }
tec
execute0_lowered:
.L_overlay_start_1:
0x0: {  	(tag) =	ssettag $0x1  }
0x1: {  	s0 =	rddreg [dreg:$0x0]  }
0x2: {  	s2 =	rddreg [dreg:$0x1]  }
0x3: {  	s4 =	simm.s32 $0x0;
	s3 =	stileid.u32;
	s1 =	srdreg.scid  }
0x4: {  	s16 =	simm.s32 $0x7;
	s17 =	simm.s32 $0x78;
	s18 =	simm.s32 $0xA00  }
0x5: {  	s19 =	simm.s32 $0x80;
	s20 =	simm.s32 $0x4600;
	s28 =	simm.s32 $0x6  }
0x6: {  	s29 =	simm.s32 $0x0;
	[smem:$0x7FF] =	sst s4;
	s5 =	smul.u32 $0x13C00, s3  }
0x7: {  	s1 =	sand.u32 $0x1, s1;
	s4 =	sadd.s32 $0x15400, s0;
	s10 =	sadd.s32 $0x22AA00, s0  }
0x8: {  	s11 =	sadd.s32 $0x7400, s0;
	s8 =	smul.u32 $0x4F000, s3;
	s9 =	sshll.u32 s3, $0x1  }
0x9: {  	s25 =	sshll.u32 s3, $0x6;
	s14 =	smul.u32 $0xE00, s3;
	_ =	strace $0x80000053  }
0xa: {  	s6 =	smul.u32 $0x13C000, s1;
	s21 =	ssub.s32 $0x2, s1;
	s24 =	sor.u32 s1, s9  }
0xb: {  	s1 =	smul.u32 $0x700, s1;
	s7 =	sshrl.u32 s5, $0x3;
	s22 =	sshrl.u32 s21, $0x1  }
0xc: {  	s23 =	sshrl.u32 s8, $0x2;
	s9 =	smul.u32 $0x700, s24;
	s31 =	sadd.s32 s14, s10  }
0xd: {  	s24 =	simm.s32 $0x3;
	s7 =	sadd.s32 s7, s0;
	s5 =	sadd.s32 s5, s6  }
0xe: {  	s12 =	ssub.s32 s21, s22;
	s13 =	sadd.s32 s23, s2;
	s6 =	sor.u32 $0x1C08, s25  }
0xf: {  	s21 =	simm.s32 $0x8200;
	s22 =	simm.s32 $0x1;
	s23 =	simm.s32 $0x2  }
0x10: {  	s25 =	simm.s32 $0x4;
	s5 =	sshrl.u32 s5, $0x3;
	s26 =	sadd.s32 $0x238A00, s7  }
0x11: {  	s30 =	sadd.s32 s10, s9;
	s8 =	sadd.s32 s11, s9;
	s11 =	sadd.s32 s14, s11  }
0x12: {  	s10 =	smax.u32 s12, $0x1;
	s13 =	sshrl.u32 s13, $0x3;
	[dreg:$0x3] =	wrdreg s26  }
0x13: {  	s14 =	simm.s32 $0x8;
	s0 =	sadd.s32 s5, s0;
	[dreg:$0x4] =	wrdreg s30  }
0x14: {  	s9 =	sadd.s32 $0x260200, s0;
	s0 =	sadd.s32 s1, s31;
	s1 =	sadd.s32 s1, s11  }
0x15: {  	s26 =	simm.s32 $0x5;
	s11 =	sadd.s32 $0x40, s0;
	s12 =	sadd.s32 $0x40, s1  }
.LBB2_1:
0x16: {  	s0 =	rddreg [dreg:$0x3]  }
0x17: {  	[spmem:s13], [sflag:s6] =	dma.local [hbm:s0], $0x2780  }
0x18: {  	_ =	swait.ge [sflag:s14], $0x2780  }
0x19: {  	[sflag:s14] =	ssyncset.done $0x0  }
0x1a: {  	s7 =	simm.s32 $0x0;
	s1 =	rddreg [dreg:$0x4];
	[sflag:s14] =	ssyncadd.s32 $0xFFFFD880  }
0x1b: {  	[tilespmem:s7], [sflag:$0x7] =	stream.linear.gather [hbm4b:s1+s7], $0x180, $0x38;
	[tilespmem:$0x1FA00] =	vst v63  }
0x1c: {  	s15 =	simm.s32 $0x400;
	s30 =	smov.u32 s12  }
0x1d: {  	[tilespmem:s15], [sflag:$0x7] =	stream.linear.gather [hbm4b:s8+s7], $0x180, $0x38;
	[tilespmem:$0x1FA00] =	vst v63  }
0x1e: {  	s31 =	smov.u32 s11;
	s0 =	simm.s32 $0x0;
	[bflag:$0x0] =	sbarrier.arrive $0xFFFF  }
.LBB2_2:
0x1f: {  	_ =	swait.ge [sflag:s16], $0x180;
	s1 =	sadd.s32 $0x1, s0;
	p0 =	seq.s32 s0, $0x1B  }
0x20: {  	[sflag:s16] =	ssyncset.done $0x0;
	s3 =	smul.u32 @!p0 $0xAB, s1  }
0x21: {  	s15 =	sand.u32 $0x1, s0;
	[sflag:s16] =	ssyncadd.s32 $0xFFFFFE80  }
0x22: {  	s5 =	sshll.u32 @!p0 s15, $0x9;
	_ =	swait.ge [sflag:s16], $0x180;
	s3 =	sshrl.u32 @!p0 s3, $0x9  }
0x23: {  	s7 =	simm.s32 @!p0 $0x0;
	[sflag:s16] =	ssyncset.done $0x0;
	s3 =	sand.u32 @!p0 $0x7F, s3  }
0x24: {  	s5 =	sxor.u32 @!p0 $0x200, s5;
	[sflag:s16] =	ssyncadd.s32 $0xFFFFFE80;
	s3 =	smul.u32 @!p0 $0x3, s3  }
0x25: {  	[tilespmem:s5], [sflag:$0x7] =	stream.linear.gather @!p0 [hbm4b:s31+s7], $0x180, $0x38;
	[tilespmem:$0x1FA00] =	vst v63  }
0x26: {  	s3 =	ssub.s32 @!p0 s1, s3  }
0x27: {  	s3 =	sand.u32 @!p0 $0xFF, s3  }
0x28: {  	s3 =	sshll.u32 @!p0 s3, $0x9  }
0x29: {  	p1 =	sne.s32 @!p0 s0, $0x0;
	s3 =	sadd.s32 @!p0 $0x400, s3  }
0x2a: {  	[tilespmem:s3], [sflag:$0x7] =	stream.linear.gather @!p0 [hbm4b:s30+s7], $0x180, $0x38;
	[tilespmem:$0x1FA00] =	vst v63  }
0x2b: {  	p0 =	por p0, p1  }
0x2c: {  	s15 =	simm.s32 @!p0 $0x0  }
0x2d: {  	[tilespmem:s18], [sflag:$0x1] =	stream.indirect.gather @!p0 [hbm4b:s4+s17], $0x80, s15, s17, $0xb8;
	[tilespmem:$0x1FA00] =	vst v63  }
0x2e: {  	_ = 	snop  }
0x2f: {  	[tilespmem:s20], [sflag:$0x2] =	stream.indirect.gather @!p0 [hbm4b:s4+s17], $0x80, s19, s17, $0xb8;
	[tilespmem:$0x1FA00] =	vst v63  }
0x30: {  	_ =	swait.ge @p0 [sflag:s25], $0x3C00  }
0x31: {  	[sflag:s25] =	ssyncset.done @p0 $0x0  }
0x32: {  	s15 =	sshll.u32 @p0 s15, $0x9;
	[sflag:s25] =	ssyncadd.s32 @p0 $0xFFFFC400  }
0x33: {  	[tilespmem:s18], [sflag:$0x1] =	stream.indirect.gather @p0 [hbm4b:s4+s17], $0x80, s15, s17, $0xb8;
	[tilespmem:$0x1FA00] =	vst v63  }
0x34: {  	_ =	swait.ge @p0 [sflag:s26], $0x3C00  }
0x35: {  	[sflag:s26] =	ssyncset.done @p0 $0x0  }
0x36: {  	s5 =	smul.u32 $0xAB, s0;
	s3 =	sor.u32 @p0 $0x80, s15;
	[sflag:s26] =	ssyncadd.s32 @p0 $0xFFFFC400  }
0x37: {  	[tilespmem:s20], [sflag:$0x2] =	stream.indirect.gather @p0 [hbm4b:s4+s17], $0x80, s3, s17, $0xb8;
	[tilespmem:$0x1FA00] =	vst v63  }
0x38: {  	s3 =	sshrl.u32 s5, $0x9  }
0x39: {  	s3 =	sand.u32 $0x7F, s3  }
0x3a: {  	_ =	swait.ge @p0 [sflag:s28], $0x3C00;
	s3 =	smul.u32 $0x3, s3  }
0x3b: {  	[sflag:s28] =	ssyncset.done @p0 $0x0  }
0x3c: {  	s5 =	sadd.s32 $0x100, s15;
	[sflag:s28] =	ssyncadd.s32 @p0 $0xFFFFC400;
	s7 =	ssub.s32 s0, s3  }
0x3d: {  	[tilespmem:s21], [sflag:$0x3] =	stream.indirect.gather [hbm4b:s4+s17], $0x80, s5, s17, $0xb8;
	[tilespmem:$0x1FA00] =	vst v63  }
0x3e: {  	s0 =	sand.u32 $0xFF, s7;
	_ =	swait.ge [sflag:s22], $0x3C00  }
0x3f: {  	[sflag:s22] =	ssyncset.done $0x0;
	s0 =	sshll.u32 s0, $0x9  }
0x40: {  	[sflag:s22] =	ssyncadd.s32 $0xFFFFC400;
	s7 =	sadd.s32 $0x400, s0  }
0x41: {  	[spmem:s2] =	stream.indirect.scatter.add.f32 [tilespmem:s18], [sflag:$0x4], $0x80, s7, s17, $0xb8;
	[tilespmem:$0x1FA00] =	vst v63  }
0x42: {  	_ =	swait.ge [sflag:s23], $0x3C00  }
0x43: {  	[sflag:s23] =	ssyncset.done $0x0  }
0x44: {  	p0 =	sne.s32 s1, $0x1C;
	s15 =	sadd.s32 $0x480, s0;
	[sflag:s23] =	ssyncadd.s32 $0xFFFFC400  }
0x45: {  	[spmem:s2] =	stream.indirect.scatter.add.f32 [tilespmem:s20], [sflag:$0x5], $0x80, s15, s17, $0xb8;
	[tilespmem:$0x1FA00] =	vst v63  }
.Ltmp0:
0x46: {  	_ =	swait.ge [sflag:s24], $0x3C00;
	(pc) =	sbr.rel @p0 .LBB2_2-.Ltmp0, $4  }
0x47: {  	[sflag:s24] =	ssyncset.done $0x0  }
0x48: {  	s0 =	sadd.s32 $0x500, s0;
	[sflag:s24] =	ssyncadd.s32 $0xFFFFC400  }
0x49: {  	[spmem:s2] =	stream.indirect.scatter.add.f32 [tilespmem:s21], [sflag:$0x6], $0x80, s0, s17, $0xb8;
	[tilespmem:$0x1FA00] =	vst v63  }
0x4a: {  	s31 =	sadd.s32 $0x40, s31;
	s30 =	sadd.s32 $0x40, s30;
	s0 =	smov.u32 s1  }
0x4b: {  	_ =	swait.ge [sflag:s25], $0x3C00  }
0x4c: {  	[sflag:s25] =	ssyncset.done $0x0  }
0x4d: {  	[sflag:s25] =	ssyncadd.s32 $0xFFFFC400  }
0x4e: {  	_ =	swait.ge [sflag:s26], $0x3C00  }
0x4f: {  	[sflag:s26] =	ssyncset.done $0x0  }
0x50: {  	[sflag:s26] =	ssyncadd.s32 $0xFFFFC400  }
0x51: {  	_ =	swait.ge [sflag:s28], $0x3C00  }
0x52: {  	s29 =	sadd.s32 $0x1, s29;
	[sflag:s28] =	ssyncset.done $0x0  }
0x53: {  	p0 =	sne.s32 s29, s10;
	[sflag:s28] =	ssyncadd.s32 $0xFFFFC400  }
.Ltmp1:
0x54: {  	[bflag:$0x0] =	sbarrier.arrive $0xFFFF;
	(pc) =	sbr.rel @p0 .LBB2_1-.Ltmp1, $4  }
0x55: {  	[hbm:s9], [sflag:s6] =	dma.local [spmem:s13], $0x2780  }
0x56: {  	_ =	swait.ge [sflag:s14], $0x2780  }
0x57: {  	[sflag:s14] =	ssyncset.done $0x0  }
0x58: {  	[sflag:s14] =	ssyncadd.s32 $0xFFFFD880  }
0x59: {  	_ =	sfence.sel $0x180000  }
0x5a: {  	[bflag:$0x0] =	sbarrier.arrive $0xFFFF  }
0x5b: {  	_ =	strace $0x90000053  }
0x5c: {  	s0 =	stileid.u32;
	[bflag:$0x2] =	sbarrier.arrive $0xFFFF  }
0x5d: {  	p0 =	sne.s32 s0, $0x0;
	s0 =	rddreg [dreg:$0x2]  }
0x5e: {  	s0 =	sadd.s32 @!p0 $0x100000, s0  }
0x5f: {  	[sflag:s0] =	ssyncadd.tile.s32 @!p0 $0x1;
	_ =	shalt  }
.Lfunc_end2:
_tile_overlayer_lowered:
.L_overlay_start_2:
0x60: {  	(tag) =	ssettag $0x2  }
0x61: {  	s0 =	rddreg [dreg:$0x0];
	s2 =	stileid.u32  }
0x62: {  	s1 =	rddreg [dreg:$0x1];
	p0 =	sne.s32 s2, $0x0  }
0x63: {  	s3 =	rddreg [dreg:$0x2];
	[bflag:$0x3] =	sbarrier.arrive $0xFFFF;
	s2 =	simm.s32 @!p0 $0x1C08  }
0x64: {  	[timem:s3], [sflag:s2] =	dma.local @!p0 [hbm:s0], s1  }
0x65: {  	s0 =	simm.s32 @!p0 $0x8  }
0x66: {  	_ =	swait.ge @!p0 [sflag:s0], s1  }
0x67: {  	s1 =	ssub.s32 @!p0 $0x0, s1;
	[sflag:s0] =	ssyncset.done @!p0 $0x0  }
0x68: {  	[sflag:s0] =	ssyncadd.s32 @!p0 s1  }
0x69: {  	[bflag:$0x3] =	sbarrier.arrive $0xFFFF  }
0x6a: {  	_ =	shalt  }

// kernel: kernel.24.cloned.1.call-start
scs
__scs_entry_jumppad:
0x0: {  	(pc) =	sbr.rel $0x88, $3  }
0x1: {  	(tag) =	ssettag $0x0;
	lr =	simm.s32 $0x1  }
0x2: {  	[smem:$0x3F96] =	sst lr;
	_ =	strace $0xD0000000  }
0x3: {  	_ = 	snop  }
0x4: {  	_ = 	snop  }
0x5: {  	_ = 	snop  }
0x6: {  	_ = 	snop  }
0x7: {  	_ = 	snop  }
__scs_overlays_trampoline_lowered:
0x8: {  	[smem:$0x3FA5] =	sst s0  }
0x9: {  	[smem:$0x3FA6] =	sst s1  }
0xa: {  	[smem:$0x3FA7] =	sst s2  }
0xb: {  	[smem:$0x3FA8] =	sst s3  }
0xc: {  	[smem:$0x3FA9] =	sst s4  }
0xd: {  	[smem:$0x3FAA] =	sst s5  }
0xe: {  	[smem:$0x3FAB] =	sst s6  }
0xf: {  	[smem:$0x3FAC] =	sst s7  }
0x10: {  	[smem:$0x3FAD] =	sst s8  }
0x11: {  	[smem:$0x3FAE] =	sst s9;
	s0 =	simm.s32 @!p0 $0x0  }
0x12: {  	s1 =	sld [smem:$0x3F94];
	s0 =	simm.s32 @p0 $0x1  }
0x13: {  	[smem:$0x3FAF] =	sst s0;
	s0 =	simm.s32 @!p1 $0x0  }
0x14: {  	s2 =	sld [smem:$0x3F93];
	s0 =	simm.s32 @p1 $0x1  }
0x15: {  	[smem:$0x3FB0] =	sst s0;
	s0 =	simm.s32 @!p2 $0x0  }
0x16: {  	s3 =	sld [smem:$0x3FDB];
	s0 =	simm.s32 @p2 $0x1  }
0x17: {  	s4 =	simm.s32 $0x1BF5;
	[smem:$0x3FB2] =	sst s0  }
0x18: {  	s0 =	sld [smem:$0x3F95];
	_ =	swait.ge [sflag:s4], $0x0  }
0x19: {  	s7 =	sld [smem:$0x3F96]  }
0x1a: {  	s8 =	sadd.s32 $0xFFFFE003, lr  }
0x1b: {  	s9 =	sadd.s32 $0xFFFFFEF7, lr;
	s5 =	simm.s32 $0xFFFFFFFF;
	p2 =	slt.u32 s8, $0xFFFFF086  }
0x1c: {  	p1 =	slt.u32 s9, $0xF7A;
	s5 =	simm.s32 @!p2 $0x0  }
0x1d: {  	s5 =	simm.s32 @p1 $0x1;
	p0 =	seq.s32 s7, s2  }
0x1e: {  	s7 =	smul.u32 @!p0 $0xF7A, s2;
	p2 =	seq.s32 @!p0 s5, $0x0  }
0x1f: {  	s9 =	smul.u32 $0xF7A, s1;
	s8 =	simm.s32 @!p0 $0x1BF5;
	p2 =	por !p2, p0  }
0x20: {  	[sflag:s8] =	ssyncset.s32 @!p0 $0xFFFFF086;
	s6 =	sadd.s32 @!p0 s3, s7;
	s7 =	simm.s32 @!p0 $0x108  }
0x21: {  	s3 =	sadd.s32 s3, s9;
	s6 =	sadd.s32 @!p0 $0x88, s6;
	s7 =	simm.s32 @p2 $0x1082  }
0x22: {  	[simem:s7], [sflag:s8] =	dma.local @!p0 [hbm:s6], $0xF7A  }
0x23: {  	s9 =	sor.u32 $0xD0000000, s2;
	s6 =	simm.s32 $0x108;
	_ =	swait.ge @!p0 [sflag:s8], $0x0  }
0x24: {  	s3 =	sadd.s32 $0x88, s3;
	s6 =	simm.s32 @!p1 $0x1082;
	[sflag:s4] =	ssyncset.s32 $0xFFFFF086  }
0x25: {  	[simem:s6], [sflag:s4] =	dma.local [hbm:s3], $0xF7A  }
0x26: {  	[smem:$0x3F96] =	sst s1;
	(tag) =	ssettag s2;
	_ =	strace s9  }
0x27: {  	s1 =	sld [smem:$0x3FA6]  }
0x28: {  	s2 =	sld [smem:$0x3FA7]  }
0x29: {  	s4 =	sld [smem:$0x3FA9]  }
0x2a: {  	p0 =	seq.s32 s5, $0x0;
	s5 =	sld [smem:$0x3FAA]  }
0x2b: {  	s6 =	sld [smem:$0x3FAB]  }
0x2c: {  	s7 =	sld [smem:$0x3FAC]  }
0x2d: {  	s3 =	simm.s32 $0x108;
	s8 =	sld [smem:$0x3FAD]  }
0x2e: {  	s3 =	simm.s32 @!p0 $0x1082;
	s9 =	sld [smem:$0x3FAE]  }
0x2f: {  	lr =	sadd.s32 s0, s3;
	s0 =	sld [smem:$0x3FA5]  }
0x30: {  	s3 =	sld [smem:$0x3FA8]  }
0x31: {  	[smem:$0x3FB1] =	sst s10  }
0x32: {  	s10 =	sld [smem:$0x3FAF];
	_ =	sdelay $0x3  }
0x33: {  	p0 =	seq.s32 s10, $0x1;
	s10 =	sld [smem:$0x3FB1];
	_ =	sdelay $0x3  }
0x34: {  	[smem:$0x3FB1] =	sst s10  }
0x35: {  	s10 =	sld [smem:$0x3FB0];
	_ =	sdelay $0x3  }
0x36: {  	p1 =	seq.s32 s10, $0x1;
	s10 =	sld [smem:$0x3FB1];
	_ =	sdelay $0x3  }
0x37: {  	[smem:$0x3FB1] =	sst s10  }
0x38: {  	s10 =	sld [smem:$0x3FB2]  }
0x39: {  	_ = 	snop;
	(pc) =	sbr.ind lr, $3  }
0x3a: {  	_ = 	snop  }
0x3b: {  	_ = 	snop  }
0x3c: {  	p2 =	seq.s32 s10, $0x1;
	s10 =	sld [smem:$0x3FB1]  }
0x3d: {  	_ =	shalt  }
0x3e: {  	_ =	shalt  }
0x3f: {  	_ =	shalt  }
0x40: {  	_ =	shalt  }
0x41: {  	_ =	shalt  }
0x42: {  	_ =	shalt  }
0x43: {  	_ =	shalt  }
0x44: {  	_ =	shalt  }
0x45: {  	_ =	shalt  }
0x46: {  	_ =	shalt  }
0x47: {  	_ =	shalt  }
0x48: {  	_ =	shalt  }
0x49: {  	_ =	shalt  }
0x4a: {  	_ =	shalt  }
0x4b: {  	_ =	shalt  }
0x4c: {  	_ =	shalt  }
0x4d: {  	_ =	shalt  }
0x4e: {  	_ =	shalt  }
0x4f: {  	_ =	shalt  }
0x50: {  	_ =	shalt  }
0x51: {  	_ =	shalt  }
0x52: {  	_ =	shalt  }
0x53: {  	_ =	shalt  }
0x54: {  	_ =	shalt  }
0x55: {  	_ =	shalt  }
0x56: {  	_ =	shalt  }
0x57: {  	_ =	shalt  }
0x58: {  	_ =	shalt  }
0x59: {  	_ =	shalt  }
0x5a: {  	_ =	shalt  }
0x5b: {  	_ =	shalt  }
0x5c: {  	_ =	shalt  }
0x5d: {  	_ =	shalt  }
0x5e: {  	_ =	shalt  }
0x5f: {  	_ =	shalt  }
0x60: {  	_ =	shalt  }
0x61: {  	_ =	shalt  }
0x62: {  	_ =	shalt  }
0x63: {  	_ =	shalt  }
0x64: {  	_ =	shalt  }
0x65: {  	_ =	shalt  }
0x66: {  	_ =	shalt  }
0x67: {  	_ =	shalt  }
0x68: {  	_ =	shalt  }
0x69: {  	_ =	shalt  }
0x6a: {  	_ =	shalt  }
0x6b: {  	_ =	shalt  }
0x6c: {  	_ =	shalt  }
0x6d: {  	_ =	shalt  }
0x6e: {  	_ =	shalt  }
0x6f: {  	_ =	shalt  }
0x70: {  	_ =	shalt  }
0x71: {  	_ =	shalt  }
0x72: {  	_ =	shalt  }
0x73: {  	_ =	shalt  }
0x74: {  	_ =	shalt  }
0x75: {  	_ =	shalt  }
0x76: {  	_ =	shalt  }
0x77: {  	_ =	shalt  }
0x78: {  	_ =	shalt  }
0x79: {  	_ =	shalt  }
0x7a: {  	_ =	shalt  }
0x7b: {  	_ =	shalt  }
0x7c: {  	_ =	shalt  }
0x7d: {  	_ =	shalt  }
0x7e: {  	_ =	shalt  }
0x7f: {  	_ =	shalt  }
0x80: {  	_ =	shalt  }
0x81: {  	_ =	shalt  }
0x82: {  	_ =	shalt  }
0x83: {  	_ =	shalt  }
0x84: {  	_ =	shalt  }
0x85: {  	_ =	shalt  }
0x86: {  	_ =	shalt  }
0x87: {  	_ =	shalt  }
.Lfunc_end0:
.L_simem_size_0:
called_computation.5_lowered:
.L_overlay_start_0:
0x88: {  	s2 =	sld [smem:$0x3FD9]  }
0x89: {  	s3 =	sld [smem:$0x3FFE];
	_ =	sdelay $0x1  }
0x8a: {  	s1 =	srdreg.scid  }
0x8b: {  	s0 =	sand.u32 $0x1, s1  }
0x8c: {  	s16 =	sshll.u32 s0, $0xA;
	s2 =	sadd.s32 s3, s2  }
0x8d: {  	s2 =	sadd.s32 s2, s16  }
0x8e: {  	[smem:$0x3FBD] =	sst s2  }
0x8f: {  	_ = 	snop  }
0x90: {  	(tm) =	ssettm $0x1  }
0x91: {  	s17 =	sld [smem:$0x3FFB];
	_ =	sdelay $0x3  }
0x92: {  	_ =	strace s17  }
0x93: {  	s2 =	sld [smem:$0x3FFC];
	_ =	sdelay $0x3  }
0x94: {  	_ =	strace s2  }
0x95: {  	s2 =	sld [smem:$0x3FFD];
	_ =	sdelay $0x3  }
0x96: {  	_ =	strace s2  }
0x97: {  	_ =	strace $0x8FFFFFFF  }
0x98: {  	s18 =	sld [smem:$0x3FDB];
	_ =	sdelay $0x1  }
0x99: {  	s19 =	simm.s32 $_scs_section_size  }
0x9a: {  	s4 =	simm.s32 $_size__tile_overlayer_lowered;
	s5 =	simm.s32 $_tile_overlayer_lowered  }
0x9b: {  	s22 =	simm.s32 $0x1BFF;
	s21 =	sshll.u32 s5, $0x1;
	s2 =	sadd.s32 s19, s18  }
0x9c: {  	s6 =	simm.s32 $0x0;
	s20 =	sshll.u32 s4, $0x1;
	s4 =	sadd.s32 s21, s2  }
0x9d: {  	[timem:s6], [sflag:s22] =	dma.local [hbm:s4], s20  }
0x9e: {  	_ =	swait.ge [sflag:s22], s20  }
0x9f: {  	s3 =	ssub.s32 $0x0, s20;
	[sflag:s22] =	ssyncset.done $0x0  }
0xa0: {  	[sflag:s22] =	ssyncadd.s32 s3;
	_ =	sdelay $0x1  }
0xa1: {  	s23 =	simm.s32 $0x1B8B  }
0xa2: {  	_ =	swait.ge [sflag:s23], $0x1  }
0xa3: {  	[sflag:s23] =	ssyncset.done $0x0  }
0xa4: {  	s25 =	simm.s32 $0x1B8E;
	s24 =	sld [smem:$0x3FFE];
	[sflag:s23] =	ssyncadd.s32 $0xFFFFFFFF  }
0xa5: {  	s26 =	simm.s32 $execute0_lowered;
	[smem:$0x3FD2] =	sst s25  }
0xa6: {  	s4 =	sshll.u32 s26, $0x1;
	_ =	strace $0x80000055;
	[dreg:$0x1] =	wrdreg $0xFFFFFFFF  }
0xa7: {  	s28 =	simm.s32 $_size_execute0_lowered;
	s2 =	sadd.s32 s2, s4;
	[dreg:$0x0] =	wrdreg $0x0  }
0xa8: {  	s4 =	sshll.u32 s28, $0x1;
	[dreg:$0x2] =	wrdreg s2  }
0xa9: {  	[dreg:$0x3] =	wrdreg s4  }
0xaa: {  	[dreg:$0x4] =	wrdreg $0xC0  }
0xab: {  	_ =	task [dreg:s6], $0x5FFFF  }
0xac: {  	[dreg:$0x1] =	wrdreg $0xFFFFFFFF  }
0xad: {  	[dreg:$0x0] =	wrdreg $0x60  }
0xae: {  	[dreg:$0x2] =	wrdreg s24  }
0xaf: {  	[dreg:$0x3] =	wrdreg $0xBE000  }
0xb0: {  	[dreg:$0x4] =	wrdreg $0x9  }
0xb1: {  	_ =	task.clear_ibuf [dreg:s6], $0x5FFFF;
	_ =	strace $0x90000055  }
0xb2: {  	s29 =	simm.s32 $0x9;
	_ =	strace $0x80000057  }
0xb3: {  	_ =	swait.ge [sflag:s29], $0x1  }
0xb4: {  	[sflag:s29] =	ssyncadd.s32 $0xFFFFFFFF  }
0xb5: {  	_ =	strace $0x90000057  }
0xb6: {  	_ =	sfence  }
0xb7: {  	s30 =	sld [smem:$0x0];
	_ =	sdelay $0x2  }
0xb8: {  	s31 =	sshll.u32 s1, $0xD;
	s1 =	sshrl.u32 s1, $0x2  }
0xb9: {  	s3 =	sand.u32 $0x4000, s31;
	s1 =	sadd.s32 s1, s30  }
0xba: {  	s0 =	sor.u32 s3, s0;
	s1 =	sshll.u32 s1, $0x11  }
0xbb: {  	s0 =	sor.u32 s1, s0  }
0xbc: {  	s0 =	sadd.s32 $0x8F2B, s0  }
0xbd: {  	[sflag:s0] =	ssyncadd.remote.s32 $0x1  }
0xbe: {  	_ =	sfence.sel $0xFFFF  }
0xbf: {  	[dreg:$0x0] =	wrdreg $0xFFFFFFFF;
	(pc) =	sbr.abs _section_cstart, $3  }
0xc0: {  	[dreg:$0x1] =	wrdreg $0xFFFFFFFF  }
0xc1: {  	_ =	task.clear_ibuf [dreg:s6], $0x2FFFF;
	_ =	strace $0x9FFFFFFF  }
0xc2: {  	(tm) =	ssettm $0x7FFFFFFF  }
0xc3: {  	_ =	shalt  }
tec
execute0_lowered:
.L_overlay_start_1:
0x0: {  	(tag) =	ssettag $0x1  }
0x1: {  	s0 =	rddreg [dreg:$0x0]  }
0x2: {  	s2 =	rddreg [dreg:$0x1]  }
0x3: {  	s4 =	simm.s32 $0x0;
	s3 =	stileid.u32;
	s1 =	srdreg.scid  }
0x4: {  	s16 =	simm.s32 $0x7;
	s17 =	simm.s32 $0x78;
	s18 =	simm.s32 $0xA00  }
0x5: {  	s19 =	simm.s32 $0x80;
	s20 =	simm.s32 $0x4600;
	s28 =	simm.s32 $0x6  }
0x6: {  	s29 =	simm.s32 $0x0;
	[smem:$0x7FF] =	sst s4;
	s5 =	smul.u32 $0x13C00, s3  }
0x7: {  	s1 =	sand.u32 $0x1, s1;
	s4 =	sadd.s32 $0x15400, s0;
	s10 =	sadd.s32 $0x22AA00, s0  }
0x8: {  	s11 =	sadd.s32 $0x7400, s0;
	s8 =	smul.u32 $0x4F000, s3;
	s9 =	sshll.u32 s3, $0x1  }
0x9: {  	s25 =	sshll.u32 s3, $0x6;
	s14 =	smul.u32 $0xE00, s3;
	_ =	strace $0x80000056  }
0xa: {  	s6 =	smul.u32 $0x13C000, s1;
	s21 =	ssub.s32 $0x2, s1;
	s24 =	sor.u32 s1, s9  }
0xb: {  	s1 =	smul.u32 $0x700, s1;
	s7 =	sshrl.u32 s5, $0x3;
	s22 =	sshrl.u32 s21, $0x1  }
0xc: {  	s23 =	sshrl.u32 s8, $0x2;
	s9 =	smul.u32 $0x700, s24;
	s31 =	sadd.s32 s14, s10  }
0xd: {  	s24 =	simm.s32 $0x3;
	s7 =	sadd.s32 s7, s0;
	s5 =	sadd.s32 s5, s6  }
0xe: {  	s12 =	ssub.s32 s21, s22;
	s13 =	sadd.s32 s23, s2;
	s6 =	sor.u32 $0x1C08, s25  }
0xf: {  	s21 =	simm.s32 $0x8200;
	s22 =	simm.s32 $0x1;
	s23 =	simm.s32 $0x2  }
0x10: {  	s25 =	simm.s32 $0x4;
	s5 =	sshrl.u32 s5, $0x3;
	s26 =	sadd.s32 $0x238A00, s7  }
0x11: {  	s30 =	sadd.s32 s10, s9;
	s8 =	sadd.s32 s11, s9;
	s11 =	sadd.s32 s14, s11  }
0x12: {  	s10 =	smax.u32 s12, $0x1;
	s13 =	sshrl.u32 s13, $0x3;
	[dreg:$0x3] =	wrdreg s26  }
0x13: {  	s14 =	simm.s32 $0x8;
	s0 =	sadd.s32 s5, s0;
	[dreg:$0x4] =	wrdreg s30  }
0x14: {  	s9 =	sadd.s32 $0x260200, s0;
	s0 =	sadd.s32 s1, s31;
	s1 =	sadd.s32 s1, s11  }
0x15: {  	s26 =	simm.s32 $0x5;
	s11 =	sadd.s32 $0x40, s0;
	s12 =	sadd.s32 $0x40, s1  }
.LBB2_1:
0x16: {  	s0 =	rddreg [dreg:$0x3]  }
0x17: {  	[spmem:s13], [sflag:s6] =	dma.local [hbm:s0], $0x2780  }
0x18: {  	_ =	swait.ge [sflag:s14], $0x2780  }
0x19: {  	[sflag:s14] =	ssyncset.done $0x0  }
0x1a: {  	s7 =	simm.s32 $0x0;
	s1 =	rddreg [dreg:$0x4];
	[sflag:s14] =	ssyncadd.s32 $0xFFFFD880  }
0x1b: {  	[tilespmem:s7], [sflag:$0x7] =	stream.linear.gather [hbm4b:s1+s7], $0x180, $0x38;
	[tilespmem:$0x1FA00] =	vst v63  }
0x1c: {  	s15 =	simm.s32 $0x400;
	s30 =	smov.u32 s12  }
0x1d: {  	[tilespmem:s15], [sflag:$0x7] =	stream.linear.gather [hbm4b:s8+s7], $0x180, $0x38;
	[tilespmem:$0x1FA00] =	vst v63  }
0x1e: {  	s31 =	smov.u32 s11;
	s0 =	simm.s32 $0x0;
	[bflag:$0x0] =	sbarrier.arrive $0xFFFF  }
.LBB2_2:
0x1f: {  	_ =	swait.ge [sflag:s16], $0x180;
	s1 =	sadd.s32 $0x1, s0;
	p0 =	seq.s32 s0, $0x1B  }
0x20: {  	[sflag:s16] =	ssyncset.done $0x0;
	s3 =	smul.u32 @!p0 $0xAB, s1  }
0x21: {  	s15 =	sand.u32 $0x1, s0;
	[sflag:s16] =	ssyncadd.s32 $0xFFFFFE80  }
0x22: {  	s5 =	sshll.u32 @!p0 s15, $0x9;
	_ =	swait.ge [sflag:s16], $0x180;
	s3 =	sshrl.u32 @!p0 s3, $0x9  }
0x23: {  	s7 =	simm.s32 @!p0 $0x0;
	[sflag:s16] =	ssyncset.done $0x0;
	s3 =	sand.u32 @!p0 $0x7F, s3  }
0x24: {  	s5 =	sxor.u32 @!p0 $0x200, s5;
	[sflag:s16] =	ssyncadd.s32 $0xFFFFFE80;
	s3 =	smul.u32 @!p0 $0x3, s3  }
0x25: {  	[tilespmem:s5], [sflag:$0x7] =	stream.linear.gather @!p0 [hbm4b:s31+s7], $0x180, $0x38;
	[tilespmem:$0x1FA00] =	vst v63  }
0x26: {  	s3 =	ssub.s32 @!p0 s1, s3  }
0x27: {  	s3 =	sand.u32 @!p0 $0xFF, s3  }
0x28: {  	s3 =	sshll.u32 @!p0 s3, $0x9  }
0x29: {  	p1 =	sne.s32 @!p0 s0, $0x0;
	s3 =	sadd.s32 @!p0 $0x400, s3  }
0x2a: {  	[tilespmem:s3], [sflag:$0x7] =	stream.linear.gather @!p0 [hbm4b:s30+s7], $0x180, $0x38;
	[tilespmem:$0x1FA00] =	vst v63  }
0x2b: {  	p0 =	por p0, p1  }
0x2c: {  	s15 =	simm.s32 @!p0 $0x0  }
0x2d: {  	[tilespmem:s18], [sflag:$0x1] =	stream.indirect.gather @!p0 [hbm4b:s4+s17], $0x80, s15, s17, $0xb8;
	[tilespmem:$0x1FA00] =	vst v63  }
0x2e: {  	_ = 	snop  }
0x2f: {  	[tilespmem:s20], [sflag:$0x2] =	stream.indirect.gather @!p0 [hbm4b:s4+s17], $0x80, s19, s17, $0xb8;
	[tilespmem:$0x1FA00] =	vst v63  }
0x30: {  	_ =	swait.ge @p0 [sflag:s25], $0x3C00  }
0x31: {  	[sflag:s25] =	ssyncset.done @p0 $0x0  }
0x32: {  	s15 =	sshll.u32 @p0 s15, $0x9;
	[sflag:s25] =	ssyncadd.s32 @p0 $0xFFFFC400  }
0x33: {  	[tilespmem:s18], [sflag:$0x1] =	stream.indirect.gather @p0 [hbm4b:s4+s17], $0x80, s15, s17, $0xb8;
	[tilespmem:$0x1FA00] =	vst v63  }
0x34: {  	_ =	swait.ge @p0 [sflag:s26], $0x3C00  }
0x35: {  	[sflag:s26] =	ssyncset.done @p0 $0x0  }
0x36: {  	s5 =	smul.u32 $0xAB, s0;
	s3 =	sor.u32 @p0 $0x80, s15;
	[sflag:s26] =	ssyncadd.s32 @p0 $0xFFFFC400  }
0x37: {  	[tilespmem:s20], [sflag:$0x2] =	stream.indirect.gather @p0 [hbm4b:s4+s17], $0x80, s3, s17, $0xb8;
	[tilespmem:$0x1FA00] =	vst v63  }
0x38: {  	s3 =	sshrl.u32 s5, $0x9  }
0x39: {  	s3 =	sand.u32 $0x7F, s3  }
0x3a: {  	_ =	swait.ge @p0 [sflag:s28], $0x3C00;
	s3 =	smul.u32 $0x3, s3  }
0x3b: {  	[sflag:s28] =	ssyncset.done @p0 $0x0  }
0x3c: {  	s5 =	sadd.s32 $0x100, s15;
	[sflag:s28] =	ssyncadd.s32 @p0 $0xFFFFC400;
	s7 =	ssub.s32 s0, s3  }
0x3d: {  	[tilespmem:s21], [sflag:$0x3] =	stream.indirect.gather [hbm4b:s4+s17], $0x80, s5, s17, $0xb8;
	[tilespmem:$0x1FA00] =	vst v63  }
0x3e: {  	s0 =	sand.u32 $0xFF, s7;
	_ =	swait.ge [sflag:s22], $0x3C00  }
0x3f: {  	[sflag:s22] =	ssyncset.done $0x0;
	s0 =	sshll.u32 s0, $0x9  }
0x40: {  	[sflag:s22] =	ssyncadd.s32 $0xFFFFC400;
	s7 =	sadd.s32 $0x400, s0  }
0x41: {  	[spmem:s2] =	stream.indirect.scatter.add.f32 [tilespmem:s18], [sflag:$0x4], $0x80, s7, s17, $0xb8;
	[tilespmem:$0x1FA00] =	vst v63  }
0x42: {  	_ =	swait.ge [sflag:s23], $0x3C00  }
0x43: {  	[sflag:s23] =	ssyncset.done $0x0  }
0x44: {  	p0 =	sne.s32 s1, $0x1C;
	s15 =	sadd.s32 $0x480, s0;
	[sflag:s23] =	ssyncadd.s32 $0xFFFFC400  }
0x45: {  	[spmem:s2] =	stream.indirect.scatter.add.f32 [tilespmem:s20], [sflag:$0x5], $0x80, s15, s17, $0xb8;
	[tilespmem:$0x1FA00] =	vst v63  }
.Ltmp0:
0x46: {  	_ =	swait.ge [sflag:s24], $0x3C00;
	(pc) =	sbr.rel @p0 .LBB2_2-.Ltmp0, $4  }
0x47: {  	[sflag:s24] =	ssyncset.done $0x0  }
0x48: {  	s0 =	sadd.s32 $0x500, s0;
	[sflag:s24] =	ssyncadd.s32 $0xFFFFC400  }
0x49: {  	[spmem:s2] =	stream.indirect.scatter.add.f32 [tilespmem:s21], [sflag:$0x6], $0x80, s0, s17, $0xb8;
	[tilespmem:$0x1FA00] =	vst v63  }
0x4a: {  	s31 =	sadd.s32 $0x40, s31;
	s30 =	sadd.s32 $0x40, s30;
	s0 =	smov.u32 s1  }
0x4b: {  	_ =	swait.ge [sflag:s25], $0x3C00  }
0x4c: {  	[sflag:s25] =	ssyncset.done $0x0  }
0x4d: {  	[sflag:s25] =	ssyncadd.s32 $0xFFFFC400  }
0x4e: {  	_ =	swait.ge [sflag:s26], $0x3C00  }
0x4f: {  	[sflag:s26] =	ssyncset.done $0x0  }
0x50: {  	[sflag:s26] =	ssyncadd.s32 $0xFFFFC400  }
0x51: {  	_ =	swait.ge [sflag:s28], $0x3C00  }
0x52: {  	s29 =	sadd.s32 $0x1, s29;
	[sflag:s28] =	ssyncset.done $0x0  }
0x53: {  	p0 =	sne.s32 s29, s10;
	[sflag:s28] =	ssyncadd.s32 $0xFFFFC400  }
.Ltmp1:
0x54: {  	[bflag:$0x0] =	sbarrier.arrive $0xFFFF;
	(pc) =	sbr.rel @p0 .LBB2_1-.Ltmp1, $4  }
0x55: {  	[hbm:s9], [sflag:s6] =	dma.local [spmem:s13], $0x2780  }
0x56: {  	_ =	swait.ge [sflag:s14], $0x2780  }
0x57: {  	[sflag:s14] =	ssyncset.done $0x0  }
0x58: {  	[sflag:s14] =	ssyncadd.s32 $0xFFFFD880  }
0x59: {  	_ =	sfence.sel $0x180000  }
0x5a: {  	[bflag:$0x0] =	sbarrier.arrive $0xFFFF  }
0x5b: {  	_ =	strace $0x90000056  }
0x5c: {  	s0 =	stileid.u32;
	[bflag:$0x2] =	sbarrier.arrive $0xFFFF  }
0x5d: {  	p0 =	sne.s32 s0, $0x0;
	s0 =	rddreg [dreg:$0x2]  }
0x5e: {  	s0 =	sadd.s32 @!p0 $0x100000, s0  }
0x5f: {  	[sflag:s0] =	ssyncadd.tile.s32 @!p0 $0x1;
	_ =	shalt  }
.Lfunc_end2:
_tile_overlayer_lowered:
.L_overlay_start_2:
0x60: {  	(tag) =	ssettag $0x2  }
0x61: {  	s0 =	rddreg [dreg:$0x0];
	s2 =	stileid.u32  }
0x62: {  	s1 =	rddreg [dreg:$0x1];
	p0 =	sne.s32 s2, $0x0  }
0x63: {  	s3 =	rddreg [dreg:$0x2];
	[bflag:$0x3] =	sbarrier.arrive $0xFFFF;
	s2 =	simm.s32 @!p0 $0x1C08  }
0x64: {  	[timem:s3], [sflag:s2] =	dma.local @!p0 [hbm:s0], s1  }
0x65: {  	s0 =	simm.s32 @!p0 $0x8  }
0x66: {  	_ =	swait.ge @!p0 [sflag:s0], s1  }
0x67: {  	s1 =	ssub.s32 @!p0 $0x0, s1;
	[sflag:s0] =	ssyncset.done @!p0 $0x0  }
0x68: {  	[sflag:s0] =	ssyncadd.s32 @!p0 s1  }
0x69: {  	[bflag:$0x3] =	sbarrier.arrive $0xFFFF  }
0x6a: {  	_ =	shalt  }

// kernel: kernel.27.cloned.1.call-start
scs
__scs_entry_jumppad:
0x0: {  	(pc) =	sbr.rel $0x88, $3  }
0x1: {  	(tag) =	ssettag $0x0;
	lr =	simm.s32 $0x1  }
0x2: {  	[smem:$0x3F96] =	sst lr;
	_ =	strace $0xD0000000  }
0x3: {  	_ = 	snop  }
0x4: {  	_ = 	snop  }
0x5: {  	_ = 	snop  }
0x6: {  	_ = 	snop  }
0x7: {  	_ = 	snop  }
__scs_overlays_trampoline_lowered:
0x8: {  	[smem:$0x3FA5] =	sst s0  }
0x9: {  	[smem:$0x3FA6] =	sst s1  }
0xa: {  	[smem:$0x3FA7] =	sst s2  }
0xb: {  	[smem:$0x3FA8] =	sst s3  }
0xc: {  	[smem:$0x3FA9] =	sst s4  }
0xd: {  	[smem:$0x3FAA] =	sst s5  }
0xe: {  	[smem:$0x3FAB] =	sst s6  }
0xf: {  	[smem:$0x3FAC] =	sst s7  }
0x10: {  	[smem:$0x3FAD] =	sst s8  }
0x11: {  	[smem:$0x3FAE] =	sst s9;
	s0 =	simm.s32 @!p0 $0x0  }
0x12: {  	s1 =	sld [smem:$0x3F94];
	s0 =	simm.s32 @p0 $0x1  }
0x13: {  	[smem:$0x3FAF] =	sst s0;
	s0 =	simm.s32 @!p1 $0x0  }
0x14: {  	s2 =	sld [smem:$0x3F93];
	s0 =	simm.s32 @p1 $0x1  }
0x15: {  	[smem:$0x3FB0] =	sst s0;
	s0 =	simm.s32 @!p2 $0x0  }
0x16: {  	s3 =	sld [smem:$0x3FDB];
	s0 =	simm.s32 @p2 $0x1  }
0x17: {  	s4 =	simm.s32 $0x1BF5;
	[smem:$0x3FB2] =	sst s0  }
0x18: {  	s0 =	sld [smem:$0x3F95];
	_ =	swait.ge [sflag:s4], $0x0  }
0x19: {  	s7 =	sld [smem:$0x3F96]  }
0x1a: {  	s8 =	sadd.s32 $0xFFFFE003, lr  }
0x1b: {  	s9 =	sadd.s32 $0xFFFFFEF7, lr;
	s5 =	simm.s32 $0xFFFFFFFF;
	p2 =	slt.u32 s8, $0xFFFFF086  }
0x1c: {  	p1 =	slt.u32 s9, $0xF7A;
	s5 =	simm.s32 @!p2 $0x0  }
0x1d: {  	s5 =	simm.s32 @p1 $0x1;
	p0 =	seq.s32 s7, s2  }
0x1e: {  	s7 =	smul.u32 @!p0 $0xF7A, s2;
	p2 =	seq.s32 @!p0 s5, $0x0  }
0x1f: {  	s9 =	smul.u32 $0xF7A, s1;
	s8 =	simm.s32 @!p0 $0x1BF5;
	p2 =	por !p2, p0  }
0x20: {  	[sflag:s8] =	ssyncset.s32 @!p0 $0xFFFFF086;
	s6 =	sadd.s32 @!p0 s3, s7;
	s7 =	simm.s32 @!p0 $0x108  }
0x21: {  	s3 =	sadd.s32 s3, s9;
	s6 =	sadd.s32 @!p0 $0x88, s6;
	s7 =	simm.s32 @p2 $0x1082  }
0x22: {  	[simem:s7], [sflag:s8] =	dma.local @!p0 [hbm:s6], $0xF7A  }
0x23: {  	s9 =	sor.u32 $0xD0000000, s2;
	s6 =	simm.s32 $0x108;
	_ =	swait.ge @!p0 [sflag:s8], $0x0  }
0x24: {  	s3 =	sadd.s32 $0x88, s3;
	s6 =	simm.s32 @!p1 $0x1082;
	[sflag:s4] =	ssyncset.s32 $0xFFFFF086  }
0x25: {  	[simem:s6], [sflag:s4] =	dma.local [hbm:s3], $0xF7A  }
0x26: {  	[smem:$0x3F96] =	sst s1;
	(tag) =	ssettag s2;
	_ =	strace s9  }
0x27: {  	s1 =	sld [smem:$0x3FA6]  }
0x28: {  	s2 =	sld [smem:$0x3FA7]  }
0x29: {  	s4 =	sld [smem:$0x3FA9]  }
0x2a: {  	p0 =	seq.s32 s5, $0x0;
	s5 =	sld [smem:$0x3FAA]  }
0x2b: {  	s6 =	sld [smem:$0x3FAB]  }
0x2c: {  	s7 =	sld [smem:$0x3FAC]  }
0x2d: {  	s3 =	simm.s32 $0x108;
	s8 =	sld [smem:$0x3FAD]  }
0x2e: {  	s3 =	simm.s32 @!p0 $0x1082;
	s9 =	sld [smem:$0x3FAE]  }
0x2f: {  	lr =	sadd.s32 s0, s3;
	s0 =	sld [smem:$0x3FA5]  }
0x30: {  	s3 =	sld [smem:$0x3FA8]  }
0x31: {  	[smem:$0x3FB1] =	sst s10  }
0x32: {  	s10 =	sld [smem:$0x3FAF];
	_ =	sdelay $0x3  }
0x33: {  	p0 =	seq.s32 s10, $0x1;
	s10 =	sld [smem:$0x3FB1];
	_ =	sdelay $0x3  }
0x34: {  	[smem:$0x3FB1] =	sst s10  }
0x35: {  	s10 =	sld [smem:$0x3FB0];
	_ =	sdelay $0x3  }
0x36: {  	p1 =	seq.s32 s10, $0x1;
	s10 =	sld [smem:$0x3FB1];
	_ =	sdelay $0x3  }
0x37: {  	[smem:$0x3FB1] =	sst s10  }
0x38: {  	s10 =	sld [smem:$0x3FB2]  }
0x39: {  	_ = 	snop;
	(pc) =	sbr.ind lr, $3  }
0x3a: {  	_ = 	snop  }
0x3b: {  	_ = 	snop  }
0x3c: {  	p2 =	seq.s32 s10, $0x1;
	s10 =	sld [smem:$0x3FB1]  }
0x3d: {  	_ =	shalt  }
0x3e: {  	_ =	shalt  }
0x3f: {  	_ =	shalt  }
0x40: {  	_ =	shalt  }
0x41: {  	_ =	shalt  }
0x42: {  	_ =	shalt  }
0x43: {  	_ =	shalt  }
0x44: {  	_ =	shalt  }
0x45: {  	_ =	shalt  }
0x46: {  	_ =	shalt  }
0x47: {  	_ =	shalt  }
0x48: {  	_ =	shalt  }
0x49: {  	_ =	shalt  }
0x4a: {  	_ =	shalt  }
0x4b: {  	_ =	shalt  }
0x4c: {  	_ =	shalt  }
0x4d: {  	_ =	shalt  }
0x4e: {  	_ =	shalt  }
0x4f: {  	_ =	shalt  }
0x50: {  	_ =	shalt  }
0x51: {  	_ =	shalt  }
0x52: {  	_ =	shalt  }
0x53: {  	_ =	shalt  }
0x54: {  	_ =	shalt  }
0x55: {  	_ =	shalt  }
0x56: {  	_ =	shalt  }
0x57: {  	_ =	shalt  }
0x58: {  	_ =	shalt  }
0x59: {  	_ =	shalt  }
0x5a: {  	_ =	shalt  }
0x5b: {  	_ =	shalt  }
0x5c: {  	_ =	shalt  }
0x5d: {  	_ =	shalt  }
0x5e: {  	_ =	shalt  }
0x5f: {  	_ =	shalt  }
0x60: {  	_ =	shalt  }
0x61: {  	_ =	shalt  }
0x62: {  	_ =	shalt  }
0x63: {  	_ =	shalt  }
0x64: {  	_ =	shalt  }
0x65: {  	_ =	shalt  }
0x66: {  	_ =	shalt  }
0x67: {  	_ =	shalt  }
0x68: {  	_ =	shalt  }
0x69: {  	_ =	shalt  }
0x6a: {  	_ =	shalt  }
0x6b: {  	_ =	shalt  }
0x6c: {  	_ =	shalt  }
0x6d: {  	_ =	shalt  }
0x6e: {  	_ =	shalt  }
0x6f: {  	_ =	shalt  }
0x70: {  	_ =	shalt  }
0x71: {  	_ =	shalt  }
0x72: {  	_ =	shalt  }
0x73: {  	_ =	shalt  }
0x74: {  	_ =	shalt  }
0x75: {  	_ =	shalt  }
0x76: {  	_ =	shalt  }
0x77: {  	_ =	shalt  }
0x78: {  	_ =	shalt  }
0x79: {  	_ =	shalt  }
0x7a: {  	_ =	shalt  }
0x7b: {  	_ =	shalt  }
0x7c: {  	_ =	shalt  }
0x7d: {  	_ =	shalt  }
0x7e: {  	_ =	shalt  }
0x7f: {  	_ =	shalt  }
0x80: {  	_ =	shalt  }
0x81: {  	_ =	shalt  }
0x82: {  	_ =	shalt  }
0x83: {  	_ =	shalt  }
0x84: {  	_ =	shalt  }
0x85: {  	_ =	shalt  }
0x86: {  	_ =	shalt  }
0x87: {  	_ =	shalt  }
.Lfunc_end0:
.L_simem_size_0:
called_computation.6_lowered:
.L_overlay_start_0:
0x88: {  	s2 =	sld [smem:$0x3FD9]  }
0x89: {  	s3 =	sld [smem:$0x3FFE];
	_ =	sdelay $0x1  }
0x8a: {  	s1 =	srdreg.scid  }
0x8b: {  	s0 =	sand.u32 $0x1, s1  }
0x8c: {  	s16 =	sshll.u32 s0, $0xA;
	s2 =	sadd.s32 s3, s2  }
0x8d: {  	s2 =	sadd.s32 s2, s16  }
0x8e: {  	[smem:$0x3FBD] =	sst s2  }
0x8f: {  	_ = 	snop  }
0x90: {  	(tm) =	ssettm $0x1  }
0x91: {  	s17 =	sld [smem:$0x3FFB];
	_ =	sdelay $0x3  }
0x92: {  	_ =	strace s17  }
0x93: {  	s2 =	sld [smem:$0x3FFC];
	_ =	sdelay $0x3  }
0x94: {  	_ =	strace s2  }
0x95: {  	s2 =	sld [smem:$0x3FFD];
	_ =	sdelay $0x3  }
0x96: {  	_ =	strace s2  }
0x97: {  	_ =	strace $0x8FFFFFFF  }
0x98: {  	s18 =	sld [smem:$0x3FDB];
	_ =	sdelay $0x1  }
0x99: {  	s19 =	simm.s32 $_scs_section_size  }
0x9a: {  	s4 =	simm.s32 $_size__tile_overlayer_lowered;
	s5 =	simm.s32 $_tile_overlayer_lowered  }
0x9b: {  	s22 =	simm.s32 $0x1BFF;
	s21 =	sshll.u32 s5, $0x1;
	s2 =	sadd.s32 s19, s18  }
0x9c: {  	s6 =	simm.s32 $0x0;
	s20 =	sshll.u32 s4, $0x1;
	s4 =	sadd.s32 s21, s2  }
0x9d: {  	[timem:s6], [sflag:s22] =	dma.local [hbm:s4], s20  }
0x9e: {  	_ =	swait.ge [sflag:s22], s20  }
0x9f: {  	s3 =	ssub.s32 $0x0, s20;
	[sflag:s22] =	ssyncset.done $0x0  }
0xa0: {  	[sflag:s22] =	ssyncadd.s32 s3;
	_ =	sdelay $0x1  }
0xa1: {  	s23 =	simm.s32 $0x1B8B  }
0xa2: {  	_ =	swait.ge [sflag:s23], $0x1  }
0xa3: {  	[sflag:s23] =	ssyncset.done $0x0  }
0xa4: {  	s25 =	simm.s32 $0x1B8E;
	s24 =	sld [smem:$0x3FFE];
	[sflag:s23] =	ssyncadd.s32 $0xFFFFFFFF  }
0xa5: {  	s26 =	simm.s32 $execute0_lowered;
	[smem:$0x3FD2] =	sst s25  }
0xa6: {  	s4 =	sshll.u32 s26, $0x1;
	_ =	strace $0x80000058;
	[dreg:$0x1] =	wrdreg $0xFFFFFFFF  }
0xa7: {  	s28 =	simm.s32 $_size_execute0_lowered;
	s2 =	sadd.s32 s2, s4;
	[dreg:$0x0] =	wrdreg $0x0  }
0xa8: {  	s4 =	sshll.u32 s28, $0x1;
	[dreg:$0x2] =	wrdreg s2  }
0xa9: {  	[dreg:$0x3] =	wrdreg s4  }
0xaa: {  	[dreg:$0x4] =	wrdreg $0xC0  }
0xab: {  	_ =	task [dreg:s6], $0x5FFFF  }
0xac: {  	[dreg:$0x1] =	wrdreg $0xFFFFFFFF  }
0xad: {  	[dreg:$0x0] =	wrdreg $0x60  }
0xae: {  	[dreg:$0x2] =	wrdreg s24  }
0xaf: {  	[dreg:$0x3] =	wrdreg $0xBE000  }
0xb0: {  	[dreg:$0x4] =	wrdreg $0x9  }
0xb1: {  	_ =	task.clear_ibuf [dreg:s6], $0x5FFFF;
	_ =	strace $0x90000058  }
0xb2: {  	s29 =	simm.s32 $0x9;
	_ =	strace $0x8000005A  }
0xb3: {  	_ =	swait.ge [sflag:s29], $0x1  }
0xb4: {  	[sflag:s29] =	ssyncadd.s32 $0xFFFFFFFF  }
0xb5: {  	_ =	strace $0x9000005A  }
0xb6: {  	_ =	sfence  }
0xb7: {  	s30 =	sld [smem:$0x0];
	_ =	sdelay $0x2  }
0xb8: {  	s31 =	sshll.u32 s1, $0xD;
	s1 =	sshrl.u32 s1, $0x2  }
0xb9: {  	s3 =	sand.u32 $0x4000, s31;
	s1 =	sadd.s32 s1, s30  }
0xba: {  	s0 =	sor.u32 s3, s0;
	s1 =	sshll.u32 s1, $0x11  }
0xbb: {  	s0 =	sor.u32 s1, s0  }
0xbc: {  	s0 =	sadd.s32 $0x8F2B, s0  }
0xbd: {  	[sflag:s0] =	ssyncadd.remote.s32 $0x1  }
0xbe: {  	_ =	sfence.sel $0xFFFF  }
0xbf: {  	[dreg:$0x0] =	wrdreg $0xFFFFFFFF;
	(pc) =	sbr.abs _section_cstart, $3  }
0xc0: {  	[dreg:$0x1] =	wrdreg $0xFFFFFFFF  }
0xc1: {  	_ =	task.clear_ibuf [dreg:s6], $0x2FFFF;
	_ =	strace $0x9FFFFFFF  }
0xc2: {  	(tm) =	ssettm $0x7FFFFFFF  }
0xc3: {  	_ =	shalt  }
tec
execute0_lowered:
.L_overlay_start_1:
0x0: {  	(tag) =	ssettag $0x1  }
0x1: {  	s0 =	rddreg [dreg:$0x0]  }
0x2: {  	s2 =	rddreg [dreg:$0x1]  }
0x3: {  	s4 =	simm.s32 $0x0;
	s3 =	stileid.u32;
	s1 =	srdreg.scid  }
0x4: {  	s16 =	simm.s32 $0x7;
	s17 =	simm.s32 $0x78;
	s18 =	simm.s32 $0xA00  }
0x5: {  	s19 =	simm.s32 $0x80;
	s20 =	simm.s32 $0x4600;
	s28 =	simm.s32 $0x6  }
0x6: {  	s29 =	simm.s32 $0x0;
	[smem:$0x7FF] =	sst s4;
	s5 =	smul.u32 $0x13C00, s3  }
0x7: {  	s1 =	sand.u32 $0x1, s1;
	s4 =	sadd.s32 $0x15400, s0;
	s10 =	sadd.s32 $0x22AA00, s0  }
0x8: {  	s11 =	sadd.s32 $0x7400, s0;
	s8 =	smul.u32 $0x4F000, s3;
	s9 =	sshll.u32 s3, $0x1  }
0x9: {  	s25 =	sshll.u32 s3, $0x6;
	s14 =	smul.u32 $0xE00, s3;
	_ =	strace $0x80000059  }
0xa: {  	s6 =	smul.u32 $0x13C000, s1;
	s21 =	ssub.s32 $0x2, s1;
	s24 =	sor.u32 s1, s9  }
0xb: {  	s1 =	smul.u32 $0x700, s1;
	s7 =	sshrl.u32 s5, $0x3;
	s22 =	sshrl.u32 s21, $0x1  }
0xc: {  	s23 =	sshrl.u32 s8, $0x2;
	s9 =	smul.u32 $0x700, s24;
	s31 =	sadd.s32 s14, s10  }
0xd: {  	s24 =	simm.s32 $0x3;
	s7 =	sadd.s32 s7, s0;
	s5 =	sadd.s32 s5, s6  }
0xe: {  	s12 =	ssub.s32 s21, s22;
	s13 =	sadd.s32 s23, s2;
	s6 =	sor.u32 $0x1C08, s25  }
0xf: {  	s21 =	simm.s32 $0x8200;
	s22 =	simm.s32 $0x1;
	s23 =	simm.s32 $0x2  }
0x10: {  	s25 =	simm.s32 $0x4;
	s5 =	sshrl.u32 s5, $0x3;
	s26 =	sadd.s32 $0x238A00, s7  }
0x11: {  	s30 =	sadd.s32 s10, s9;
	s8 =	sadd.s32 s11, s9;
	s11 =	sadd.s32 s14, s11  }
0x12: {  	s10 =	smax.u32 s12, $0x1;
	s13 =	sshrl.u32 s13, $0x3;
	[dreg:$0x3] =	wrdreg s26  }
0x13: {  	s14 =	simm.s32 $0x8;
	s0 =	sadd.s32 s5, s0;
	[dreg:$0x4] =	wrdreg s30  }
0x14: {  	s9 =	sadd.s32 $0x260200, s0;
	s0 =	sadd.s32 s1, s31;
	s1 =	sadd.s32 s1, s11  }
0x15: {  	s26 =	simm.s32 $0x5;
	s11 =	sadd.s32 $0x40, s0;
	s12 =	sadd.s32 $0x40, s1  }
.LBB2_1:
0x16: {  	s0 =	rddreg [dreg:$0x3]  }
0x17: {  	[spmem:s13], [sflag:s6] =	dma.local [hbm:s0], $0x2780  }
0x18: {  	_ =	swait.ge [sflag:s14], $0x2780  }
0x19: {  	[sflag:s14] =	ssyncset.done $0x0  }
0x1a: {  	s7 =	simm.s32 $0x0;
	s1 =	rddreg [dreg:$0x4];
	[sflag:s14] =	ssyncadd.s32 $0xFFFFD880  }
0x1b: {  	[tilespmem:s7], [sflag:$0x7] =	stream.linear.gather [hbm4b:s1+s7], $0x180, $0x38;
	[tilespmem:$0x1FA00] =	vst v63  }
0x1c: {  	s15 =	simm.s32 $0x400;
	s30 =	smov.u32 s12  }
0x1d: {  	[tilespmem:s15], [sflag:$0x7] =	stream.linear.gather [hbm4b:s8+s7], $0x180, $0x38;
	[tilespmem:$0x1FA00] =	vst v63  }
0x1e: {  	s31 =	smov.u32 s11;
	s0 =	simm.s32 $0x0;
	[bflag:$0x0] =	sbarrier.arrive $0xFFFF  }
.LBB2_2:
0x1f: {  	_ =	swait.ge [sflag:s16], $0x180;
	s1 =	sadd.s32 $0x1, s0;
	p0 =	seq.s32 s0, $0x1B  }
0x20: {  	[sflag:s16] =	ssyncset.done $0x0;
	s3 =	smul.u32 @!p0 $0xAB, s1  }
0x21: {  	s15 =	sand.u32 $0x1, s0;
	[sflag:s16] =	ssyncadd.s32 $0xFFFFFE80  }
0x22: {  	s5 =	sshll.u32 @!p0 s15, $0x9;
	_ =	swait.ge [sflag:s16], $0x180;
	s3 =	sshrl.u32 @!p0 s3, $0x9  }
0x23: {  	s7 =	simm.s32 @!p0 $0x0;
	[sflag:s16] =	ssyncset.done $0x0;
	s3 =	sand.u32 @!p0 $0x7F, s3  }
0x24: {  	s5 =	sxor.u32 @!p0 $0x200, s5;
	[sflag:s16] =	ssyncadd.s32 $0xFFFFFE80;
	s3 =	smul.u32 @!p0 $0x3, s3  }
0x25: {  	[tilespmem:s5], [sflag:$0x7] =	stream.linear.gather @!p0 [hbm4b:s31+s7], $0x180, $0x38;
	[tilespmem:$0x1FA00] =	vst v63  }
0x26: {  	s3 =	ssub.s32 @!p0 s1, s3  }
0x27: {  	s3 =	sand.u32 @!p0 $0xFF, s3  }
0x28: {  	s3 =	sshll.u32 @!p0 s3, $0x9  }
0x29: {  	p1 =	sne.s32 @!p0 s0, $0x0;
	s3 =	sadd.s32 @!p0 $0x400, s3  }
0x2a: {  	[tilespmem:s3], [sflag:$0x7] =	stream.linear.gather @!p0 [hbm4b:s30+s7], $0x180, $0x38;
	[tilespmem:$0x1FA00] =	vst v63  }
0x2b: {  	p0 =	por p0, p1  }
0x2c: {  	s15 =	simm.s32 @!p0 $0x0  }
0x2d: {  	[tilespmem:s18], [sflag:$0x1] =	stream.indirect.gather @!p0 [hbm4b:s4+s17], $0x80, s15, s17, $0xb8;
	[tilespmem:$0x1FA00] =	vst v63  }
0x2e: {  	_ = 	snop  }
0x2f: {  	[tilespmem:s20], [sflag:$0x2] =	stream.indirect.gather @!p0 [hbm4b:s4+s17], $0x80, s19, s17, $0xb8;
	[tilespmem:$0x1FA00] =	vst v63  }
0x30: {  	_ =	swait.ge @p0 [sflag:s25], $0x3C00  }
0x31: {  	[sflag:s25] =	ssyncset.done @p0 $0x0  }
0x32: {  	s15 =	sshll.u32 @p0 s15, $0x9;
	[sflag:s25] =	ssyncadd.s32 @p0 $0xFFFFC400  }
0x33: {  	[tilespmem:s18], [sflag:$0x1] =	stream.indirect.gather @p0 [hbm4b:s4+s17], $0x80, s15, s17, $0xb8;
	[tilespmem:$0x1FA00] =	vst v63  }
0x34: {  	_ =	swait.ge @p0 [sflag:s26], $0x3C00  }
0x35: {  	[sflag:s26] =	ssyncset.done @p0 $0x0  }
0x36: {  	s5 =	smul.u32 $0xAB, s0;
	s3 =	sor.u32 @p0 $0x80, s15;
	[sflag:s26] =	ssyncadd.s32 @p0 $0xFFFFC400  }
0x37: {  	[tilespmem:s20], [sflag:$0x2] =	stream.indirect.gather @p0 [hbm4b:s4+s17], $0x80, s3, s17, $0xb8;
	[tilespmem:$0x1FA00] =	vst v63  }
0x38: {  	s3 =	sshrl.u32 s5, $0x9  }
0x39: {  	s3 =	sand.u32 $0x7F, s3  }
0x3a: {  	_ =	swait.ge @p0 [sflag:s28], $0x3C00;
	s3 =	smul.u32 $0x3, s3  }
0x3b: {  	[sflag:s28] =	ssyncset.done @p0 $0x0  }
0x3c: {  	s5 =	sadd.s32 $0x100, s15;
	[sflag:s28] =	ssyncadd.s32 @p0 $0xFFFFC400;
	s7 =	ssub.s32 s0, s3  }
0x3d: {  	[tilespmem:s21], [sflag:$0x3] =	stream.indirect.gather [hbm4b:s4+s17], $0x80, s5, s17, $0xb8;
	[tilespmem:$0x1FA00] =	vst v63  }
0x3e: {  	s0 =	sand.u32 $0xFF, s7;
	_ =	swait.ge [sflag:s22], $0x3C00  }
0x3f: {  	[sflag:s22] =	ssyncset.done $0x0;
	s0 =	sshll.u32 s0, $0x9  }
0x40: {  	[sflag:s22] =	ssyncadd.s32 $0xFFFFC400;
	s7 =	sadd.s32 $0x400, s0  }
0x41: {  	[spmem:s2] =	stream.indirect.scatter.add.f32 [tilespmem:s18], [sflag:$0x4], $0x80, s7, s17, $0xb8;
	[tilespmem:$0x1FA00] =	vst v63  }
0x42: {  	_ =	swait.ge [sflag:s23], $0x3C00  }
0x43: {  	[sflag:s23] =	ssyncset.done $0x0  }
0x44: {  	p0 =	sne.s32 s1, $0x1C;
	s15 =	sadd.s32 $0x480, s0;
	[sflag:s23] =	ssyncadd.s32 $0xFFFFC400  }
0x45: {  	[spmem:s2] =	stream.indirect.scatter.add.f32 [tilespmem:s20], [sflag:$0x5], $0x80, s15, s17, $0xb8;
	[tilespmem:$0x1FA00] =	vst v63  }
.Ltmp0:
0x46: {  	_ =	swait.ge [sflag:s24], $0x3C00;
	(pc) =	sbr.rel @p0 .LBB2_2-.Ltmp0, $4  }
0x47: {  	[sflag:s24] =	ssyncset.done $0x0  }
0x48: {  	s0 =	sadd.s32 $0x500, s0;
	[sflag:s24] =	ssyncadd.s32 $0xFFFFC400  }
0x49: {  	[spmem:s2] =	stream.indirect.scatter.add.f32 [tilespmem:s21], [sflag:$0x6], $0x80, s0, s17, $0xb8;
	[tilespmem:$0x1FA00] =	vst v63  }
0x4a: {  	s31 =	sadd.s32 $0x40, s31;
	s30 =	sadd.s32 $0x40, s30;
	s0 =	smov.u32 s1  }
0x4b: {  	_ =	swait.ge [sflag:s25], $0x3C00  }
0x4c: {  	[sflag:s25] =	ssyncset.done $0x0  }
0x4d: {  	[sflag:s25] =	ssyncadd.s32 $0xFFFFC400  }
0x4e: {  	_ =	swait.ge [sflag:s26], $0x3C00  }
0x4f: {  	[sflag:s26] =	ssyncset.done $0x0  }
0x50: {  	[sflag:s26] =	ssyncadd.s32 $0xFFFFC400  }
0x51: {  	_ =	swait.ge [sflag:s28], $0x3C00  }
0x52: {  	s29 =	sadd.s32 $0x1, s29;
	[sflag:s28] =	ssyncset.done $0x0  }
0x53: {  	p0 =	sne.s32 s29, s10;
	[sflag:s28] =	ssyncadd.s32 $0xFFFFC400  }
.Ltmp1:
0x54: {  	[bflag:$0x0] =	sbarrier.arrive $0xFFFF;
	(pc) =	sbr.rel @p0 .LBB2_1-.Ltmp1, $4  }
0x55: {  	[hbm:s9], [sflag:s6] =	dma.local [spmem:s13], $0x2780  }
0x56: {  	_ =	swait.ge [sflag:s14], $0x2780  }
0x57: {  	[sflag:s14] =	ssyncset.done $0x0  }
0x58: {  	[sflag:s14] =	ssyncadd.s32 $0xFFFFD880  }
0x59: {  	_ =	sfence.sel $0x180000  }
0x5a: {  	[bflag:$0x0] =	sbarrier.arrive $0xFFFF  }
0x5b: {  	_ =	strace $0x90000059  }
0x5c: {  	s0 =	stileid.u32;
	[bflag:$0x2] =	sbarrier.arrive $0xFFFF  }
0x5d: {  	p0 =	sne.s32 s0, $0x0;
	s0 =	rddreg [dreg:$0x2]  }
0x5e: {  	s0 =	sadd.s32 @!p0 $0x100000, s0  }
0x5f: {  	[sflag:s0] =	ssyncadd.tile.s32 @!p0 $0x1;
	_ =	shalt  }
.Lfunc_end2:
_tile_overlayer_lowered:
.L_overlay_start_2:
0x60: {  	(tag) =	ssettag $0x2  }
0x61: {  	s0 =	rddreg [dreg:$0x0];
	s2 =	stileid.u32  }
0x62: {  	s1 =	rddreg [dreg:$0x1];
	p0 =	sne.s32 s2, $0x0  }
0x63: {  	s3 =	rddreg [dreg:$0x2];
	[bflag:$0x3] =	sbarrier.arrive $0xFFFF;
	s2 =	simm.s32 @!p0 $0x1C08  }
0x64: {  	[timem:s3], [sflag:s2] =	dma.local @!p0 [hbm:s0], s1  }
0x65: {  	s0 =	simm.s32 @!p0 $0x8  }
0x66: {  	_ =	swait.ge @!p0 [sflag:s0], s1  }
0x67: {  	s1 =	ssub.s32 @!p0 $0x0, s1;
	[sflag:s0] =	ssyncset.done @!p0 $0x0  }
0x68: {  	[sflag:s0] =	ssyncadd.s32 @!p0 s1  }
0x69: {  	[bflag:$0x3] =	sbarrier.arrive $0xFFFF  }
0x6a: {  	_ =	shalt  }

// kernel: kernel.30.cloned.1.call-start
scs
__scs_entry_jumppad:
0x0: {  	(pc) =	sbr.rel $0x88, $3  }
0x1: {  	(tag) =	ssettag $0x0;
	lr =	simm.s32 $0x1  }
0x2: {  	[smem:$0x3F96] =	sst lr;
	_ =	strace $0xD0000000  }
0x3: {  	_ = 	snop  }
0x4: {  	_ = 	snop  }
0x5: {  	_ = 	snop  }
0x6: {  	_ = 	snop  }
0x7: {  	_ = 	snop  }
__scs_overlays_trampoline_lowered:
0x8: {  	[smem:$0x3FA5] =	sst s0  }
0x9: {  	[smem:$0x3FA6] =	sst s1  }
0xa: {  	[smem:$0x3FA7] =	sst s2  }
0xb: {  	[smem:$0x3FA8] =	sst s3  }
0xc: {  	[smem:$0x3FA9] =	sst s4  }
0xd: {  	[smem:$0x3FAA] =	sst s5  }
0xe: {  	[smem:$0x3FAB] =	sst s6  }
0xf: {  	[smem:$0x3FAC] =	sst s7  }
0x10: {  	[smem:$0x3FAD] =	sst s8  }
0x11: {  	[smem:$0x3FAE] =	sst s9;
	s0 =	simm.s32 @!p0 $0x0  }
0x12: {  	s1 =	sld [smem:$0x3F94];
	s0 =	simm.s32 @p0 $0x1  }
0x13: {  	[smem:$0x3FAF] =	sst s0;
	s0 =	simm.s32 @!p1 $0x0  }
0x14: {  	s2 =	sld [smem:$0x3F93];
	s0 =	simm.s32 @p1 $0x1  }
0x15: {  	[smem:$0x3FB0] =	sst s0;
	s0 =	simm.s32 @!p2 $0x0  }
0x16: {  	s3 =	sld [smem:$0x3FDB];
	s0 =	simm.s32 @p2 $0x1  }
0x17: {  	s4 =	simm.s32 $0x1BF5;
	[smem:$0x3FB2] =	sst s0  }
0x18: {  	s0 =	sld [smem:$0x3F95];
	_ =	swait.ge [sflag:s4], $0x0  }
0x19: {  	s7 =	sld [smem:$0x3F96]  }
0x1a: {  	s8 =	sadd.s32 $0xFFFFE003, lr  }
0x1b: {  	s9 =	sadd.s32 $0xFFFFFEF7, lr;
	s5 =	simm.s32 $0xFFFFFFFF;
	p2 =	slt.u32 s8, $0xFFFFF086  }
0x1c: {  	p1 =	slt.u32 s9, $0xF7A;
	s5 =	simm.s32 @!p2 $0x0  }
0x1d: {  	s5 =	simm.s32 @p1 $0x1;
	p0 =	seq.s32 s7, s2  }
0x1e: {  	s7 =	smul.u32 @!p0 $0xF7A, s2;
	p2 =	seq.s32 @!p0 s5, $0x0  }
0x1f: {  	s9 =	smul.u32 $0xF7A, s1;
	s8 =	simm.s32 @!p0 $0x1BF5;
	p2 =	por !p2, p0  }
0x20: {  	[sflag:s8] =	ssyncset.s32 @!p0 $0xFFFFF086;
	s6 =	sadd.s32 @!p0 s3, s7;
	s7 =	simm.s32 @!p0 $0x108  }
0x21: {  	s3 =	sadd.s32 s3, s9;
	s6 =	sadd.s32 @!p0 $0x88, s6;
	s7 =	simm.s32 @p2 $0x1082  }
0x22: {  	[simem:s7], [sflag:s8] =	dma.local @!p0 [hbm:s6], $0xF7A  }
0x23: {  	s9 =	sor.u32 $0xD0000000, s2;
	s6 =	simm.s32 $0x108;
	_ =	swait.ge @!p0 [sflag:s8], $0x0  }
0x24: {  	s3 =	sadd.s32 $0x88, s3;
	s6 =	simm.s32 @!p1 $0x1082;
	[sflag:s4] =	ssyncset.s32 $0xFFFFF086  }
0x25: {  	[simem:s6], [sflag:s4] =	dma.local [hbm:s3], $0xF7A  }
0x26: {  	[smem:$0x3F96] =	sst s1;
	(tag) =	ssettag s2;
	_ =	strace s9  }
0x27: {  	s1 =	sld [smem:$0x3FA6]  }
0x28: {  	s2 =	sld [smem:$0x3FA7]  }
0x29: {  	s4 =	sld [smem:$0x3FA9]  }
0x2a: {  	p0 =	seq.s32 s5, $0x0;
	s5 =	sld [smem:$0x3FAA]  }
0x2b: {  	s6 =	sld [smem:$0x3FAB]  }
0x2c: {  	s7 =	sld [smem:$0x3FAC]  }
0x2d: {  	s3 =	simm.s32 $0x108;
	s8 =	sld [smem:$0x3FAD]  }
0x2e: {  	s3 =	simm.s32 @!p0 $0x1082;
	s9 =	sld [smem:$0x3FAE]  }
0x2f: {  	lr =	sadd.s32 s0, s3;
	s0 =	sld [smem:$0x3FA5]  }
0x30: {  	s3 =	sld [smem:$0x3FA8]  }
0x31: {  	[smem:$0x3FB1] =	sst s10  }
0x32: {  	s10 =	sld [smem:$0x3FAF];
	_ =	sdelay $0x3  }
0x33: {  	p0 =	seq.s32 s10, $0x1;
	s10 =	sld [smem:$0x3FB1];
	_ =	sdelay $0x3  }
0x34: {  	[smem:$0x3FB1] =	sst s10  }
0x35: {  	s10 =	sld [smem:$0x3FB0];
	_ =	sdelay $0x3  }
0x36: {  	p1 =	seq.s32 s10, $0x1;
	s10 =	sld [smem:$0x3FB1];
	_ =	sdelay $0x3  }
0x37: {  	[smem:$0x3FB1] =	sst s10  }
0x38: {  	s10 =	sld [smem:$0x3FB2]  }
0x39: {  	_ = 	snop;
	(pc) =	sbr.ind lr, $3  }
0x3a: {  	_ = 	snop  }
0x3b: {  	_ = 	snop  }
0x3c: {  	p2 =	seq.s32 s10, $0x1;
	s10 =	sld [smem:$0x3FB1]  }
0x3d: {  	_ =	shalt  }
0x3e: {  	_ =	shalt  }
0x3f: {  	_ =	shalt  }
0x40: {  	_ =	shalt  }
0x41: {  	_ =	shalt  }
0x42: {  	_ =	shalt  }
0x43: {  	_ =	shalt  }
0x44: {  	_ =	shalt  }
0x45: {  	_ =	shalt  }
0x46: {  	_ =	shalt  }
0x47: {  	_ =	shalt  }
0x48: {  	_ =	shalt  }
0x49: {  	_ =	shalt  }
0x4a: {  	_ =	shalt  }
0x4b: {  	_ =	shalt  }
0x4c: {  	_ =	shalt  }
0x4d: {  	_ =	shalt  }
0x4e: {  	_ =	shalt  }
0x4f: {  	_ =	shalt  }
0x50: {  	_ =	shalt  }
0x51: {  	_ =	shalt  }
0x52: {  	_ =	shalt  }
0x53: {  	_ =	shalt  }
0x54: {  	_ =	shalt  }
0x55: {  	_ =	shalt  }
0x56: {  	_ =	shalt  }
0x57: {  	_ =	shalt  }
0x58: {  	_ =	shalt  }
0x59: {  	_ =	shalt  }
0x5a: {  	_ =	shalt  }
0x5b: {  	_ =	shalt  }
0x5c: {  	_ =	shalt  }
0x5d: {  	_ =	shalt  }
0x5e: {  	_ =	shalt  }
0x5f: {  	_ =	shalt  }
0x60: {  	_ =	shalt  }
0x61: {  	_ =	shalt  }
0x62: {  	_ =	shalt  }
0x63: {  	_ =	shalt  }
0x64: {  	_ =	shalt  }
0x65: {  	_ =	shalt  }
0x66: {  	_ =	shalt  }
0x67: {  	_ =	shalt  }
0x68: {  	_ =	shalt  }
0x69: {  	_ =	shalt  }
0x6a: {  	_ =	shalt  }
0x6b: {  	_ =	shalt  }
0x6c: {  	_ =	shalt  }
0x6d: {  	_ =	shalt  }
0x6e: {  	_ =	shalt  }
0x6f: {  	_ =	shalt  }
0x70: {  	_ =	shalt  }
0x71: {  	_ =	shalt  }
0x72: {  	_ =	shalt  }
0x73: {  	_ =	shalt  }
0x74: {  	_ =	shalt  }
0x75: {  	_ =	shalt  }
0x76: {  	_ =	shalt  }
0x77: {  	_ =	shalt  }
0x78: {  	_ =	shalt  }
0x79: {  	_ =	shalt  }
0x7a: {  	_ =	shalt  }
0x7b: {  	_ =	shalt  }
0x7c: {  	_ =	shalt  }
0x7d: {  	_ =	shalt  }
0x7e: {  	_ =	shalt  }
0x7f: {  	_ =	shalt  }
0x80: {  	_ =	shalt  }
0x81: {  	_ =	shalt  }
0x82: {  	_ =	shalt  }
0x83: {  	_ =	shalt  }
0x84: {  	_ =	shalt  }
0x85: {  	_ =	shalt  }
0x86: {  	_ =	shalt  }
0x87: {  	_ =	shalt  }
.Lfunc_end0:
.L_simem_size_0:
called_computation.7_lowered:
.L_overlay_start_0:
0x88: {  	s2 =	sld [smem:$0x3FD9]  }
0x89: {  	s3 =	sld [smem:$0x3FFE];
	_ =	sdelay $0x1  }
0x8a: {  	s1 =	srdreg.scid  }
0x8b: {  	s0 =	sand.u32 $0x1, s1  }
0x8c: {  	s16 =	sshll.u32 s0, $0xA;
	s2 =	sadd.s32 s3, s2  }
0x8d: {  	s2 =	sadd.s32 s2, s16  }
0x8e: {  	[smem:$0x3FBD] =	sst s2  }
0x8f: {  	_ = 	snop  }
0x90: {  	(tm) =	ssettm $0x1  }
0x91: {  	s17 =	sld [smem:$0x3FFB];
	_ =	sdelay $0x3  }
0x92: {  	_ =	strace s17  }
0x93: {  	s2 =	sld [smem:$0x3FFC];
	_ =	sdelay $0x3  }
0x94: {  	_ =	strace s2  }
0x95: {  	s2 =	sld [smem:$0x3FFD];
	_ =	sdelay $0x3  }
0x96: {  	_ =	strace s2  }
0x97: {  	_ =	strace $0x8FFFFFFF  }
0x98: {  	s18 =	sld [smem:$0x3FDB];
	_ =	sdelay $0x1  }
0x99: {  	s19 =	simm.s32 $_scs_section_size  }
0x9a: {  	s4 =	simm.s32 $_size__tile_overlayer_lowered;
	s5 =	simm.s32 $_tile_overlayer_lowered  }
0x9b: {  	s22 =	simm.s32 $0x1BFF;
	s21 =	sshll.u32 s5, $0x1;
	s2 =	sadd.s32 s19, s18  }
0x9c: {  	s6 =	simm.s32 $0x0;
	s20 =	sshll.u32 s4, $0x1;
	s4 =	sadd.s32 s21, s2  }
0x9d: {  	[timem:s6], [sflag:s22] =	dma.local [hbm:s4], s20  }
0x9e: {  	_ =	swait.ge [sflag:s22], s20  }
0x9f: {  	s3 =	ssub.s32 $0x0, s20;
	[sflag:s22] =	ssyncset.done $0x0  }
0xa0: {  	[sflag:s22] =	ssyncadd.s32 s3;
	_ =	sdelay $0x1  }
0xa1: {  	s23 =	simm.s32 $0x1B8B  }
0xa2: {  	_ =	swait.ge [sflag:s23], $0x1  }
0xa3: {  	[sflag:s23] =	ssyncset.done $0x0  }
0xa4: {  	s25 =	simm.s32 $0x1B8E;
	s24 =	sld [smem:$0x3FFE];
	[sflag:s23] =	ssyncadd.s32 $0xFFFFFFFF  }
0xa5: {  	s26 =	simm.s32 $execute0_lowered;
	[smem:$0x3FD2] =	sst s25  }
0xa6: {  	s4 =	sshll.u32 s26, $0x1;
	_ =	strace $0x8000005B;
	[dreg:$0x1] =	wrdreg $0xFFFFFFFF  }
0xa7: {  	s28 =	simm.s32 $_size_execute0_lowered;
	s2 =	sadd.s32 s2, s4;
	[dreg:$0x0] =	wrdreg $0x0  }
0xa8: {  	s4 =	sshll.u32 s28, $0x1;
	[dreg:$0x2] =	wrdreg s2  }
0xa9: {  	[dreg:$0x3] =	wrdreg s4  }
0xaa: {  	[dreg:$0x4] =	wrdreg $0xC0  }
0xab: {  	_ =	task [dreg:s6], $0x5FFFF  }
0xac: {  	[dreg:$0x1] =	wrdreg $0xFFFFFFFF  }
0xad: {  	[dreg:$0x0] =	wrdreg $0x60  }
0xae: {  	[dreg:$0x2] =	wrdreg s24  }
0xaf: {  	[dreg:$0x3] =	wrdreg $0xBE000  }
0xb0: {  	[dreg:$0x4] =	wrdreg $0x9  }
0xb1: {  	_ =	task.clear_ibuf [dreg:s6], $0x5FFFF;
	_ =	strace $0x9000005B  }
0xb2: {  	s29 =	simm.s32 $0x9;
	_ =	strace $0x8000005D  }
0xb3: {  	_ =	swait.ge [sflag:s29], $0x1  }
0xb4: {  	[sflag:s29] =	ssyncadd.s32 $0xFFFFFFFF  }
0xb5: {  	_ =	strace $0x9000005D  }
0xb6: {  	_ =	sfence  }
0xb7: {  	s30 =	sld [smem:$0x0];
	_ =	sdelay $0x2  }
0xb8: {  	s31 =	sshll.u32 s1, $0xD;
	s1 =	sshrl.u32 s1, $0x2  }
0xb9: {  	s3 =	sand.u32 $0x4000, s31;
	s1 =	sadd.s32 s1, s30  }
0xba: {  	s0 =	sor.u32 s3, s0;
	s1 =	sshll.u32 s1, $0x11  }
0xbb: {  	s0 =	sor.u32 s1, s0  }
0xbc: {  	s0 =	sadd.s32 $0x8F2B, s0  }
0xbd: {  	[sflag:s0] =	ssyncadd.remote.s32 $0x1  }
0xbe: {  	_ =	sfence.sel $0xFFFF  }
0xbf: {  	[dreg:$0x0] =	wrdreg $0xFFFFFFFF;
	(pc) =	sbr.abs _section_cstart, $3  }
0xc0: {  	[dreg:$0x1] =	wrdreg $0xFFFFFFFF  }
0xc1: {  	_ =	task.clear_ibuf [dreg:s6], $0x2FFFF;
	_ =	strace $0x9FFFFFFF  }
0xc2: {  	(tm) =	ssettm $0x7FFFFFFF  }
0xc3: {  	_ =	shalt  }
tec
execute0_lowered:
.L_overlay_start_1:
0x0: {  	(tag) =	ssettag $0x1  }
0x1: {  	s0 =	rddreg [dreg:$0x0]  }
0x2: {  	s2 =	rddreg [dreg:$0x1]  }
0x3: {  	s4 =	simm.s32 $0x0;
	s3 =	stileid.u32;
	s1 =	srdreg.scid  }
0x4: {  	s16 =	simm.s32 $0x7;
	s17 =	simm.s32 $0x78;
	s18 =	simm.s32 $0xA00  }
0x5: {  	s19 =	simm.s32 $0x80;
	s20 =	simm.s32 $0x4600;
	s28 =	simm.s32 $0x6  }
0x6: {  	s29 =	simm.s32 $0x0;
	[smem:$0x7FF] =	sst s4;
	s5 =	smul.u32 $0x13C00, s3  }
0x7: {  	s1 =	sand.u32 $0x1, s1;
	s4 =	sadd.s32 $0x15400, s0;
	s10 =	sadd.s32 $0x22AA00, s0  }
0x8: {  	s11 =	sadd.s32 $0x7400, s0;
	s8 =	smul.u32 $0x4F000, s3;
	s9 =	sshll.u32 s3, $0x1  }
0x9: {  	s25 =	sshll.u32 s3, $0x6;
	s14 =	smul.u32 $0xE00, s3;
	_ =	strace $0x8000005C  }
0xa: {  	s6 =	smul.u32 $0x13C000, s1;
	s21 =	ssub.s32 $0x2, s1;
	s24 =	sor.u32 s1, s9  }
0xb: {  	s1 =	smul.u32 $0x700, s1;
	s7 =	sshrl.u32 s5, $0x3;
	s22 =	sshrl.u32 s21, $0x1  }
0xc: {  	s23 =	sshrl.u32 s8, $0x2;
	s9 =	smul.u32 $0x700, s24;
	s31 =	sadd.s32 s14, s10  }
0xd: {  	s24 =	simm.s32 $0x3;
	s7 =	sadd.s32 s7, s0;
	s5 =	sadd.s32 s5, s6  }
0xe: {  	s12 =	ssub.s32 s21, s22;
	s13 =	sadd.s32 s23, s2;
	s6 =	sor.u32 $0x1C08, s25  }
0xf: {  	s21 =	simm.s32 $0x8200;
	s22 =	simm.s32 $0x1;
	s23 =	simm.s32 $0x2  }
0x10: {  	s25 =	simm.s32 $0x4;
	s5 =	sshrl.u32 s5, $0x3;
	s26 =	sadd.s32 $0x238A00, s7  }
0x11: {  	s30 =	sadd.s32 s10, s9;
	s8 =	sadd.s32 s11, s9;
	s11 =	sadd.s32 s14, s11  }
0x12: {  	s10 =	smax.u32 s12, $0x1;
	s13 =	sshrl.u32 s13, $0x3;
	[dreg:$0x3] =	wrdreg s26  }
0x13: {  	s14 =	simm.s32 $0x8;
	s0 =	sadd.s32 s5, s0;
	[dreg:$0x4] =	wrdreg s30  }
0x14: {  	s9 =	sadd.s32 $0x260200, s0;
	s0 =	sadd.s32 s1, s31;
	s1 =	sadd.s32 s1, s11  }
0x15: {  	s26 =	simm.s32 $0x5;
	s11 =	sadd.s32 $0x40, s0;
	s12 =	sadd.s32 $0x40, s1  }
.LBB2_1:
0x16: {  	s0 =	rddreg [dreg:$0x3]  }
0x17: {  	[spmem:s13], [sflag:s6] =	dma.local [hbm:s0], $0x2780  }
0x18: {  	_ =	swait.ge [sflag:s14], $0x2780  }
0x19: {  	[sflag:s14] =	ssyncset.done $0x0  }
0x1a: {  	s7 =	simm.s32 $0x0;
	s1 =	rddreg [dreg:$0x4];
	[sflag:s14] =	ssyncadd.s32 $0xFFFFD880  }
0x1b: {  	[tilespmem:s7], [sflag:$0x7] =	stream.linear.gather [hbm4b:s1+s7], $0x180, $0x38;
	[tilespmem:$0x1FA00] =	vst v63  }
0x1c: {  	s15 =	simm.s32 $0x400;
	s30 =	smov.u32 s12  }
0x1d: {  	[tilespmem:s15], [sflag:$0x7] =	stream.linear.gather [hbm4b:s8+s7], $0x180, $0x38;
	[tilespmem:$0x1FA00] =	vst v63  }
0x1e: {  	s31 =	smov.u32 s11;
	s0 =	simm.s32 $0x0;
	[bflag:$0x0] =	sbarrier.arrive $0xFFFF  }
.LBB2_2:
0x1f: {  	_ =	swait.ge [sflag:s16], $0x180;
	s1 =	sadd.s32 $0x1, s0;
	p0 =	seq.s32 s0, $0x1B  }
0x20: {  	[sflag:s16] =	ssyncset.done $0x0;
	s3 =	smul.u32 @!p0 $0xAB, s1  }
0x21: {  	s15 =	sand.u32 $0x1, s0;
	[sflag:s16] =	ssyncadd.s32 $0xFFFFFE80  }
0x22: {  	s5 =	sshll.u32 @!p0 s15, $0x9;
	_ =	swait.ge [sflag:s16], $0x180;
	s3 =	sshrl.u32 @!p0 s3, $0x9  }
0x23: {  	s7 =	simm.s32 @!p0 $0x0;
	[sflag:s16] =	ssyncset.done $0x0;
	s3 =	sand.u32 @!p0 $0x7F, s3  }
0x24: {  	s5 =	sxor.u32 @!p0 $0x200, s5;
	[sflag:s16] =	ssyncadd.s32 $0xFFFFFE80;
	s3 =	smul.u32 @!p0 $0x3, s3  }
0x25: {  	[tilespmem:s5], [sflag:$0x7] =	stream.linear.gather @!p0 [hbm4b:s31+s7], $0x180, $0x38;
	[tilespmem:$0x1FA00] =	vst v63  }
0x26: {  	s3 =	ssub.s32 @!p0 s1, s3  }
0x27: {  	s3 =	sand.u32 @!p0 $0xFF, s3  }
0x28: {  	s3 =	sshll.u32 @!p0 s3, $0x9  }
0x29: {  	p1 =	sne.s32 @!p0 s0, $0x0;
	s3 =	sadd.s32 @!p0 $0x400, s3  }
0x2a: {  	[tilespmem:s3], [sflag:$0x7] =	stream.linear.gather @!p0 [hbm4b:s30+s7], $0x180, $0x38;
	[tilespmem:$0x1FA00] =	vst v63  }
0x2b: {  	p0 =	por p0, p1  }
0x2c: {  	s15 =	simm.s32 @!p0 $0x0  }
0x2d: {  	[tilespmem:s18], [sflag:$0x1] =	stream.indirect.gather @!p0 [hbm4b:s4+s17], $0x80, s15, s17, $0xb8;
	[tilespmem:$0x1FA00] =	vst v63  }
0x2e: {  	_ = 	snop  }
0x2f: {  	[tilespmem:s20], [sflag:$0x2] =	stream.indirect.gather @!p0 [hbm4b:s4+s17], $0x80, s19, s17, $0xb8;
	[tilespmem:$0x1FA00] =	vst v63  }
0x30: {  	_ =	swait.ge @p0 [sflag:s25], $0x3C00  }
0x31: {  	[sflag:s25] =	ssyncset.done @p0 $0x0  }
0x32: {  	s15 =	sshll.u32 @p0 s15, $0x9;
	[sflag:s25] =	ssyncadd.s32 @p0 $0xFFFFC400  }
0x33: {  	[tilespmem:s18], [sflag:$0x1] =	stream.indirect.gather @p0 [hbm4b:s4+s17], $0x80, s15, s17, $0xb8;
	[tilespmem:$0x1FA00] =	vst v63  }
0x34: {  	_ =	swait.ge @p0 [sflag:s26], $0x3C00  }
0x35: {  	[sflag:s26] =	ssyncset.done @p0 $0x0  }
0x36: {  	s5 =	smul.u32 $0xAB, s0;
	s3 =	sor.u32 @p0 $0x80, s15;
	[sflag:s26] =	ssyncadd.s32 @p0 $0xFFFFC400  }
0x37: {  	[tilespmem:s20], [sflag:$0x2] =	stream.indirect.gather @p0 [hbm4b:s4+s17], $0x80, s3, s17, $0xb8;
	[tilespmem:$0x1FA00] =	vst v63  }
0x38: {  	s3 =	sshrl.u32 s5, $0x9  }
0x39: {  	s3 =	sand.u32 $0x7F, s3  }
0x3a: {  	_ =	swait.ge @p0 [sflag:s28], $0x3C00;
	s3 =	smul.u32 $0x3, s3  }
0x3b: {  	[sflag:s28] =	ssyncset.done @p0 $0x0  }
0x3c: {  	s5 =	sadd.s32 $0x100, s15;
	[sflag:s28] =	ssyncadd.s32 @p0 $0xFFFFC400;
	s7 =	ssub.s32 s0, s3  }
0x3d: {  	[tilespmem:s21], [sflag:$0x3] =	stream.indirect.gather [hbm4b:s4+s17], $0x80, s5, s17, $0xb8;
	[tilespmem:$0x1FA00] =	vst v63  }
0x3e: {  	s0 =	sand.u32 $0xFF, s7;
	_ =	swait.ge [sflag:s22], $0x3C00  }
0x3f: {  	[sflag:s22] =	ssyncset.done $0x0;
	s0 =	sshll.u32 s0, $0x9  }
0x40: {  	[sflag:s22] =	ssyncadd.s32 $0xFFFFC400;
	s7 =	sadd.s32 $0x400, s0  }
0x41: {  	[spmem:s2] =	stream.indirect.scatter.add.f32 [tilespmem:s18], [sflag:$0x4], $0x80, s7, s17, $0xb8;
	[tilespmem:$0x1FA00] =	vst v63  }
0x42: {  	_ =	swait.ge [sflag:s23], $0x3C00  }
0x43: {  	[sflag:s23] =	ssyncset.done $0x0  }
0x44: {  	p0 =	sne.s32 s1, $0x1C;
	s15 =	sadd.s32 $0x480, s0;
	[sflag:s23] =	ssyncadd.s32 $0xFFFFC400  }
0x45: {  	[spmem:s2] =	stream.indirect.scatter.add.f32 [tilespmem:s20], [sflag:$0x5], $0x80, s15, s17, $0xb8;
	[tilespmem:$0x1FA00] =	vst v63  }
.Ltmp0:
0x46: {  	_ =	swait.ge [sflag:s24], $0x3C00;
	(pc) =	sbr.rel @p0 .LBB2_2-.Ltmp0, $4  }
0x47: {  	[sflag:s24] =	ssyncset.done $0x0  }
0x48: {  	s0 =	sadd.s32 $0x500, s0;
	[sflag:s24] =	ssyncadd.s32 $0xFFFFC400  }
0x49: {  	[spmem:s2] =	stream.indirect.scatter.add.f32 [tilespmem:s21], [sflag:$0x6], $0x80, s0, s17, $0xb8;
	[tilespmem:$0x1FA00] =	vst v63  }
0x4a: {  	s31 =	sadd.s32 $0x40, s31;
	s30 =	sadd.s32 $0x40, s30;
	s0 =	smov.u32 s1  }
0x4b: {  	_ =	swait.ge [sflag:s25], $0x3C00  }
0x4c: {  	[sflag:s25] =	ssyncset.done $0x0  }
0x4d: {  	[sflag:s25] =	ssyncadd.s32 $0xFFFFC400  }
0x4e: {  	_ =	swait.ge [sflag:s26], $0x3C00  }
0x4f: {  	[sflag:s26] =	ssyncset.done $0x0  }
0x50: {  	[sflag:s26] =	ssyncadd.s32 $0xFFFFC400  }
0x51: {  	_ =	swait.ge [sflag:s28], $0x3C00  }
0x52: {  	s29 =	sadd.s32 $0x1, s29;
	[sflag:s28] =	ssyncset.done $0x0  }
0x53: {  	p0 =	sne.s32 s29, s10;
	[sflag:s28] =	ssyncadd.s32 $0xFFFFC400  }
.Ltmp1:
0x54: {  	[bflag:$0x0] =	sbarrier.arrive $0xFFFF;
	(pc) =	sbr.rel @p0 .LBB2_1-.Ltmp1, $4  }
0x55: {  	[hbm:s9], [sflag:s6] =	dma.local [spmem:s13], $0x2780  }
0x56: {  	_ =	swait.ge [sflag:s14], $0x2780  }
0x57: {  	[sflag:s14] =	ssyncset.done $0x0  }
0x58: {  	[sflag:s14] =	ssyncadd.s32 $0xFFFFD880  }
0x59: {  	_ =	sfence.sel $0x180000  }
0x5a: {  	[bflag:$0x0] =	sbarrier.arrive $0xFFFF  }
0x5b: {  	_ =	strace $0x9000005C  }
0x5c: {  	s0 =	stileid.u32;
	[bflag:$0x2] =	sbarrier.arrive $0xFFFF  }
0x5d: {  	p0 =	sne.s32 s0, $0x0;
	s0 =	rddreg [dreg:$0x2]  }
0x5e: {  	s0 =	sadd.s32 @!p0 $0x100000, s0  }
0x5f: {  	[sflag:s0] =	ssyncadd.tile.s32 @!p0 $0x1;
	_ =	shalt  }
.Lfunc_end2:
_tile_overlayer_lowered:
.L_overlay_start_2:
0x60: {  	(tag) =	ssettag $0x2  }
0x61: {  	s0 =	rddreg [dreg:$0x0];
	s2 =	stileid.u32  }
0x62: {  	s1 =	rddreg [dreg:$0x1];
	p0 =	sne.s32 s2, $0x0  }
0x63: {  	s3 =	rddreg [dreg:$0x2];
	[bflag:$0x3] =	sbarrier.arrive $0xFFFF;
	s2 =	simm.s32 @!p0 $0x1C08  }
0x64: {  	[timem:s3], [sflag:s2] =	dma.local @!p0 [hbm:s0], s1  }
0x65: {  	s0 =	simm.s32 @!p0 $0x8  }
0x66: {  	_ =	swait.ge @!p0 [sflag:s0], s1  }
0x67: {  	s1 =	ssub.s32 @!p0 $0x0, s1;
	[sflag:s0] =	ssyncset.done @!p0 $0x0  }
0x68: {  	[sflag:s0] =	ssyncadd.s32 @!p0 s1  }
0x69: {  	[bflag:$0x3] =	sbarrier.arrive $0xFFFF  }
0x6a: {  	_ =	shalt  }

</sc_bundles>
